<compile_context>
chip_gen: v7x
topology: tpu7x:2x2x1
jax: 0.10.2.dev20260603
libtpu: 0.0.44.dev20260713+nightly
codegen_flags: <defaults>
</compile_context>

<pallas_src>
import jax
import jax.numpy as jnp
from jax import lax
from jax.experimental import pallas as pl
from jax.experimental.pallas import tpu as pltpu, tpu_sc as plsc

N = 10000
E = 320000
D = 128
H = 64
CHUNK = 128
NTILES = 16
NCH = 2560
EPAD = NCH * CHUNK
JMAX = NCH // NTILES
RPT = N // NTILES
ACC_ROWS = N + 48
NPAD = 10240
CPT = NPAD // NTILES
CW = 8
ZR = 125
ZC = 128
NBUF = 4
NIDX = 8


def _fill2d(ref, rows, width, value):
    w16 = width // 16

    def body(i, _):
        r = i // w16
        k = i % w16
        ref[r, pl.ds(k * 16, 16)] = jnp.full((16,), value, jnp.float32)
        return 0

    lax.fori_loop(0, rows * w16, body, 0)


def _maybe_when(cond, fn):
    if isinstance(cond, bool):
        if cond:
            fn()
    else:
        pl.when(cond)(fn)


def _make_agg(with_count):
    mesh = plsc.VectorSubcoreMesh(core_axis_name="c", subcore_axis_name="s")
    out_type = [jax.ShapeDtypeStruct((2 * N, H), jnp.float32)]
    if with_count:
        out_type.append(jax.ShapeDtypeStruct((2 * N, CW), jnp.float32))
    scratch = (
        [pltpu.VMEM((CHUNK, H), jnp.float32) for _ in range(NBUF)]
        + [pltpu.VMEM((2, CHUNK), jnp.int32) for _ in range(NIDX)]
        + [pltpu.VMEM_SHARED((N, H), jnp.float32),
           pltpu.VMEM_SHARED((ACC_ROWS, H), jnp.float32)]
        + [pltpu.SemaphoreType.DMA for _ in range(NBUF)]
        + [pltpu.SemaphoreType.DMA for _ in range(NBUF)]
        + [pltpu.SemaphoreType.DMA for _ in range(NIDX)]
    )
    if with_count:
        scratch += (
            [pltpu.VMEM((CHUNK, CW), jnp.float32),
             pltpu.VMEM_SHARED((NPAD, CW), jnp.float32)]
            + [pltpu.SemaphoreType.DMA for _ in range(NBUF)]
        )

    def body(x_hbm, eidx_hbm, *refs):
        if with_count:
            ones_hbm, zeros_hbm = refs[0], refs[1]
            refs = refs[2:]
        out_hbm = refs[0]
        k = 2 if with_count else 1
        cnt_hbm = refs[1] if with_count else None
        rows = refs[k:k + NBUF]
        idx2 = refs[k + NBUF:k + NBUF + NIDX]
        base = k + NBUF + NIDX
        x_sh, acc_sh = refs[base], refs[base + 1]
        gat_sem = refs[base + 2:base + 2 + NBUF]
        sct_sem = refs[base + 2 + NBUF:base + 2 + 2 * NBUF]
        idx_sem = refs[base + 2 + 2 * NBUF:base + 2 + 2 * NBUF + NIDX]
        if with_count:
            cbase = base + 2 + 2 * NBUF + NIDX
            ones_v, cnt_sh = refs[cbase:cbase + 2]
            cnt_sem = refs[cbase + 2:cbase + 2 + NBUF]

        c = lax.axis_index("c")
        s = lax.axis_index("s")
        r0 = s * RPT

        _fill2d(rows[0], CHUNK, H, 0.0)

        def zbody(i, _):
            pltpu.sync_copy(rows[0].at[pl.ds(0, ZR)],
                            acc_sh.at[pl.ds(r0 + i * ZR, ZR)])
            return 0

        lax.fori_loop(0, RPT // ZR, zbody, 0)
        pltpu.sync_copy(x_hbm.at[pl.ds(r0, RPT), pl.ds(c * H, H)],
                        x_sh.at[pl.ds(r0, RPT)])

        if with_count:
            pltpu.sync_copy(ones_hbm, ones_v)

            def zcbody(i, _):
                pltpu.sync_copy(zeros_hbm,
                                cnt_sh.at[pl.ds(s * CPT + i * ZC, ZC)])
                return 0

            lax.fori_loop(0, CPT // ZC, zcbody, 0)

        plsc.subcore_barrier()

        def chunk_of(jv):
            return s + jv * NTILES

        def fire_idx(jv, v):
            pltpu.async_copy(eidx_hbm.at[chunk_of(jv)], idx2[v], idx_sem[v])

        def wait_idx(jv, v):
            pltpu.make_async_copy(eidx_hbm.at[chunk_of(jv)], idx2[v],
                                  idx_sem[v]).wait()

        def fire_gather(u, v):
            pltpu.async_copy(x_sh.at[idx2[v].at[0]], rows[u], gat_sem[u])

        def wait_gather(u, v):
            pltpu.make_async_copy(x_sh.at[idx2[v].at[0]], rows[u],
                                  gat_sem[u]).wait()

        def fire_scatter(u, v, par):
            pltpu.async_copy(rows[u], acc_sh.at[idx2[v].at[1]], sct_sem[u],
                             add=True)
            if with_count:
                @pl.when(c == par)
                def _():
                    pltpu.async_copy(ones_v, cnt_sh.at[idx2[v].at[1]],
                                     cnt_sem[u], add=True)

        def wait_scatter(u, v, par):
            pltpu.make_async_copy(rows[u], acc_sh.at[idx2[v].at[1]],
                                  sct_sem[u]).wait()
            if with_count:
                @pl.when(c == par)
                def _():
                    pltpu.make_async_copy(ones_v, cnt_sh.at[idx2[v].at[1]],
                                          cnt_sem[u]).wait()

        def do_slot(jv, i, has_prev):
            u = i % NBUF
            v = i % NIDX
            u2 = (i + 2) % NBUF
            v2 = (i + 2) % NIDX
            v6 = (i + 6) % NIDX
            wait_gather(u, v)
            fire_scatter(u, v, i % 2)

            def prep_next():
                if has_prev:
                    wait_scatter(u2, v6, i % 2)

                def pf():
                    fire_idx(jv + 6, v6)

                _maybe_when(jv + 6 < JMAX, pf)
                wait_idx(jv + 2, v2)
                fire_gather(u2, v2)

            _maybe_when(jv + 2 < JMAX, prep_next)

        for j in range(6):
            fire_idx(j, j)
        wait_idx(0, 0)
        fire_gather(0, 0)
        wait_idx(1, 1)
        fire_gather(1, 1)
        for j in range(8):
            do_slot(j, j, j >= 2)

        def mbody(kk, _):
            for i in range(8):
                do_slot(kk * 8 + i, i, True)
            return 0

        lax.fori_loop(1, JMAX // 8, mbody, 0)

        for (u, v) in ((0, 4), (1, 5), (2, 6), (3, 7)):
            wait_scatter(u, v, v % 2)

        plsc.subcore_barrier()

        pltpu.sync_copy(acc_sh.at[pl.ds(r0, RPT)],
                        out_hbm.at[pl.ds(c * N + r0, RPT)])
        if with_count:
            @pl.when(s < NTILES - 1)
            def _():
                pltpu.sync_copy(cnt_sh.at[pl.ds(s * CPT, CPT)],
                                cnt_hbm.at[pl.ds(c * N + s * CPT, CPT)])

            @pl.when(s == NTILES - 1)
            def _():
                pltpu.sync_copy(cnt_sh.at[pl.ds(s * CPT, N - s * CPT)],
                                cnt_hbm.at[pl.ds(c * N + s * CPT,
                                                 N - s * CPT)])

    return pl.kernel(body, out_type=out_type, mesh=mesh,
                     scratch_types=scratch,
                     compiler_params=pltpu.CompilerParams(
                         use_tc_tiling_on_sc=False))


_agg_with_count = _make_agg(True)
_agg_no_count = _make_agg(False)


def _make_layer(residual):
    BLK = 1000

    def body(x_ref, n0_ref, n1_ref, c0_ref, c1_ref, wa_ref, wb_ref, b_ref,
             o_ref):
        cval = c0_ref[...][:, 0:1] + c1_ref[...][:, 0:1]
        cval = jnp.where(cval == 0.0, 1.0, cval)
        nm = jnp.concatenate([n0_ref[...], n1_ref[...]], axis=-1) / cval
        y = (jnp.dot(x_ref[...], wa_ref[...],
                     preferred_element_type=jnp.float32)
             + jnp.dot(nm, wb_ref[...], preferred_element_type=jnp.float32)
             + b_ref[...])
        y = jnp.maximum(y, 0.0)
        if residual:
            y = y + x_ref[...]
        o_ref[...] = y

    nb = N // BLK
    return pl.pallas_call(
        body,
        grid=(nb,),
        in_specs=[
            pl.BlockSpec((BLK, D), lambda i: (i, 0)),
            pl.BlockSpec((BLK, H), lambda i: (i, 0)),
            pl.BlockSpec((BLK, H), lambda i: (i + nb, 0)),
            pl.BlockSpec((BLK, CW), lambda i: (i, 0)),
            pl.BlockSpec((BLK, CW), lambda i: (i + nb, 0)),
            pl.BlockSpec((D, D), lambda i: (0, 0)),
            pl.BlockSpec((D, D), lambda i: (0, 0)),
            pl.BlockSpec((1, D), lambda i: (0, 0)),
        ],
        out_specs=pl.BlockSpec((BLK, D), lambda i: (i, 0)),
        out_shape=jax.ShapeDtypeStruct((N, D), jnp.float32),
    )


_layer_res = _make_layer(True)
_layer_last = _make_layer(False)


def kernel(x, edge_index, W1, b1, W2, b2):
    row = edge_index[0]
    col = edge_index[1]
    pad = EPAD - E
    rp = jnp.concatenate([row, jnp.zeros((pad,), jnp.int32)])
    cp = jnp.concatenate([col, jnp.full((pad,), N, jnp.int32)])
    eidx = jnp.stack([rp.reshape(NCH, CHUNK), cp.reshape(NCH, CHUNK)],
                     axis=1)
    w1a = W1[:, :D].T
    w1b = W1[:, D:].T
    w2a = W2[:, :D].T
    w2b = W2[:, D:].T

    ones_c = jnp.ones((CHUNK, CW), jnp.float32)
    zeros_c = jnp.zeros((ZC, CW), jnp.float32)
    agg1, cnt = _agg_with_count(x, eidx, ones_c, zeros_c)
    h1 = _layer_res(x, agg1, agg1, cnt, cnt, w1a, w1b, b1.reshape(1, D))
    (agg2,) = _agg_no_count(h1, eidx)
    h2 = _layer_last(h1, agg2, agg2, cnt, cnt, w2a, w2b, b2.reshape(1, D))
    return h2

# --- scband reference (transcript-rebuilt; emitter-appended) ---
"""Pipeline reference for scband-gnnstack-32298154066117 (READ-ONLY COPY).

The authoritative reference and input builder live on the scoring server;
editing this copy changes nothing except your own understanding.
"""

import jax, jax.numpy as jnp
import numpy as np

N_NODES = 10000
N_EDGES = 320000
D = 128


def setup_inputs(seed: int = 0) -> dict:
    key = jax.random.key(seed)
    k_x, k_e, k_w1, k_b1, k_w2, k_b2 = jax.random.split(key, 6)
    x = jax.random.normal(k_x, (N_NODES, D), dtype=jnp.float32)
    edge_index = jax.random.randint(k_e, (2, N_EDGES), 0, N_NODES, dtype=jnp.int64 if jax.config.jax_enable_x64 else jnp.int32).astype(jnp.int32)
    # GraphSAGELayer: nn.Linear(in_dim*2, out_dim); torch Linear weight shape [out, in]
    bound1 = 1.0 / np.sqrt(2 * D)
    W1 = jax.random.uniform(k_w1, (D, 2 * D), dtype=jnp.float32, minval=-bound1, maxval=bound1)
    b1 = jax.random.uniform(k_b1, (D,), dtype=jnp.float32, minval=-bound1, maxval=bound1)
    W2 = jax.random.uniform(k_w2, (D, 2 * D), dtype=jnp.float32, minval=-bound1, maxval=bound1)
    b2 = jax.random.uniform(k_b2, (D,), dtype=jnp.float32, minval=-bound1, maxval=bound1)
    return {"x": x, "edge_index": edge_index, "W1": W1, "b1": b1, "W2": W2, "b2": b2}


def _sage_layer(x, row, col, W, b):
    n = x.shape[0]
    # mean aggregation of source features into destination nodes (scatter-add + count)
    neigh = jnp.zeros_like(x).at[col].add(x[row])
    count = jnp.zeros((n,), dtype=x.dtype).at[col].add(1.0)
    count = jnp.where(count == 0, 1.0, count)
    neigh = neigh / count[:, None]
    x_aggr = jnp.concatenate([x, neigh], axis=-1)
    out = x_aggr @ W.T + b
    return jax.nn.relu(out)


def reference(x, edge_index, W1, b1, W2, b2):
    row, col = edge_index[0], edge_index[1]
    # layer 0
    h = _sage_layer(x, row, col, W1, b1)
    # use_residual=True, shapes match (128->128), and i=0 < n_layers-1=1
    h = h + x
    # layer 1 (last layer: no residual since i < n_layers-1 fails)
    h = _sage_layer(h, row, col, W2, b2)
    return h

if __name__ == "__main__":
    import jax
    _d = setup_inputs()
    print(jax.jit(kernel)(*tuple(_d.values())))

</pallas_src>

<mosaic_0001>
#map = affine_map<(d0, d1) -> (0, 0)>
#map1 = affine_map<(d0, d1) -> (0, 0, 0)>
module attributes {stable_mosaic.version = 14 : i64} {
  func.func @body(%arg0: i32, %arg1: i32, %arg2: memref<10000x128xf32, #tpu.memory_space<hbm>>, %arg3: memref<2560x2x128xi32, #tpu.memory_space<hbm>>, %arg4: memref<128x8xf32, #tpu.memory_space<hbm>>, %arg5: memref<128x8xf32, #tpu.memory_space<hbm>>, %arg6: memref<20000x64xf32, #tpu.memory_space<hbm>>, %arg7: memref<20000x8xf32, #tpu.memory_space<hbm>>, %arg8: memref<128x64xf32, #tpu.memory_space<vmem>>, %arg9: memref<128x64xf32, #tpu.memory_space<vmem>>, %arg10: memref<128x64xf32, #tpu.memory_space<vmem>>, %arg11: memref<128x64xf32, #tpu.memory_space<vmem>>, %arg12: memref<2x128xi32, #tpu.memory_space<vmem>>, %arg13: memref<2x128xi32, #tpu.memory_space<vmem>>, %arg14: memref<2x128xi32, #tpu.memory_space<vmem>>, %arg15: memref<2x128xi32, #tpu.memory_space<vmem>>, %arg16: memref<2x128xi32, #tpu.memory_space<vmem>>, %arg17: memref<2x128xi32, #tpu.memory_space<vmem>>, %arg18: memref<2x128xi32, #tpu.memory_space<vmem>>, %arg19: memref<2x128xi32, #tpu.memory_space<vmem>>, %arg20: memref<10000x64xf32, #tpu.memory_space<vmem_shared>>, %arg21: memref<10048x64xf32, #tpu.memory_space<vmem_shared>>, %arg22: memref<!tpu.dma_semaphore, #tpu.memory_space<semaphore_mem>>, %arg23: memref<!tpu.dma_semaphore, #tpu.memory_space<semaphore_mem>>, %arg24: memref<!tpu.dma_semaphore, #tpu.memory_space<semaphore_mem>>, %arg25: memref<!tpu.dma_semaphore, #tpu.memory_space<semaphore_mem>>, %arg26: memref<!tpu.dma_semaphore, #tpu.memory_space<semaphore_mem>>, %arg27: memref<!tpu.dma_semaphore, #tpu.memory_space<semaphore_mem>>, %arg28: memref<!tpu.dma_semaphore, #tpu.memory_space<semaphore_mem>>, %arg29: memref<!tpu.dma_semaphore, #tpu.memory_space<semaphore_mem>>, %arg30: memref<!tpu.dma_semaphore, #tpu.memory_space<semaphore_mem>>, %arg31: memref<!tpu.dma_semaphore, #tpu.memory_space<semaphore_mem>>, %arg32: memref<!tpu.dma_semaphore, #tpu.memory_space<semaphore_mem>>, %arg33: memref<!tpu.dma_semaphore, #tpu.memory_space<semaphore_mem>>, %arg34: memref<!tpu.dma_semaphore, #tpu.memory_space<semaphore_mem>>, %arg35: memref<!tpu.dma_semaphore, #tpu.memory_space<semaphore_mem>>, %arg36: memref<!tpu.dma_semaphore, #tpu.memory_space<semaphore_mem>>, %arg37: memref<!tpu.dma_semaphore, #tpu.memory_space<semaphore_mem>>, %arg38: memref<128x8xf32, #tpu.memory_space<vmem>>, %arg39: memref<10240x8xf32, #tpu.memory_space<vmem_shared>>, %arg40: memref<!tpu.dma_semaphore, #tpu.memory_space<semaphore_mem>>, %arg41: memref<!tpu.dma_semaphore, #tpu.memory_space<semaphore_mem>>, %arg42: memref<!tpu.dma_semaphore, #tpu.memory_space<semaphore_mem>>, %arg43: memref<!tpu.dma_semaphore, #tpu.memory_space<semaphore_mem>>) attributes {dimension_semantics = [#tpu.dimension_semantics<core_parallel>, #tpu.dimension_semantics<subcore_parallel>], iteration_bounds = array<i64: 2, 16>, scalar_prefetch = 0 : i64, scratch_operands = 36 : i64, tpu.core_type = #tpu.core_type<sc_vector_subcore>, window_params = [{transform_indices = #map}, {transform_indices = #map1}, {transform_indices = #map}, {transform_indices = #map}, {transform_indices = #map}, {transform_indices = #map}]} {
    %mul3A = arith.constant 625 : i32
    %mul3A_0 = arith.muli %arg1, %mul3A : i32
    %scan3A = arith.constant 0 : i32
    %scan3A_1 = arith.constant 0 : i32
    %scan3A_2 = arith.constant 512 : i32
    %scan3A_3 = arith.addi %scan3A_1, %scan3A_2 : i32
    %scan3A_4 = arith.constant 1 : i32
    %scan3A_5 = scf.for %scan3A_619 = %scan3A_1 to %scan3A_3 step %scan3A_4 iter_args(%scan3A_620 = %scan3A) -> (i32)  : i32 {
      %jit3A = arith.constant 4 : i32
      %div3A = arith.divsi %scan3A_619, %jit3A : i32
      %sign3A = arith.constant 0 : i32
      %sign3A_621 = arith.cmpi sgt, %scan3A_619, %sign3A : i32
      %sign3A_622 = arith.extui %sign3A_621 : i1 to i32
      %sign3A_623 = arith.constant 0 : i32
      %sign3A_624 = arith.cmpi slt, %scan3A_619, %sign3A_623 : i32
      %sign3A_625 = arith.extui %sign3A_624 : i1 to i32
      %sign3A_626 = arith.subi %sign3A_622, %sign3A_625 : i32
      %sign3A_627 = arith.constant 0 : i32
      %sign3A_628 = arith.cmpi sgt, %jit3A, %sign3A_627 : i32
      %sign3A_629 = arith.extui %sign3A_628 : i1 to i32
      %sign3A_630 = arith.constant 0 : i32
      %sign3A_631 = arith.cmpi slt, %jit3A, %sign3A_630 : i32
      %sign3A_632 = arith.extui %sign3A_631 : i1 to i32
      %sign3A_633 = arith.subi %sign3A_629, %sign3A_632 : i32
      %ne3A = arith.cmpi ne, %sign3A_626, %sign3A_633 : i32
      %rem3A = arith.remsi %scan3A_619, %jit3A : i32
      %ne3A_634 = arith.constant 0 : i32
      %ne3A_635 = arith.cmpi ne, %rem3A, %ne3A_634 : i32
      %and3A = arith.andi %ne3A, %ne3A_635 : i1
      %sub3A = arith.constant 1 : i32
      %sub3A_636 = arith.subi %div3A, %sub3A : i32
      %select_n3A = arith.select %and3A, %sub3A_636, %div3A : i32
      %jit3A_637 = arith.constant 4 : i32
      %eq3A_638 = arith.constant 0 : i32
      %eq3A_639 = arith.cmpi eq, %jit3A_637, %eq3A_638 : i32
      %jit3A_640 = arith.constant 1 : i32
      %select_n3A_641 = arith.select %eq3A_639, %jit3A_640, %jit3A_637 : i32
      %rem3A_642 = arith.remsi %scan3A_619, %select_n3A_641 : i32
      %ne3A_643 = arith.constant 0 : i32
      %ne3A_644 = arith.cmpi ne, %rem3A_642, %ne3A_643 : i32
      %lt3A_645 = arith.constant 0 : i32
      %lt3A_646 = arith.cmpi slt, %rem3A_642, %lt3A_645 : i32
      %lt3A_647 = arith.constant 0 : i32
      %lt3A_648 = arith.cmpi slt, %select_n3A_641, %lt3A_647 : i32
      %ne3A_649 = arith.xori %lt3A_646, %lt3A_648 : i1
      %and3A_650 = arith.andi %ne3A_649, %ne3A_644 : i1
      %add3A_651 = arith.addi %rem3A_642, %select_n3A_641 : i32
      %select_n3A_652 = arith.select %and3A_650, %add3A_651, %rem3A_642 : i32
      %broadcast_in_dim3A = arith.constant 0.000000e+00 : f32
      %broadcast_in_dim3A_653 = vector.broadcast %broadcast_in_dim3A : f32 to vector<16xf32>
      %mul3A_654 = arith.constant 16 : i32
      %mul3A_655 = arith.muli %select_n3A_652, %mul3A_654 : i32
      %swap3A = arith.index_cast %select_n3A : i32 to index
      %swap3A_656 = arith.index_cast %mul3A_655 : i32 to index
      %swap3A_657 = tpu.vector_load %arg8[%swap3A, %swap3A_656] {strides = array<i32>} : memref<128x64xf32, #tpu.memory_space<vmem>>, vector<1x16xf32>,
      %swap3A_658 = vector.shape_cast %swap3A_657 : vector<1x16xf32> to vector<16xf32>
      %swap3A_659 = vector.shape_cast %broadcast_in_dim3A_653 : vector<16xf32> to vector<1x16xf32>
      tpu.vector_store %arg8[%swap3A, %swap3A_656], %swap3A_659 {strides = array<i32>} : memref<128x64xf32, #tpu.memory_space<vmem>>, vector<1x16xf32>,
      %scan3A_660 = arith.constant 0 : i32
      scf.yield %scan3A_660 : i32
    }
    %scan3A_6 = arith.constant 512 : i32
    %scan3A_7 = arith.constant 0 : i32
    %scan3A_8 = arith.constant 0 : i32
    %scan3A_9 = arith.constant 5 : i32
    %scan3A_10 = arith.addi %scan3A_8, %scan3A_9 : i32
    %scan3A_11 = arith.constant 1 : i32
    %scan3A_12 = scf.for %scan3A_619 = %scan3A_8 to %scan3A_10 step %scan3A_11 iter_args(%scan3A_620 = %scan3A_7) -> (i32)  : i32 {
      %mul3A_621 = arith.constant 125 : i32
      %mul3A_622 = arith.muli %scan3A_619, %mul3A_621 : i32
      %add3A_623 = arith.addi %mul3A_0, %mul3A_622 : i32
      "tpu.region"() ({
        %run_scoped3A = tpu.sem_alloc : memref<!tpu.dma_semaphore, #tpu.memory_space<semaphore_mem>>
        %dma_start3A_625 = arith.constant 0 : i32
        %dma_start3A_626 = arith.constant 0 : i32
        %dma_start3A_627 = tpu.memref_slice %arg8[%dma_start3A_625, %dma_start3A_626] : memref<128x64xf32, #tpu.memory_space<vmem>> -> memref<125x64xf32, #tpu.memory_space<vmem>>
        %dma_start3A_628 = arith.constant 0 : i32
        %dma_start3A_629 = tpu.memref_slice %arg21[%add3A_623, %dma_start3A_628] : memref<10048x64xf32, #tpu.memory_space<vmem_shared>> -> memref<125x64xf32, #tpu.memory_space<vmem_shared>>
        %dma_start3A_630 = arith.constant 0 : i32
        %dma_start3A_631 = tpu.memref_slice %arg21[%add3A_623, %dma_start3A_630] : memref<10048x64xf32, #tpu.memory_space<vmem_shared>> -> memref<125x64xf32, #tpu.memory_space<vmem_shared>>
        %dma_start3A_632 = arith.constant 0 : i32
        %dma_start3A_633 = arith.constant 0 : i32
        %dma_start3A_634 = tpu.memref_slice %arg8[%dma_start3A_632, %dma_start3A_633] : memref<128x64xf32, #tpu.memory_space<vmem>> -> memref<125x64xf32, #tpu.memory_space<vmem>>
        tpu.enqueue_dma source(%dma_start3A_634 : memref<125x64xf32, #tpu.memory_space<vmem>>) target(%dma_start3A_631 : memref<125x64xf32, #tpu.memory_space<vmem_shared>>) target_semaphore(%run_scoped3A : memref<!tpu.dma_semaphore, #tpu.memory_space<semaphore_mem>>)
        %dma_wait3A_635 = arith.constant 0 : i32
        %dma_wait3A_636 = arith.constant 0 : i32
        %dma_wait3A_637 = tpu.memref_slice %arg8[%dma_wait3A_635, %dma_wait3A_636] : memref<128x64xf32, #tpu.memory_space<vmem>> -> memref<125x64xf32, #tpu.memory_space<vmem>>
        %dma_wait3A_638 = arith.constant 0 : i32
        %dma_wait3A_639 = tpu.memref_slice %arg21[%add3A_623, %dma_wait3A_638] : memref<10048x64xf32, #tpu.memory_space<vmem_shared>> -> memref<125x64xf32, #tpu.memory_space<vmem_shared>>
        %dma_wait3A_640 = arith.constant 0 : i32
        %dma_wait3A_641 = tpu.memref_slice %arg21[%add3A_623, %dma_wait3A_640] : memref<10048x64xf32, #tpu.memory_space<vmem_shared>> -> memref<125x64xf32, #tpu.memory_space<vmem_shared>>
        %dma_wait3A_642 = arith.constant 0 : i32
        %dma_wait3A_643 = arith.constant 0 : i32
        %dma_wait3A_644 = tpu.memref_slice %arg8[%dma_wait3A_642, %dma_wait3A_643] : memref<128x64xf32, #tpu.memory_space<vmem>> -> memref<125x64xf32, #tpu.memory_space<vmem>>
        tpu.wait_dma2 semaphore(%run_scoped3A : memref<!tpu.dma_semaphore, #tpu.memory_space<semaphore_mem>>) src(%dma_wait3A_644 : memref<125x64xf32, #tpu.memory_space<vmem>>) dst(%dma_wait3A_641 : memref<125x64xf32, #tpu.memory_space<vmem_shared>>)
        tpu.yield
      }) : () -> ()
      %scan3A_624 = arith.constant 0 : i32
      scf.yield %scan3A_624 : i32
    }
    %scan3A_13 = arith.constant 5 : i32
    %mul3A_14 = arith.constant 64 : i32
    %mul3A_15 = arith.muli %arg0, %mul3A_14 : i32
    "tpu.region"() ({
      %run_scoped3A = tpu.sem_alloc : memref<!tpu.dma_semaphore, #tpu.memory_space<semaphore_mem>>
      %dma_start3A_619 = arith.constant 0 : i32
      %dma_start3A_620 = tpu.memref_slice %arg20[%mul3A_0, %dma_start3A_619] : memref<10000x64xf32, #tpu.memory_space<vmem_shared>> -> memref<625x64xf32, #tpu.memory_space<vmem_shared>>
      %dma_start3A_621 = tpu.memref_slice %arg2[%mul3A_0, %mul3A_15] : memref<10000x128xf32, #tpu.memory_space<hbm>> -> memref<625x64xf32, #tpu.memory_space<hbm>>
      tpu.enqueue_dma source(%dma_start3A_621 : memref<625x64xf32, #tpu.memory_space<hbm>>) target(%dma_start3A_620 : memref<625x64xf32, #tpu.memory_space<vmem_shared>>) target_semaphore(%run_scoped3A : memref<!tpu.dma_semaphore, #tpu.memory_space<semaphore_mem>>)
      %dma_wait3A_622 = arith.constant 0 : i32
      %dma_wait3A_623 = tpu.memref_slice %arg20[%mul3A_0, %dma_wait3A_622] : memref<10000x64xf32, #tpu.memory_space<vmem_shared>> -> memref<625x64xf32, #tpu.memory_space<vmem_shared>>
      %dma_wait3A_624 = tpu.memref_slice %arg2[%mul3A_0, %mul3A_15] : memref<10000x128xf32, #tpu.memory_space<hbm>> -> memref<625x64xf32, #tpu.memory_space<hbm>>
      tpu.wait_dma2 semaphore(%run_scoped3A : memref<!tpu.dma_semaphore, #tpu.memory_space<semaphore_mem>>) src(%dma_wait3A_624 : memref<625x64xf32, #tpu.memory_space<hbm>>) dst(%dma_wait3A_623 : memref<625x64xf32, #tpu.memory_space<vmem_shared>>)
      tpu.yield
    }) : () -> ()
    "tpu.region"() ({
      %run_scoped3A = tpu.sem_alloc : memref<!tpu.dma_semaphore, #tpu.memory_space<semaphore_mem>>
      tpu.enqueue_dma source(%arg4 : memref<128x8xf32, #tpu.memory_space<hbm>>) target(%arg38 : memref<128x8xf32, #tpu.memory_space<vmem>>) target_semaphore(%run_scoped3A : memref<!tpu.dma_semaphore, #tpu.memory_space<semaphore_mem>>)
      tpu.wait_dma2 semaphore(%run_scoped3A : memref<!tpu.dma_semaphore, #tpu.memory_space<semaphore_mem>>) src(%arg4 : memref<128x8xf32, #tpu.memory_space<hbm>>) dst(%arg38 : memref<128x8xf32, #tpu.memory_space<vmem>>)
      tpu.yield
    }) : () -> ()
    %scan3A_16 = arith.constant 0 : i32
    %scan3A_17 = arith.constant 0 : i32
    %scan3A_18 = arith.constant 5 : i32
    %scan3A_19 = arith.addi %scan3A_17, %scan3A_18 : i32
    %scan3A_20 = arith.constant 1 : i32
    %scan3A_21 = scf.for %scan3A_619 = %scan3A_17 to %scan3A_19 step %scan3A_20 iter_args(%scan3A_620 = %scan3A_16) -> (i32)  : i32 {
      %mul3A_621 = arith.constant 640 : i32
      %mul3A_622 = arith.muli %arg1, %mul3A_621 : i32
      %mul3A_623 = arith.constant 128 : i32
      %mul3A_624 = arith.muli %scan3A_619, %mul3A_623 : i32
      %add3A_625 = arith.addi %mul3A_622, %mul3A_624 : i32
      "tpu.region"() ({
        %run_scoped3A = tpu.sem_alloc : memref<!tpu.dma_semaphore, #tpu.memory_space<semaphore_mem>>
        %dma_start3A_627 = arith.constant 0 : i32
        %dma_start3A_628 = tpu.memref_slice %arg39[%add3A_625, %dma_start3A_627] : memref<10240x8xf32, #tpu.memory_space<vmem_shared>> -> memref<128x8xf32, #tpu.memory_space<vmem_shared>>
        tpu.enqueue_dma source(%arg5 : memref<128x8xf32, #tpu.memory_space<hbm>>) target(%dma_start3A_628 : memref<128x8xf32, #tpu.memory_space<vmem_shared>>) target_semaphore(%run_scoped3A : memref<!tpu.dma_semaphore, #tpu.memory_space<semaphore_mem>>)
        %dma_wait3A_629 = arith.constant 0 : i32
        %dma_wait3A_630 = tpu.memref_slice %arg39[%add3A_625, %dma_wait3A_629] : memref<10240x8xf32, #tpu.memory_space<vmem_shared>> -> memref<128x8xf32, #tpu.memory_space<vmem_shared>>
        tpu.wait_dma2 semaphore(%run_scoped3A : memref<!tpu.dma_semaphore, #tpu.memory_space<semaphore_mem>>) src(%arg5 : memref<128x8xf32, #tpu.memory_space<hbm>>) dst(%dma_wait3A_630 : memref<128x8xf32, #tpu.memory_space<vmem_shared>>)
        tpu.yield
      }) : () -> ()
      %scan3A_626 = arith.constant 0 : i32
      scf.yield %scan3A_626 : i32
    }
    %scan3A_22 = arith.constant 5 : i32
    %barrier3A = arith.constant 0 : index
    tpu.barrier barrier_id(%barrier3A)
    %add3A = arith.constant 0 : i32
    %add3A_23 = arith.addi %arg1, %add3A : i32
    %dma_start3A = arith.constant 0 : i32
    %dma_start3A_24 = arith.constant 0 : i32
    %dma_start3A_25 = tpu.memref_slice %arg3[%add3A_23, %dma_start3A, %dma_start3A_24] : memref<2560x2x128xi32, #tpu.memory_space<hbm>> -> memref<1x2x128xi32, #tpu.memory_space<hbm>>
    %dma_start3A_26 = tpu.memref_squeeze %dma_start3A_25 : memref<1x2x128xi32, #tpu.memory_space<hbm>> -> memref<2x128xi32, #tpu.memory_space<hbm>>
    %dma_start3A_27 = arith.constant 0 : i32
    %dma_start3A_28 = arith.constant 0 : i32
    %dma_start3A_29 = tpu.memref_slice %arg3[%add3A_23, %dma_start3A_27, %dma_start3A_28] : memref<2560x2x128xi32, #tpu.memory_space<hbm>> -> memref<1x2x128xi32, #tpu.memory_space<hbm>>
    %dma_start3A_30 = tpu.memref_squeeze %dma_start3A_29 : memref<1x2x128xi32, #tpu.memory_space<hbm>> -> memref<2x128xi32, #tpu.memory_space<hbm>>
    tpu.enqueue_dma source(%dma_start3A_30 : memref<2x128xi32, #tpu.memory_space<hbm>>) target(%arg12 : memref<2x128xi32, #tpu.memory_space<vmem>>) target_semaphore(%arg30 : memref<!tpu.dma_semaphore, #tpu.memory_space<semaphore_mem>>)
    %add3A_31 = arith.constant 16 : i32
    %add3A_32 = arith.addi %arg1, %add3A_31 : i32
    %dma_start3A_33 = arith.constant 0 : i32
    %dma_start3A_34 = arith.constant 0 : i32
    %dma_start3A_35 = tpu.memref_slice %arg3[%add3A_32, %dma_start3A_33, %dma_start3A_34] : memref<2560x2x128xi32, #tpu.memory_space<hbm>> -> memref<1x2x128xi32, #tpu.memory_space<hbm>>
    %dma_start3A_36 = tpu.memref_squeeze %dma_start3A_35 : memref<1x2x128xi32, #tpu.memory_space<hbm>> -> memref<2x128xi32, #tpu.memory_space<hbm>>
    %dma_start3A_37 = arith.constant 0 : i32
    %dma_start3A_38 = arith.constant 0 : i32
    %dma_start3A_39 = tpu.memref_slice %arg3[%add3A_32, %dma_start3A_37, %dma_start3A_38] : memref<2560x2x128xi32, #tpu.memory_space<hbm>> -> memref<1x2x128xi32, #tpu.memory_space<hbm>>
    %dma_start3A_40 = tpu.memref_squeeze %dma_start3A_39 : memref<1x2x128xi32, #tpu.memory_space<hbm>> -> memref<2x128xi32, #tpu.memory_space<hbm>>
    tpu.enqueue_dma source(%dma_start3A_40 : memref<2x128xi32, #tpu.memory_space<hbm>>) target(%arg13 : memref<2x128xi32, #tpu.memory_space<vmem>>) target_semaphore(%arg31 : memref<!tpu.dma_semaphore, #tpu.memory_space<semaphore_mem>>)
    %add3A_41 = arith.constant 32 : i32
    %add3A_42 = arith.addi %arg1, %add3A_41 : i32
    %dma_start3A_43 = arith.constant 0 : i32
    %dma_start3A_44 = arith.constant 0 : i32
    %dma_start3A_45 = tpu.memref_slice %arg3[%add3A_42, %dma_start3A_43, %dma_start3A_44] : memref<2560x2x128xi32, #tpu.memory_space<hbm>> -> memref<1x2x128xi32, #tpu.memory_space<hbm>>
    %dma_start3A_46 = tpu.memref_squeeze %dma_start3A_45 : memref<1x2x128xi32, #tpu.memory_space<hbm>> -> memref<2x128xi32, #tpu.memory_space<hbm>>
    %dma_start3A_47 = arith.constant 0 : i32
    %dma_start3A_48 = arith.constant 0 : i32
    %dma_start3A_49 = tpu.memref_slice %arg3[%add3A_42, %dma_start3A_47, %dma_start3A_48] : memref<2560x2x128xi32, #tpu.memory_space<hbm>> -> memref<1x2x128xi32, #tpu.memory_space<hbm>>
    %dma_start3A_50 = tpu.memref_squeeze %dma_start3A_49 : memref<1x2x128xi32, #tpu.memory_space<hbm>> -> memref<2x128xi32, #tpu.memory_space<hbm>>
    tpu.enqueue_dma source(%dma_start3A_50 : memref<2x128xi32, #tpu.memory_space<hbm>>) target(%arg14 : memref<2x128xi32, #tpu.memory_space<vmem>>) target_semaphore(%arg32 : memref<!tpu.dma_semaphore, #tpu.memory_space<semaphore_mem>>)
    %add3A_51 = arith.constant 48 : i32
    %add3A_52 = arith.addi %arg1, %add3A_51 : i32
    %dma_start3A_53 = arith.constant 0 : i32
    %dma_start3A_54 = arith.constant 0 : i32
    %dma_start3A_55 = tpu.memref_slice %arg3[%add3A_52, %dma_start3A_53, %dma_start3A_54] : memref<2560x2x128xi32, #tpu.memory_space<hbm>> -> memref<1x2x128xi32, #tpu.memory_space<hbm>>
    %dma_start3A_56 = tpu.memref_squeeze %dma_start3A_55 : memref<1x2x128xi32, #tpu.memory_space<hbm>> -> memref<2x128xi32, #tpu.memory_space<hbm>>
    %dma_start3A_57 = arith.constant 0 : i32
    %dma_start3A_58 = arith.constant 0 : i32
    %dma_start3A_59 = tpu.memref_slice %arg3[%add3A_52, %dma_start3A_57, %dma_start3A_58] : memref<2560x2x128xi32, #tpu.memory_space<hbm>> -> memref<1x2x128xi32, #tpu.memory_space<hbm>>
    %dma_start3A_60 = tpu.memref_squeeze %dma_start3A_59 : memref<1x2x128xi32, #tpu.memory_space<hbm>> -> memref<2x128xi32, #tpu.memory_space<hbm>>
    tpu.enqueue_dma source(%dma_start3A_60 : memref<2x128xi32, #tpu.memory_space<hbm>>) target(%arg15 : memref<2x128xi32, #tpu.memory_space<vmem>>) target_semaphore(%arg33 : memref<!tpu.dma_semaphore, #tpu.memory_space<semaphore_mem>>)
    %add3A_61 = arith.constant 64 : i32
    %add3A_62 = arith.addi %arg1, %add3A_61 : i32
    %dma_start3A_63 = arith.constant 0 : i32
    %dma_start3A_64 = arith.constant 0 : i32
    %dma_start3A_65 = tpu.memref_slice %arg3[%add3A_62, %dma_start3A_63, %dma_start3A_64] : memref<2560x2x128xi32, #tpu.memory_space<hbm>> -> memref<1x2x128xi32, #tpu.memory_space<hbm>>
    %dma_start3A_66 = tpu.memref_squeeze %dma_start3A_65 : memref<1x2x128xi32, #tpu.memory_space<hbm>> -> memref<2x128xi32, #tpu.memory_space<hbm>>
    %dma_start3A_67 = arith.constant 0 : i32
    %dma_start3A_68 = arith.constant 0 : i32
    %dma_start3A_69 = tpu.memref_slice %arg3[%add3A_62, %dma_start3A_67, %dma_start3A_68] : memref<2560x2x128xi32, #tpu.memory_space<hbm>> -> memref<1x2x128xi32, #tpu.memory_space<hbm>>
    %dma_start3A_70 = tpu.memref_squeeze %dma_start3A_69 : memref<1x2x128xi32, #tpu.memory_space<hbm>> -> memref<2x128xi32, #tpu.memory_space<hbm>>
    tpu.enqueue_dma source(%dma_start3A_70 : memref<2x128xi32, #tpu.memory_space<hbm>>) target(%arg16 : memref<2x128xi32, #tpu.memory_space<vmem>>) target_semaphore(%arg34 : memref<!tpu.dma_semaphore, #tpu.memory_space<semaphore_mem>>)
    %add3A_71 = arith.constant 80 : i32
    %add3A_72 = arith.addi %arg1, %add3A_71 : i32
    %dma_start3A_73 = arith.constant 0 : i32
    %dma_start3A_74 = arith.constant 0 : i32
    %dma_start3A_75 = tpu.memref_slice %arg3[%add3A_72, %dma_start3A_73, %dma_start3A_74] : memref<2560x2x128xi32, #tpu.memory_space<hbm>> -> memref<1x2x128xi32, #tpu.memory_space<hbm>>
    %dma_start3A_76 = tpu.memref_squeeze %dma_start3A_75 : memref<1x2x128xi32, #tpu.memory_space<hbm>> -> memref<2x128xi32, #tpu.memory_space<hbm>>
    %dma_start3A_77 = arith.constant 0 : i32
    %dma_start3A_78 = arith.constant 0 : i32
    %dma_start3A_79 = tpu.memref_slice %arg3[%add3A_72, %dma_start3A_77, %dma_start3A_78] : memref<2560x2x128xi32, #tpu.memory_space<hbm>> -> memref<1x2x128xi32, #tpu.memory_space<hbm>>
    %dma_start3A_80 = tpu.memref_squeeze %dma_start3A_79 : memref<1x2x128xi32, #tpu.memory_space<hbm>> -> memref<2x128xi32, #tpu.memory_space<hbm>>
    tpu.enqueue_dma source(%dma_start3A_80 : memref<2x128xi32, #tpu.memory_space<hbm>>) target(%arg17 : memref<2x128xi32, #tpu.memory_space<vmem>>) target_semaphore(%arg35 : memref<!tpu.dma_semaphore, #tpu.memory_space<semaphore_mem>>)
    %add3A_81 = arith.constant 0 : i32
    %add3A_82 = arith.addi %arg1, %add3A_81 : i32
    %dma_wait3A = arith.constant 0 : i32
    %dma_wait3A_83 = arith.constant 0 : i32
    %dma_wait3A_84 = tpu.memref_slice %arg3[%add3A_82, %dma_wait3A, %dma_wait3A_83] : memref<2560x2x128xi32, #tpu.memory_space<hbm>> -> memref<1x2x128xi32, #tpu.memory_space<hbm>>
    %dma_wait3A_85 = tpu.memref_squeeze %dma_wait3A_84 : memref<1x2x128xi32, #tpu.memory_space<hbm>> -> memref<2x128xi32, #tpu.memory_space<hbm>>
    %dma_wait3A_86 = arith.constant 0 : i32
    %dma_wait3A_87 = arith.constant 0 : i32
    %dma_wait3A_88 = tpu.memref_slice %arg3[%add3A_82, %dma_wait3A_86, %dma_wait3A_87] : memref<2560x2x128xi32, #tpu.memory_space<hbm>> -> memref<1x2x128xi32, #tpu.memory_space<hbm>>
    %dma_wait3A_89 = tpu.memref_squeeze %dma_wait3A_88 : memref<1x2x128xi32, #tpu.memory_space<hbm>> -> memref<2x128xi32, #tpu.memory_space<hbm>>
    tpu.wait_dma2 semaphore(%arg30 : memref<!tpu.dma_semaphore, #tpu.memory_space<semaphore_mem>>) src(%dma_wait3A_89 : memref<2x128xi32, #tpu.memory_space<hbm>>) dst(%arg12 : memref<2x128xi32, #tpu.memory_space<vmem>>)
    %dma_start3A_90 = arith.constant 0 : i32
    %dma_start3A_91 = arith.constant 0 : i32
    %dma_start3A_92 = tpu.memref_slice %arg12[%dma_start3A_90, %dma_start3A_91] : memref<2x128xi32, #tpu.memory_space<vmem>> -> memref<1x128xi32, #tpu.memory_space<vmem>>
    %dma_start3A_93 = tpu.memref_squeeze %dma_start3A_92 : memref<1x128xi32, #tpu.memory_space<vmem>> -> memref<128xi32, #tpu.memory_space<vmem>>
    %dma_start3A_94 = arith.constant 0 : i32
    %dma_start3A_95 = arith.constant 0 : i32
    %dma_start3A_96 = tpu.memref_slice %arg20[%dma_start3A_94, %dma_start3A_95] : memref<10000x64xf32, #tpu.memory_space<vmem_shared>> -> memref<10000x64xf32, #tpu.memory_space<vmem_shared>>
    tpu.enqueue_indirect_dma source(%dma_start3A_96 : memref<10000x64xf32, #tpu.memory_space<vmem_shared>>) target(%arg8 : memref<128x64xf32, #tpu.memory_space<vmem>>) offsets(%dma_start3A_93 : memref<128xi32, #tpu.memory_space<vmem>>) semaphore(%arg22 : memref<!tpu.dma_semaphore, #tpu.memory_space<semaphore_mem>>)
    %add3A_97 = arith.constant 16 : i32
    %add3A_98 = arith.addi %arg1, %add3A_97 : i32
    %dma_wait3A_99 = arith.constant 0 : i32
    %dma_wait3A_100 = arith.constant 0 : i32
    %dma_wait3A_101 = tpu.memref_slice %arg3[%add3A_98, %dma_wait3A_99, %dma_wait3A_100] : memref<2560x2x128xi32, #tpu.memory_space<hbm>> -> memref<1x2x128xi32, #tpu.memory_space<hbm>>
    %dma_wait3A_102 = tpu.memref_squeeze %dma_wait3A_101 : memref<1x2x128xi32, #tpu.memory_space<hbm>> -> memref<2x128xi32, #tpu.memory_space<hbm>>
    %dma_wait3A_103 = arith.constant 0 : i32
    %dma_wait3A_104 = arith.constant 0 : i32
    %dma_wait3A_105 = tpu.memref_slice %arg3[%add3A_98, %dma_wait3A_103, %dma_wait3A_104] : memref<2560x2x128xi32, #tpu.memory_space<hbm>> -> memref<1x2x128xi32, #tpu.memory_space<hbm>>
    %dma_wait3A_106 = tpu.memref_squeeze %dma_wait3A_105 : memref<1x2x128xi32, #tpu.memory_space<hbm>> -> memref<2x128xi32, #tpu.memory_space<hbm>>
    tpu.wait_dma2 semaphore(%arg31 : memref<!tpu.dma_semaphore, #tpu.memory_space<semaphore_mem>>) src(%dma_wait3A_106 : memref<2x128xi32, #tpu.memory_space<hbm>>) dst(%arg13 : memref<2x128xi32, #tpu.memory_space<vmem>>)
    %dma_start3A_107 = arith.constant 0 : i32
    %dma_start3A_108 = arith.constant 0 : i32
    %dma_start3A_109 = tpu.memref_slice %arg13[%dma_start3A_107, %dma_start3A_108] : memref<2x128xi32, #tpu.memory_space<vmem>> -> memref<1x128xi32, #tpu.memory_space<vmem>>
    %dma_start3A_110 = tpu.memref_squeeze %dma_start3A_109 : memref<1x128xi32, #tpu.memory_space<vmem>> -> memref<128xi32, #tpu.memory_space<vmem>>
    %dma_start3A_111 = arith.constant 0 : i32
    %dma_start3A_112 = arith.constant 0 : i32
    %dma_start3A_113 = tpu.memref_slice %arg20[%dma_start3A_111, %dma_start3A_112] : memref<10000x64xf32, #tpu.memory_space<vmem_shared>> -> memref<10000x64xf32, #tpu.memory_space<vmem_shared>>
    tpu.enqueue_indirect_dma source(%dma_start3A_113 : memref<10000x64xf32, #tpu.memory_space<vmem_shared>>) target(%arg9 : memref<128x64xf32, #tpu.memory_space<vmem>>) offsets(%dma_start3A_110 : memref<128xi32, #tpu.memory_space<vmem>>) semaphore(%arg23 : memref<!tpu.dma_semaphore, #tpu.memory_space<semaphore_mem>>)
    %dma_wait3A_114 = arith.constant 0 : i32
    %dma_wait3A_115 = arith.constant 0 : i32
    %dma_wait3A_116 = tpu.memref_slice %arg12[%dma_wait3A_114, %dma_wait3A_115] : memref<2x128xi32, #tpu.memory_space<vmem>> -> memref<1x128xi32, #tpu.memory_space<vmem>>
    %dma_wait3A_117 = tpu.memref_squeeze %dma_wait3A_116 : memref<1x128xi32, #tpu.memory_space<vmem>> -> memref<128xi32, #tpu.memory_space<vmem>>
    %dma_wait3A_118 = arith.constant 0 : i32
    %dma_wait3A_119 = arith.constant 0 : i32
    %dma_wait3A_120 = tpu.memref_slice %arg20[%dma_wait3A_118, %dma_wait3A_119] : memref<10000x64xf32, #tpu.memory_space<vmem_shared>> -> memref<10000x64xf32, #tpu.memory_space<vmem_shared>>
    tpu.wait_indirect_dma semaphore(%arg22 : memref<!tpu.dma_semaphore, #tpu.memory_space<semaphore_mem>>) src(%dma_wait3A_120 : memref<10000x64xf32, #tpu.memory_space<vmem_shared>>) dst(%arg8 : memref<128x64xf32, #tpu.memory_space<vmem>>)
    %dma_start3A_121 = arith.constant 1 : i32
    %dma_start3A_122 = arith.constant 0 : i32
    %dma_start3A_123 = tpu.memref_slice %arg12[%dma_start3A_121, %dma_start3A_122] : memref<2x128xi32, #tpu.memory_space<vmem>> -> memref<1x128xi32, #tpu.memory_space<vmem>>
    %dma_start3A_124 = tpu.memref_squeeze %dma_start3A_123 : memref<1x128xi32, #tpu.memory_space<vmem>> -> memref<128xi32, #tpu.memory_space<vmem>>
    %dma_start3A_125 = arith.constant 0 : i32
    %dma_start3A_126 = arith.constant 0 : i32
    %dma_start3A_127 = tpu.memref_slice %arg21[%dma_start3A_125, %dma_start3A_126] : memref<10048x64xf32, #tpu.memory_space<vmem_shared>> -> memref<10048x64xf32, #tpu.memory_space<vmem_shared>>
    tpu.enqueue_indirect_dma source(%arg8 : memref<128x64xf32, #tpu.memory_space<vmem>>) target(%dma_start3A_127 : memref<10048x64xf32, #tpu.memory_space<vmem_shared>>) offsets(%dma_start3A_124 : memref<128xi32, #tpu.memory_space<vmem>>) semaphore(%arg26 : memref<!tpu.dma_semaphore, #tpu.memory_space<semaphore_mem>>) {add = true}
    %eq3A = arith.constant 0 : i32
    %eq3A_128 = arith.cmpi eq, %arg0, %eq3A : i32
    %convert_element_type3A = arith.extui %eq3A_128 : i1 to i32
    %cond3A = arith.constant 0 : i32
    %cond3A_129 = arith.cmpi ne, %convert_element_type3A, %cond3A : i32
    scf.if %cond3A_129 {
      %dma_start3A_619 = arith.constant 1 : i32
      %dma_start3A_620 = arith.constant 0 : i32
      %dma_start3A_621 = tpu.memref_slice %arg12[%dma_start3A_619, %dma_start3A_620] : memref<2x128xi32, #tpu.memory_space<vmem>> -> memref<1x128xi32, #tpu.memory_space<vmem>>
      %dma_start3A_622 = tpu.memref_squeeze %dma_start3A_621 : memref<1x128xi32, #tpu.memory_space<vmem>> -> memref<128xi32, #tpu.memory_space<vmem>>
      %dma_start3A_623 = arith.constant 0 : i32
      %dma_start3A_624 = arith.constant 0 : i32
      %dma_start3A_625 = tpu.memref_slice %arg39[%dma_start3A_623, %dma_start3A_624] : memref<10240x8xf32, #tpu.memory_space<vmem_shared>> -> memref<10240x8xf32, #tpu.memory_space<vmem_shared>>
      tpu.enqueue_indirect_dma source(%arg38 : memref<128x8xf32, #tpu.memory_space<vmem>>) target(%dma_start3A_625 : memref<10240x8xf32, #tpu.memory_space<vmem_shared>>) offsets(%dma_start3A_622 : memref<128xi32, #tpu.memory_space<vmem>>) semaphore(%arg40 : memref<!tpu.dma_semaphore, #tpu.memory_space<semaphore_mem>>) {add = true}
    } else {
    }
    %add3A_130 = arith.constant 96 : i32
    %add3A_131 = arith.addi %arg1, %add3A_130 : i32
    %dma_start3A_132 = arith.constant 0 : i32
    %dma_start3A_133 = arith.constant 0 : i32
    %dma_start3A_134 = tpu.memref_slice %arg3[%add3A_131, %dma_start3A_132, %dma_start3A_133] : memref<2560x2x128xi32, #tpu.memory_space<hbm>> -> memref<1x2x128xi32, #tpu.memory_space<hbm>>
    %dma_start3A_135 = tpu.memref_squeeze %dma_start3A_134 : memref<1x2x128xi32, #tpu.memory_space<hbm>> -> memref<2x128xi32, #tpu.memory_space<hbm>>
    %dma_start3A_136 = arith.constant 0 : i32
    %dma_start3A_137 = arith.constant 0 : i32
    %dma_start3A_138 = tpu.memref_slice %arg3[%add3A_131, %dma_start3A_136, %dma_start3A_137] : memref<2560x2x128xi32, #tpu.memory_space<hbm>> -> memref<1x2x128xi32, #tpu.memory_space<hbm>>
    %dma_start3A_139 = tpu.memref_squeeze %dma_start3A_138 : memref<1x2x128xi32, #tpu.memory_space<hbm>> -> memref<2x128xi32, #tpu.memory_space<hbm>>
    tpu.enqueue_dma source(%dma_start3A_139 : memref<2x128xi32, #tpu.memory_space<hbm>>) target(%arg18 : memref<2x128xi32, #tpu.memory_space<vmem>>) target_semaphore(%arg36 : memref<!tpu.dma_semaphore, #tpu.memory_space<semaphore_mem>>)
    %add3A_140 = arith.constant 32 : i32
    %add3A_141 = arith.addi %arg1, %add3A_140 : i32
    %dma_wait3A_142 = arith.constant 0 : i32
    %dma_wait3A_143 = arith.constant 0 : i32
    %dma_wait3A_144 = tpu.memref_slice %arg3[%add3A_141, %dma_wait3A_142, %dma_wait3A_143] : memref<2560x2x128xi32, #tpu.memory_space<hbm>> -> memref<1x2x128xi32, #tpu.memory_space<hbm>>
    %dma_wait3A_145 = tpu.memref_squeeze %dma_wait3A_144 : memref<1x2x128xi32, #tpu.memory_space<hbm>> -> memref<2x128xi32, #tpu.memory_space<hbm>>
    %dma_wait3A_146 = arith.constant 0 : i32
    %dma_wait3A_147 = arith.constant 0 : i32
    %dma_wait3A_148 = tpu.memref_slice %arg3[%add3A_141, %dma_wait3A_146, %dma_wait3A_147] : memref<2560x2x128xi32, #tpu.memory_space<hbm>> -> memref<1x2x128xi32, #tpu.memory_space<hbm>>
    %dma_wait3A_149 = tpu.memref_squeeze %dma_wait3A_148 : memref<1x2x128xi32, #tpu.memory_space<hbm>> -> memref<2x128xi32, #tpu.memory_space<hbm>>
    tpu.wait_dma2 semaphore(%arg32 : memref<!tpu.dma_semaphore, #tpu.memory_space<semaphore_mem>>) src(%dma_wait3A_149 : memref<2x128xi32, #tpu.memory_space<hbm>>) dst(%arg14 : memref<2x128xi32, #tpu.memory_space<vmem>>)
    %dma_start3A_150 = arith.constant 0 : i32
    %dma_start3A_151 = arith.constant 0 : i32
    %dma_start3A_152 = tpu.memref_slice %arg14[%dma_start3A_150, %dma_start3A_151] : memref<2x128xi32, #tpu.memory_space<vmem>> -> memref<1x128xi32, #tpu.memory_space<vmem>>
    %dma_start3A_153 = tpu.memref_squeeze %dma_start3A_152 : memref<1x128xi32, #tpu.memory_space<vmem>> -> memref<128xi32, #tpu.memory_space<vmem>>
    %dma_start3A_154 = arith.constant 0 : i32
    %dma_start3A_155 = arith.constant 0 : i32
    %dma_start3A_156 = tpu.memref_slice %arg20[%dma_start3A_154, %dma_start3A_155] : memref<10000x64xf32, #tpu.memory_space<vmem_shared>> -> memref<10000x64xf32, #tpu.memory_space<vmem_shared>>
    tpu.enqueue_indirect_dma source(%dma_start3A_156 : memref<10000x64xf32, #tpu.memory_space<vmem_shared>>) target(%arg10 : memref<128x64xf32, #tpu.memory_space<vmem>>) offsets(%dma_start3A_153 : memref<128xi32, #tpu.memory_space<vmem>>) semaphore(%arg24 : memref<!tpu.dma_semaphore, #tpu.memory_space<semaphore_mem>>)
    %dma_wait3A_157 = arith.constant 0 : i32
    %dma_wait3A_158 = arith.constant 0 : i32
    %dma_wait3A_159 = tpu.memref_slice %arg13[%dma_wait3A_157, %dma_wait3A_158] : memref<2x128xi32, #tpu.memory_space<vmem>> -> memref<1x128xi32, #tpu.memory_space<vmem>>
    %dma_wait3A_160 = tpu.memref_squeeze %dma_wait3A_159 : memref<1x128xi32, #tpu.memory_space<vmem>> -> memref<128xi32, #tpu.memory_space<vmem>>
    %dma_wait3A_161 = arith.constant 0 : i32
    %dma_wait3A_162 = arith.constant 0 : i32
    %dma_wait3A_163 = tpu.memref_slice %arg20[%dma_wait3A_161, %dma_wait3A_162] : memref<10000x64xf32, #tpu.memory_space<vmem_shared>> -> memref<10000x64xf32, #tpu.memory_space<vmem_shared>>
    tpu.wait_indirect_dma semaphore(%arg23 : memref<!tpu.dma_semaphore, #tpu.memory_space<semaphore_mem>>) src(%dma_wait3A_163 : memref<10000x64xf32, #tpu.memory_space<vmem_shared>>) dst(%arg9 : memref<128x64xf32, #tpu.memory_space<vmem>>)
    %dma_start3A_164 = arith.constant 1 : i32
    %dma_start3A_165 = arith.constant 0 : i32
    %dma_start3A_166 = tpu.memref_slice %arg13[%dma_start3A_164, %dma_start3A_165] : memref<2x128xi32, #tpu.memory_space<vmem>> -> memref<1x128xi32, #tpu.memory_space<vmem>>
    %dma_start3A_167 = tpu.memref_squeeze %dma_start3A_166 : memref<1x128xi32, #tpu.memory_space<vmem>> -> memref<128xi32, #tpu.memory_space<vmem>>
    %dma_start3A_168 = arith.constant 0 : i32
    %dma_start3A_169 = arith.constant 0 : i32
    %dma_start3A_170 = tpu.memref_slice %arg21[%dma_start3A_168, %dma_start3A_169] : memref<10048x64xf32, #tpu.memory_space<vmem_shared>> -> memref<10048x64xf32, #tpu.memory_space<vmem_shared>>
    tpu.enqueue_indirect_dma source(%arg9 : memref<128x64xf32, #tpu.memory_space<vmem>>) target(%dma_start3A_170 : memref<10048x64xf32, #tpu.memory_space<vmem_shared>>) offsets(%dma_start3A_167 : memref<128xi32, #tpu.memory_space<vmem>>) semaphore(%arg27 : memref<!tpu.dma_semaphore, #tpu.memory_space<semaphore_mem>>) {add = true}
    %eq3A_171 = arith.constant 1 : i32
    %eq3A_172 = arith.cmpi eq, %arg0, %eq3A_171 : i32
    %convert_element_type3A_173 = arith.extui %eq3A_172 : i1 to i32
    %cond3A_174 = arith.constant 0 : i32
    %cond3A_175 = arith.cmpi ne, %convert_element_type3A_173, %cond3A_174 : i32
    scf.if %cond3A_175 {
      %dma_start3A_619 = arith.constant 1 : i32
      %dma_start3A_620 = arith.constant 0 : i32
      %dma_start3A_621 = tpu.memref_slice %arg13[%dma_start3A_619, %dma_start3A_620] : memref<2x128xi32, #tpu.memory_space<vmem>> -> memref<1x128xi32, #tpu.memory_space<vmem>>
      %dma_start3A_622 = tpu.memref_squeeze %dma_start3A_621 : memref<1x128xi32, #tpu.memory_space<vmem>> -> memref<128xi32, #tpu.memory_space<vmem>>
      %dma_start3A_623 = arith.constant 0 : i32
      %dma_start3A_624 = arith.constant 0 : i32
      %dma_start3A_625 = tpu.memref_slice %arg39[%dma_start3A_623, %dma_start3A_624] : memref<10240x8xf32, #tpu.memory_space<vmem_shared>> -> memref<10240x8xf32, #tpu.memory_space<vmem_shared>>
      tpu.enqueue_indirect_dma source(%arg38 : memref<128x8xf32, #tpu.memory_space<vmem>>) target(%dma_start3A_625 : memref<10240x8xf32, #tpu.memory_space<vmem_shared>>) offsets(%dma_start3A_622 : memref<128xi32, #tpu.memory_space<vmem>>) semaphore(%arg41 : memref<!tpu.dma_semaphore, #tpu.memory_space<semaphore_mem>>) {add = true}
    } else {
    }
    %add3A_176 = arith.constant 112 : i32
    %add3A_177 = arith.addi %arg1, %add3A_176 : i32
    %dma_start3A_178 = arith.constant 0 : i32
    %dma_start3A_179 = arith.constant 0 : i32
    %dma_start3A_180 = tpu.memref_slice %arg3[%add3A_177, %dma_start3A_178, %dma_start3A_179] : memref<2560x2x128xi32, #tpu.memory_space<hbm>> -> memref<1x2x128xi32, #tpu.memory_space<hbm>>
    %dma_start3A_181 = tpu.memref_squeeze %dma_start3A_180 : memref<1x2x128xi32, #tpu.memory_space<hbm>> -> memref<2x128xi32, #tpu.memory_space<hbm>>
    %dma_start3A_182 = arith.constant 0 : i32
    %dma_start3A_183 = arith.constant 0 : i32
    %dma_start3A_184 = tpu.memref_slice %arg3[%add3A_177, %dma_start3A_182, %dma_start3A_183] : memref<2560x2x128xi32, #tpu.memory_space<hbm>> -> memref<1x2x128xi32, #tpu.memory_space<hbm>>
    %dma_start3A_185 = tpu.memref_squeeze %dma_start3A_184 : memref<1x2x128xi32, #tpu.memory_space<hbm>> -> memref<2x128xi32, #tpu.memory_space<hbm>>
    tpu.enqueue_dma source(%dma_start3A_185 : memref<2x128xi32, #tpu.memory_space<hbm>>) target(%arg19 : memref<2x128xi32, #tpu.memory_space<vmem>>) target_semaphore(%arg37 : memref<!tpu.dma_semaphore, #tpu.memory_space<semaphore_mem>>)
    %add3A_186 = arith.constant 48 : i32
    %add3A_187 = arith.addi %arg1, %add3A_186 : i32
    %dma_wait3A_188 = arith.constant 0 : i32
    %dma_wait3A_189 = arith.constant 0 : i32
    %dma_wait3A_190 = tpu.memref_slice %arg3[%add3A_187, %dma_wait3A_188, %dma_wait3A_189] : memref<2560x2x128xi32, #tpu.memory_space<hbm>> -> memref<1x2x128xi32, #tpu.memory_space<hbm>>
    %dma_wait3A_191 = tpu.memref_squeeze %dma_wait3A_190 : memref<1x2x128xi32, #tpu.memory_space<hbm>> -> memref<2x128xi32, #tpu.memory_space<hbm>>
    %dma_wait3A_192 = arith.constant 0 : i32
    %dma_wait3A_193 = arith.constant 0 : i32
    %dma_wait3A_194 = tpu.memref_slice %arg3[%add3A_187, %dma_wait3A_192, %dma_wait3A_193] : memref<2560x2x128xi32, #tpu.memory_space<hbm>> -> memref<1x2x128xi32, #tpu.memory_space<hbm>>
    %dma_wait3A_195 = tpu.memref_squeeze %dma_wait3A_194 : memref<1x2x128xi32, #tpu.memory_space<hbm>> -> memref<2x128xi32, #tpu.memory_space<hbm>>
    tpu.wait_dma2 semaphore(%arg33 : memref<!tpu.dma_semaphore, #tpu.memory_space<semaphore_mem>>) src(%dma_wait3A_195 : memref<2x128xi32, #tpu.memory_space<hbm>>) dst(%arg15 : memref<2x128xi32, #tpu.memory_space<vmem>>)
    %dma_start3A_196 = arith.constant 0 : i32
    %dma_start3A_197 = arith.constant 0 : i32
    %dma_start3A_198 = tpu.memref_slice %arg15[%dma_start3A_196, %dma_start3A_197] : memref<2x128xi32, #tpu.memory_space<vmem>> -> memref<1x128xi32, #tpu.memory_space<vmem>>
    %dma_start3A_199 = tpu.memref_squeeze %dma_start3A_198 : memref<1x128xi32, #tpu.memory_space<vmem>> -> memref<128xi32, #tpu.memory_space<vmem>>
    %dma_start3A_200 = arith.constant 0 : i32
    %dma_start3A_201 = arith.constant 0 : i32
    %dma_start3A_202 = tpu.memref_slice %arg20[%dma_start3A_200, %dma_start3A_201] : memref<10000x64xf32, #tpu.memory_space<vmem_shared>> -> memref<10000x64xf32, #tpu.memory_space<vmem_shared>>
    tpu.enqueue_indirect_dma source(%dma_start3A_202 : memref<10000x64xf32, #tpu.memory_space<vmem_shared>>) target(%arg11 : memref<128x64xf32, #tpu.memory_space<vmem>>) offsets(%dma_start3A_199 : memref<128xi32, #tpu.memory_space<vmem>>) semaphore(%arg25 : memref<!tpu.dma_semaphore, #tpu.memory_space<semaphore_mem>>)
    %dma_wait3A_203 = arith.constant 0 : i32
    %dma_wait3A_204 = arith.constant 0 : i32
    %dma_wait3A_205 = tpu.memref_slice %arg14[%dma_wait3A_203, %dma_wait3A_204] : memref<2x128xi32, #tpu.memory_space<vmem>> -> memref<1x128xi32, #tpu.memory_space<vmem>>
    %dma_wait3A_206 = tpu.memref_squeeze %dma_wait3A_205 : memref<1x128xi32, #tpu.memory_space<vmem>> -> memref<128xi32, #tpu.memory_space<vmem>>
    %dma_wait3A_207 = arith.constant 0 : i32
    %dma_wait3A_208 = arith.constant 0 : i32
    %dma_wait3A_209 = tpu.memref_slice %arg20[%dma_wait3A_207, %dma_wait3A_208] : memref<10000x64xf32, #tpu.memory_space<vmem_shared>> -> memref<10000x64xf32, #tpu.memory_space<vmem_shared>>
    tpu.wait_indirect_dma semaphore(%arg24 : memref<!tpu.dma_semaphore, #tpu.memory_space<semaphore_mem>>) src(%dma_wait3A_209 : memref<10000x64xf32, #tpu.memory_space<vmem_shared>>) dst(%arg10 : memref<128x64xf32, #tpu.memory_space<vmem>>)
    %dma_start3A_210 = arith.constant 1 : i32
    %dma_start3A_211 = arith.constant 0 : i32
    %dma_start3A_212 = tpu.memref_slice %arg14[%dma_start3A_210, %dma_start3A_211] : memref<2x128xi32, #tpu.memory_space<vmem>> -> memref<1x128xi32, #tpu.memory_space<vmem>>
    %dma_start3A_213 = tpu.memref_squeeze %dma_start3A_212 : memref<1x128xi32, #tpu.memory_space<vmem>> -> memref<128xi32, #tpu.memory_space<vmem>>
    %dma_start3A_214 = arith.constant 0 : i32
    %dma_start3A_215 = arith.constant 0 : i32
    %dma_start3A_216 = tpu.memref_slice %arg21[%dma_start3A_214, %dma_start3A_215] : memref<10048x64xf32, #tpu.memory_space<vmem_shared>> -> memref<10048x64xf32, #tpu.memory_space<vmem_shared>>
    tpu.enqueue_indirect_dma source(%arg10 : memref<128x64xf32, #tpu.memory_space<vmem>>) target(%dma_start3A_216 : memref<10048x64xf32, #tpu.memory_space<vmem_shared>>) offsets(%dma_start3A_213 : memref<128xi32, #tpu.memory_space<vmem>>) semaphore(%arg28 : memref<!tpu.dma_semaphore, #tpu.memory_space<semaphore_mem>>) {add = true}
    %eq3A_217 = arith.constant 0 : i32
    %eq3A_218 = arith.cmpi eq, %arg0, %eq3A_217 : i32
    %convert_element_type3A_219 = arith.extui %eq3A_218 : i1 to i32
    %cond3A_220 = arith.constant 0 : i32
    %cond3A_221 = arith.cmpi ne, %convert_element_type3A_219, %cond3A_220 : i32
    scf.if %cond3A_221 {
      %dma_start3A_619 = arith.constant 1 : i32
      %dma_start3A_620 = arith.constant 0 : i32
      %dma_start3A_621 = tpu.memref_slice %arg14[%dma_start3A_619, %dma_start3A_620] : memref<2x128xi32, #tpu.memory_space<vmem>> -> memref<1x128xi32, #tpu.memory_space<vmem>>
      %dma_start3A_622 = tpu.memref_squeeze %dma_start3A_621 : memref<1x128xi32, #tpu.memory_space<vmem>> -> memref<128xi32, #tpu.memory_space<vmem>>
      %dma_start3A_623 = arith.constant 0 : i32
      %dma_start3A_624 = arith.constant 0 : i32
      %dma_start3A_625 = tpu.memref_slice %arg39[%dma_start3A_623, %dma_start3A_624] : memref<10240x8xf32, #tpu.memory_space<vmem_shared>> -> memref<10240x8xf32, #tpu.memory_space<vmem_shared>>
      tpu.enqueue_indirect_dma source(%arg38 : memref<128x8xf32, #tpu.memory_space<vmem>>) target(%dma_start3A_625 : memref<10240x8xf32, #tpu.memory_space<vmem_shared>>) offsets(%dma_start3A_622 : memref<128xi32, #tpu.memory_space<vmem>>) semaphore(%arg42 : memref<!tpu.dma_semaphore, #tpu.memory_space<semaphore_mem>>) {add = true}
    } else {
    }
    %dma_wait3A_222 = arith.constant 1 : i32
    %dma_wait3A_223 = arith.constant 0 : i32
    %dma_wait3A_224 = tpu.memref_slice %arg12[%dma_wait3A_222, %dma_wait3A_223] : memref<2x128xi32, #tpu.memory_space<vmem>> -> memref<1x128xi32, #tpu.memory_space<vmem>>
    %dma_wait3A_225 = tpu.memref_squeeze %dma_wait3A_224 : memref<1x128xi32, #tpu.memory_space<vmem>> -> memref<128xi32, #tpu.memory_space<vmem>>
    %dma_wait3A_226 = arith.constant 0 : i32
    %dma_wait3A_227 = arith.constant 0 : i32
    %dma_wait3A_228 = tpu.memref_slice %arg21[%dma_wait3A_226, %dma_wait3A_227] : memref<10048x64xf32, #tpu.memory_space<vmem_shared>> -> memref<10048x64xf32, #tpu.memory_space<vmem_shared>>
    tpu.wait_indirect_dma semaphore(%arg26 : memref<!tpu.dma_semaphore, #tpu.memory_space<semaphore_mem>>) src(%arg8 : memref<128x64xf32, #tpu.memory_space<vmem>>) dst(%dma_wait3A_228 : memref<10048x64xf32, #tpu.memory_space<vmem_shared>>)
    %eq3A_229 = arith.constant 0 : i32
    %eq3A_230 = arith.cmpi eq, %arg0, %eq3A_229 : i32
    %convert_element_type3A_231 = arith.extui %eq3A_230 : i1 to i32
    %cond3A_232 = arith.constant 0 : i32
    %cond3A_233 = arith.cmpi ne, %convert_element_type3A_231, %cond3A_232 : i32
    scf.if %cond3A_233 {
      %dma_wait3A_619 = arith.constant 1 : i32
      %dma_wait3A_620 = arith.constant 0 : i32
      %dma_wait3A_621 = tpu.memref_slice %arg12[%dma_wait3A_619, %dma_wait3A_620] : memref<2x128xi32, #tpu.memory_space<vmem>> -> memref<1x128xi32, #tpu.memory_space<vmem>>
      %dma_wait3A_622 = tpu.memref_squeeze %dma_wait3A_621 : memref<1x128xi32, #tpu.memory_space<vmem>> -> memref<128xi32, #tpu.memory_space<vmem>>
      %dma_wait3A_623 = arith.constant 0 : i32
      %dma_wait3A_624 = arith.constant 0 : i32
      %dma_wait3A_625 = tpu.memref_slice %arg39[%dma_wait3A_623, %dma_wait3A_624] : memref<10240x8xf32, #tpu.memory_space<vmem_shared>> -> memref<10240x8xf32, #tpu.memory_space<vmem_shared>>
      tpu.wait_indirect_dma semaphore(%arg40 : memref<!tpu.dma_semaphore, #tpu.memory_space<semaphore_mem>>) src(%arg38 : memref<128x8xf32, #tpu.memory_space<vmem>>) dst(%dma_wait3A_625 : memref<10240x8xf32, #tpu.memory_space<vmem_shared>>)
    } else {
    }
    %add3A_234 = arith.constant 128 : i32
    %add3A_235 = arith.addi %arg1, %add3A_234 : i32
    %dma_start3A_236 = arith.constant 0 : i32
    %dma_start3A_237 = arith.constant 0 : i32
    %dma_start3A_238 = tpu.memref_slice %arg3[%add3A_235, %dma_start3A_236, %dma_start3A_237] : memref<2560x2x128xi32, #tpu.memory_space<hbm>> -> memref<1x2x128xi32, #tpu.memory_space<hbm>>
    %dma_start3A_239 = tpu.memref_squeeze %dma_start3A_238 : memref<1x2x128xi32, #tpu.memory_space<hbm>> -> memref<2x128xi32, #tpu.memory_space<hbm>>
    %dma_start3A_240 = arith.constant 0 : i32
    %dma_start3A_241 = arith.constant 0 : i32
    %dma_start3A_242 = tpu.memref_slice %arg3[%add3A_235, %dma_start3A_240, %dma_start3A_241] : memref<2560x2x128xi32, #tpu.memory_space<hbm>> -> memref<1x2x128xi32, #tpu.memory_space<hbm>>
    %dma_start3A_243 = tpu.memref_squeeze %dma_start3A_242 : memref<1x2x128xi32, #tpu.memory_space<hbm>> -> memref<2x128xi32, #tpu.memory_space<hbm>>
    tpu.enqueue_dma source(%dma_start3A_243 : memref<2x128xi32, #tpu.memory_space<hbm>>) target(%arg12 : memref<2x128xi32, #tpu.memory_space<vmem>>) target_semaphore(%arg30 : memref<!tpu.dma_semaphore, #tpu.memory_space<semaphore_mem>>)
    %add3A_244 = arith.constant 64 : i32
    %add3A_245 = arith.addi %arg1, %add3A_244 : i32
    %dma_wait3A_246 = arith.constant 0 : i32
    %dma_wait3A_247 = arith.constant 0 : i32
    %dma_wait3A_248 = tpu.memref_slice %arg3[%add3A_245, %dma_wait3A_246, %dma_wait3A_247] : memref<2560x2x128xi32, #tpu.memory_space<hbm>> -> memref<1x2x128xi32, #tpu.memory_space<hbm>>
    %dma_wait3A_249 = tpu.memref_squeeze %dma_wait3A_248 : memref<1x2x128xi32, #tpu.memory_space<hbm>> -> memref<2x128xi32, #tpu.memory_space<hbm>>
    %dma_wait3A_250 = arith.constant 0 : i32
    %dma_wait3A_251 = arith.constant 0 : i32
    %dma_wait3A_252 = tpu.memref_slice %arg3[%add3A_245, %dma_wait3A_250, %dma_wait3A_251] : memref<2560x2x128xi32, #tpu.memory_space<hbm>> -> memref<1x2x128xi32, #tpu.memory_space<hbm>>
    %dma_wait3A_253 = tpu.memref_squeeze %dma_wait3A_252 : memref<1x2x128xi32, #tpu.memory_space<hbm>> -> memref<2x128xi32, #tpu.memory_space<hbm>>
    tpu.wait_dma2 semaphore(%arg34 : memref<!tpu.dma_semaphore, #tpu.memory_space<semaphore_mem>>) src(%dma_wait3A_253 : memref<2x128xi32, #tpu.memory_space<hbm>>) dst(%arg16 : memref<2x128xi32, #tpu.memory_space<vmem>>)
    %dma_start3A_254 = arith.constant 0 : i32
    %dma_start3A_255 = arith.constant 0 : i32
    %dma_start3A_256 = tpu.memref_slice %arg16[%dma_start3A_254, %dma_start3A_255] : memref<2x128xi32, #tpu.memory_space<vmem>> -> memref<1x128xi32, #tpu.memory_space<vmem>>
    %dma_start3A_257 = tpu.memref_squeeze %dma_start3A_256 : memref<1x128xi32, #tpu.memory_space<vmem>> -> memref<128xi32, #tpu.memory_space<vmem>>
    %dma_start3A_258 = arith.constant 0 : i32
    %dma_start3A_259 = arith.constant 0 : i32
    %dma_start3A_260 = tpu.memref_slice %arg20[%dma_start3A_258, %dma_start3A_259] : memref<10000x64xf32, #tpu.memory_space<vmem_shared>> -> memref<10000x64xf32, #tpu.memory_space<vmem_shared>>
    tpu.enqueue_indirect_dma source(%dma_start3A_260 : memref<10000x64xf32, #tpu.memory_space<vmem_shared>>) target(%arg8 : memref<128x64xf32, #tpu.memory_space<vmem>>) offsets(%dma_start3A_257 : memref<128xi32, #tpu.memory_space<vmem>>) semaphore(%arg22 : memref<!tpu.dma_semaphore, #tpu.memory_space<semaphore_mem>>)
    %dma_wait3A_261 = arith.constant 0 : i32
    %dma_wait3A_262 = arith.constant 0 : i32
    %dma_wait3A_263 = tpu.memref_slice %arg15[%dma_wait3A_261, %dma_wait3A_262] : memref<2x128xi32, #tpu.memory_space<vmem>> -> memref<1x128xi32, #tpu.memory_space<vmem>>
    %dma_wait3A_264 = tpu.memref_squeeze %dma_wait3A_263 : memref<1x128xi32, #tpu.memory_space<vmem>> -> memref<128xi32, #tpu.memory_space<vmem>>
    %dma_wait3A_265 = arith.constant 0 : i32
    %dma_wait3A_266 = arith.constant 0 : i32
    %dma_wait3A_267 = tpu.memref_slice %arg20[%dma_wait3A_265, %dma_wait3A_266] : memref<10000x64xf32, #tpu.memory_space<vmem_shared>> -> memref<10000x64xf32, #tpu.memory_space<vmem_shared>>
    tpu.wait_indirect_dma semaphore(%arg25 : memref<!tpu.dma_semaphore, #tpu.memory_space<semaphore_mem>>) src(%dma_wait3A_267 : memref<10000x64xf32, #tpu.memory_space<vmem_shared>>) dst(%arg11 : memref<128x64xf32, #tpu.memory_space<vmem>>)
    %dma_start3A_268 = arith.constant 1 : i32
    %dma_start3A_269 = arith.constant 0 : i32
    %dma_start3A_270 = tpu.memref_slice %arg15[%dma_start3A_268, %dma_start3A_269] : memref<2x128xi32, #tpu.memory_space<vmem>> -> memref<1x128xi32, #tpu.memory_space<vmem>>
    %dma_start3A_271 = tpu.memref_squeeze %dma_start3A_270 : memref<1x128xi32, #tpu.memory_space<vmem>> -> memref<128xi32, #tpu.memory_space<vmem>>
    %dma_start3A_272 = arith.constant 0 : i32
    %dma_start3A_273 = arith.constant 0 : i32
    %dma_start3A_274 = tpu.memref_slice %arg21[%dma_start3A_272, %dma_start3A_273] : memref<10048x64xf32, #tpu.memory_space<vmem_shared>> -> memref<10048x64xf32, #tpu.memory_space<vmem_shared>>
    tpu.enqueue_indirect_dma source(%arg11 : memref<128x64xf32, #tpu.memory_space<vmem>>) target(%dma_start3A_274 : memref<10048x64xf32, #tpu.memory_space<vmem_shared>>) offsets(%dma_start3A_271 : memref<128xi32, #tpu.memory_space<vmem>>) semaphore(%arg29 : memref<!tpu.dma_semaphore, #tpu.memory_space<semaphore_mem>>) {add = true}
    %eq3A_275 = arith.constant 1 : i32
    %eq3A_276 = arith.cmpi eq, %arg0, %eq3A_275 : i32
    %convert_element_type3A_277 = arith.extui %eq3A_276 : i1 to i32
    %cond3A_278 = arith.constant 0 : i32
    %cond3A_279 = arith.cmpi ne, %convert_element_type3A_277, %cond3A_278 : i32
    scf.if %cond3A_279 {
      %dma_start3A_619 = arith.constant 1 : i32
      %dma_start3A_620 = arith.constant 0 : i32
      %dma_start3A_621 = tpu.memref_slice %arg15[%dma_start3A_619, %dma_start3A_620] : memref<2x128xi32, #tpu.memory_space<vmem>> -> memref<1x128xi32, #tpu.memory_space<vmem>>
      %dma_start3A_622 = tpu.memref_squeeze %dma_start3A_621 : memref<1x128xi32, #tpu.memory_space<vmem>> -> memref<128xi32, #tpu.memory_space<vmem>>
      %dma_start3A_623 = arith.constant 0 : i32
      %dma_start3A_624 = arith.constant 0 : i32
      %dma_start3A_625 = tpu.memref_slice %arg39[%dma_start3A_623, %dma_start3A_624] : memref<10240x8xf32, #tpu.memory_space<vmem_shared>> -> memref<10240x8xf32, #tpu.memory_space<vmem_shared>>
      tpu.enqueue_indirect_dma source(%arg38 : memref<128x8xf32, #tpu.memory_space<vmem>>) target(%dma_start3A_625 : memref<10240x8xf32, #tpu.memory_space<vmem_shared>>) offsets(%dma_start3A_622 : memref<128xi32, #tpu.memory_space<vmem>>) semaphore(%arg43 : memref<!tpu.dma_semaphore, #tpu.memory_space<semaphore_mem>>) {add = true}
    } else {
    }
    %dma_wait3A_280 = arith.constant 1 : i32
    %dma_wait3A_281 = arith.constant 0 : i32
    %dma_wait3A_282 = tpu.memref_slice %arg13[%dma_wait3A_280, %dma_wait3A_281] : memref<2x128xi32, #tpu.memory_space<vmem>> -> memref<1x128xi32, #tpu.memory_space<vmem>>
    %dma_wait3A_283 = tpu.memref_squeeze %dma_wait3A_282 : memref<1x128xi32, #tpu.memory_space<vmem>> -> memref<128xi32, #tpu.memory_space<vmem>>
    %dma_wait3A_284 = arith.constant 0 : i32
    %dma_wait3A_285 = arith.constant 0 : i32
    %dma_wait3A_286 = tpu.memref_slice %arg21[%dma_wait3A_284, %dma_wait3A_285] : memref<10048x64xf32, #tpu.memory_space<vmem_shared>> -> memref<10048x64xf32, #tpu.memory_space<vmem_shared>>
    tpu.wait_indirect_dma semaphore(%arg27 : memref<!tpu.dma_semaphore, #tpu.memory_space<semaphore_mem>>) src(%arg9 : memref<128x64xf32, #tpu.memory_space<vmem>>) dst(%dma_wait3A_286 : memref<10048x64xf32, #tpu.memory_space<vmem_shared>>)
    %eq3A_287 = arith.constant 1 : i32
    %eq3A_288 = arith.cmpi eq, %arg0, %eq3A_287 : i32
    %convert_element_type3A_289 = arith.extui %eq3A_288 : i1 to i32
    %cond3A_290 = arith.constant 0 : i32
    %cond3A_291 = arith.cmpi ne, %convert_element_type3A_289, %cond3A_290 : i32
    scf.if %cond3A_291 {
      %dma_wait3A_619 = arith.constant 1 : i32
      %dma_wait3A_620 = arith.constant 0 : i32
      %dma_wait3A_621 = tpu.memref_slice %arg13[%dma_wait3A_619, %dma_wait3A_620] : memref<2x128xi32, #tpu.memory_space<vmem>> -> memref<1x128xi32, #tpu.memory_space<vmem>>
      %dma_wait3A_622 = tpu.memref_squeeze %dma_wait3A_621 : memref<1x128xi32, #tpu.memory_space<vmem>> -> memref<128xi32, #tpu.memory_space<vmem>>
      %dma_wait3A_623 = arith.constant 0 : i32
      %dma_wait3A_624 = arith.constant 0 : i32
      %dma_wait3A_625 = tpu.memref_slice %arg39[%dma_wait3A_623, %dma_wait3A_624] : memref<10240x8xf32, #tpu.memory_space<vmem_shared>> -> memref<10240x8xf32, #tpu.memory_space<vmem_shared>>
      tpu.wait_indirect_dma semaphore(%arg41 : memref<!tpu.dma_semaphore, #tpu.memory_space<semaphore_mem>>) src(%arg38 : memref<128x8xf32, #tpu.memory_space<vmem>>) dst(%dma_wait3A_625 : memref<10240x8xf32, #tpu.memory_space<vmem_shared>>)
    } else {
    }
    %add3A_292 = arith.constant 144 : i32
    %add3A_293 = arith.addi %arg1, %add3A_292 : i32
    %dma_start3A_294 = arith.constant 0 : i32
    %dma_start3A_295 = arith.constant 0 : i32
    %dma_start3A_296 = tpu.memref_slice %arg3[%add3A_293, %dma_start3A_294, %dma_start3A_295] : memref<2560x2x128xi32, #tpu.memory_space<hbm>> -> memref<1x2x128xi32, #tpu.memory_space<hbm>>
    %dma_start3A_297 = tpu.memref_squeeze %dma_start3A_296 : memref<1x2x128xi32, #tpu.memory_space<hbm>> -> memref<2x128xi32, #tpu.memory_space<hbm>>
    %dma_start3A_298 = arith.constant 0 : i32
    %dma_start3A_299 = arith.constant 0 : i32
    %dma_start3A_300 = tpu.memref_slice %arg3[%add3A_293, %dma_start3A_298, %dma_start3A_299] : memref<2560x2x128xi32, #tpu.memory_space<hbm>> -> memref<1x2x128xi32, #tpu.memory_space<hbm>>
    %dma_start3A_301 = tpu.memref_squeeze %dma_start3A_300 : memref<1x2x128xi32, #tpu.memory_space<hbm>> -> memref<2x128xi32, #tpu.memory_space<hbm>>
    tpu.enqueue_dma source(%dma_start3A_301 : memref<2x128xi32, #tpu.memory_space<hbm>>) target(%arg13 : memref<2x128xi32, #tpu.memory_space<vmem>>) target_semaphore(%arg31 : memref<!tpu.dma_semaphore, #tpu.memory_space<semaphore_mem>>)
    %add3A_302 = arith.constant 80 : i32
    %add3A_303 = arith.addi %arg1, %add3A_302 : i32
    %dma_wait3A_304 = arith.constant 0 : i32
    %dma_wait3A_305 = arith.constant 0 : i32
    %dma_wait3A_306 = tpu.memref_slice %arg3[%add3A_303, %dma_wait3A_304, %dma_wait3A_305] : memref<2560x2x128xi32, #tpu.memory_space<hbm>> -> memref<1x2x128xi32, #tpu.memory_space<hbm>>
    %dma_wait3A_307 = tpu.memref_squeeze %dma_wait3A_306 : memref<1x2x128xi32, #tpu.memory_space<hbm>> -> memref<2x128xi32, #tpu.memory_space<hbm>>
    %dma_wait3A_308 = arith.constant 0 : i32
    %dma_wait3A_309 = arith.constant 0 : i32
    %dma_wait3A_310 = tpu.memref_slice %arg3[%add3A_303, %dma_wait3A_308, %dma_wait3A_309] : memref<2560x2x128xi32, #tpu.memory_space<hbm>> -> memref<1x2x128xi32, #tpu.memory_space<hbm>>
    %dma_wait3A_311 = tpu.memref_squeeze %dma_wait3A_310 : memref<1x2x128xi32, #tpu.memory_space<hbm>> -> memref<2x128xi32, #tpu.memory_space<hbm>>
    tpu.wait_dma2 semaphore(%arg35 : memref<!tpu.dma_semaphore, #tpu.memory_space<semaphore_mem>>) src(%dma_wait3A_311 : memref<2x128xi32, #tpu.memory_space<hbm>>) dst(%arg17 : memref<2x128xi32, #tpu.memory_space<vmem>>)
    %dma_start3A_312 = arith.constant 0 : i32
    %dma_start3A_313 = arith.constant 0 : i32
    %dma_start3A_314 = tpu.memref_slice %arg17[%dma_start3A_312, %dma_start3A_313] : memref<2x128xi32, #tpu.memory_space<vmem>> -> memref<1x128xi32, #tpu.memory_space<vmem>>
    %dma_start3A_315 = tpu.memref_squeeze %dma_start3A_314 : memref<1x128xi32, #tpu.memory_space<vmem>> -> memref<128xi32, #tpu.memory_space<vmem>>
    %dma_start3A_316 = arith.constant 0 : i32
    %dma_start3A_317 = arith.constant 0 : i32
    %dma_start3A_318 = tpu.memref_slice %arg20[%dma_start3A_316, %dma_start3A_317] : memref<10000x64xf32, #tpu.memory_space<vmem_shared>> -> memref<10000x64xf32, #tpu.memory_space<vmem_shared>>
    tpu.enqueue_indirect_dma source(%dma_start3A_318 : memref<10000x64xf32, #tpu.memory_space<vmem_shared>>) target(%arg9 : memref<128x64xf32, #tpu.memory_space<vmem>>) offsets(%dma_start3A_315 : memref<128xi32, #tpu.memory_space<vmem>>) semaphore(%arg23 : memref<!tpu.dma_semaphore, #tpu.memory_space<semaphore_mem>>)
    %dma_wait3A_319 = arith.constant 0 : i32
    %dma_wait3A_320 = arith.constant 0 : i32
    %dma_wait3A_321 = tpu.memref_slice %arg16[%dma_wait3A_319, %dma_wait3A_320] : memref<2x128xi32, #tpu.memory_space<vmem>> -> memref<1x128xi32, #tpu.memory_space<vmem>>
    %dma_wait3A_322 = tpu.memref_squeeze %dma_wait3A_321 : memref<1x128xi32, #tpu.memory_space<vmem>> -> memref<128xi32, #tpu.memory_space<vmem>>
    %dma_wait3A_323 = arith.constant 0 : i32
    %dma_wait3A_324 = arith.constant 0 : i32
    %dma_wait3A_325 = tpu.memref_slice %arg20[%dma_wait3A_323, %dma_wait3A_324] : memref<10000x64xf32, #tpu.memory_space<vmem_shared>> -> memref<10000x64xf32, #tpu.memory_space<vmem_shared>>
    tpu.wait_indirect_dma semaphore(%arg22 : memref<!tpu.dma_semaphore, #tpu.memory_space<semaphore_mem>>) src(%dma_wait3A_325 : memref<10000x64xf32, #tpu.memory_space<vmem_shared>>) dst(%arg8 : memref<128x64xf32, #tpu.memory_space<vmem>>)
    %dma_start3A_326 = arith.constant 1 : i32
    %dma_start3A_327 = arith.constant 0 : i32
    %dma_start3A_328 = tpu.memref_slice %arg16[%dma_start3A_326, %dma_start3A_327] : memref<2x128xi32, #tpu.memory_space<vmem>> -> memref<1x128xi32, #tpu.memory_space<vmem>>
    %dma_start3A_329 = tpu.memref_squeeze %dma_start3A_328 : memref<1x128xi32, #tpu.memory_space<vmem>> -> memref<128xi32, #tpu.memory_space<vmem>>
    %dma_start3A_330 = arith.constant 0 : i32
    %dma_start3A_331 = arith.constant 0 : i32
    %dma_start3A_332 = tpu.memref_slice %arg21[%dma_start3A_330, %dma_start3A_331] : memref<10048x64xf32, #tpu.memory_space<vmem_shared>> -> memref<10048x64xf32, #tpu.memory_space<vmem_shared>>
    tpu.enqueue_indirect_dma source(%arg8 : memref<128x64xf32, #tpu.memory_space<vmem>>) target(%dma_start3A_332 : memref<10048x64xf32, #tpu.memory_space<vmem_shared>>) offsets(%dma_start3A_329 : memref<128xi32, #tpu.memory_space<vmem>>) semaphore(%arg26 : memref<!tpu.dma_semaphore, #tpu.memory_space<semaphore_mem>>) {add = true}
    %eq3A_333 = arith.constant 0 : i32
    %eq3A_334 = arith.cmpi eq, %arg0, %eq3A_333 : i32
    %convert_element_type3A_335 = arith.extui %eq3A_334 : i1 to i32
    %cond3A_336 = arith.constant 0 : i32
    %cond3A_337 = arith.cmpi ne, %convert_element_type3A_335, %cond3A_336 : i32
    scf.if %cond3A_337 {
      %dma_start3A_619 = arith.constant 1 : i32
      %dma_start3A_620 = arith.constant 0 : i32
      %dma_start3A_621 = tpu.memref_slice %arg16[%dma_start3A_619, %dma_start3A_620] : memref<2x128xi32, #tpu.memory_space<vmem>> -> memref<1x128xi32, #tpu.memory_space<vmem>>
      %dma_start3A_622 = tpu.memref_squeeze %dma_start3A_621 : memref<1x128xi32, #tpu.memory_space<vmem>> -> memref<128xi32, #tpu.memory_space<vmem>>
      %dma_start3A_623 = arith.constant 0 : i32
      %dma_start3A_624 = arith.constant 0 : i32
      %dma_start3A_625 = tpu.memref_slice %arg39[%dma_start3A_623, %dma_start3A_624] : memref<10240x8xf32, #tpu.memory_space<vmem_shared>> -> memref<10240x8xf32, #tpu.memory_space<vmem_shared>>
      tpu.enqueue_indirect_dma source(%arg38 : memref<128x8xf32, #tpu.memory_space<vmem>>) target(%dma_start3A_625 : memref<10240x8xf32, #tpu.memory_space<vmem_shared>>) offsets(%dma_start3A_622 : memref<128xi32, #tpu.memory_space<vmem>>) semaphore(%arg40 : memref<!tpu.dma_semaphore, #tpu.memory_space<semaphore_mem>>) {add = true}
    } else {
    }
    %dma_wait3A_338 = arith.constant 1 : i32
    %dma_wait3A_339 = arith.constant 0 : i32
    %dma_wait3A_340 = tpu.memref_slice %arg14[%dma_wait3A_338, %dma_wait3A_339] : memref<2x128xi32, #tpu.memory_space<vmem>> -> memref<1x128xi32, #tpu.memory_space<vmem>>
    %dma_wait3A_341 = tpu.memref_squeeze %dma_wait3A_340 : memref<1x128xi32, #tpu.memory_space<vmem>> -> memref<128xi32, #tpu.memory_space<vmem>>
    %dma_wait3A_342 = arith.constant 0 : i32
    %dma_wait3A_343 = arith.constant 0 : i32
    %dma_wait3A_344 = tpu.memref_slice %arg21[%dma_wait3A_342, %dma_wait3A_343] : memref<10048x64xf32, #tpu.memory_space<vmem_shared>> -> memref<10048x64xf32, #tpu.memory_space<vmem_shared>>
    tpu.wait_indirect_dma semaphore(%arg28 : memref<!tpu.dma_semaphore, #tpu.memory_space<semaphore_mem>>) src(%arg10 : memref<128x64xf32, #tpu.memory_space<vmem>>) dst(%dma_wait3A_344 : memref<10048x64xf32, #tpu.memory_space<vmem_shared>>)
    %eq3A_345 = arith.constant 0 : i32
    %eq3A_346 = arith.cmpi eq, %arg0, %eq3A_345 : i32
    %convert_element_type3A_347 = arith.extui %eq3A_346 : i1 to i32
    %cond3A_348 = arith.constant 0 : i32
    %cond3A_349 = arith.cmpi ne, %convert_element_type3A_347, %cond3A_348 : i32
    scf.if %cond3A_349 {
      %dma_wait3A_619 = arith.constant 1 : i32
      %dma_wait3A_620 = arith.constant 0 : i32
      %dma_wait3A_621 = tpu.memref_slice %arg14[%dma_wait3A_619, %dma_wait3A_620] : memref<2x128xi32, #tpu.memory_space<vmem>> -> memref<1x128xi32, #tpu.memory_space<vmem>>
      %dma_wait3A_622 = tpu.memref_squeeze %dma_wait3A_621 : memref<1x128xi32, #tpu.memory_space<vmem>> -> memref<128xi32, #tpu.memory_space<vmem>>
      %dma_wait3A_623 = arith.constant 0 : i32
      %dma_wait3A_624 = arith.constant 0 : i32
      %dma_wait3A_625 = tpu.memref_slice %arg39[%dma_wait3A_623, %dma_wait3A_624] : memref<10240x8xf32, #tpu.memory_space<vmem_shared>> -> memref<10240x8xf32, #tpu.memory_space<vmem_shared>>
      tpu.wait_indirect_dma semaphore(%arg42 : memref<!tpu.dma_semaphore, #tpu.memory_space<semaphore_mem>>) src(%arg38 : memref<128x8xf32, #tpu.memory_space<vmem>>) dst(%dma_wait3A_625 : memref<10240x8xf32, #tpu.memory_space<vmem_shared>>)
    } else {
    }
    %add3A_350 = arith.constant 160 : i32
    %add3A_351 = arith.addi %arg1, %add3A_350 : i32
    %dma_start3A_352 = arith.constant 0 : i32
    %dma_start3A_353 = arith.constant 0 : i32
    %dma_start3A_354 = tpu.memref_slice %arg3[%add3A_351, %dma_start3A_352, %dma_start3A_353] : memref<2560x2x128xi32, #tpu.memory_space<hbm>> -> memref<1x2x128xi32, #tpu.memory_space<hbm>>
    %dma_start3A_355 = tpu.memref_squeeze %dma_start3A_354 : memref<1x2x128xi32, #tpu.memory_space<hbm>> -> memref<2x128xi32, #tpu.memory_space<hbm>>
    %dma_start3A_356 = arith.constant 0 : i32
    %dma_start3A_357 = arith.constant 0 : i32
    %dma_start3A_358 = tpu.memref_slice %arg3[%add3A_351, %dma_start3A_356, %dma_start3A_357] : memref<2560x2x128xi32, #tpu.memory_space<hbm>> -> memref<1x2x128xi32, #tpu.memory_space<hbm>>
    %dma_start3A_359 = tpu.memref_squeeze %dma_start3A_358 : memref<1x2x128xi32, #tpu.memory_space<hbm>> -> memref<2x128xi32, #tpu.memory_space<hbm>>
    tpu.enqueue_dma source(%dma_start3A_359 : memref<2x128xi32, #tpu.memory_space<hbm>>) target(%arg14 : memref<2x128xi32, #tpu.memory_space<vmem>>) target_semaphore(%arg32 : memref<!tpu.dma_semaphore, #tpu.memory_space<semaphore_mem>>)
    %add3A_360 = arith.constant 96 : i32
    %add3A_361 = arith.addi %arg1, %add3A_360 : i32
    %dma_wait3A_362 = arith.constant 0 : i32
    %dma_wait3A_363 = arith.constant 0 : i32
    %dma_wait3A_364 = tpu.memref_slice %arg3[%add3A_361, %dma_wait3A_362, %dma_wait3A_363] : memref<2560x2x128xi32, #tpu.memory_space<hbm>> -> memref<1x2x128xi32, #tpu.memory_space<hbm>>
    %dma_wait3A_365 = tpu.memref_squeeze %dma_wait3A_364 : memref<1x2x128xi32, #tpu.memory_space<hbm>> -> memref<2x128xi32, #tpu.memory_space<hbm>>
    %dma_wait3A_366 = arith.constant 0 : i32
    %dma_wait3A_367 = arith.constant 0 : i32
    %dma_wait3A_368 = tpu.memref_slice %arg3[%add3A_361, %dma_wait3A_366, %dma_wait3A_367] : memref<2560x2x128xi32, #tpu.memory_space<hbm>> -> memref<1x2x128xi32, #tpu.memory_space<hbm>>
    %dma_wait3A_369 = tpu.memref_squeeze %dma_wait3A_368 : memref<1x2x128xi32, #tpu.memory_space<hbm>> -> memref<2x128xi32, #tpu.memory_space<hbm>>
    tpu.wait_dma2 semaphore(%arg36 : memref<!tpu.dma_semaphore, #tpu.memory_space<semaphore_mem>>) src(%dma_wait3A_369 : memref<2x128xi32, #tpu.memory_space<hbm>>) dst(%arg18 : memref<2x128xi32, #tpu.memory_space<vmem>>)
    %dma_start3A_370 = arith.constant 0 : i32
    %dma_start3A_371 = arith.constant 0 : i32
    %dma_start3A_372 = tpu.memref_slice %arg18[%dma_start3A_370, %dma_start3A_371] : memref<2x128xi32, #tpu.memory_space<vmem>> -> memref<1x128xi32, #tpu.memory_space<vmem>>
    %dma_start3A_373 = tpu.memref_squeeze %dma_start3A_372 : memref<1x128xi32, #tpu.memory_space<vmem>> -> memref<128xi32, #tpu.memory_space<vmem>>
    %dma_start3A_374 = arith.constant 0 : i32
    %dma_start3A_375 = arith.constant 0 : i32
    %dma_start3A_376 = tpu.memref_slice %arg20[%dma_start3A_374, %dma_start3A_375] : memref<10000x64xf32, #tpu.memory_space<vmem_shared>> -> memref<10000x64xf32, #tpu.memory_space<vmem_shared>>
    tpu.enqueue_indirect_dma source(%dma_start3A_376 : memref<10000x64xf32, #tpu.memory_space<vmem_shared>>) target(%arg10 : memref<128x64xf32, #tpu.memory_space<vmem>>) offsets(%dma_start3A_373 : memref<128xi32, #tpu.memory_space<vmem>>) semaphore(%arg24 : memref<!tpu.dma_semaphore, #tpu.memory_space<semaphore_mem>>)
    %dma_wait3A_377 = arith.constant 0 : i32
    %dma_wait3A_378 = arith.constant 0 : i32
    %dma_wait3A_379 = tpu.memref_slice %arg17[%dma_wait3A_377, %dma_wait3A_378] : memref<2x128xi32, #tpu.memory_space<vmem>> -> memref<1x128xi32, #tpu.memory_space<vmem>>
    %dma_wait3A_380 = tpu.memref_squeeze %dma_wait3A_379 : memref<1x128xi32, #tpu.memory_space<vmem>> -> memref<128xi32, #tpu.memory_space<vmem>>
    %dma_wait3A_381 = arith.constant 0 : i32
    %dma_wait3A_382 = arith.constant 0 : i32
    %dma_wait3A_383 = tpu.memref_slice %arg20[%dma_wait3A_381, %dma_wait3A_382] : memref<10000x64xf32, #tpu.memory_space<vmem_shared>> -> memref<10000x64xf32, #tpu.memory_space<vmem_shared>>
    tpu.wait_indirect_dma semaphore(%arg23 : memref<!tpu.dma_semaphore, #tpu.memory_space<semaphore_mem>>) src(%dma_wait3A_383 : memref<10000x64xf32, #tpu.memory_space<vmem_shared>>) dst(%arg9 : memref<128x64xf32, #tpu.memory_space<vmem>>)
    %dma_start3A_384 = arith.constant 1 : i32
    %dma_start3A_385 = arith.constant 0 : i32
    %dma_start3A_386 = tpu.memref_slice %arg17[%dma_start3A_384, %dma_start3A_385] : memref<2x128xi32, #tpu.memory_space<vmem>> -> memref<1x128xi32, #tpu.memory_space<vmem>>
    %dma_start3A_387 = tpu.memref_squeeze %dma_start3A_386 : memref<1x128xi32, #tpu.memory_space<vmem>> -> memref<128xi32, #tpu.memory_space<vmem>>
    %dma_start3A_388 = arith.constant 0 : i32
    %dma_start3A_389 = arith.constant 0 : i32
    %dma_start3A_390 = tpu.memref_slice %arg21[%dma_start3A_388, %dma_start3A_389] : memref<10048x64xf32, #tpu.memory_space<vmem_shared>> -> memref<10048x64xf32, #tpu.memory_space<vmem_shared>>
    tpu.enqueue_indirect_dma source(%arg9 : memref<128x64xf32, #tpu.memory_space<vmem>>) target(%dma_start3A_390 : memref<10048x64xf32, #tpu.memory_space<vmem_shared>>) offsets(%dma_start3A_387 : memref<128xi32, #tpu.memory_space<vmem>>) semaphore(%arg27 : memref<!tpu.dma_semaphore, #tpu.memory_space<semaphore_mem>>) {add = true}
    %eq3A_391 = arith.constant 1 : i32
    %eq3A_392 = arith.cmpi eq, %arg0, %eq3A_391 : i32
    %convert_element_type3A_393 = arith.extui %eq3A_392 : i1 to i32
    %cond3A_394 = arith.constant 0 : i32
    %cond3A_395 = arith.cmpi ne, %convert_element_type3A_393, %cond3A_394 : i32
    scf.if %cond3A_395 {
      %dma_start3A_619 = arith.constant 1 : i32
      %dma_start3A_620 = arith.constant 0 : i32
      %dma_start3A_621 = tpu.memref_slice %arg17[%dma_start3A_619, %dma_start3A_620] : memref<2x128xi32, #tpu.memory_space<vmem>> -> memref<1x128xi32, #tpu.memory_space<vmem>>
      %dma_start3A_622 = tpu.memref_squeeze %dma_start3A_621 : memref<1x128xi32, #tpu.memory_space<vmem>> -> memref<128xi32, #tpu.memory_space<vmem>>
      %dma_start3A_623 = arith.constant 0 : i32
      %dma_start3A_624 = arith.constant 0 : i32
      %dma_start3A_625 = tpu.memref_slice %arg39[%dma_start3A_623, %dma_start3A_624] : memref<10240x8xf32, #tpu.memory_space<vmem_shared>> -> memref<10240x8xf32, #tpu.memory_space<vmem_shared>>
      tpu.enqueue_indirect_dma source(%arg38 : memref<128x8xf32, #tpu.memory_space<vmem>>) target(%dma_start3A_625 : memref<10240x8xf32, #tpu.memory_space<vmem_shared>>) offsets(%dma_start3A_622 : memref<128xi32, #tpu.memory_space<vmem>>) semaphore(%arg41 : memref<!tpu.dma_semaphore, #tpu.memory_space<semaphore_mem>>) {add = true}
    } else {
    }
    %dma_wait3A_396 = arith.constant 1 : i32
    %dma_wait3A_397 = arith.constant 0 : i32
    %dma_wait3A_398 = tpu.memref_slice %arg15[%dma_wait3A_396, %dma_wait3A_397] : memref<2x128xi32, #tpu.memory_space<vmem>> -> memref<1x128xi32, #tpu.memory_space<vmem>>
    %dma_wait3A_399 = tpu.memref_squeeze %dma_wait3A_398 : memref<1x128xi32, #tpu.memory_space<vmem>> -> memref<128xi32, #tpu.memory_space<vmem>>
    %dma_wait3A_400 = arith.constant 0 : i32
    %dma_wait3A_401 = arith.constant 0 : i32
    %dma_wait3A_402 = tpu.memref_slice %arg21[%dma_wait3A_400, %dma_wait3A_401] : memref<10048x64xf32, #tpu.memory_space<vmem_shared>> -> memref<10048x64xf32, #tpu.memory_space<vmem_shared>>
    tpu.wait_indirect_dma semaphore(%arg29 : memref<!tpu.dma_semaphore, #tpu.memory_space<semaphore_mem>>) src(%arg11 : memref<128x64xf32, #tpu.memory_space<vmem>>) dst(%dma_wait3A_402 : memref<10048x64xf32, #tpu.memory_space<vmem_shared>>)
    %eq3A_403 = arith.constant 1 : i32
    %eq3A_404 = arith.cmpi eq, %arg0, %eq3A_403 : i32
    %convert_element_type3A_405 = arith.extui %eq3A_404 : i1 to i32
    %cond3A_406 = arith.constant 0 : i32
    %cond3A_407 = arith.cmpi ne, %convert_element_type3A_405, %cond3A_406 : i32
    scf.if %cond3A_407 {
      %dma_wait3A_619 = arith.constant 1 : i32
      %dma_wait3A_620 = arith.constant 0 : i32
      %dma_wait3A_621 = tpu.memref_slice %arg15[%dma_wait3A_619, %dma_wait3A_620] : memref<2x128xi32, #tpu.memory_space<vmem>> -> memref<1x128xi32, #tpu.memory_space<vmem>>
      %dma_wait3A_622 = tpu.memref_squeeze %dma_wait3A_621 : memref<1x128xi32, #tpu.memory_space<vmem>> -> memref<128xi32, #tpu.memory_space<vmem>>
      %dma_wait3A_623 = arith.constant 0 : i32
      %dma_wait3A_624 = arith.constant 0 : i32
      %dma_wait3A_625 = tpu.memref_slice %arg39[%dma_wait3A_623, %dma_wait3A_624] : memref<10240x8xf32, #tpu.memory_space<vmem_shared>> -> memref<10240x8xf32, #tpu.memory_space<vmem_shared>>
      tpu.wait_indirect_dma semaphore(%arg43 : memref<!tpu.dma_semaphore, #tpu.memory_space<semaphore_mem>>) src(%arg38 : memref<128x8xf32, #tpu.memory_space<vmem>>) dst(%dma_wait3A_625 : memref<10240x8xf32, #tpu.memory_space<vmem_shared>>)
    } else {
    }
    %add3A_408 = arith.constant 176 : i32
    %add3A_409 = arith.addi %arg1, %add3A_408 : i32
    %dma_start3A_410 = arith.constant 0 : i32
    %dma_start3A_411 = arith.constant 0 : i32
    %dma_start3A_412 = tpu.memref_slice %arg3[%add3A_409, %dma_start3A_410, %dma_start3A_411] : memref<2560x2x128xi32, #tpu.memory_space<hbm>> -> memref<1x2x128xi32, #tpu.memory_space<hbm>>
    %dma_start3A_413 = tpu.memref_squeeze %dma_start3A_412 : memref<1x2x128xi32, #tpu.memory_space<hbm>> -> memref<2x128xi32, #tpu.memory_space<hbm>>
    %dma_start3A_414 = arith.constant 0 : i32
    %dma_start3A_415 = arith.constant 0 : i32
    %dma_start3A_416 = tpu.memref_slice %arg3[%add3A_409, %dma_start3A_414, %dma_start3A_415] : memref<2560x2x128xi32, #tpu.memory_space<hbm>> -> memref<1x2x128xi32, #tpu.memory_space<hbm>>
    %dma_start3A_417 = tpu.memref_squeeze %dma_start3A_416 : memref<1x2x128xi32, #tpu.memory_space<hbm>> -> memref<2x128xi32, #tpu.memory_space<hbm>>
    tpu.enqueue_dma source(%dma_start3A_417 : memref<2x128xi32, #tpu.memory_space<hbm>>) target(%arg15 : memref<2x128xi32, #tpu.memory_space<vmem>>) target_semaphore(%arg33 : memref<!tpu.dma_semaphore, #tpu.memory_space<semaphore_mem>>)
    %add3A_418 = arith.constant 112 : i32
    %add3A_419 = arith.addi %arg1, %add3A_418 : i32
    %dma_wait3A_420 = arith.constant 0 : i32
    %dma_wait3A_421 = arith.constant 0 : i32
    %dma_wait3A_422 = tpu.memref_slice %arg3[%add3A_419, %dma_wait3A_420, %dma_wait3A_421] : memref<2560x2x128xi32, #tpu.memory_space<hbm>> -> memref<1x2x128xi32, #tpu.memory_space<hbm>>
    %dma_wait3A_423 = tpu.memref_squeeze %dma_wait3A_422 : memref<1x2x128xi32, #tpu.memory_space<hbm>> -> memref<2x128xi32, #tpu.memory_space<hbm>>
    %dma_wait3A_424 = arith.constant 0 : i32
    %dma_wait3A_425 = arith.constant 0 : i32
    %dma_wait3A_426 = tpu.memref_slice %arg3[%add3A_419, %dma_wait3A_424, %dma_wait3A_425] : memref<2560x2x128xi32, #tpu.memory_space<hbm>> -> memref<1x2x128xi32, #tpu.memory_space<hbm>>
    %dma_wait3A_427 = tpu.memref_squeeze %dma_wait3A_426 : memref<1x2x128xi32, #tpu.memory_space<hbm>> -> memref<2x128xi32, #tpu.memory_space<hbm>>
    tpu.wait_dma2 semaphore(%arg37 : memref<!tpu.dma_semaphore, #tpu.memory_space<semaphore_mem>>) src(%dma_wait3A_427 : memref<2x128xi32, #tpu.memory_space<hbm>>) dst(%arg19 : memref<2x128xi32, #tpu.memory_space<vmem>>)
    %dma_start3A_428 = arith.constant 0 : i32
    %dma_start3A_429 = arith.constant 0 : i32
    %dma_start3A_430 = tpu.memref_slice %arg19[%dma_start3A_428, %dma_start3A_429] : memref<2x128xi32, #tpu.memory_space<vmem>> -> memref<1x128xi32, #tpu.memory_space<vmem>>
    %dma_start3A_431 = tpu.memref_squeeze %dma_start3A_430 : memref<1x128xi32, #tpu.memory_space<vmem>> -> memref<128xi32, #tpu.memory_space<vmem>>
    %dma_start3A_432 = arith.constant 0 : i32
    %dma_start3A_433 = arith.constant 0 : i32
    %dma_start3A_434 = tpu.memref_slice %arg20[%dma_start3A_432, %dma_start3A_433] : memref<10000x64xf32, #tpu.memory_space<vmem_shared>> -> memref<10000x64xf32, #tpu.memory_space<vmem_shared>>
    tpu.enqueue_indirect_dma source(%dma_start3A_434 : memref<10000x64xf32, #tpu.memory_space<vmem_shared>>) target(%arg11 : memref<128x64xf32, #tpu.memory_space<vmem>>) offsets(%dma_start3A_431 : memref<128xi32, #tpu.memory_space<vmem>>) semaphore(%arg25 : memref<!tpu.dma_semaphore, #tpu.memory_space<semaphore_mem>>)
    %dma_wait3A_435 = arith.constant 0 : i32
    %dma_wait3A_436 = arith.constant 0 : i32
    %dma_wait3A_437 = tpu.memref_slice %arg18[%dma_wait3A_435, %dma_wait3A_436] : memref<2x128xi32, #tpu.memory_space<vmem>> -> memref<1x128xi32, #tpu.memory_space<vmem>>
    %dma_wait3A_438 = tpu.memref_squeeze %dma_wait3A_437 : memref<1x128xi32, #tpu.memory_space<vmem>> -> memref<128xi32, #tpu.memory_space<vmem>>
    %dma_wait3A_439 = arith.constant 0 : i32
    %dma_wait3A_440 = arith.constant 0 : i32
    %dma_wait3A_441 = tpu.memref_slice %arg20[%dma_wait3A_439, %dma_wait3A_440] : memref<10000x64xf32, #tpu.memory_space<vmem_shared>> -> memref<10000x64xf32, #tpu.memory_space<vmem_shared>>
    tpu.wait_indirect_dma semaphore(%arg24 : memref<!tpu.dma_semaphore, #tpu.memory_space<semaphore_mem>>) src(%dma_wait3A_441 : memref<10000x64xf32, #tpu.memory_space<vmem_shared>>) dst(%arg10 : memref<128x64xf32, #tpu.memory_space<vmem>>)
    %dma_start3A_442 = arith.constant 1 : i32
    %dma_start3A_443 = arith.constant 0 : i32
    %dma_start3A_444 = tpu.memref_slice %arg18[%dma_start3A_442, %dma_start3A_443] : memref<2x128xi32, #tpu.memory_space<vmem>> -> memref<1x128xi32, #tpu.memory_space<vmem>>
    %dma_start3A_445 = tpu.memref_squeeze %dma_start3A_444 : memref<1x128xi32, #tpu.memory_space<vmem>> -> memref<128xi32, #tpu.memory_space<vmem>>
    %dma_start3A_446 = arith.constant 0 : i32
    %dma_start3A_447 = arith.constant 0 : i32
    %dma_start3A_448 = tpu.memref_slice %arg21[%dma_start3A_446, %dma_start3A_447] : memref<10048x64xf32, #tpu.memory_space<vmem_shared>> -> memref<10048x64xf32, #tpu.memory_space<vmem_shared>>
    tpu.enqueue_indirect_dma source(%arg10 : memref<128x64xf32, #tpu.memory_space<vmem>>) target(%dma_start3A_448 : memref<10048x64xf32, #tpu.memory_space<vmem_shared>>) offsets(%dma_start3A_445 : memref<128xi32, #tpu.memory_space<vmem>>) semaphore(%arg28 : memref<!tpu.dma_semaphore, #tpu.memory_space<semaphore_mem>>) {add = true}
    %eq3A_449 = arith.constant 0 : i32
    %eq3A_450 = arith.cmpi eq, %arg0, %eq3A_449 : i32
    %convert_element_type3A_451 = arith.extui %eq3A_450 : i1 to i32
    %cond3A_452 = arith.constant 0 : i32
    %cond3A_453 = arith.cmpi ne, %convert_element_type3A_451, %cond3A_452 : i32
    scf.if %cond3A_453 {
      %dma_start3A_619 = arith.constant 1 : i32
      %dma_start3A_620 = arith.constant 0 : i32
      %dma_start3A_621 = tpu.memref_slice %arg18[%dma_start3A_619, %dma_start3A_620] : memref<2x128xi32, #tpu.memory_space<vmem>> -> memref<1x128xi32, #tpu.memory_space<vmem>>
      %dma_start3A_622 = tpu.memref_squeeze %dma_start3A_621 : memref<1x128xi32, #tpu.memory_space<vmem>> -> memref<128xi32, #tpu.memory_space<vmem>>
      %dma_start3A_623 = arith.constant 0 : i32
      %dma_start3A_624 = arith.constant 0 : i32
      %dma_start3A_625 = tpu.memref_slice %arg39[%dma_start3A_623, %dma_start3A_624] : memref<10240x8xf32, #tpu.memory_space<vmem_shared>> -> memref<10240x8xf32, #tpu.memory_space<vmem_shared>>
      tpu.enqueue_indirect_dma source(%arg38 : memref<128x8xf32, #tpu.memory_space<vmem>>) target(%dma_start3A_625 : memref<10240x8xf32, #tpu.memory_space<vmem_shared>>) offsets(%dma_start3A_622 : memref<128xi32, #tpu.memory_space<vmem>>) semaphore(%arg42 : memref<!tpu.dma_semaphore, #tpu.memory_space<semaphore_mem>>) {add = true}
    } else {
    }
    %dma_wait3A_454 = arith.constant 1 : i32
    %dma_wait3A_455 = arith.constant 0 : i32
    %dma_wait3A_456 = tpu.memref_slice %arg16[%dma_wait3A_454, %dma_wait3A_455] : memref<2x128xi32, #tpu.memory_space<vmem>> -> memref<1x128xi32, #tpu.memory_space<vmem>>
    %dma_wait3A_457 = tpu.memref_squeeze %dma_wait3A_456 : memref<1x128xi32, #tpu.memory_space<vmem>> -> memref<128xi32, #tpu.memory_space<vmem>>
    %dma_wait3A_458 = arith.constant 0 : i32
    %dma_wait3A_459 = arith.constant 0 : i32
    %dma_wait3A_460 = tpu.memref_slice %arg21[%dma_wait3A_458, %dma_wait3A_459] : memref<10048x64xf32, #tpu.memory_space<vmem_shared>> -> memref<10048x64xf32, #tpu.memory_space<vmem_shared>>
    tpu.wait_indirect_dma semaphore(%arg26 : memref<!tpu.dma_semaphore, #tpu.memory_space<semaphore_mem>>) src(%arg8 : memref<128x64xf32, #tpu.memory_space<vmem>>) dst(%dma_wait3A_460 : memref<10048x64xf32, #tpu.memory_space<vmem_shared>>)
    %eq3A_461 = arith.constant 0 : i32
    %eq3A_462 = arith.cmpi eq, %arg0, %eq3A_461 : i32
    %convert_element_type3A_463 = arith.extui %eq3A_462 : i1 to i32
    %cond3A_464 = arith.constant 0 : i32
    %cond3A_465 = arith.cmpi ne, %convert_element_type3A_463, %cond3A_464 : i32
    scf.if %cond3A_465 {
      %dma_wait3A_619 = arith.constant 1 : i32
      %dma_wait3A_620 = arith.constant 0 : i32
      %dma_wait3A_621 = tpu.memref_slice %arg16[%dma_wait3A_619, %dma_wait3A_620] : memref<2x128xi32, #tpu.memory_space<vmem>> -> memref<1x128xi32, #tpu.memory_space<vmem>>
      %dma_wait3A_622 = tpu.memref_squeeze %dma_wait3A_621 : memref<1x128xi32, #tpu.memory_space<vmem>> -> memref<128xi32, #tpu.memory_space<vmem>>
      %dma_wait3A_623 = arith.constant 0 : i32
      %dma_wait3A_624 = arith.constant 0 : i32
      %dma_wait3A_625 = tpu.memref_slice %arg39[%dma_wait3A_623, %dma_wait3A_624] : memref<10240x8xf32, #tpu.memory_space<vmem_shared>> -> memref<10240x8xf32, #tpu.memory_space<vmem_shared>>
      tpu.wait_indirect_dma semaphore(%arg40 : memref<!tpu.dma_semaphore, #tpu.memory_space<semaphore_mem>>) src(%arg38 : memref<128x8xf32, #tpu.memory_space<vmem>>) dst(%dma_wait3A_625 : memref<10240x8xf32, #tpu.memory_space<vmem_shared>>)
    } else {
    }
    %add3A_466 = arith.constant 192 : i32
    %add3A_467 = arith.addi %arg1, %add3A_466 : i32
    %dma_start3A_468 = arith.constant 0 : i32
    %dma_start3A_469 = arith.constant 0 : i32
    %dma_start3A_470 = tpu.memref_slice %arg3[%add3A_467, %dma_start3A_468, %dma_start3A_469] : memref<2560x2x128xi32, #tpu.memory_space<hbm>> -> memref<1x2x128xi32, #tpu.memory_space<hbm>>
    %dma_start3A_471 = tpu.memref_squeeze %dma_start3A_470 : memref<1x2x128xi32, #tpu.memory_space<hbm>> -> memref<2x128xi32, #tpu.memory_space<hbm>>
    %dma_start3A_472 = arith.constant 0 : i32
    %dma_start3A_473 = arith.constant 0 : i32
    %dma_start3A_474 = tpu.memref_slice %arg3[%add3A_467, %dma_start3A_472, %dma_start3A_473] : memref<2560x2x128xi32, #tpu.memory_space<hbm>> -> memref<1x2x128xi32, #tpu.memory_space<hbm>>
    %dma_start3A_475 = tpu.memref_squeeze %dma_start3A_474 : memref<1x2x128xi32, #tpu.memory_space<hbm>> -> memref<2x128xi32, #tpu.memory_space<hbm>>
    tpu.enqueue_dma source(%dma_start3A_475 : memref<2x128xi32, #tpu.memory_space<hbm>>) target(%arg16 : memref<2x128xi32, #tpu.memory_space<vmem>>) target_semaphore(%arg34 : memref<!tpu.dma_semaphore, #tpu.memory_space<semaphore_mem>>)
    %add3A_476 = arith.constant 128 : i32
    %add3A_477 = arith.addi %arg1, %add3A_476 : i32
    %dma_wait3A_478 = arith.constant 0 : i32
    %dma_wait3A_479 = arith.constant 0 : i32
    %dma_wait3A_480 = tpu.memref_slice %arg3[%add3A_477, %dma_wait3A_478, %dma_wait3A_479] : memref<2560x2x128xi32, #tpu.memory_space<hbm>> -> memref<1x2x128xi32, #tpu.memory_space<hbm>>
    %dma_wait3A_481 = tpu.memref_squeeze %dma_wait3A_480 : memref<1x2x128xi32, #tpu.memory_space<hbm>> -> memref<2x128xi32, #tpu.memory_space<hbm>>
    %dma_wait3A_482 = arith.constant 0 : i32
    %dma_wait3A_483 = arith.constant 0 : i32
    %dma_wait3A_484 = tpu.memref_slice %arg3[%add3A_477, %dma_wait3A_482, %dma_wait3A_483] : memref<2560x2x128xi32, #tpu.memory_space<hbm>> -> memref<1x2x128xi32, #tpu.memory_space<hbm>>
    %dma_wait3A_485 = tpu.memref_squeeze %dma_wait3A_484 : memref<1x2x128xi32, #tpu.memory_space<hbm>> -> memref<2x128xi32, #tpu.memory_space<hbm>>
    tpu.wait_dma2 semaphore(%arg30 : memref<!tpu.dma_semaphore, #tpu.memory_space<semaphore_mem>>) src(%dma_wait3A_485 : memref<2x128xi32, #tpu.memory_space<hbm>>) dst(%arg12 : memref<2x128xi32, #tpu.memory_space<vmem>>)
    %dma_start3A_486 = arith.constant 0 : i32
    %dma_start3A_487 = arith.constant 0 : i32
    %dma_start3A_488 = tpu.memref_slice %arg12[%dma_start3A_486, %dma_start3A_487] : memref<2x128xi32, #tpu.memory_space<vmem>> -> memref<1x128xi32, #tpu.memory_space<vmem>>
    %dma_start3A_489 = tpu.memref_squeeze %dma_start3A_488 : memref<1x128xi32, #tpu.memory_space<vmem>> -> memref<128xi32, #tpu.memory_space<vmem>>
    %dma_start3A_490 = arith.constant 0 : i32
    %dma_start3A_491 = arith.constant 0 : i32
    %dma_start3A_492 = tpu.memref_slice %arg20[%dma_start3A_490, %dma_start3A_491] : memref<10000x64xf32, #tpu.memory_space<vmem_shared>> -> memref<10000x64xf32, #tpu.memory_space<vmem_shared>>
    tpu.enqueue_indirect_dma source(%dma_start3A_492 : memref<10000x64xf32, #tpu.memory_space<vmem_shared>>) target(%arg8 : memref<128x64xf32, #tpu.memory_space<vmem>>) offsets(%dma_start3A_489 : memref<128xi32, #tpu.memory_space<vmem>>) semaphore(%arg22 : memref<!tpu.dma_semaphore, #tpu.memory_space<semaphore_mem>>)
    %dma_wait3A_493 = arith.constant 0 : i32
    %dma_wait3A_494 = arith.constant 0 : i32
    %dma_wait3A_495 = tpu.memref_slice %arg19[%dma_wait3A_493, %dma_wait3A_494] : memref<2x128xi32, #tpu.memory_space<vmem>> -> memref<1x128xi32, #tpu.memory_space<vmem>>
    %dma_wait3A_496 = tpu.memref_squeeze %dma_wait3A_495 : memref<1x128xi32, #tpu.memory_space<vmem>> -> memref<128xi32, #tpu.memory_space<vmem>>
    %dma_wait3A_497 = arith.constant 0 : i32
    %dma_wait3A_498 = arith.constant 0 : i32
    %dma_wait3A_499 = tpu.memref_slice %arg20[%dma_wait3A_497, %dma_wait3A_498] : memref<10000x64xf32, #tpu.memory_space<vmem_shared>> -> memref<10000x64xf32, #tpu.memory_space<vmem_shared>>
    tpu.wait_indirect_dma semaphore(%arg25 : memref<!tpu.dma_semaphore, #tpu.memory_space<semaphore_mem>>) src(%dma_wait3A_499 : memref<10000x64xf32, #tpu.memory_space<vmem_shared>>) dst(%arg11 : memref<128x64xf32, #tpu.memory_space<vmem>>)
    %dma_start3A_500 = arith.constant 1 : i32
    %dma_start3A_501 = arith.constant 0 : i32
    %dma_start3A_502 = tpu.memref_slice %arg19[%dma_start3A_500, %dma_start3A_501] : memref<2x128xi32, #tpu.memory_space<vmem>> -> memref<1x128xi32, #tpu.memory_space<vmem>>
    %dma_start3A_503 = tpu.memref_squeeze %dma_start3A_502 : memref<1x128xi32, #tpu.memory_space<vmem>> -> memref<128xi32, #tpu.memory_space<vmem>>
    %dma_start3A_504 = arith.constant 0 : i32
    %dma_start3A_505 = arith.constant 0 : i32
    %dma_start3A_506 = tpu.memref_slice %arg21[%dma_start3A_504, %dma_start3A_505] : memref<10048x64xf32, #tpu.memory_space<vmem_shared>> -> memref<10048x64xf32, #tpu.memory_space<vmem_shared>>
    tpu.enqueue_indirect_dma source(%arg11 : memref<128x64xf32, #tpu.memory_space<vmem>>) target(%dma_start3A_506 : memref<10048x64xf32, #tpu.memory_space<vmem_shared>>) offsets(%dma_start3A_503 : memref<128xi32, #tpu.memory_space<vmem>>) semaphore(%arg29 : memref<!tpu.dma_semaphore, #tpu.memory_space<semaphore_mem>>) {add = true}
    %eq3A_507 = arith.constant 1 : i32
    %eq3A_508 = arith.cmpi eq, %arg0, %eq3A_507 : i32
    %convert_element_type3A_509 = arith.extui %eq3A_508 : i1 to i32
    %cond3A_510 = arith.constant 0 : i32
    %cond3A_511 = arith.cmpi ne, %convert_element_type3A_509, %cond3A_510 : i32
    scf.if %cond3A_511 {
      %dma_start3A_619 = arith.constant 1 : i32
      %dma_start3A_620 = arith.constant 0 : i32
      %dma_start3A_621 = tpu.memref_slice %arg19[%dma_start3A_619, %dma_start3A_620] : memref<2x128xi32, #tpu.memory_space<vmem>> -> memref<1x128xi32, #tpu.memory_space<vmem>>
      %dma_start3A_622 = tpu.memref_squeeze %dma_start3A_621 : memref<1x128xi32, #tpu.memory_space<vmem>> -> memref<128xi32, #tpu.memory_space<vmem>>
      %dma_start3A_623 = arith.constant 0 : i32
      %dma_start3A_624 = arith.constant 0 : i32
      %dma_start3A_625 = tpu.memref_slice %arg39[%dma_start3A_623, %dma_start3A_624] : memref<10240x8xf32, #tpu.memory_space<vmem_shared>> -> memref<10240x8xf32, #tpu.memory_space<vmem_shared>>
      tpu.enqueue_indirect_dma source(%arg38 : memref<128x8xf32, #tpu.memory_space<vmem>>) target(%dma_start3A_625 : memref<10240x8xf32, #tpu.memory_space<vmem_shared>>) offsets(%dma_start3A_622 : memref<128xi32, #tpu.memory_space<vmem>>) semaphore(%arg43 : memref<!tpu.dma_semaphore, #tpu.memory_space<semaphore_mem>>) {add = true}
    } else {
    }
    %dma_wait3A_512 = arith.constant 1 : i32
    %dma_wait3A_513 = arith.constant 0 : i32
    %dma_wait3A_514 = tpu.memref_slice %arg17[%dma_wait3A_512, %dma_wait3A_513] : memref<2x128xi32, #tpu.memory_space<vmem>> -> memref<1x128xi32, #tpu.memory_space<vmem>>
    %dma_wait3A_515 = tpu.memref_squeeze %dma_wait3A_514 : memref<1x128xi32, #tpu.memory_space<vmem>> -> memref<128xi32, #tpu.memory_space<vmem>>
    %dma_wait3A_516 = arith.constant 0 : i32
    %dma_wait3A_517 = arith.constant 0 : i32
    %dma_wait3A_518 = tpu.memref_slice %arg21[%dma_wait3A_516, %dma_wait3A_517] : memref<10048x64xf32, #tpu.memory_space<vmem_shared>> -> memref<10048x64xf32, #tpu.memory_space<vmem_shared>>
    tpu.wait_indirect_dma semaphore(%arg27 : memref<!tpu.dma_semaphore, #tpu.memory_space<semaphore_mem>>) src(%arg9 : memref<128x64xf32, #tpu.memory_space<vmem>>) dst(%dma_wait3A_518 : memref<10048x64xf32, #tpu.memory_space<vmem_shared>>)
    %eq3A_519 = arith.constant 1 : i32
    %eq3A_520 = arith.cmpi eq, %arg0, %eq3A_519 : i32
    %convert_element_type3A_521 = arith.extui %eq3A_520 : i1 to i32
    %cond3A_522 = arith.constant 0 : i32
    %cond3A_523 = arith.cmpi ne, %convert_element_type3A_521, %cond3A_522 : i32
    scf.if %cond3A_523 {
      %dma_wait3A_619 = arith.constant 1 : i32
      %dma_wait3A_620 = arith.constant 0 : i32
      %dma_wait3A_621 = tpu.memref_slice %arg17[%dma_wait3A_619, %dma_wait3A_620] : memref<2x128xi32, #tpu.memory_space<vmem>> -> memref<1x128xi32, #tpu.memory_space<vmem>>
      %dma_wait3A_622 = tpu.memref_squeeze %dma_wait3A_621 : memref<1x128xi32, #tpu.memory_space<vmem>> -> memref<128xi32, #tpu.memory_space<vmem>>
      %dma_wait3A_623 = arith.constant 0 : i32
      %dma_wait3A_624 = arith.constant 0 : i32
      %dma_wait3A_625 = tpu.memref_slice %arg39[%dma_wait3A_623, %dma_wait3A_624] : memref<10240x8xf32, #tpu.memory_space<vmem_shared>> -> memref<10240x8xf32, #tpu.memory_space<vmem_shared>>
      tpu.wait_indirect_dma semaphore(%arg41 : memref<!tpu.dma_semaphore, #tpu.memory_space<semaphore_mem>>) src(%arg38 : memref<128x8xf32, #tpu.memory_space<vmem>>) dst(%dma_wait3A_625 : memref<10240x8xf32, #tpu.memory_space<vmem_shared>>)
    } else {
    }
    %add3A_524 = arith.constant 208 : i32
    %add3A_525 = arith.addi %arg1, %add3A_524 : i32
    %dma_start3A_526 = arith.constant 0 : i32
    %dma_start3A_527 = arith.constant 0 : i32
    %dma_start3A_528 = tpu.memref_slice %arg3[%add3A_525, %dma_start3A_526, %dma_start3A_527] : memref<2560x2x128xi32, #tpu.memory_space<hbm>> -> memref<1x2x128xi32, #tpu.memory_space<hbm>>
    %dma_start3A_529 = tpu.memref_squeeze %dma_start3A_528 : memref<1x2x128xi32, #tpu.memory_space<hbm>> -> memref<2x128xi32, #tpu.memory_space<hbm>>
    %dma_start3A_530 = arith.constant 0 : i32
    %dma_start3A_531 = arith.constant 0 : i32
    %dma_start3A_532 = tpu.memref_slice %arg3[%add3A_525, %dma_start3A_530, %dma_start3A_531] : memref<2560x2x128xi32, #tpu.memory_space<hbm>> -> memref<1x2x128xi32, #tpu.memory_space<hbm>>
    %dma_start3A_533 = tpu.memref_squeeze %dma_start3A_532 : memref<1x2x128xi32, #tpu.memory_space<hbm>> -> memref<2x128xi32, #tpu.memory_space<hbm>>
    tpu.enqueue_dma source(%dma_start3A_533 : memref<2x128xi32, #tpu.memory_space<hbm>>) target(%arg17 : memref<2x128xi32, #tpu.memory_space<vmem>>) target_semaphore(%arg35 : memref<!tpu.dma_semaphore, #tpu.memory_space<semaphore_mem>>)
    %add3A_534 = arith.constant 144 : i32
    %add3A_535 = arith.addi %arg1, %add3A_534 : i32
    %dma_wait3A_536 = arith.constant 0 : i32
    %dma_wait3A_537 = arith.constant 0 : i32
    %dma_wait3A_538 = tpu.memref_slice %arg3[%add3A_535, %dma_wait3A_536, %dma_wait3A_537] : memref<2560x2x128xi32, #tpu.memory_space<hbm>> -> memref<1x2x128xi32, #tpu.memory_space<hbm>>
    %dma_wait3A_539 = tpu.memref_squeeze %dma_wait3A_538 : memref<1x2x128xi32, #tpu.memory_space<hbm>> -> memref<2x128xi32, #tpu.memory_space<hbm>>
    %dma_wait3A_540 = arith.constant 0 : i32
    %dma_wait3A_541 = arith.constant 0 : i32
    %dma_wait3A_542 = tpu.memref_slice %arg3[%add3A_535, %dma_wait3A_540, %dma_wait3A_541] : memref<2560x2x128xi32, #tpu.memory_space<hbm>> -> memref<1x2x128xi32, #tpu.memory_space<hbm>>
    %dma_wait3A_543 = tpu.memref_squeeze %dma_wait3A_542 : memref<1x2x128xi32, #tpu.memory_space<hbm>> -> memref<2x128xi32, #tpu.memory_space<hbm>>
    tpu.wait_dma2 semaphore(%arg31 : memref<!tpu.dma_semaphore, #tpu.memory_space<semaphore_mem>>) src(%dma_wait3A_543 : memref<2x128xi32, #tpu.memory_space<hbm>>) dst(%arg13 : memref<2x128xi32, #tpu.memory_space<vmem>>)
    %dma_start3A_544 = arith.constant 0 : i32
    %dma_start3A_545 = arith.constant 0 : i32
    %dma_start3A_546 = tpu.memref_slice %arg13[%dma_start3A_544, %dma_start3A_545] : memref<2x128xi32, #tpu.memory_space<vmem>> -> memref<1x128xi32, #tpu.memory_space<vmem>>
    %dma_start3A_547 = tpu.memref_squeeze %dma_start3A_546 : memref<1x128xi32, #tpu.memory_space<vmem>> -> memref<128xi32, #tpu.memory_space<vmem>>
    %dma_start3A_548 = arith.constant 0 : i32
    %dma_start3A_549 = arith.constant 0 : i32
    %dma_start3A_550 = tpu.memref_slice %arg20[%dma_start3A_548, %dma_start3A_549] : memref<10000x64xf32, #tpu.memory_space<vmem_shared>> -> memref<10000x64xf32, #tpu.memory_space<vmem_shared>>
    tpu.enqueue_indirect_dma source(%dma_start3A_550 : memref<10000x64xf32, #tpu.memory_space<vmem_shared>>) target(%arg9 : memref<128x64xf32, #tpu.memory_space<vmem>>) offsets(%dma_start3A_547 : memref<128xi32, #tpu.memory_space<vmem>>) semaphore(%arg23 : memref<!tpu.dma_semaphore, #tpu.memory_space<semaphore_mem>>)
    %scan3A_551 = arith.constant 0 : i32
    %scan3A_552 = arith.constant 1 : i32
    %scan3A_553 = arith.constant 19 : i32
    %scan3A_554 = arith.addi %scan3A_552, %scan3A_553 : i32
    %scan3A_555 = arith.constant 1 : i32
    %scan3A_556 = scf.for %scan3A_619 = %scan3A_552 to %scan3A_554 step %scan3A_555 iter_args(%scan3A_620 = %scan3A_551) -> (i32)  : i32 {
      %mul3A_621 = arith.constant 8 : i32
      %mul3A_622 = arith.muli %scan3A_619, %mul3A_621 : i32
      %add3A_623 = arith.constant 0 : i32
      %add3A_624 = arith.addi %mul3A_622, %add3A_623 : i32
      %dma_wait3A_625 = arith.constant 0 : i32
      %dma_wait3A_626 = arith.constant 0 : i32
      %dma_wait3A_627 = tpu.memref_slice %arg12[%dma_wait3A_625, %dma_wait3A_626] : memref<2x128xi32, #tpu.memory_space<vmem>> -> memref<1x128xi32, #tpu.memory_space<vmem>>
      %dma_wait3A_628 = tpu.memref_squeeze %dma_wait3A_627 : memref<1x128xi32, #tpu.memory_space<vmem>> -> memref<128xi32, #tpu.memory_space<vmem>>
      %dma_wait3A_629 = arith.constant 0 : i32
      %dma_wait3A_630 = arith.constant 0 : i32
      %dma_wait3A_631 = tpu.memref_slice %arg20[%dma_wait3A_629, %dma_wait3A_630] : memref<10000x64xf32, #tpu.memory_space<vmem_shared>> -> memref<10000x64xf32, #tpu.memory_space<vmem_shared>>
      tpu.wait_indirect_dma semaphore(%arg22 : memref<!tpu.dma_semaphore, #tpu.memory_space<semaphore_mem>>) src(%dma_wait3A_631 : memref<10000x64xf32, #tpu.memory_space<vmem_shared>>) dst(%arg8 : memref<128x64xf32, #tpu.memory_space<vmem>>)
      %dma_start3A_632 = arith.constant 1 : i32
      %dma_start3A_633 = arith.constant 0 : i32
      %dma_start3A_634 = tpu.memref_slice %arg12[%dma_start3A_632, %dma_start3A_633] : memref<2x128xi32, #tpu.memory_space<vmem>> -> memref<1x128xi32, #tpu.memory_space<vmem>>
      %dma_start3A_635 = tpu.memref_squeeze %dma_start3A_634 : memref<1x128xi32, #tpu.memory_space<vmem>> -> memref<128xi32, #tpu.memory_space<vmem>>
      %dma_start3A_636 = arith.constant 0 : i32
      %dma_start3A_637 = arith.constant 0 : i32
      %dma_start3A_638 = tpu.memref_slice %arg21[%dma_start3A_636, %dma_start3A_637] : memref<10048x64xf32, #tpu.memory_space<vmem_shared>> -> memref<10048x64xf32, #tpu.memory_space<vmem_shared>>
      tpu.enqueue_indirect_dma source(%arg8 : memref<128x64xf32, #tpu.memory_space<vmem>>) target(%dma_start3A_638 : memref<10048x64xf32, #tpu.memory_space<vmem_shared>>) offsets(%dma_start3A_635 : memref<128xi32, #tpu.memory_space<vmem>>) semaphore(%arg26 : memref<!tpu.dma_semaphore, #tpu.memory_space<semaphore_mem>>) {add = true}
      %eq3A_639 = arith.constant 0 : i32
      %eq3A_640 = arith.cmpi eq, %arg0, %eq3A_639 : i32
      %convert_element_type3A_641 = arith.extui %eq3A_640 : i1 to i32
      %cond3A_642 = arith.constant 0 : i32
      %cond3A_643 = arith.cmpi ne, %convert_element_type3A_641, %cond3A_642 : i32
      scf.if %cond3A_643 {
        %dma_start3A_862 = arith.constant 1 : i32
        %dma_start3A_863 = arith.constant 0 : i32
        %dma_start3A_864 = tpu.memref_slice %arg12[%dma_start3A_862, %dma_start3A_863] : memref<2x128xi32, #tpu.memory_space<vmem>> -> memref<1x128xi32, #tpu.memory_space<vmem>>
        %dma_start3A_865 = tpu.memref_squeeze %dma_start3A_864 : memref<1x128xi32, #tpu.memory_space<vmem>> -> memref<128xi32, #tpu.memory_space<vmem>>
        %dma_start3A_866 = arith.constant 0 : i32
        %dma_start3A_867 = arith.constant 0 : i32
        %dma_start3A_868 = tpu.memref_slice %arg39[%dma_start3A_866, %dma_start3A_867] : memref<10240x8xf32, #tpu.memory_space<vmem_shared>> -> memref<10240x8xf32, #tpu.memory_space<vmem_shared>>
        tpu.enqueue_indirect_dma source(%arg38 : memref<128x8xf32, #tpu.memory_space<vmem>>) target(%dma_start3A_868 : memref<10240x8xf32, #tpu.memory_space<vmem_shared>>) offsets(%dma_start3A_865 : memref<128xi32, #tpu.memory_space<vmem>>) semaphore(%arg40 : memref<!tpu.dma_semaphore, #tpu.memory_space<semaphore_mem>>) {add = true}
      } else {
      }
      %add3A_644 = arith.constant 2 : i32
      %add3A_645 = arith.addi %add3A_624, %add3A_644 : i32
      %lt3A_646 = arith.constant 160 : i32
      %lt3A_647 = arith.cmpi slt, %add3A_645, %lt3A_646 : i32
      %convert_element_type3A_648 = arith.extui %lt3A_647 : i1 to i32
      %cond3A_649 = arith.constant 0 : i32
      %cond3A_650 = arith.cmpi ne, %convert_element_type3A_648, %cond3A_649 : i32
      scf.if %cond3A_650 {
        %dma_wait3A_862 = arith.constant 1 : i32
        %dma_wait3A_863 = arith.constant 0 : i32
        %dma_wait3A_864 = tpu.memref_slice %arg18[%dma_wait3A_862, %dma_wait3A_863] : memref<2x128xi32, #tpu.memory_space<vmem>> -> memref<1x128xi32, #tpu.memory_space<vmem>>
        %dma_wait3A_865 = tpu.memref_squeeze %dma_wait3A_864 : memref<1x128xi32, #tpu.memory_space<vmem>> -> memref<128xi32, #tpu.memory_space<vmem>>
        %dma_wait3A_866 = arith.constant 0 : i32
        %dma_wait3A_867 = arith.constant 0 : i32
        %dma_wait3A_868 = tpu.memref_slice %arg21[%dma_wait3A_866, %dma_wait3A_867] : memref<10048x64xf32, #tpu.memory_space<vmem_shared>> -> memref<10048x64xf32, #tpu.memory_space<vmem_shared>>
        tpu.wait_indirect_dma semaphore(%arg28 : memref<!tpu.dma_semaphore, #tpu.memory_space<semaphore_mem>>) src(%arg10 : memref<128x64xf32, #tpu.memory_space<vmem>>) dst(%dma_wait3A_868 : memref<10048x64xf32, #tpu.memory_space<vmem_shared>>)
        %eq3A_869 = arith.constant 0 : i32
        %eq3A_870 = arith.cmpi eq, %arg0, %eq3A_869 : i32
        %convert_element_type3A_871 = arith.extui %eq3A_870 : i1 to i32
        %cond3A_872 = arith.constant 0 : i32
        %cond3A_873 = arith.cmpi ne, %convert_element_type3A_871, %cond3A_872 : i32
        scf.if %cond3A_873 {
          %dma_wait3A_901 = arith.constant 1 : i32
          %dma_wait3A_902 = arith.constant 0 : i32
          %dma_wait3A_903 = tpu.memref_slice %arg18[%dma_wait3A_901, %dma_wait3A_902] : memref<2x128xi32, #tpu.memory_space<vmem>> -> memref<1x128xi32, #tpu.memory_space<vmem>>
          %dma_wait3A_904 = tpu.memref_squeeze %dma_wait3A_903 : memref<1x128xi32, #tpu.memory_space<vmem>> -> memref<128xi32, #tpu.memory_space<vmem>>
          %dma_wait3A_905 = arith.constant 0 : i32
          %dma_wait3A_906 = arith.constant 0 : i32
          %dma_wait3A_907 = tpu.memref_slice %arg39[%dma_wait3A_905, %dma_wait3A_906] : memref<10240x8xf32, #tpu.memory_space<vmem_shared>> -> memref<10240x8xf32, #tpu.memory_space<vmem_shared>>
          tpu.wait_indirect_dma semaphore(%arg42 : memref<!tpu.dma_semaphore, #tpu.memory_space<semaphore_mem>>) src(%arg38 : memref<128x8xf32, #tpu.memory_space<vmem>>) dst(%dma_wait3A_907 : memref<10240x8xf32, #tpu.memory_space<vmem_shared>>)
        } else {
        }
        %add3A_874 = arith.constant 6 : i32
        %add3A_875 = arith.addi %add3A_624, %add3A_874 : i32
        %lt3A_876 = arith.constant 160 : i32
        %lt3A_877 = arith.cmpi slt, %add3A_875, %lt3A_876 : i32
        %convert_element_type3A_878 = arith.extui %lt3A_877 : i1 to i32
        %cond3A_879 = arith.constant 0 : i32
        %cond3A_880 = arith.cmpi ne, %convert_element_type3A_878, %cond3A_879 : i32
        scf.if %cond3A_880 {
          %add3A_901 = arith.constant 6 : i32
          %add3A_902 = arith.addi %add3A_624, %add3A_901 : i32
          %mul3A_903 = arith.constant 16 : i32
          %mul3A_904 = arith.muli %add3A_902, %mul3A_903 : i32
          %add3A_905 = arith.addi %arg1, %mul3A_904 : i32
          %dma_start3A_906 = arith.constant 0 : i32
          %dma_start3A_907 = arith.constant 0 : i32
          %dma_start3A_908 = tpu.memref_slice %arg3[%add3A_905, %dma_start3A_906, %dma_start3A_907] : memref<2560x2x128xi32, #tpu.memory_space<hbm>> -> memref<1x2x128xi32, #tpu.memory_space<hbm>>
          %dma_start3A_909 = tpu.memref_squeeze %dma_start3A_908 : memref<1x2x128xi32, #tpu.memory_space<hbm>> -> memref<2x128xi32, #tpu.memory_space<hbm>>
          %dma_start3A_910 = arith.constant 0 : i32
          %dma_start3A_911 = arith.constant 0 : i32
          %dma_start3A_912 = tpu.memref_slice %arg3[%add3A_905, %dma_start3A_910, %dma_start3A_911] : memref<2560x2x128xi32, #tpu.memory_space<hbm>> -> memref<1x2x128xi32, #tpu.memory_space<hbm>>
          %dma_start3A_913 = tpu.memref_squeeze %dma_start3A_912 : memref<1x2x128xi32, #tpu.memory_space<hbm>> -> memref<2x128xi32, #tpu.memory_space<hbm>>
          tpu.enqueue_dma source(%dma_start3A_913 : memref<2x128xi32, #tpu.memory_space<hbm>>) target(%arg18 : memref<2x128xi32, #tpu.memory_space<vmem>>) target_semaphore(%arg36 : memref<!tpu.dma_semaphore, #tpu.memory_space<semaphore_mem>>)
        } else {
        }
        %add3A_881 = arith.constant 2 : i32
        %add3A_882 = arith.addi %add3A_624, %add3A_881 : i32
        %mul3A_883 = arith.constant 16 : i32
        %mul3A_884 = arith.muli %add3A_882, %mul3A_883 : i32
        %add3A_885 = arith.addi %arg1, %mul3A_884 : i32
        %dma_wait3A_886 = arith.constant 0 : i32
        %dma_wait3A_887 = arith.constant 0 : i32
        %dma_wait3A_888 = tpu.memref_slice %arg3[%add3A_885, %dma_wait3A_886, %dma_wait3A_887] : memref<2560x2x128xi32, #tpu.memory_space<hbm>> -> memref<1x2x128xi32, #tpu.memory_space<hbm>>
        %dma_wait3A_889 = tpu.memref_squeeze %dma_wait3A_888 : memref<1x2x128xi32, #tpu.memory_space<hbm>> -> memref<2x128xi32, #tpu.memory_space<hbm>>
        %dma_wait3A_890 = arith.constant 0 : i32
        %dma_wait3A_891 = arith.constant 0 : i32
        %dma_wait3A_892 = tpu.memref_slice %arg3[%add3A_885, %dma_wait3A_890, %dma_wait3A_891] : memref<2560x2x128xi32, #tpu.memory_space<hbm>> -> memref<1x2x128xi32, #tpu.memory_space<hbm>>
        %dma_wait3A_893 = tpu.memref_squeeze %dma_wait3A_892 : memref<1x2x128xi32, #tpu.memory_space<hbm>> -> memref<2x128xi32, #tpu.memory_space<hbm>>
        tpu.wait_dma2 semaphore(%arg32 : memref<!tpu.dma_semaphore, #tpu.memory_space<semaphore_mem>>) src(%dma_wait3A_893 : memref<2x128xi32, #tpu.memory_space<hbm>>) dst(%arg14 : memref<2x128xi32, #tpu.memory_space<vmem>>)
        %dma_start3A_894 = arith.constant 0 : i32
        %dma_start3A_895 = arith.constant 0 : i32
        %dma_start3A_896 = tpu.memref_slice %arg14[%dma_start3A_894, %dma_start3A_895] : memref<2x128xi32, #tpu.memory_space<vmem>> -> memref<1x128xi32, #tpu.memory_space<vmem>>
        %dma_start3A_897 = tpu.memref_squeeze %dma_start3A_896 : memref<1x128xi32, #tpu.memory_space<vmem>> -> memref<128xi32, #tpu.memory_space<vmem>>
        %dma_start3A_898 = arith.constant 0 : i32
        %dma_start3A_899 = arith.constant 0 : i32
        %dma_start3A_900 = tpu.memref_slice %arg20[%dma_start3A_898, %dma_start3A_899] : memref<10000x64xf32, #tpu.memory_space<vmem_shared>> -> memref<10000x64xf32, #tpu.memory_space<vmem_shared>>
        tpu.enqueue_indirect_dma source(%dma_start3A_900 : memref<10000x64xf32, #tpu.memory_space<vmem_shared>>) target(%arg10 : memref<128x64xf32, #tpu.memory_space<vmem>>) offsets(%dma_start3A_897 : memref<128xi32, #tpu.memory_space<vmem>>) semaphore(%arg24 : memref<!tpu.dma_semaphore, #tpu.memory_space<semaphore_mem>>)
      } else {
      }
      %mul3A_651 = arith.constant 8 : i32
      %mul3A_652 = arith.muli %scan3A_619, %mul3A_651 : i32
      %add3A_653 = arith.constant 1 : i32
      %add3A_654 = arith.addi %mul3A_652, %add3A_653 : i32
      %dma_wait3A_655 = arith.constant 0 : i32
      %dma_wait3A_656 = arith.constant 0 : i32
      %dma_wait3A_657 = tpu.memref_slice %arg13[%dma_wait3A_655, %dma_wait3A_656] : memref<2x128xi32, #tpu.memory_space<vmem>> -> memref<1x128xi32, #tpu.memory_space<vmem>>
      %dma_wait3A_658 = tpu.memref_squeeze %dma_wait3A_657 : memref<1x128xi32, #tpu.memory_space<vmem>> -> memref<128xi32, #tpu.memory_space<vmem>>
      %dma_wait3A_659 = arith.constant 0 : i32
      %dma_wait3A_660 = arith.constant 0 : i32
      %dma_wait3A_661 = tpu.memref_slice %arg20[%dma_wait3A_659, %dma_wait3A_660] : memref<10000x64xf32, #tpu.memory_space<vmem_shared>> -> memref<10000x64xf32, #tpu.memory_space<vmem_shared>>
      tpu.wait_indirect_dma semaphore(%arg23 : memref<!tpu.dma_semaphore, #tpu.memory_space<semaphore_mem>>) src(%dma_wait3A_661 : memref<10000x64xf32, #tpu.memory_space<vmem_shared>>) dst(%arg9 : memref<128x64xf32, #tpu.memory_space<vmem>>)
      %dma_start3A_662 = arith.constant 1 : i32
      %dma_start3A_663 = arith.constant 0 : i32
      %dma_start3A_664 = tpu.memref_slice %arg13[%dma_start3A_662, %dma_start3A_663] : memref<2x128xi32, #tpu.memory_space<vmem>> -> memref<1x128xi32, #tpu.memory_space<vmem>>
      %dma_start3A_665 = tpu.memref_squeeze %dma_start3A_664 : memref<1x128xi32, #tpu.memory_space<vmem>> -> memref<128xi32, #tpu.memory_space<vmem>>
      %dma_start3A_666 = arith.constant 0 : i32
      %dma_start3A_667 = arith.constant 0 : i32
      %dma_start3A_668 = tpu.memref_slice %arg21[%dma_start3A_666, %dma_start3A_667] : memref<10048x64xf32, #tpu.memory_space<vmem_shared>> -> memref<10048x64xf32, #tpu.memory_space<vmem_shared>>
      tpu.enqueue_indirect_dma source(%arg9 : memref<128x64xf32, #tpu.memory_space<vmem>>) target(%dma_start3A_668 : memref<10048x64xf32, #tpu.memory_space<vmem_shared>>) offsets(%dma_start3A_665 : memref<128xi32, #tpu.memory_space<vmem>>) semaphore(%arg27 : memref<!tpu.dma_semaphore, #tpu.memory_space<semaphore_mem>>) {add = true}
      %eq3A_669 = arith.constant 1 : i32
      %eq3A_670 = arith.cmpi eq, %arg0, %eq3A_669 : i32
      %convert_element_type3A_671 = arith.extui %eq3A_670 : i1 to i32
      %cond3A_672 = arith.constant 0 : i32
      %cond3A_673 = arith.cmpi ne, %convert_element_type3A_671, %cond3A_672 : i32
      scf.if %cond3A_673 {
        %dma_start3A_862 = arith.constant 1 : i32
        %dma_start3A_863 = arith.constant 0 : i32
        %dma_start3A_864 = tpu.memref_slice %arg13[%dma_start3A_862, %dma_start3A_863] : memref<2x128xi32, #tpu.memory_space<vmem>> -> memref<1x128xi32, #tpu.memory_space<vmem>>
        %dma_start3A_865 = tpu.memref_squeeze %dma_start3A_864 : memref<1x128xi32, #tpu.memory_space<vmem>> -> memref<128xi32, #tpu.memory_space<vmem>>
        %dma_start3A_866 = arith.constant 0 : i32
        %dma_start3A_867 = arith.constant 0 : i32
        %dma_start3A_868 = tpu.memref_slice %arg39[%dma_start3A_866, %dma_start3A_867] : memref<10240x8xf32, #tpu.memory_space<vmem_shared>> -> memref<10240x8xf32, #tpu.memory_space<vmem_shared>>
        tpu.enqueue_indirect_dma source(%arg38 : memref<128x8xf32, #tpu.memory_space<vmem>>) target(%dma_start3A_868 : memref<10240x8xf32, #tpu.memory_space<vmem_shared>>) offsets(%dma_start3A_865 : memref<128xi32, #tpu.memory_space<vmem>>) semaphore(%arg41 : memref<!tpu.dma_semaphore, #tpu.memory_space<semaphore_mem>>) {add = true}
      } else {
      }
      %add3A_674 = arith.constant 2 : i32
      %add3A_675 = arith.addi %add3A_654, %add3A_674 : i32
      %lt3A_676 = arith.constant 160 : i32
      %lt3A_677 = arith.cmpi slt, %add3A_675, %lt3A_676 : i32
      %convert_element_type3A_678 = arith.extui %lt3A_677 : i1 to i32
      %cond3A_679 = arith.constant 0 : i32
      %cond3A_680 = arith.cmpi ne, %convert_element_type3A_678, %cond3A_679 : i32
      scf.if %cond3A_680 {
        %dma_wait3A_862 = arith.constant 1 : i32
        %dma_wait3A_863 = arith.constant 0 : i32
        %dma_wait3A_864 = tpu.memref_slice %arg19[%dma_wait3A_862, %dma_wait3A_863] : memref<2x128xi32, #tpu.memory_space<vmem>> -> memref<1x128xi32, #tpu.memory_space<vmem>>
        %dma_wait3A_865 = tpu.memref_squeeze %dma_wait3A_864 : memref<1x128xi32, #tpu.memory_space<vmem>> -> memref<128xi32, #tpu.memory_space<vmem>>
        %dma_wait3A_866 = arith.constant 0 : i32
        %dma_wait3A_867 = arith.constant 0 : i32
        %dma_wait3A_868 = tpu.memref_slice %arg21[%dma_wait3A_866, %dma_wait3A_867] : memref<10048x64xf32, #tpu.memory_space<vmem_shared>> -> memref<10048x64xf32, #tpu.memory_space<vmem_shared>>
        tpu.wait_indirect_dma semaphore(%arg29 : memref<!tpu.dma_semaphore, #tpu.memory_space<semaphore_mem>>) src(%arg11 : memref<128x64xf32, #tpu.memory_space<vmem>>) dst(%dma_wait3A_868 : memref<10048x64xf32, #tpu.memory_space<vmem_shared>>)
        %eq3A_869 = arith.constant 1 : i32
        %eq3A_870 = arith.cmpi eq, %arg0, %eq3A_869 : i32
        %convert_element_type3A_871 = arith.extui %eq3A_870 : i1 to i32
        %cond3A_872 = arith.constant 0 : i32
        %cond3A_873 = arith.cmpi ne, %convert_element_type3A_871, %cond3A_872 : i32
        scf.if %cond3A_873 {
          %dma_wait3A_901 = arith.constant 1 : i32
          %dma_wait3A_902 = arith.constant 0 : i32
          %dma_wait3A_903 = tpu.memref_slice %arg19[%dma_wait3A_901, %dma_wait3A_902] : memref<2x128xi32, #tpu.memory_space<vmem>> -> memref<1x128xi32, #tpu.memory_space<vmem>>
          %dma_wait3A_904 = tpu.memref_squeeze %dma_wait3A_903 : memref<1x128xi32, #tpu.memory_space<vmem>> -> memref<128xi32, #tpu.memory_space<vmem>>
          %dma_wait3A_905 = arith.constant 0 : i32
          %dma_wait3A_906 = arith.constant 0 : i32
          %dma_wait3A_907 = tpu.memref_slice %arg39[%dma_wait3A_905, %dma_wait3A_906] : memref<10240x8xf32, #tpu.memory_space<vmem_shared>> -> memref<10240x8xf32, #tpu.memory_space<vmem_shared>>
          tpu.wait_indirect_dma semaphore(%arg43 : memref<!tpu.dma_semaphore, #tpu.memory_space<semaphore_mem>>) src(%arg38 : memref<128x8xf32, #tpu.memory_space<vmem>>) dst(%dma_wait3A_907 : memref<10240x8xf32, #tpu.memory_space<vmem_shared>>)
        } else {
        }
        %add3A_874 = arith.constant 6 : i32
        %add3A_875 = arith.addi %add3A_654, %add3A_874 : i32
        %lt3A_876 = arith.constant 160 : i32
        %lt3A_877 = arith.cmpi slt, %add3A_875, %lt3A_876 : i32
        %convert_element_type3A_878 = arith.extui %lt3A_877 : i1 to i32
        %cond3A_879 = arith.constant 0 : i32
        %cond3A_880 = arith.cmpi ne, %convert_element_type3A_878, %cond3A_879 : i32
        scf.if %cond3A_880 {
          %add3A_901 = arith.constant 6 : i32
          %add3A_902 = arith.addi %add3A_654, %add3A_901 : i32
          %mul3A_903 = arith.constant 16 : i32
          %mul3A_904 = arith.muli %add3A_902, %mul3A_903 : i32
          %add3A_905 = arith.addi %arg1, %mul3A_904 : i32
          %dma_start3A_906 = arith.constant 0 : i32
          %dma_start3A_907 = arith.constant 0 : i32
          %dma_start3A_908 = tpu.memref_slice %arg3[%add3A_905, %dma_start3A_906, %dma_start3A_907] : memref<2560x2x128xi32, #tpu.memory_space<hbm>> -> memref<1x2x128xi32, #tpu.memory_space<hbm>>
          %dma_start3A_909 = tpu.memref_squeeze %dma_start3A_908 : memref<1x2x128xi32, #tpu.memory_space<hbm>> -> memref<2x128xi32, #tpu.memory_space<hbm>>
          %dma_start3A_910 = arith.constant 0 : i32
          %dma_start3A_911 = arith.constant 0 : i32
          %dma_start3A_912 = tpu.memref_slice %arg3[%add3A_905, %dma_start3A_910, %dma_start3A_911] : memref<2560x2x128xi32, #tpu.memory_space<hbm>> -> memref<1x2x128xi32, #tpu.memory_space<hbm>>
          %dma_start3A_913 = tpu.memref_squeeze %dma_start3A_912 : memref<1x2x128xi32, #tpu.memory_space<hbm>> -> memref<2x128xi32, #tpu.memory_space<hbm>>
          tpu.enqueue_dma source(%dma_start3A_913 : memref<2x128xi32, #tpu.memory_space<hbm>>) target(%arg19 : memref<2x128xi32, #tpu.memory_space<vmem>>) target_semaphore(%arg37 : memref<!tpu.dma_semaphore, #tpu.memory_space<semaphore_mem>>)
        } else {
        }
        %add3A_881 = arith.constant 2 : i32
        %add3A_882 = arith.addi %add3A_654, %add3A_881 : i32
        %mul3A_883 = arith.constant 16 : i32
        %mul3A_884 = arith.muli %add3A_882, %mul3A_883 : i32
        %add3A_885 = arith.addi %arg1, %mul3A_884 : i32
        %dma_wait3A_886 = arith.constant 0 : i32
        %dma_wait3A_887 = arith.constant 0 : i32
        %dma_wait3A_888 = tpu.memref_slice %arg3[%add3A_885, %dma_wait3A_886, %dma_wait3A_887] : memref<2560x2x128xi32, #tpu.memory_space<hbm>> -> memref<1x2x128xi32, #tpu.memory_space<hbm>>
        %dma_wait3A_889 = tpu.memref_squeeze %dma_wait3A_888 : memref<1x2x128xi32, #tpu.memory_space<hbm>> -> memref<2x128xi32, #tpu.memory_space<hbm>>
        %dma_wait3A_890 = arith.constant 0 : i32
        %dma_wait3A_891 = arith.constant 0 : i32
        %dma_wait3A_892 = tpu.memref_slice %arg3[%add3A_885, %dma_wait3A_890, %dma_wait3A_891] : memref<2560x2x128xi32, #tpu.memory_space<hbm>> -> memref<1x2x128xi32, #tpu.memory_space<hbm>>
        %dma_wait3A_893 = tpu.memref_squeeze %dma_wait3A_892 : memref<1x2x128xi32, #tpu.memory_space<hbm>> -> memref<2x128xi32, #tpu.memory_space<hbm>>
        tpu.wait_dma2 semaphore(%arg33 : memref<!tpu.dma_semaphore, #tpu.memory_space<semaphore_mem>>) src(%dma_wait3A_893 : memref<2x128xi32, #tpu.memory_space<hbm>>) dst(%arg15 : memref<2x128xi32, #tpu.memory_space<vmem>>)
        %dma_start3A_894 = arith.constant 0 : i32
        %dma_start3A_895 = arith.constant 0 : i32
        %dma_start3A_896 = tpu.memref_slice %arg15[%dma_start3A_894, %dma_start3A_895] : memref<2x128xi32, #tpu.memory_space<vmem>> -> memref<1x128xi32, #tpu.memory_space<vmem>>
        %dma_start3A_897 = tpu.memref_squeeze %dma_start3A_896 : memref<1x128xi32, #tpu.memory_space<vmem>> -> memref<128xi32, #tpu.memory_space<vmem>>
        %dma_start3A_898 = arith.constant 0 : i32
        %dma_start3A_899 = arith.constant 0 : i32
        %dma_start3A_900 = tpu.memref_slice %arg20[%dma_start3A_898, %dma_start3A_899] : memref<10000x64xf32, #tpu.memory_space<vmem_shared>> -> memref<10000x64xf32, #tpu.memory_space<vmem_shared>>
        tpu.enqueue_indirect_dma source(%dma_start3A_900 : memref<10000x64xf32, #tpu.memory_space<vmem_shared>>) target(%arg11 : memref<128x64xf32, #tpu.memory_space<vmem>>) offsets(%dma_start3A_897 : memref<128xi32, #tpu.memory_space<vmem>>) semaphore(%arg25 : memref<!tpu.dma_semaphore, #tpu.memory_space<semaphore_mem>>)
      } else {
      }
      %mul3A_681 = arith.constant 8 : i32
      %mul3A_682 = arith.muli %scan3A_619, %mul3A_681 : i32
      %add3A_683 = arith.constant 2 : i32
      %add3A_684 = arith.addi %mul3A_682, %add3A_683 : i32
      %dma_wait3A_685 = arith.constant 0 : i32
      %dma_wait3A_686 = arith.constant 0 : i32
      %dma_wait3A_687 = tpu.memref_slice %arg14[%dma_wait3A_685, %dma_wait3A_686] : memref<2x128xi32, #tpu.memory_space<vmem>> -> memref<1x128xi32, #tpu.memory_space<vmem>>
      %dma_wait3A_688 = tpu.memref_squeeze %dma_wait3A_687 : memref<1x128xi32, #tpu.memory_space<vmem>> -> memref<128xi32, #tpu.memory_space<vmem>>
      %dma_wait3A_689 = arith.constant 0 : i32
      %dma_wait3A_690 = arith.constant 0 : i32
      %dma_wait3A_691 = tpu.memref_slice %arg20[%dma_wait3A_689, %dma_wait3A_690] : memref<10000x64xf32, #tpu.memory_space<vmem_shared>> -> memref<10000x64xf32, #tpu.memory_space<vmem_shared>>
      tpu.wait_indirect_dma semaphore(%arg24 : memref<!tpu.dma_semaphore, #tpu.memory_space<semaphore_mem>>) src(%dma_wait3A_691 : memref<10000x64xf32, #tpu.memory_space<vmem_shared>>) dst(%arg10 : memref<128x64xf32, #tpu.memory_space<vmem>>)
      %dma_start3A_692 = arith.constant 1 : i32
      %dma_start3A_693 = arith.constant 0 : i32
      %dma_start3A_694 = tpu.memref_slice %arg14[%dma_start3A_692, %dma_start3A_693] : memref<2x128xi32, #tpu.memory_space<vmem>> -> memref<1x128xi32, #tpu.memory_space<vmem>>
      %dma_start3A_695 = tpu.memref_squeeze %dma_start3A_694 : memref<1x128xi32, #tpu.memory_space<vmem>> -> memref<128xi32, #tpu.memory_space<vmem>>
      %dma_start3A_696 = arith.constant 0 : i32
      %dma_start3A_697 = arith.constant 0 : i32
      %dma_start3A_698 = tpu.memref_slice %arg21[%dma_start3A_696, %dma_start3A_697] : memref<10048x64xf32, #tpu.memory_space<vmem_shared>> -> memref<10048x64xf32, #tpu.memory_space<vmem_shared>>
      tpu.enqueue_indirect_dma source(%arg10 : memref<128x64xf32, #tpu.memory_space<vmem>>) target(%dma_start3A_698 : memref<10048x64xf32, #tpu.memory_space<vmem_shared>>) offsets(%dma_start3A_695 : memref<128xi32, #tpu.memory_space<vmem>>) semaphore(%arg28 : memref<!tpu.dma_semaphore, #tpu.memory_space<semaphore_mem>>) {add = true}
      %eq3A_699 = arith.constant 0 : i32
      %eq3A_700 = arith.cmpi eq, %arg0, %eq3A_699 : i32
      %convert_element_type3A_701 = arith.extui %eq3A_700 : i1 to i32
      %cond3A_702 = arith.constant 0 : i32
      %cond3A_703 = arith.cmpi ne, %convert_element_type3A_701, %cond3A_702 : i32
      scf.if %cond3A_703 {
        %dma_start3A_862 = arith.constant 1 : i32
        %dma_start3A_863 = arith.constant 0 : i32
        %dma_start3A_864 = tpu.memref_slice %arg14[%dma_start3A_862, %dma_start3A_863] : memref<2x128xi32, #tpu.memory_space<vmem>> -> memref<1x128xi32, #tpu.memory_space<vmem>>
        %dma_start3A_865 = tpu.memref_squeeze %dma_start3A_864 : memref<1x128xi32, #tpu.memory_space<vmem>> -> memref<128xi32, #tpu.memory_space<vmem>>
        %dma_start3A_866 = arith.constant 0 : i32
        %dma_start3A_867 = arith.constant 0 : i32
        %dma_start3A_868 = tpu.memref_slice %arg39[%dma_start3A_866, %dma_start3A_867] : memref<10240x8xf32, #tpu.memory_space<vmem_shared>> -> memref<10240x8xf32, #tpu.memory_space<vmem_shared>>
        tpu.enqueue_indirect_dma source(%arg38 : memref<128x8xf32, #tpu.memory_space<vmem>>) target(%dma_start3A_868 : memref<10240x8xf32, #tpu.memory_space<vmem_shared>>) offsets(%dma_start3A_865 : memref<128xi32, #tpu.memory_space<vmem>>) semaphore(%arg42 : memref<!tpu.dma_semaphore, #tpu.memory_space<semaphore_mem>>) {add = true}
      } else {
      }
      %add3A_704 = arith.constant 2 : i32
      %add3A_705 = arith.addi %add3A_684, %add3A_704 : i32
      %lt3A_706 = arith.constant 160 : i32
      %lt3A_707 = arith.cmpi slt, %add3A_705, %lt3A_706 : i32
      %convert_element_type3A_708 = arith.extui %lt3A_707 : i1 to i32
      %cond3A_709 = arith.constant 0 : i32
      %cond3A_710 = arith.cmpi ne, %convert_element_type3A_708, %cond3A_709 : i32
      scf.if %cond3A_710 {
        %dma_wait3A_862 = arith.constant 1 : i32
        %dma_wait3A_863 = arith.constant 0 : i32
        %dma_wait3A_864 = tpu.memref_slice %arg12[%dma_wait3A_862, %dma_wait3A_863] : memref<2x128xi32, #tpu.memory_space<vmem>> -> memref<1x128xi32, #tpu.memory_space<vmem>>
        %dma_wait3A_865 = tpu.memref_squeeze %dma_wait3A_864 : memref<1x128xi32, #tpu.memory_space<vmem>> -> memref<128xi32, #tpu.memory_space<vmem>>
        %dma_wait3A_866 = arith.constant 0 : i32
        %dma_wait3A_867 = arith.constant 0 : i32
        %dma_wait3A_868 = tpu.memref_slice %arg21[%dma_wait3A_866, %dma_wait3A_867] : memref<10048x64xf32, #tpu.memory_space<vmem_shared>> -> memref<10048x64xf32, #tpu.memory_space<vmem_shared>>
        tpu.wait_indirect_dma semaphore(%arg26 : memref<!tpu.dma_semaphore, #tpu.memory_space<semaphore_mem>>) src(%arg8 : memref<128x64xf32, #tpu.memory_space<vmem>>) dst(%dma_wait3A_868 : memref<10048x64xf32, #tpu.memory_space<vmem_shared>>)
        %eq3A_869 = arith.constant 0 : i32
        %eq3A_870 = arith.cmpi eq, %arg0, %eq3A_869 : i32
        %convert_element_type3A_871 = arith.extui %eq3A_870 : i1 to i32
        %cond3A_872 = arith.constant 0 : i32
        %cond3A_873 = arith.cmpi ne, %convert_element_type3A_871, %cond3A_872 : i32
        scf.if %cond3A_873 {
          %dma_wait3A_901 = arith.constant 1 : i32
          %dma_wait3A_902 = arith.constant 0 : i32
          %dma_wait3A_903 = tpu.memref_slice %arg12[%dma_wait3A_901, %dma_wait3A_902] : memref<2x128xi32, #tpu.memory_space<vmem>> -> memref<1x128xi32, #tpu.memory_space<vmem>>
          %dma_wait3A_904 = tpu.memref_squeeze %dma_wait3A_903 : memref<1x128xi32, #tpu.memory_space<vmem>> -> memref<128xi32, #tpu.memory_space<vmem>>
          %dma_wait3A_905 = arith.constant 0 : i32
          %dma_wait3A_906 = arith.constant 0 : i32
          %dma_wait3A_907 = tpu.memref_slice %arg39[%dma_wait3A_905, %dma_wait3A_906] : memref<10240x8xf32, #tpu.memory_space<vmem_shared>> -> memref<10240x8xf32, #tpu.memory_space<vmem_shared>>
          tpu.wait_indirect_dma semaphore(%arg40 : memref<!tpu.dma_semaphore, #tpu.memory_space<semaphore_mem>>) src(%arg38 : memref<128x8xf32, #tpu.memory_space<vmem>>) dst(%dma_wait3A_907 : memref<10240x8xf32, #tpu.memory_space<vmem_shared>>)
        } else {
        }
        %add3A_874 = arith.constant 6 : i32
        %add3A_875 = arith.addi %add3A_684, %add3A_874 : i32
        %lt3A_876 = arith.constant 160 : i32
        %lt3A_877 = arith.cmpi slt, %add3A_875, %lt3A_876 : i32
        %convert_element_type3A_878 = arith.extui %lt3A_877 : i1 to i32
        %cond3A_879 = arith.constant 0 : i32
        %cond3A_880 = arith.cmpi ne, %convert_element_type3A_878, %cond3A_879 : i32
        scf.if %cond3A_880 {
          %add3A_901 = arith.constant 6 : i32
          %add3A_902 = arith.addi %add3A_684, %add3A_901 : i32
          %mul3A_903 = arith.constant 16 : i32
          %mul3A_904 = arith.muli %add3A_902, %mul3A_903 : i32
          %add3A_905 = arith.addi %arg1, %mul3A_904 : i32
          %dma_start3A_906 = arith.constant 0 : i32
          %dma_start3A_907 = arith.constant 0 : i32
          %dma_start3A_908 = tpu.memref_slice %arg3[%add3A_905, %dma_start3A_906, %dma_start3A_907] : memref<2560x2x128xi32, #tpu.memory_space<hbm>> -> memref<1x2x128xi32, #tpu.memory_space<hbm>>
          %dma_start3A_909 = tpu.memref_squeeze %dma_start3A_908 : memref<1x2x128xi32, #tpu.memory_space<hbm>> -> memref<2x128xi32, #tpu.memory_space<hbm>>
          %dma_start3A_910 = arith.constant 0 : i32
          %dma_start3A_911 = arith.constant 0 : i32
          %dma_start3A_912 = tpu.memref_slice %arg3[%add3A_905, %dma_start3A_910, %dma_start3A_911] : memref<2560x2x128xi32, #tpu.memory_space<hbm>> -> memref<1x2x128xi32, #tpu.memory_space<hbm>>
          %dma_start3A_913 = tpu.memref_squeeze %dma_start3A_912 : memref<1x2x128xi32, #tpu.memory_space<hbm>> -> memref<2x128xi32, #tpu.memory_space<hbm>>
          tpu.enqueue_dma source(%dma_start3A_913 : memref<2x128xi32, #tpu.memory_space<hbm>>) target(%arg12 : memref<2x128xi32, #tpu.memory_space<vmem>>) target_semaphore(%arg30 : memref<!tpu.dma_semaphore, #tpu.memory_space<semaphore_mem>>)
        } else {
        }
        %add3A_881 = arith.constant 2 : i32
        %add3A_882 = arith.addi %add3A_684, %add3A_881 : i32
        %mul3A_883 = arith.constant 16 : i32
        %mul3A_884 = arith.muli %add3A_882, %mul3A_883 : i32
        %add3A_885 = arith.addi %arg1, %mul3A_884 : i32
        %dma_wait3A_886 = arith.constant 0 : i32
        %dma_wait3A_887 = arith.constant 0 : i32
        %dma_wait3A_888 = tpu.memref_slice %arg3[%add3A_885, %dma_wait3A_886, %dma_wait3A_887] : memref<2560x2x128xi32, #tpu.memory_space<hbm>> -> memref<1x2x128xi32, #tpu.memory_space<hbm>>
        %dma_wait3A_889 = tpu.memref_squeeze %dma_wait3A_888 : memref<1x2x128xi32, #tpu.memory_space<hbm>> -> memref<2x128xi32, #tpu.memory_space<hbm>>
        %dma_wait3A_890 = arith.constant 0 : i32
        %dma_wait3A_891 = arith.constant 0 : i32
        %dma_wait3A_892 = tpu.memref_slice %arg3[%add3A_885, %dma_wait3A_890, %dma_wait3A_891] : memref<2560x2x128xi32, #tpu.memory_space<hbm>> -> memref<1x2x128xi32, #tpu.memory_space<hbm>>
        %dma_wait3A_893 = tpu.memref_squeeze %dma_wait3A_892 : memref<1x2x128xi32, #tpu.memory_space<hbm>> -> memref<2x128xi32, #tpu.memory_space<hbm>>
        tpu.wait_dma2 semaphore(%arg34 : memref<!tpu.dma_semaphore, #tpu.memory_space<semaphore_mem>>) src(%dma_wait3A_893 : memref<2x128xi32, #tpu.memory_space<hbm>>) dst(%arg16 : memref<2x128xi32, #tpu.memory_space<vmem>>)
        %dma_start3A_894 = arith.constant 0 : i32
        %dma_start3A_895 = arith.constant 0 : i32
        %dma_start3A_896 = tpu.memref_slice %arg16[%dma_start3A_894, %dma_start3A_895] : memref<2x128xi32, #tpu.memory_space<vmem>> -> memref<1x128xi32, #tpu.memory_space<vmem>>
        %dma_start3A_897 = tpu.memref_squeeze %dma_start3A_896 : memref<1x128xi32, #tpu.memory_space<vmem>> -> memref<128xi32, #tpu.memory_space<vmem>>
        %dma_start3A_898 = arith.constant 0 : i32
        %dma_start3A_899 = arith.constant 0 : i32
        %dma_start3A_900 = tpu.memref_slice %arg20[%dma_start3A_898, %dma_start3A_899] : memref<10000x64xf32, #tpu.memory_space<vmem_shared>> -> memref<10000x64xf32, #tpu.memory_space<vmem_shared>>
        tpu.enqueue_indirect_dma source(%dma_start3A_900 : memref<10000x64xf32, #tpu.memory_space<vmem_shared>>) target(%arg8 : memref<128x64xf32, #tpu.memory_space<vmem>>) offsets(%dma_start3A_897 : memref<128xi32, #tpu.memory_space<vmem>>) semaphore(%arg22 : memref<!tpu.dma_semaphore, #tpu.memory_space<semaphore_mem>>)
      } else {
      }
      %mul3A_711 = arith.constant 8 : i32
      %mul3A_712 = arith.muli %scan3A_619, %mul3A_711 : i32
      %add3A_713 = arith.constant 3 : i32
      %add3A_714 = arith.addi %mul3A_712, %add3A_713 : i32
      %dma_wait3A_715 = arith.constant 0 : i32
      %dma_wait3A_716 = arith.constant 0 : i32
      %dma_wait3A_717 = tpu.memref_slice %arg15[%dma_wait3A_715, %dma_wait3A_716] : memref<2x128xi32, #tpu.memory_space<vmem>> -> memref<1x128xi32, #tpu.memory_space<vmem>>
      %dma_wait3A_718 = tpu.memref_squeeze %dma_wait3A_717 : memref<1x128xi32, #tpu.memory_space<vmem>> -> memref<128xi32, #tpu.memory_space<vmem>>
      %dma_wait3A_719 = arith.constant 0 : i32
      %dma_wait3A_720 = arith.constant 0 : i32
      %dma_wait3A_721 = tpu.memref_slice %arg20[%dma_wait3A_719, %dma_wait3A_720] : memref<10000x64xf32, #tpu.memory_space<vmem_shared>> -> memref<10000x64xf32, #tpu.memory_space<vmem_shared>>
      tpu.wait_indirect_dma semaphore(%arg25 : memref<!tpu.dma_semaphore, #tpu.memory_space<semaphore_mem>>) src(%dma_wait3A_721 : memref<10000x64xf32, #tpu.memory_space<vmem_shared>>) dst(%arg11 : memref<128x64xf32, #tpu.memory_space<vmem>>)
      %dma_start3A_722 = arith.constant 1 : i32
      %dma_start3A_723 = arith.constant 0 : i32
      %dma_start3A_724 = tpu.memref_slice %arg15[%dma_start3A_722, %dma_start3A_723] : memref<2x128xi32, #tpu.memory_space<vmem>> -> memref<1x128xi32, #tpu.memory_space<vmem>>
      %dma_start3A_725 = tpu.memref_squeeze %dma_start3A_724 : memref<1x128xi32, #tpu.memory_space<vmem>> -> memref<128xi32, #tpu.memory_space<vmem>>
      %dma_start3A_726 = arith.constant 0 : i32
      %dma_start3A_727 = arith.constant 0 : i32
      %dma_start3A_728 = tpu.memref_slice %arg21[%dma_start3A_726, %dma_start3A_727] : memref<10048x64xf32, #tpu.memory_space<vmem_shared>> -> memref<10048x64xf32, #tpu.memory_space<vmem_shared>>
      tpu.enqueue_indirect_dma source(%arg11 : memref<128x64xf32, #tpu.memory_space<vmem>>) target(%dma_start3A_728 : memref<10048x64xf32, #tpu.memory_space<vmem_shared>>) offsets(%dma_start3A_725 : memref<128xi32, #tpu.memory_space<vmem>>) semaphore(%arg29 : memref<!tpu.dma_semaphore, #tpu.memory_space<semaphore_mem>>) {add = true}
      %eq3A_729 = arith.constant 1 : i32
      %eq3A_730 = arith.cmpi eq, %arg0, %eq3A_729 : i32
      %convert_element_type3A_731 = arith.extui %eq3A_730 : i1 to i32
      %cond3A_732 = arith.constant 0 : i32
      %cond3A_733 = arith.cmpi ne, %convert_element_type3A_731, %cond3A_732 : i32
      scf.if %cond3A_733 {
        %dma_start3A_862 = arith.constant 1 : i32
        %dma_start3A_863 = arith.constant 0 : i32
        %dma_start3A_864 = tpu.memref_slice %arg15[%dma_start3A_862, %dma_start3A_863] : memref<2x128xi32, #tpu.memory_space<vmem>> -> memref<1x128xi32, #tpu.memory_space<vmem>>
        %dma_start3A_865 = tpu.memref_squeeze %dma_start3A_864 : memref<1x128xi32, #tpu.memory_space<vmem>> -> memref<128xi32, #tpu.memory_space<vmem>>
        %dma_start3A_866 = arith.constant 0 : i32
        %dma_start3A_867 = arith.constant 0 : i32
        %dma_start3A_868 = tpu.memref_slice %arg39[%dma_start3A_866, %dma_start3A_867] : memref<10240x8xf32, #tpu.memory_space<vmem_shared>> -> memref<10240x8xf32, #tpu.memory_space<vmem_shared>>
        tpu.enqueue_indirect_dma source(%arg38 : memref<128x8xf32, #tpu.memory_space<vmem>>) target(%dma_start3A_868 : memref<10240x8xf32, #tpu.memory_space<vmem_shared>>) offsets(%dma_start3A_865 : memref<128xi32, #tpu.memory_space<vmem>>) semaphore(%arg43 : memref<!tpu.dma_semaphore, #tpu.memory_space<semaphore_mem>>) {add = true}
      } else {
      }
      %add3A_734 = arith.constant 2 : i32
      %add3A_735 = arith.addi %add3A_714, %add3A_734 : i32
      %lt3A_736 = arith.constant 160 : i32
      %lt3A_737 = arith.cmpi slt, %add3A_735, %lt3A_736 : i32
      %convert_element_type3A_738 = arith.extui %lt3A_737 : i1 to i32
      %cond3A_739 = arith.constant 0 : i32
      %cond3A_740 = arith.cmpi ne, %convert_element_type3A_738, %cond3A_739 : i32
      scf.if %cond3A_740 {
        %dma_wait3A_862 = arith.constant 1 : i32
        %dma_wait3A_863 = arith.constant 0 : i32
        %dma_wait3A_864 = tpu.memref_slice %arg13[%dma_wait3A_862, %dma_wait3A_863] : memref<2x128xi32, #tpu.memory_space<vmem>> -> memref<1x128xi32, #tpu.memory_space<vmem>>
        %dma_wait3A_865 = tpu.memref_squeeze %dma_wait3A_864 : memref<1x128xi32, #tpu.memory_space<vmem>> -> memref<128xi32, #tpu.memory_space<vmem>>
        %dma_wait3A_866 = arith.constant 0 : i32
        %dma_wait3A_867 = arith.constant 0 : i32
        %dma_wait3A_868 = tpu.memref_slice %arg21[%dma_wait3A_866, %dma_wait3A_867] : memref<10048x64xf32, #tpu.memory_space<vmem_shared>> -> memref<10048x64xf32, #tpu.memory_space<vmem_shared>>
        tpu.wait_indirect_dma semaphore(%arg27 : memref<!tpu.dma_semaphore, #tpu.memory_space<semaphore_mem>>) src(%arg9 : memref<128x64xf32, #tpu.memory_space<vmem>>) dst(%dma_wait3A_868 : memref<10048x64xf32, #tpu.memory_space<vmem_shared>>)
        %eq3A_869 = arith.constant 1 : i32
        %eq3A_870 = arith.cmpi eq, %arg0, %eq3A_869 : i32
        %convert_element_type3A_871 = arith.extui %eq3A_870 : i1 to i32
        %cond3A_872 = arith.constant 0 : i32
        %cond3A_873 = arith.cmpi ne, %convert_element_type3A_871, %cond3A_872 : i32
        scf.if %cond3A_873 {
          %dma_wait3A_901 = arith.constant 1 : i32
          %dma_wait3A_902 = arith.constant 0 : i32
          %dma_wait3A_903 = tpu.memref_slice %arg13[%dma_wait3A_901, %dma_wait3A_902] : memref<2x128xi32, #tpu.memory_space<vmem>> -> memref<1x128xi32, #tpu.memory_space<vmem>>
          %dma_wait3A_904 = tpu.memref_squeeze %dma_wait3A_903 : memref<1x128xi32, #tpu.memory_space<vmem>> -> memref<128xi32, #tpu.memory_space<vmem>>
          %dma_wait3A_905 = arith.constant 0 : i32
          %dma_wait3A_906 = arith.constant 0 : i32
          %dma_wait3A_907 = tpu.memref_slice %arg39[%dma_wait3A_905, %dma_wait3A_906] : memref<10240x8xf32, #tpu.memory_space<vmem_shared>> -> memref<10240x8xf32, #tpu.memory_space<vmem_shared>>
          tpu.wait_indirect_dma semaphore(%arg41 : memref<!tpu.dma_semaphore, #tpu.memory_space<semaphore_mem>>) src(%arg38 : memref<128x8xf32, #tpu.memory_space<vmem>>) dst(%dma_wait3A_907 : memref<10240x8xf32, #tpu.memory_space<vmem_shared>>)
        } else {
        }
        %add3A_874 = arith.constant 6 : i32
        %add3A_875 = arith.addi %add3A_714, %add3A_874 : i32
        %lt3A_876 = arith.constant 160 : i32
        %lt3A_877 = arith.cmpi slt, %add3A_875, %lt3A_876 : i32
        %convert_element_type3A_878 = arith.extui %lt3A_877 : i1 to i32
        %cond3A_879 = arith.constant 0 : i32
        %cond3A_880 = arith.cmpi ne, %convert_element_type3A_878, %cond3A_879 : i32
        scf.if %cond3A_880 {
          %add3A_901 = arith.constant 6 : i32
          %add3A_902 = arith.addi %add3A_714, %add3A_901 : i32
          %mul3A_903 = arith.constant 16 : i32
          %mul3A_904 = arith.muli %add3A_902, %mul3A_903 : i32
          %add3A_905 = arith.addi %arg1, %mul3A_904 : i32
          %dma_start3A_906 = arith.constant 0 : i32
          %dma_start3A_907 = arith.constant 0 : i32
          %dma_start3A_908 = tpu.memref_slice %arg3[%add3A_905, %dma_start3A_906, %dma_start3A_907] : memref<2560x2x128xi32, #tpu.memory_space<hbm>> -> memref<1x2x128xi32, #tpu.memory_space<hbm>>
          %dma_start3A_909 = tpu.memref_squeeze %dma_start3A_908 : memref<1x2x128xi32, #tpu.memory_space<hbm>> -> memref<2x128xi32, #tpu.memory_space<hbm>>
          %dma_start3A_910 = arith.constant 0 : i32
          %dma_start3A_911 = arith.constant 0 : i32
          %dma_start3A_912 = tpu.memref_slice %arg3[%add3A_905, %dma_start3A_910, %dma_start3A_911] : memref<2560x2x128xi32, #tpu.memory_space<hbm>> -> memref<1x2x128xi32, #tpu.memory_space<hbm>>
          %dma_start3A_913 = tpu.memref_squeeze %dma_start3A_912 : memref<1x2x128xi32, #tpu.memory_space<hbm>> -> memref<2x128xi32, #tpu.memory_space<hbm>>
          tpu.enqueue_dma source(%dma_start3A_913 : memref<2x128xi32, #tpu.memory_space<hbm>>) target(%arg13 : memref<2x128xi32, #tpu.memory_space<vmem>>) target_semaphore(%arg31 : memref<!tpu.dma_semaphore, #tpu.memory_space<semaphore_mem>>)
        } else {
        }
        %add3A_881 = arith.constant 2 : i32
        %add3A_882 = arith.addi %add3A_714, %add3A_881 : i32
        %mul3A_883 = arith.constant 16 : i32
        %mul3A_884 = arith.muli %add3A_882, %mul3A_883 : i32
        %add3A_885 = arith.addi %arg1, %mul3A_884 : i32
        %dma_wait3A_886 = arith.constant 0 : i32
        %dma_wait3A_887 = arith.constant 0 : i32
        %dma_wait3A_888 = tpu.memref_slice %arg3[%add3A_885, %dma_wait3A_886, %dma_wait3A_887] : memref<2560x2x128xi32, #tpu.memory_space<hbm>> -> memref<1x2x128xi32, #tpu.memory_space<hbm>>
        %dma_wait3A_889 = tpu.memref_squeeze %dma_wait3A_888 : memref<1x2x128xi32, #tpu.memory_space<hbm>> -> memref<2x128xi32, #tpu.memory_space<hbm>>
        %dma_wait3A_890 = arith.constant 0 : i32
        %dma_wait3A_891 = arith.constant 0 : i32
        %dma_wait3A_892 = tpu.memref_slice %arg3[%add3A_885, %dma_wait3A_890, %dma_wait3A_891] : memref<2560x2x128xi32, #tpu.memory_space<hbm>> -> memref<1x2x128xi32, #tpu.memory_space<hbm>>
        %dma_wait3A_893 = tpu.memref_squeeze %dma_wait3A_892 : memref<1x2x128xi32, #tpu.memory_space<hbm>> -> memref<2x128xi32, #tpu.memory_space<hbm>>
        tpu.wait_dma2 semaphore(%arg35 : memref<!tpu.dma_semaphore, #tpu.memory_space<semaphore_mem>>) src(%dma_wait3A_893 : memref<2x128xi32, #tpu.memory_space<hbm>>) dst(%arg17 : memref<2x128xi32, #tpu.memory_space<vmem>>)
        %dma_start3A_894 = arith.constant 0 : i32
        %dma_start3A_895 = arith.constant 0 : i32
        %dma_start3A_896 = tpu.memref_slice %arg17[%dma_start3A_894, %dma_start3A_895] : memref<2x128xi32, #tpu.memory_space<vmem>> -> memref<1x128xi32, #tpu.memory_space<vmem>>
        %dma_start3A_897 = tpu.memref_squeeze %dma_start3A_896 : memref<1x128xi32, #tpu.memory_space<vmem>> -> memref<128xi32, #tpu.memory_space<vmem>>
        %dma_start3A_898 = arith.constant 0 : i32
        %dma_start3A_899 = arith.constant 0 : i32
        %dma_start3A_900 = tpu.memref_slice %arg20[%dma_start3A_898, %dma_start3A_899] : memref<10000x64xf32, #tpu.memory_space<vmem_shared>> -> memref<10000x64xf32, #tpu.memory_space<vmem_shared>>
        tpu.enqueue_indirect_dma source(%dma_start3A_900 : memref<10000x64xf32, #tpu.memory_space<vmem_shared>>) target(%arg9 : memref<128x64xf32, #tpu.memory_space<vmem>>) offsets(%dma_start3A_897 : memref<128xi32, #tpu.memory_space<vmem>>) semaphore(%arg23 : memref<!tpu.dma_semaphore, #tpu.memory_space<semaphore_mem>>)
      } else {
      }
      %mul3A_741 = arith.constant 8 : i32
      %mul3A_742 = arith.muli %scan3A_619, %mul3A_741 : i32
      %add3A_743 = arith.constant 4 : i32
      %add3A_744 = arith.addi %mul3A_742, %add3A_743 : i32
      %dma_wait3A_745 = arith.constant 0 : i32
      %dma_wait3A_746 = arith.constant 0 : i32
      %dma_wait3A_747 = tpu.memref_slice %arg16[%dma_wait3A_745, %dma_wait3A_746] : memref<2x128xi32, #tpu.memory_space<vmem>> -> memref<1x128xi32, #tpu.memory_space<vmem>>
      %dma_wait3A_748 = tpu.memref_squeeze %dma_wait3A_747 : memref<1x128xi32, #tpu.memory_space<vmem>> -> memref<128xi32, #tpu.memory_space<vmem>>
      %dma_wait3A_749 = arith.constant 0 : i32
      %dma_wait3A_750 = arith.constant 0 : i32
      %dma_wait3A_751 = tpu.memref_slice %arg20[%dma_wait3A_749, %dma_wait3A_750] : memref<10000x64xf32, #tpu.memory_space<vmem_shared>> -> memref<10000x64xf32, #tpu.memory_space<vmem_shared>>
      tpu.wait_indirect_dma semaphore(%arg22 : memref<!tpu.dma_semaphore, #tpu.memory_space<semaphore_mem>>) src(%dma_wait3A_751 : memref<10000x64xf32, #tpu.memory_space<vmem_shared>>) dst(%arg8 : memref<128x64xf32, #tpu.memory_space<vmem>>)
      %dma_start3A_752 = arith.constant 1 : i32
      %dma_start3A_753 = arith.constant 0 : i32
      %dma_start3A_754 = tpu.memref_slice %arg16[%dma_start3A_752, %dma_start3A_753] : memref<2x128xi32, #tpu.memory_space<vmem>> -> memref<1x128xi32, #tpu.memory_space<vmem>>
      %dma_start3A_755 = tpu.memref_squeeze %dma_start3A_754 : memref<1x128xi32, #tpu.memory_space<vmem>> -> memref<128xi32, #tpu.memory_space<vmem>>
      %dma_start3A_756 = arith.constant 0 : i32
      %dma_start3A_757 = arith.constant 0 : i32
      %dma_start3A_758 = tpu.memref_slice %arg21[%dma_start3A_756, %dma_start3A_757] : memref<10048x64xf32, #tpu.memory_space<vmem_shared>> -> memref<10048x64xf32, #tpu.memory_space<vmem_shared>>
      tpu.enqueue_indirect_dma source(%arg8 : memref<128x64xf32, #tpu.memory_space<vmem>>) target(%dma_start3A_758 : memref<10048x64xf32, #tpu.memory_space<vmem_shared>>) offsets(%dma_start3A_755 : memref<128xi32, #tpu.memory_space<vmem>>) semaphore(%arg26 : memref<!tpu.dma_semaphore, #tpu.memory_space<semaphore_mem>>) {add = true}
      %eq3A_759 = arith.constant 0 : i32
      %eq3A_760 = arith.cmpi eq, %arg0, %eq3A_759 : i32
      %convert_element_type3A_761 = arith.extui %eq3A_760 : i1 to i32
      %cond3A_762 = arith.constant 0 : i32
      %cond3A_763 = arith.cmpi ne, %convert_element_type3A_761, %cond3A_762 : i32
      scf.if %cond3A_763 {
        %dma_start3A_862 = arith.constant 1 : i32
        %dma_start3A_863 = arith.constant 0 : i32
        %dma_start3A_864 = tpu.memref_slice %arg16[%dma_start3A_862, %dma_start3A_863] : memref<2x128xi32, #tpu.memory_space<vmem>> -> memref<1x128xi32, #tpu.memory_space<vmem>>
        %dma_start3A_865 = tpu.memref_squeeze %dma_start3A_864 : memref<1x128xi32, #tpu.memory_space<vmem>> -> memref<128xi32, #tpu.memory_space<vmem>>
        %dma_start3A_866 = arith.constant 0 : i32
        %dma_start3A_867 = arith.constant 0 : i32
        %dma_start3A_868 = tpu.memref_slice %arg39[%dma_start3A_866, %dma_start3A_867] : memref<10240x8xf32, #tpu.memory_space<vmem_shared>> -> memref<10240x8xf32, #tpu.memory_space<vmem_shared>>
        tpu.enqueue_indirect_dma source(%arg38 : memref<128x8xf32, #tpu.memory_space<vmem>>) target(%dma_start3A_868 : memref<10240x8xf32, #tpu.memory_space<vmem_shared>>) offsets(%dma_start3A_865 : memref<128xi32, #tpu.memory_space<vmem>>) semaphore(%arg40 : memref<!tpu.dma_semaphore, #tpu.memory_space<semaphore_mem>>) {add = true}
      } else {
      }
      %add3A_764 = arith.constant 2 : i32
      %add3A_765 = arith.addi %add3A_744, %add3A_764 : i32
      %lt3A_766 = arith.constant 160 : i32
      %lt3A_767 = arith.cmpi slt, %add3A_765, %lt3A_766 : i32
      %convert_element_type3A_768 = arith.extui %lt3A_767 : i1 to i32
      %cond3A_769 = arith.constant 0 : i32
      %cond3A_770 = arith.cmpi ne, %convert_element_type3A_768, %cond3A_769 : i32
      scf.if %cond3A_770 {
        %dma_wait3A_862 = arith.constant 1 : i32
        %dma_wait3A_863 = arith.constant 0 : i32
        %dma_wait3A_864 = tpu.memref_slice %arg14[%dma_wait3A_862, %dma_wait3A_863] : memref<2x128xi32, #tpu.memory_space<vmem>> -> memref<1x128xi32, #tpu.memory_space<vmem>>
        %dma_wait3A_865 = tpu.memref_squeeze %dma_wait3A_864 : memref<1x128xi32, #tpu.memory_space<vmem>> -> memref<128xi32, #tpu.memory_space<vmem>>
        %dma_wait3A_866 = arith.constant 0 : i32
        %dma_wait3A_867 = arith.constant 0 : i32
        %dma_wait3A_868 = tpu.memref_slice %arg21[%dma_wait3A_866, %dma_wait3A_867] : memref<10048x64xf32, #tpu.memory_space<vmem_shared>> -> memref<10048x64xf32, #tpu.memory_space<vmem_shared>>
        tpu.wait_indirect_dma semaphore(%arg28 : memref<!tpu.dma_semaphore, #tpu.memory_space<semaphore_mem>>) src(%arg10 : memref<128x64xf32, #tpu.memory_space<vmem>>) dst(%dma_wait3A_868 : memref<10048x64xf32, #tpu.memory_space<vmem_shared>>)
        %eq3A_869 = arith.constant 0 : i32
        %eq3A_870 = arith.cmpi eq, %arg0, %eq3A_869 : i32
        %convert_element_type3A_871 = arith.extui %eq3A_870 : i1 to i32
        %cond3A_872 = arith.constant 0 : i32
        %cond3A_873 = arith.cmpi ne, %convert_element_type3A_871, %cond3A_872 : i32
        scf.if %cond3A_873 {
          %dma_wait3A_901 = arith.constant 1 : i32
          %dma_wait3A_902 = arith.constant 0 : i32
          %dma_wait3A_903 = tpu.memref_slice %arg14[%dma_wait3A_901, %dma_wait3A_902] : memref<2x128xi32, #tpu.memory_space<vmem>> -> memref<1x128xi32, #tpu.memory_space<vmem>>
          %dma_wait3A_904 = tpu.memref_squeeze %dma_wait3A_903 : memref<1x128xi32, #tpu.memory_space<vmem>> -> memref<128xi32, #tpu.memory_space<vmem>>
          %dma_wait3A_905 = arith.constant 0 : i32
          %dma_wait3A_906 = arith.constant 0 : i32
          %dma_wait3A_907 = tpu.memref_slice %arg39[%dma_wait3A_905, %dma_wait3A_906] : memref<10240x8xf32, #tpu.memory_space<vmem_shared>> -> memref<10240x8xf32, #tpu.memory_space<vmem_shared>>
          tpu.wait_indirect_dma semaphore(%arg42 : memref<!tpu.dma_semaphore, #tpu.memory_space<semaphore_mem>>) src(%arg38 : memref<128x8xf32, #tpu.memory_space<vmem>>) dst(%dma_wait3A_907 : memref<10240x8xf32, #tpu.memory_space<vmem_shared>>)
        } else {
        }
        %add3A_874 = arith.constant 6 : i32
        %add3A_875 = arith.addi %add3A_744, %add3A_874 : i32
        %lt3A_876 = arith.constant 160 : i32
        %lt3A_877 = arith.cmpi slt, %add3A_875, %lt3A_876 : i32
        %convert_element_type3A_878 = arith.extui %lt3A_877 : i1 to i32
        %cond3A_879 = arith.constant 0 : i32
        %cond3A_880 = arith.cmpi ne, %convert_element_type3A_878, %cond3A_879 : i32
        scf.if %cond3A_880 {
          %add3A_901 = arith.constant 6 : i32
          %add3A_902 = arith.addi %add3A_744, %add3A_901 : i32
          %mul3A_903 = arith.constant 16 : i32
          %mul3A_904 = arith.muli %add3A_902, %mul3A_903 : i32
          %add3A_905 = arith.addi %arg1, %mul3A_904 : i32
          %dma_start3A_906 = arith.constant 0 : i32
          %dma_start3A_907 = arith.constant 0 : i32
          %dma_start3A_908 = tpu.memref_slice %arg3[%add3A_905, %dma_start3A_906, %dma_start3A_907] : memref<2560x2x128xi32, #tpu.memory_space<hbm>> -> memref<1x2x128xi32, #tpu.memory_space<hbm>>
          %dma_start3A_909 = tpu.memref_squeeze %dma_start3A_908 : memref<1x2x128xi32, #tpu.memory_space<hbm>> -> memref<2x128xi32, #tpu.memory_space<hbm>>
          %dma_start3A_910 = arith.constant 0 : i32
          %dma_start3A_911 = arith.constant 0 : i32
          %dma_start3A_912 = tpu.memref_slice %arg3[%add3A_905, %dma_start3A_910, %dma_start3A_911] : memref<2560x2x128xi32, #tpu.memory_space<hbm>> -> memref<1x2x128xi32, #tpu.memory_space<hbm>>
          %dma_start3A_913 = tpu.memref_squeeze %dma_start3A_912 : memref<1x2x128xi32, #tpu.memory_space<hbm>> -> memref<2x128xi32, #tpu.memory_space<hbm>>
          tpu.enqueue_dma source(%dma_start3A_913 : memref<2x128xi32, #tpu.memory_space<hbm>>) target(%arg14 : memref<2x128xi32, #tpu.memory_space<vmem>>) target_semaphore(%arg32 : memref<!tpu.dma_semaphore, #tpu.memory_space<semaphore_mem>>)
        } else {
        }
        %add3A_881 = arith.constant 2 : i32
        %add3A_882 = arith.addi %add3A_744, %add3A_881 : i32
        %mul3A_883 = arith.constant 16 : i32
        %mul3A_884 = arith.muli %add3A_882, %mul3A_883 : i32
        %add3A_885 = arith.addi %arg1, %mul3A_884 : i32
        %dma_wait3A_886 = arith.constant 0 : i32
        %dma_wait3A_887 = arith.constant 0 : i32
        %dma_wait3A_888 = tpu.memref_slice %arg3[%add3A_885, %dma_wait3A_886, %dma_wait3A_887] : memref<2560x2x128xi32, #tpu.memory_space<hbm>> -> memref<1x2x128xi32, #tpu.memory_space<hbm>>
        %dma_wait3A_889 = tpu.memref_squeeze %dma_wait3A_888 : memref<1x2x128xi32, #tpu.memory_space<hbm>> -> memref<2x128xi32, #tpu.memory_space<hbm>>
        %dma_wait3A_890 = arith.constant 0 : i32
        %dma_wait3A_891 = arith.constant 0 : i32
        %dma_wait3A_892 = tpu.memref_slice %arg3[%add3A_885, %dma_wait3A_890, %dma_wait3A_891] : memref<2560x2x128xi32, #tpu.memory_space<hbm>> -> memref<1x2x128xi32, #tpu.memory_space<hbm>>
        %dma_wait3A_893 = tpu.memref_squeeze %dma_wait3A_892 : memref<1x2x128xi32, #tpu.memory_space<hbm>> -> memref<2x128xi32, #tpu.memory_space<hbm>>
        tpu.wait_dma2 semaphore(%arg36 : memref<!tpu.dma_semaphore, #tpu.memory_space<semaphore_mem>>) src(%dma_wait3A_893 : memref<2x128xi32, #tpu.memory_space<hbm>>) dst(%arg18 : memref<2x128xi32, #tpu.memory_space<vmem>>)
        %dma_start3A_894 = arith.constant 0 : i32
        %dma_start3A_895 = arith.constant 0 : i32
        %dma_start3A_896 = tpu.memref_slice %arg18[%dma_start3A_894, %dma_start3A_895] : memref<2x128xi32, #tpu.memory_space<vmem>> -> memref<1x128xi32, #tpu.memory_space<vmem>>
        %dma_start3A_897 = tpu.memref_squeeze %dma_start3A_896 : memref<1x128xi32, #tpu.memory_space<vmem>> -> memref<128xi32, #tpu.memory_space<vmem>>
        %dma_start3A_898 = arith.constant 0 : i32
        %dma_start3A_899 = arith.constant 0 : i32
        %dma_start3A_900 = tpu.memref_slice %arg20[%dma_start3A_898, %dma_start3A_899] : memref<10000x64xf32, #tpu.memory_space<vmem_shared>> -> memref<10000x64xf32, #tpu.memory_space<vmem_shared>>
        tpu.enqueue_indirect_dma source(%dma_start3A_900 : memref<10000x64xf32, #tpu.memory_space<vmem_shared>>) target(%arg10 : memref<128x64xf32, #tpu.memory_space<vmem>>) offsets(%dma_start3A_897 : memref<128xi32, #tpu.memory_space<vmem>>) semaphore(%arg24 : memref<!tpu.dma_semaphore, #tpu.memory_space<semaphore_mem>>)
      } else {
      }
      %mul3A_771 = arith.constant 8 : i32
      %mul3A_772 = arith.muli %scan3A_619, %mul3A_771 : i32
      %add3A_773 = arith.constant 5 : i32
      %add3A_774 = arith.addi %mul3A_772, %add3A_773 : i32
      %dma_wait3A_775 = arith.constant 0 : i32
      %dma_wait3A_776 = arith.constant 0 : i32
      %dma_wait3A_777 = tpu.memref_slice %arg17[%dma_wait3A_775, %dma_wait3A_776] : memref<2x128xi32, #tpu.memory_space<vmem>> -> memref<1x128xi32, #tpu.memory_space<vmem>>
      %dma_wait3A_778 = tpu.memref_squeeze %dma_wait3A_777 : memref<1x128xi32, #tpu.memory_space<vmem>> -> memref<128xi32, #tpu.memory_space<vmem>>
      %dma_wait3A_779 = arith.constant 0 : i32
      %dma_wait3A_780 = arith.constant 0 : i32
      %dma_wait3A_781 = tpu.memref_slice %arg20[%dma_wait3A_779, %dma_wait3A_780] : memref<10000x64xf32, #tpu.memory_space<vmem_shared>> -> memref<10000x64xf32, #tpu.memory_space<vmem_shared>>
      tpu.wait_indirect_dma semaphore(%arg23 : memref<!tpu.dma_semaphore, #tpu.memory_space<semaphore_mem>>) src(%dma_wait3A_781 : memref<10000x64xf32, #tpu.memory_space<vmem_shared>>) dst(%arg9 : memref<128x64xf32, #tpu.memory_space<vmem>>)
      %dma_start3A_782 = arith.constant 1 : i32
      %dma_start3A_783 = arith.constant 0 : i32
      %dma_start3A_784 = tpu.memref_slice %arg17[%dma_start3A_782, %dma_start3A_783] : memref<2x128xi32, #tpu.memory_space<vmem>> -> memref<1x128xi32, #tpu.memory_space<vmem>>
      %dma_start3A_785 = tpu.memref_squeeze %dma_start3A_784 : memref<1x128xi32, #tpu.memory_space<vmem>> -> memref<128xi32, #tpu.memory_space<vmem>>
      %dma_start3A_786 = arith.constant 0 : i32
      %dma_start3A_787 = arith.constant 0 : i32
      %dma_start3A_788 = tpu.memref_slice %arg21[%dma_start3A_786, %dma_start3A_787] : memref<10048x64xf32, #tpu.memory_space<vmem_shared>> -> memref<10048x64xf32, #tpu.memory_space<vmem_shared>>
      tpu.enqueue_indirect_dma source(%arg9 : memref<128x64xf32, #tpu.memory_space<vmem>>) target(%dma_start3A_788 : memref<10048x64xf32, #tpu.memory_space<vmem_shared>>) offsets(%dma_start3A_785 : memref<128xi32, #tpu.memory_space<vmem>>) semaphore(%arg27 : memref<!tpu.dma_semaphore, #tpu.memory_space<semaphore_mem>>) {add = true}
      %eq3A_789 = arith.constant 1 : i32
      %eq3A_790 = arith.cmpi eq, %arg0, %eq3A_789 : i32
      %convert_element_type3A_791 = arith.extui %eq3A_790 : i1 to i32
      %cond3A_792 = arith.constant 0 : i32
      %cond3A_793 = arith.cmpi ne, %convert_element_type3A_791, %cond3A_792 : i32
      scf.if %cond3A_793 {
        %dma_start3A_862 = arith.constant 1 : i32
        %dma_start3A_863 = arith.constant 0 : i32
        %dma_start3A_864 = tpu.memref_slice %arg17[%dma_start3A_862, %dma_start3A_863] : memref<2x128xi32, #tpu.memory_space<vmem>> -> memref<1x128xi32, #tpu.memory_space<vmem>>
        %dma_start3A_865 = tpu.memref_squeeze %dma_start3A_864 : memref<1x128xi32, #tpu.memory_space<vmem>> -> memref<128xi32, #tpu.memory_space<vmem>>
        %dma_start3A_866 = arith.constant 0 : i32
        %dma_start3A_867 = arith.constant 0 : i32
        %dma_start3A_868 = tpu.memref_slice %arg39[%dma_start3A_866, %dma_start3A_867] : memref<10240x8xf32, #tpu.memory_space<vmem_shared>> -> memref<10240x8xf32, #tpu.memory_space<vmem_shared>>
        tpu.enqueue_indirect_dma source(%arg38 : memref<128x8xf32, #tpu.memory_space<vmem>>) target(%dma_start3A_868 : memref<10240x8xf32, #tpu.memory_space<vmem_shared>>) offsets(%dma_start3A_865 : memref<128xi32, #tpu.memory_space<vmem>>) semaphore(%arg41 : memref<!tpu.dma_semaphore, #tpu.memory_space<semaphore_mem>>) {add = true}
      } else {
      }
      %add3A_794 = arith.constant 2 : i32
      %add3A_795 = arith.addi %add3A_774, %add3A_794 : i32
      %lt3A_796 = arith.constant 160 : i32
      %lt3A_797 = arith.cmpi slt, %add3A_795, %lt3A_796 : i32
      %convert_element_type3A_798 = arith.extui %lt3A_797 : i1 to i32
      %cond3A_799 = arith.constant 0 : i32
      %cond3A_800 = arith.cmpi ne, %convert_element_type3A_798, %cond3A_799 : i32
      scf.if %cond3A_800 {
        %dma_wait3A_862 = arith.constant 1 : i32
        %dma_wait3A_863 = arith.constant 0 : i32
        %dma_wait3A_864 = tpu.memref_slice %arg15[%dma_wait3A_862, %dma_wait3A_863] : memref<2x128xi32, #tpu.memory_space<vmem>> -> memref<1x128xi32, #tpu.memory_space<vmem>>
        %dma_wait3A_865 = tpu.memref_squeeze %dma_wait3A_864 : memref<1x128xi32, #tpu.memory_space<vmem>> -> memref<128xi32, #tpu.memory_space<vmem>>
        %dma_wait3A_866 = arith.constant 0 : i32
        %dma_wait3A_867 = arith.constant 0 : i32
        %dma_wait3A_868 = tpu.memref_slice %arg21[%dma_wait3A_866, %dma_wait3A_867] : memref<10048x64xf32, #tpu.memory_space<vmem_shared>> -> memref<10048x64xf32, #tpu.memory_space<vmem_shared>>
        tpu.wait_indirect_dma semaphore(%arg29 : memref<!tpu.dma_semaphore, #tpu.memory_space<semaphore_mem>>) src(%arg11 : memref<128x64xf32, #tpu.memory_space<vmem>>) dst(%dma_wait3A_868 : memref<10048x64xf32, #tpu.memory_space<vmem_shared>>)
        %eq3A_869 = arith.constant 1 : i32
        %eq3A_870 = arith.cmpi eq, %arg0, %eq3A_869 : i32
        %convert_element_type3A_871 = arith.extui %eq3A_870 : i1 to i32
        %cond3A_872 = arith.constant 0 : i32
        %cond3A_873 = arith.cmpi ne, %convert_element_type3A_871, %cond3A_872 : i32
        scf.if %cond3A_873 {
          %dma_wait3A_901 = arith.constant 1 : i32
          %dma_wait3A_902 = arith.constant 0 : i32
          %dma_wait3A_903 = tpu.memref_slice %arg15[%dma_wait3A_901, %dma_wait3A_902] : memref<2x128xi32, #tpu.memory_space<vmem>> -> memref<1x128xi32, #tpu.memory_space<vmem>>
          %dma_wait3A_904 = tpu.memref_squeeze %dma_wait3A_903 : memref<1x128xi32, #tpu.memory_space<vmem>> -> memref<128xi32, #tpu.memory_space<vmem>>
          %dma_wait3A_905 = arith.constant 0 : i32
          %dma_wait3A_906 = arith.constant 0 : i32
          %dma_wait3A_907 = tpu.memref_slice %arg39[%dma_wait3A_905, %dma_wait3A_906] : memref<10240x8xf32, #tpu.memory_space<vmem_shared>> -> memref<10240x8xf32, #tpu.memory_space<vmem_shared>>
          tpu.wait_indirect_dma semaphore(%arg43 : memref<!tpu.dma_semaphore, #tpu.memory_space<semaphore_mem>>) src(%arg38 : memref<128x8xf32, #tpu.memory_space<vmem>>) dst(%dma_wait3A_907 : memref<10240x8xf32, #tpu.memory_space<vmem_shared>>)
        } else {
        }
        %add3A_874 = arith.constant 6 : i32
        %add3A_875 = arith.addi %add3A_774, %add3A_874 : i32
        %lt3A_876 = arith.constant 160 : i32
        %lt3A_877 = arith.cmpi slt, %add3A_875, %lt3A_876 : i32
        %convert_element_type3A_878 = arith.extui %lt3A_877 : i1 to i32
        %cond3A_879 = arith.constant 0 : i32
        %cond3A_880 = arith.cmpi ne, %convert_element_type3A_878, %cond3A_879 : i32
        scf.if %cond3A_880 {
          %add3A_901 = arith.constant 6 : i32
          %add3A_902 = arith.addi %add3A_774, %add3A_901 : i32
          %mul3A_903 = arith.constant 16 : i32
          %mul3A_904 = arith.muli %add3A_902, %mul3A_903 : i32
          %add3A_905 = arith.addi %arg1, %mul3A_904 : i32
          %dma_start3A_906 = arith.constant 0 : i32
          %dma_start3A_907 = arith.constant 0 : i32
          %dma_start3A_908 = tpu.memref_slice %arg3[%add3A_905, %dma_start3A_906, %dma_start3A_907] : memref<2560x2x128xi32, #tpu.memory_space<hbm>> -> memref<1x2x128xi32, #tpu.memory_space<hbm>>
          %dma_start3A_909 = tpu.memref_squeeze %dma_start3A_908 : memref<1x2x128xi32, #tpu.memory_space<hbm>> -> memref<2x128xi32, #tpu.memory_space<hbm>>
          %dma_start3A_910 = arith.constant 0 : i32
          %dma_start3A_911 = arith.constant 0 : i32
          %dma_start3A_912 = tpu.memref_slice %arg3[%add3A_905, %dma_start3A_910, %dma_start3A_911] : memref<2560x2x128xi32, #tpu.memory_space<hbm>> -> memref<1x2x128xi32, #tpu.memory_space<hbm>>
          %dma_start3A_913 = tpu.memref_squeeze %dma_start3A_912 : memref<1x2x128xi32, #tpu.memory_space<hbm>> -> memref<2x128xi32, #tpu.memory_space<hbm>>
          tpu.enqueue_dma source(%dma_start3A_913 : memref<2x128xi32, #tpu.memory_space<hbm>>) target(%arg15 : memref<2x128xi32, #tpu.memory_space<vmem>>) target_semaphore(%arg33 : memref<!tpu.dma_semaphore, #tpu.memory_space<semaphore_mem>>)
        } else {
        }
        %add3A_881 = arith.constant 2 : i32
        %add3A_882 = arith.addi %add3A_774, %add3A_881 : i32
        %mul3A_883 = arith.constant 16 : i32
        %mul3A_884 = arith.muli %add3A_882, %mul3A_883 : i32
        %add3A_885 = arith.addi %arg1, %mul3A_884 : i32
        %dma_wait3A_886 = arith.constant 0 : i32
        %dma_wait3A_887 = arith.constant 0 : i32
        %dma_wait3A_888 = tpu.memref_slice %arg3[%add3A_885, %dma_wait3A_886, %dma_wait3A_887] : memref<2560x2x128xi32, #tpu.memory_space<hbm>> -> memref<1x2x128xi32, #tpu.memory_space<hbm>>
        %dma_wait3A_889 = tpu.memref_squeeze %dma_wait3A_888 : memref<1x2x128xi32, #tpu.memory_space<hbm>> -> memref<2x128xi32, #tpu.memory_space<hbm>>
        %dma_wait3A_890 = arith.constant 0 : i32
        %dma_wait3A_891 = arith.constant 0 : i32
        %dma_wait3A_892 = tpu.memref_slice %arg3[%add3A_885, %dma_wait3A_890, %dma_wait3A_891] : memref<2560x2x128xi32, #tpu.memory_space<hbm>> -> memref<1x2x128xi32, #tpu.memory_space<hbm>>
        %dma_wait3A_893 = tpu.memref_squeeze %dma_wait3A_892 : memref<1x2x128xi32, #tpu.memory_space<hbm>> -> memref<2x128xi32, #tpu.memory_space<hbm>>
        tpu.wait_dma2 semaphore(%arg37 : memref<!tpu.dma_semaphore, #tpu.memory_space<semaphore_mem>>) src(%dma_wait3A_893 : memref<2x128xi32, #tpu.memory_space<hbm>>) dst(%arg19 : memref<2x128xi32, #tpu.memory_space<vmem>>)
        %dma_start3A_894 = arith.constant 0 : i32
        %dma_start3A_895 = arith.constant 0 : i32
        %dma_start3A_896 = tpu.memref_slice %arg19[%dma_start3A_894, %dma_start3A_895] : memref<2x128xi32, #tpu.memory_space<vmem>> -> memref<1x128xi32, #tpu.memory_space<vmem>>
        %dma_start3A_897 = tpu.memref_squeeze %dma_start3A_896 : memref<1x128xi32, #tpu.memory_space<vmem>> -> memref<128xi32, #tpu.memory_space<vmem>>
        %dma_start3A_898 = arith.constant 0 : i32
        %dma_start3A_899 = arith.constant 0 : i32
        %dma_start3A_900 = tpu.memref_slice %arg20[%dma_start3A_898, %dma_start3A_899] : memref<10000x64xf32, #tpu.memory_space<vmem_shared>> -> memref<10000x64xf32, #tpu.memory_space<vmem_shared>>
        tpu.enqueue_indirect_dma source(%dma_start3A_900 : memref<10000x64xf32, #tpu.memory_space<vmem_shared>>) target(%arg11 : memref<128x64xf32, #tpu.memory_space<vmem>>) offsets(%dma_start3A_897 : memref<128xi32, #tpu.memory_space<vmem>>) semaphore(%arg25 : memref<!tpu.dma_semaphore, #tpu.memory_space<semaphore_mem>>)
      } else {
      }
      %mul3A_801 = arith.constant 8 : i32
      %mul3A_802 = arith.muli %scan3A_619, %mul3A_801 : i32
      %add3A_803 = arith.constant 6 : i32
      %add3A_804 = arith.addi %mul3A_802, %add3A_803 : i32
      %dma_wait3A_805 = arith.constant 0 : i32
      %dma_wait3A_806 = arith.constant 0 : i32
      %dma_wait3A_807 = tpu.memref_slice %arg18[%dma_wait3A_805, %dma_wait3A_806] : memref<2x128xi32, #tpu.memory_space<vmem>> -> memref<1x128xi32, #tpu.memory_space<vmem>>
      %dma_wait3A_808 = tpu.memref_squeeze %dma_wait3A_807 : memref<1x128xi32, #tpu.memory_space<vmem>> -> memref<128xi32, #tpu.memory_space<vmem>>
      %dma_wait3A_809 = arith.constant 0 : i32
      %dma_wait3A_810 = arith.constant 0 : i32
      %dma_wait3A_811 = tpu.memref_slice %arg20[%dma_wait3A_809, %dma_wait3A_810] : memref<10000x64xf32, #tpu.memory_space<vmem_shared>> -> memref<10000x64xf32, #tpu.memory_space<vmem_shared>>
      tpu.wait_indirect_dma semaphore(%arg24 : memref<!tpu.dma_semaphore, #tpu.memory_space<semaphore_mem>>) src(%dma_wait3A_811 : memref<10000x64xf32, #tpu.memory_space<vmem_shared>>) dst(%arg10 : memref<128x64xf32, #tpu.memory_space<vmem>>)
      %dma_start3A_812 = arith.constant 1 : i32
      %dma_start3A_813 = arith.constant 0 : i32
      %dma_start3A_814 = tpu.memref_slice %arg18[%dma_start3A_812, %dma_start3A_813] : memref<2x128xi32, #tpu.memory_space<vmem>> -> memref<1x128xi32, #tpu.memory_space<vmem>>
      %dma_start3A_815 = tpu.memref_squeeze %dma_start3A_814 : memref<1x128xi32, #tpu.memory_space<vmem>> -> memref<128xi32, #tpu.memory_space<vmem>>
      %dma_start3A_816 = arith.constant 0 : i32
      %dma_start3A_817 = arith.constant 0 : i32
      %dma_start3A_818 = tpu.memref_slice %arg21[%dma_start3A_816, %dma_start3A_817] : memref<10048x64xf32, #tpu.memory_space<vmem_shared>> -> memref<10048x64xf32, #tpu.memory_space<vmem_shared>>
      tpu.enqueue_indirect_dma source(%arg10 : memref<128x64xf32, #tpu.memory_space<vmem>>) target(%dma_start3A_818 : memref<10048x64xf32, #tpu.memory_space<vmem_shared>>) offsets(%dma_start3A_815 : memref<128xi32, #tpu.memory_space<vmem>>) semaphore(%arg28 : memref<!tpu.dma_semaphore, #tpu.memory_space<semaphore_mem>>) {add = true}
      %eq3A_819 = arith.constant 0 : i32
      %eq3A_820 = arith.cmpi eq, %arg0, %eq3A_819 : i32
      %convert_element_type3A_821 = arith.extui %eq3A_820 : i1 to i32
      %cond3A_822 = arith.constant 0 : i32
      %cond3A_823 = arith.cmpi ne, %convert_element_type3A_821, %cond3A_822 : i32
      scf.if %cond3A_823 {
        %dma_start3A_862 = arith.constant 1 : i32
        %dma_start3A_863 = arith.constant 0 : i32
        %dma_start3A_864 = tpu.memref_slice %arg18[%dma_start3A_862, %dma_start3A_863] : memref<2x128xi32, #tpu.memory_space<vmem>> -> memref<1x128xi32, #tpu.memory_space<vmem>>
        %dma_start3A_865 = tpu.memref_squeeze %dma_start3A_864 : memref<1x128xi32, #tpu.memory_space<vmem>> -> memref<128xi32, #tpu.memory_space<vmem>>
        %dma_start3A_866 = arith.constant 0 : i32
        %dma_start3A_867 = arith.constant 0 : i32
        %dma_start3A_868 = tpu.memref_slice %arg39[%dma_start3A_866, %dma_start3A_867] : memref<10240x8xf32, #tpu.memory_space<vmem_shared>> -> memref<10240x8xf32, #tpu.memory_space<vmem_shared>>
        tpu.enqueue_indirect_dma source(%arg38 : memref<128x8xf32, #tpu.memory_space<vmem>>) target(%dma_start3A_868 : memref<10240x8xf32, #tpu.memory_space<vmem_shared>>) offsets(%dma_start3A_865 : memref<128xi32, #tpu.memory_space<vmem>>) semaphore(%arg42 : memref<!tpu.dma_semaphore, #tpu.memory_space<semaphore_mem>>) {add = true}
      } else {
      }
      %add3A_824 = arith.constant 2 : i32
      %add3A_825 = arith.addi %add3A_804, %add3A_824 : i32
      %lt3A_826 = arith.constant 160 : i32
      %lt3A_827 = arith.cmpi slt, %add3A_825, %lt3A_826 : i32
      %convert_element_type3A_828 = arith.extui %lt3A_827 : i1 to i32
      %cond3A_829 = arith.constant 0 : i32
      %cond3A_830 = arith.cmpi ne, %convert_element_type3A_828, %cond3A_829 : i32
      scf.if %cond3A_830 {
        %dma_wait3A_862 = arith.constant 1 : i32
        %dma_wait3A_863 = arith.constant 0 : i32
        %dma_wait3A_864 = tpu.memref_slice %arg16[%dma_wait3A_862, %dma_wait3A_863] : memref<2x128xi32, #tpu.memory_space<vmem>> -> memref<1x128xi32, #tpu.memory_space<vmem>>
        %dma_wait3A_865 = tpu.memref_squeeze %dma_wait3A_864 : memref<1x128xi32, #tpu.memory_space<vmem>> -> memref<128xi32, #tpu.memory_space<vmem>>
        %dma_wait3A_866 = arith.constant 0 : i32
        %dma_wait3A_867 = arith.constant 0 : i32
        %dma_wait3A_868 = tpu.memref_slice %arg21[%dma_wait3A_866, %dma_wait3A_867] : memref<10048x64xf32, #tpu.memory_space<vmem_shared>> -> memref<10048x64xf32, #tpu.memory_space<vmem_shared>>
        tpu.wait_indirect_dma semaphore(%arg26 : memref<!tpu.dma_semaphore, #tpu.memory_space<semaphore_mem>>) src(%arg8 : memref<128x64xf32, #tpu.memory_space<vmem>>) dst(%dma_wait3A_868 : memref<10048x64xf32, #tpu.memory_space<vmem_shared>>)
        %eq3A_869 = arith.constant 0 : i32
        %eq3A_870 = arith.cmpi eq, %arg0, %eq3A_869 : i32
        %convert_element_type3A_871 = arith.extui %eq3A_870 : i1 to i32
        %cond3A_872 = arith.constant 0 : i32
        %cond3A_873 = arith.cmpi ne, %convert_element_type3A_871, %cond3A_872 : i32
        scf.if %cond3A_873 {
          %dma_wait3A_901 = arith.constant 1 : i32
          %dma_wait3A_902 = arith.constant 0 : i32
          %dma_wait3A_903 = tpu.memref_slice %arg16[%dma_wait3A_901, %dma_wait3A_902] : memref<2x128xi32, #tpu.memory_space<vmem>> -> memref<1x128xi32, #tpu.memory_space<vmem>>
          %dma_wait3A_904 = tpu.memref_squeeze %dma_wait3A_903 : memref<1x128xi32, #tpu.memory_space<vmem>> -> memref<128xi32, #tpu.memory_space<vmem>>
          %dma_wait3A_905 = arith.constant 0 : i32
          %dma_wait3A_906 = arith.constant 0 : i32
          %dma_wait3A_907 = tpu.memref_slice %arg39[%dma_wait3A_905, %dma_wait3A_906] : memref<10240x8xf32, #tpu.memory_space<vmem_shared>> -> memref<10240x8xf32, #tpu.memory_space<vmem_shared>>
          tpu.wait_indirect_dma semaphore(%arg40 : memref<!tpu.dma_semaphore, #tpu.memory_space<semaphore_mem>>) src(%arg38 : memref<128x8xf32, #tpu.memory_space<vmem>>) dst(%dma_wait3A_907 : memref<10240x8xf32, #tpu.memory_space<vmem_shared>>)
        } else {
        }
        %add3A_874 = arith.constant 6 : i32
        %add3A_875 = arith.addi %add3A_804, %add3A_874 : i32
        %lt3A_876 = arith.constant 160 : i32
        %lt3A_877 = arith.cmpi slt, %add3A_875, %lt3A_876 : i32
        %convert_element_type3A_878 = arith.extui %lt3A_877 : i1 to i32
        %cond3A_879 = arith.constant 0 : i32
        %cond3A_880 = arith.cmpi ne, %convert_element_type3A_878, %cond3A_879 : i32
        scf.if %cond3A_880 {
          %add3A_901 = arith.constant 6 : i32
          %add3A_902 = arith.addi %add3A_804, %add3A_901 : i32
          %mul3A_903 = arith.constant 16 : i32
          %mul3A_904 = arith.muli %add3A_902, %mul3A_903 : i32
          %add3A_905 = arith.addi %arg1, %mul3A_904 : i32
          %dma_start3A_906 = arith.constant 0 : i32
          %dma_start3A_907 = arith.constant 0 : i32
          %dma_start3A_908 = tpu.memref_slice %arg3[%add3A_905, %dma_start3A_906, %dma_start3A_907] : memref<2560x2x128xi32, #tpu.memory_space<hbm>> -> memref<1x2x128xi32, #tpu.memory_space<hbm>>
          %dma_start3A_909 = tpu.memref_squeeze %dma_start3A_908 : memref<1x2x128xi32, #tpu.memory_space<hbm>> -> memref<2x128xi32, #tpu.memory_space<hbm>>
          %dma_start3A_910 = arith.constant 0 : i32
          %dma_start3A_911 = arith.constant 0 : i32
          %dma_start3A_912 = tpu.memref_slice %arg3[%add3A_905, %dma_start3A_910, %dma_start3A_911] : memref<2560x2x128xi32, #tpu.memory_space<hbm>> -> memref<1x2x128xi32, #tpu.memory_space<hbm>>
          %dma_start3A_913 = tpu.memref_squeeze %dma_start3A_912 : memref<1x2x128xi32, #tpu.memory_space<hbm>> -> memref<2x128xi32, #tpu.memory_space<hbm>>
          tpu.enqueue_dma source(%dma_start3A_913 : memref<2x128xi32, #tpu.memory_space<hbm>>) target(%arg16 : memref<2x128xi32, #tpu.memory_space<vmem>>) target_semaphore(%arg34 : memref<!tpu.dma_semaphore, #tpu.memory_space<semaphore_mem>>)
        } else {
        }
        %add3A_881 = arith.constant 2 : i32
        %add3A_882 = arith.addi %add3A_804, %add3A_881 : i32
        %mul3A_883 = arith.constant 16 : i32
        %mul3A_884 = arith.muli %add3A_882, %mul3A_883 : i32
        %add3A_885 = arith.addi %arg1, %mul3A_884 : i32
        %dma_wait3A_886 = arith.constant 0 : i32
        %dma_wait3A_887 = arith.constant 0 : i32
        %dma_wait3A_888 = tpu.memref_slice %arg3[%add3A_885, %dma_wait3A_886, %dma_wait3A_887] : memref<2560x2x128xi32, #tpu.memory_space<hbm>> -> memref<1x2x128xi32, #tpu.memory_space<hbm>>
        %dma_wait3A_889 = tpu.memref_squeeze %dma_wait3A_888 : memref<1x2x128xi32, #tpu.memory_space<hbm>> -> memref<2x128xi32, #tpu.memory_space<hbm>>
        %dma_wait3A_890 = arith.constant 0 : i32
        %dma_wait3A_891 = arith.constant 0 : i32
        %dma_wait3A_892 = tpu.memref_slice %arg3[%add3A_885, %dma_wait3A_890, %dma_wait3A_891] : memref<2560x2x128xi32, #tpu.memory_space<hbm>> -> memref<1x2x128xi32, #tpu.memory_space<hbm>>
        %dma_wait3A_893 = tpu.memref_squeeze %dma_wait3A_892 : memref<1x2x128xi32, #tpu.memory_space<hbm>> -> memref<2x128xi32, #tpu.memory_space<hbm>>
        tpu.wait_dma2 semaphore(%arg30 : memref<!tpu.dma_semaphore, #tpu.memory_space<semaphore_mem>>) src(%dma_wait3A_893 : memref<2x128xi32, #tpu.memory_space<hbm>>) dst(%arg12 : memref<2x128xi32, #tpu.memory_space<vmem>>)
        %dma_start3A_894 = arith.constant 0 : i32
        %dma_start3A_895 = arith.constant 0 : i32
        %dma_start3A_896 = tpu.memref_slice %arg12[%dma_start3A_894, %dma_start3A_895] : memref<2x128xi32, #tpu.memory_space<vmem>> -> memref<1x128xi32, #tpu.memory_space<vmem>>
        %dma_start3A_897 = tpu.memref_squeeze %dma_start3A_896 : memref<1x128xi32, #tpu.memory_space<vmem>> -> memref<128xi32, #tpu.memory_space<vmem>>
        %dma_start3A_898 = arith.constant 0 : i32
        %dma_start3A_899 = arith.constant 0 : i32
        %dma_start3A_900 = tpu.memref_slice %arg20[%dma_start3A_898, %dma_start3A_899] : memref<10000x64xf32, #tpu.memory_space<vmem_shared>> -> memref<10000x64xf32, #tpu.memory_space<vmem_shared>>
        tpu.enqueue_indirect_dma source(%dma_start3A_900 : memref<10000x64xf32, #tpu.memory_space<vmem_shared>>) target(%arg8 : memref<128x64xf32, #tpu.memory_space<vmem>>) offsets(%dma_start3A_897 : memref<128xi32, #tpu.memory_space<vmem>>) semaphore(%arg22 : memref<!tpu.dma_semaphore, #tpu.memory_space<semaphore_mem>>)
      } else {
      }
      %mul3A_831 = arith.constant 8 : i32
      %mul3A_832 = arith.muli %scan3A_619, %mul3A_831 : i32
      %add3A_833 = arith.constant 7 : i32
      %add3A_834 = arith.addi %mul3A_832, %add3A_833 : i32
      %dma_wait3A_835 = arith.constant 0 : i32
      %dma_wait3A_836 = arith.constant 0 : i32
      %dma_wait3A_837 = tpu.memref_slice %arg19[%dma_wait3A_835, %dma_wait3A_836] : memref<2x128xi32, #tpu.memory_space<vmem>> -> memref<1x128xi32, #tpu.memory_space<vmem>>
      %dma_wait3A_838 = tpu.memref_squeeze %dma_wait3A_837 : memref<1x128xi32, #tpu.memory_space<vmem>> -> memref<128xi32, #tpu.memory_space<vmem>>
      %dma_wait3A_839 = arith.constant 0 : i32
      %dma_wait3A_840 = arith.constant 0 : i32
      %dma_wait3A_841 = tpu.memref_slice %arg20[%dma_wait3A_839, %dma_wait3A_840] : memref<10000x64xf32, #tpu.memory_space<vmem_shared>> -> memref<10000x64xf32, #tpu.memory_space<vmem_shared>>
      tpu.wait_indirect_dma semaphore(%arg25 : memref<!tpu.dma_semaphore, #tpu.memory_space<semaphore_mem>>) src(%dma_wait3A_841 : memref<10000x64xf32, #tpu.memory_space<vmem_shared>>) dst(%arg11 : memref<128x64xf32, #tpu.memory_space<vmem>>)
      %dma_start3A_842 = arith.constant 1 : i32
      %dma_start3A_843 = arith.constant 0 : i32
      %dma_start3A_844 = tpu.memref_slice %arg19[%dma_start3A_842, %dma_start3A_843] : memref<2x128xi32, #tpu.memory_space<vmem>> -> memref<1x128xi32, #tpu.memory_space<vmem>>
      %dma_start3A_845 = tpu.memref_squeeze %dma_start3A_844 : memref<1x128xi32, #tpu.memory_space<vmem>> -> memref<128xi32, #tpu.memory_space<vmem>>
      %dma_start3A_846 = arith.constant 0 : i32
      %dma_start3A_847 = arith.constant 0 : i32
      %dma_start3A_848 = tpu.memref_slice %arg21[%dma_start3A_846, %dma_start3A_847] : memref<10048x64xf32, #tpu.memory_space<vmem_shared>> -> memref<10048x64xf32, #tpu.memory_space<vmem_shared>>
      tpu.enqueue_indirect_dma source(%arg11 : memref<128x64xf32, #tpu.memory_space<vmem>>) target(%dma_start3A_848 : memref<10048x64xf32, #tpu.memory_space<vmem_shared>>) offsets(%dma_start3A_845 : memref<128xi32, #tpu.memory_space<vmem>>) semaphore(%arg29 : memref<!tpu.dma_semaphore, #tpu.memory_space<semaphore_mem>>) {add = true}
      %eq3A_849 = arith.constant 1 : i32
      %eq3A_850 = arith.cmpi eq, %arg0, %eq3A_849 : i32
      %convert_element_type3A_851 = arith.extui %eq3A_850 : i1 to i32
      %cond3A_852 = arith.constant 0 : i32
      %cond3A_853 = arith.cmpi ne, %convert_element_type3A_851, %cond3A_852 : i32
      scf.if %cond3A_853 {
        %dma_start3A_862 = arith.constant 1 : i32
        %dma_start3A_863 = arith.constant 0 : i32
        %dma_start3A_864 = tpu.memref_slice %arg19[%dma_start3A_862, %dma_start3A_863] : memref<2x128xi32, #tpu.memory_space<vmem>> -> memref<1x128xi32, #tpu.memory_space<vmem>>
        %dma_start3A_865 = tpu.memref_squeeze %dma_start3A_864 : memref<1x128xi32, #tpu.memory_space<vmem>> -> memref<128xi32, #tpu.memory_space<vmem>>
        %dma_start3A_866 = arith.constant 0 : i32
        %dma_start3A_867 = arith.constant 0 : i32
        %dma_start3A_868 = tpu.memref_slice %arg39[%dma_start3A_866, %dma_start3A_867] : memref<10240x8xf32, #tpu.memory_space<vmem_shared>> -> memref<10240x8xf32, #tpu.memory_space<vmem_shared>>
        tpu.enqueue_indirect_dma source(%arg38 : memref<128x8xf32, #tpu.memory_space<vmem>>) target(%dma_start3A_868 : memref<10240x8xf32, #tpu.memory_space<vmem_shared>>) offsets(%dma_start3A_865 : memref<128xi32, #tpu.memory_space<vmem>>) semaphore(%arg43 : memref<!tpu.dma_semaphore, #tpu.memory_space<semaphore_mem>>) {add = true}
      } else {
      }
      %add3A_854 = arith.constant 2 : i32
      %add3A_855 = arith.addi %add3A_834, %add3A_854 : i32
      %lt3A_856 = arith.constant 160 : i32
      %lt3A_857 = arith.cmpi slt, %add3A_855, %lt3A_856 : i32
      %convert_element_type3A_858 = arith.extui %lt3A_857 : i1 to i32
      %cond3A_859 = arith.constant 0 : i32
      %cond3A_860 = arith.cmpi ne, %convert_element_type3A_858, %cond3A_859 : i32
      scf.if %cond3A_860 {
        %dma_wait3A_862 = arith.constant 1 : i32
        %dma_wait3A_863 = arith.constant 0 : i32
        %dma_wait3A_864 = tpu.memref_slice %arg17[%dma_wait3A_862, %dma_wait3A_863] : memref<2x128xi32, #tpu.memory_space<vmem>> -> memref<1x128xi32, #tpu.memory_space<vmem>>
        %dma_wait3A_865 = tpu.memref_squeeze %dma_wait3A_864 : memref<1x128xi32, #tpu.memory_space<vmem>> -> memref<128xi32, #tpu.memory_space<vmem>>
        %dma_wait3A_866 = arith.constant 0 : i32
        %dma_wait3A_867 = arith.constant 0 : i32
        %dma_wait3A_868 = tpu.memref_slice %arg21[%dma_wait3A_866, %dma_wait3A_867] : memref<10048x64xf32, #tpu.memory_space<vmem_shared>> -> memref<10048x64xf32, #tpu.memory_space<vmem_shared>>
        tpu.wait_indirect_dma semaphore(%arg27 : memref<!tpu.dma_semaphore, #tpu.memory_space<semaphore_mem>>) src(%arg9 : memref<128x64xf32, #tpu.memory_space<vmem>>) dst(%dma_wait3A_868 : memref<10048x64xf32, #tpu.memory_space<vmem_shared>>)
        %eq3A_869 = arith.constant 1 : i32
        %eq3A_870 = arith.cmpi eq, %arg0, %eq3A_869 : i32
        %convert_element_type3A_871 = arith.extui %eq3A_870 : i1 to i32
        %cond3A_872 = arith.constant 0 : i32
        %cond3A_873 = arith.cmpi ne, %convert_element_type3A_871, %cond3A_872 : i32
        scf.if %cond3A_873 {
          %dma_wait3A_901 = arith.constant 1 : i32
          %dma_wait3A_902 = arith.constant 0 : i32
          %dma_wait3A_903 = tpu.memref_slice %arg17[%dma_wait3A_901, %dma_wait3A_902] : memref<2x128xi32, #tpu.memory_space<vmem>> -> memref<1x128xi32, #tpu.memory_space<vmem>>
          %dma_wait3A_904 = tpu.memref_squeeze %dma_wait3A_903 : memref<1x128xi32, #tpu.memory_space<vmem>> -> memref<128xi32, #tpu.memory_space<vmem>>
          %dma_wait3A_905 = arith.constant 0 : i32
          %dma_wait3A_906 = arith.constant 0 : i32
          %dma_wait3A_907 = tpu.memref_slice %arg39[%dma_wait3A_905, %dma_wait3A_906] : memref<10240x8xf32, #tpu.memory_space<vmem_shared>> -> memref<10240x8xf32, #tpu.memory_space<vmem_shared>>
          tpu.wait_indirect_dma semaphore(%arg41 : memref<!tpu.dma_semaphore, #tpu.memory_space<semaphore_mem>>) src(%arg38 : memref<128x8xf32, #tpu.memory_space<vmem>>) dst(%dma_wait3A_907 : memref<10240x8xf32, #tpu.memory_space<vmem_shared>>)
        } else {
        }
        %add3A_874 = arith.constant 6 : i32
        %add3A_875 = arith.addi %add3A_834, %add3A_874 : i32
        %lt3A_876 = arith.constant 160 : i32
        %lt3A_877 = arith.cmpi slt, %add3A_875, %lt3A_876 : i32
        %convert_element_type3A_878 = arith.extui %lt3A_877 : i1 to i32
        %cond3A_879 = arith.constant 0 : i32
        %cond3A_880 = arith.cmpi ne, %convert_element_type3A_878, %cond3A_879 : i32
        scf.if %cond3A_880 {
          %add3A_901 = arith.constant 6 : i32
          %add3A_902 = arith.addi %add3A_834, %add3A_901 : i32
          %mul3A_903 = arith.constant 16 : i32
          %mul3A_904 = arith.muli %add3A_902, %mul3A_903 : i32
          %add3A_905 = arith.addi %arg1, %mul3A_904 : i32
          %dma_start3A_906 = arith.constant 0 : i32
          %dma_start3A_907 = arith.constant 0 : i32
          %dma_start3A_908 = tpu.memref_slice %arg3[%add3A_905, %dma_start3A_906, %dma_start3A_907] : memref<2560x2x128xi32, #tpu.memory_space<hbm>> -> memref<1x2x128xi32, #tpu.memory_space<hbm>>
          %dma_start3A_909 = tpu.memref_squeeze %dma_start3A_908 : memref<1x2x128xi32, #tpu.memory_space<hbm>> -> memref<2x128xi32, #tpu.memory_space<hbm>>
          %dma_start3A_910 = arith.constant 0 : i32
          %dma_start3A_911 = arith.constant 0 : i32
          %dma_start3A_912 = tpu.memref_slice %arg3[%add3A_905, %dma_start3A_910, %dma_start3A_911] : memref<2560x2x128xi32, #tpu.memory_space<hbm>> -> memref<1x2x128xi32, #tpu.memory_space<hbm>>
          %dma_start3A_913 = tpu.memref_squeeze %dma_start3A_912 : memref<1x2x128xi32, #tpu.memory_space<hbm>> -> memref<2x128xi32, #tpu.memory_space<hbm>>
          tpu.enqueue_dma source(%dma_start3A_913 : memref<2x128xi32, #tpu.memory_space<hbm>>) target(%arg17 : memref<2x128xi32, #tpu.memory_space<vmem>>) target_semaphore(%arg35 : memref<!tpu.dma_semaphore, #tpu.memory_space<semaphore_mem>>)
        } else {
        }
        %add3A_881 = arith.constant 2 : i32
        %add3A_882 = arith.addi %add3A_834, %add3A_881 : i32
        %mul3A_883 = arith.constant 16 : i32
        %mul3A_884 = arith.muli %add3A_882, %mul3A_883 : i32
        %add3A_885 = arith.addi %arg1, %mul3A_884 : i32
        %dma_wait3A_886 = arith.constant 0 : i32
        %dma_wait3A_887 = arith.constant 0 : i32
        %dma_wait3A_888 = tpu.memref_slice %arg3[%add3A_885, %dma_wait3A_886, %dma_wait3A_887] : memref<2560x2x128xi32, #tpu.memory_space<hbm>> -> memref<1x2x128xi32, #tpu.memory_space<hbm>>
        %dma_wait3A_889 = tpu.memref_squeeze %dma_wait3A_888 : memref<1x2x128xi32, #tpu.memory_space<hbm>> -> memref<2x128xi32, #tpu.memory_space<hbm>>
        %dma_wait3A_890 = arith.constant 0 : i32
        %dma_wait3A_891 = arith.constant 0 : i32
        %dma_wait3A_892 = tpu.memref_slice %arg3[%add3A_885, %dma_wait3A_890, %dma_wait3A_891] : memref<2560x2x128xi32, #tpu.memory_space<hbm>> -> memref<1x2x128xi32, #tpu.memory_space<hbm>>
        %dma_wait3A_893 = tpu.memref_squeeze %dma_wait3A_892 : memref<1x2x128xi32, #tpu.memory_space<hbm>> -> memref<2x128xi32, #tpu.memory_space<hbm>>
        tpu.wait_dma2 semaphore(%arg31 : memref<!tpu.dma_semaphore, #tpu.memory_space<semaphore_mem>>) src(%dma_wait3A_893 : memref<2x128xi32, #tpu.memory_space<hbm>>) dst(%arg13 : memref<2x128xi32, #tpu.memory_space<vmem>>)
        %dma_start3A_894 = arith.constant 0 : i32
        %dma_start3A_895 = arith.constant 0 : i32
        %dma_start3A_896 = tpu.memref_slice %arg13[%dma_start3A_894, %dma_start3A_895] : memref<2x128xi32, #tpu.memory_space<vmem>> -> memref<1x128xi32, #tpu.memory_space<vmem>>
        %dma_start3A_897 = tpu.memref_squeeze %dma_start3A_896 : memref<1x128xi32, #tpu.memory_space<vmem>> -> memref<128xi32, #tpu.memory_space<vmem>>
        %dma_start3A_898 = arith.constant 0 : i32
        %dma_start3A_899 = arith.constant 0 : i32
        %dma_start3A_900 = tpu.memref_slice %arg20[%dma_start3A_898, %dma_start3A_899] : memref<10000x64xf32, #tpu.memory_space<vmem_shared>> -> memref<10000x64xf32, #tpu.memory_space<vmem_shared>>
        tpu.enqueue_indirect_dma source(%dma_start3A_900 : memref<10000x64xf32, #tpu.memory_space<vmem_shared>>) target(%arg9 : memref<128x64xf32, #tpu.memory_space<vmem>>) offsets(%dma_start3A_897 : memref<128xi32, #tpu.memory_space<vmem>>) semaphore(%arg23 : memref<!tpu.dma_semaphore, #tpu.memory_space<semaphore_mem>>)
      } else {
      }
      %scan3A_861 = arith.constant 0 : i32
      scf.yield %scan3A_861 : i32
    }
    %scan3A_557 = arith.constant 19 : i32
    %dma_wait3A_558 = arith.constant 1 : i32
    %dma_wait3A_559 = arith.constant 0 : i32
    %dma_wait3A_560 = tpu.memref_slice %arg16[%dma_wait3A_558, %dma_wait3A_559] : memref<2x128xi32, #tpu.memory_space<vmem>> -> memref<1x128xi32, #tpu.memory_space<vmem>>
    %dma_wait3A_561 = tpu.memref_squeeze %dma_wait3A_560 : memref<1x128xi32, #tpu.memory_space<vmem>> -> memref<128xi32, #tpu.memory_space<vmem>>
    %dma_wait3A_562 = arith.constant 0 : i32
    %dma_wait3A_563 = arith.constant 0 : i32
    %dma_wait3A_564 = tpu.memref_slice %arg21[%dma_wait3A_562, %dma_wait3A_563] : memref<10048x64xf32, #tpu.memory_space<vmem_shared>> -> memref<10048x64xf32, #tpu.memory_space<vmem_shared>>
    tpu.wait_indirect_dma semaphore(%arg26 : memref<!tpu.dma_semaphore, #tpu.memory_space<semaphore_mem>>) src(%arg8 : memref<128x64xf32, #tpu.memory_space<vmem>>) dst(%dma_wait3A_564 : memref<10048x64xf32, #tpu.memory_space<vmem_shared>>)
    %eq3A_565 = arith.constant 0 : i32
    %eq3A_566 = arith.cmpi eq, %arg0, %eq3A_565 : i32
    %convert_element_type3A_567 = arith.extui %eq3A_566 : i1 to i32
    %cond3A_568 = arith.constant 0 : i32
    %cond3A_569 = arith.cmpi ne, %convert_element_type3A_567, %cond3A_568 : i32
    scf.if %cond3A_569 {
      %dma_wait3A_619 = arith.constant 1 : i32
      %dma_wait3A_620 = arith.constant 0 : i32
      %dma_wait3A_621 = tpu.memref_slice %arg16[%dma_wait3A_619, %dma_wait3A_620] : memref<2x128xi32, #tpu.memory_space<vmem>> -> memref<1x128xi32, #tpu.memory_space<vmem>>
      %dma_wait3A_622 = tpu.memref_squeeze %dma_wait3A_621 : memref<1x128xi32, #tpu.memory_space<vmem>> -> memref<128xi32, #tpu.memory_space<vmem>>
      %dma_wait3A_623 = arith.constant 0 : i32
      %dma_wait3A_624 = arith.constant 0 : i32
      %dma_wait3A_625 = tpu.memref_slice %arg39[%dma_wait3A_623, %dma_wait3A_624] : memref<10240x8xf32, #tpu.memory_space<vmem_shared>> -> memref<10240x8xf32, #tpu.memory_space<vmem_shared>>
      tpu.wait_indirect_dma semaphore(%arg40 : memref<!tpu.dma_semaphore, #tpu.memory_space<semaphore_mem>>) src(%arg38 : memref<128x8xf32, #tpu.memory_space<vmem>>) dst(%dma_wait3A_625 : memref<10240x8xf32, #tpu.memory_space<vmem_shared>>)
    } else {
    }
    %dma_wait3A_570 = arith.constant 1 : i32
    %dma_wait3A_571 = arith.constant 0 : i32
    %dma_wait3A_572 = tpu.memref_slice %arg17[%dma_wait3A_570, %dma_wait3A_571] : memref<2x128xi32, #tpu.memory_space<vmem>> -> memref<1x128xi32, #tpu.memory_space<vmem>>
    %dma_wait3A_573 = tpu.memref_squeeze %dma_wait3A_572 : memref<1x128xi32, #tpu.memory_space<vmem>> -> memref<128xi32, #tpu.memory_space<vmem>>
    %dma_wait3A_574 = arith.constant 0 : i32
    %dma_wait3A_575 = arith.constant 0 : i32
    %dma_wait3A_576 = tpu.memref_slice %arg21[%dma_wait3A_574, %dma_wait3A_575] : memref<10048x64xf32, #tpu.memory_space<vmem_shared>> -> memref<10048x64xf32, #tpu.memory_space<vmem_shared>>
    tpu.wait_indirect_dma semaphore(%arg27 : memref<!tpu.dma_semaphore, #tpu.memory_space<semaphore_mem>>) src(%arg9 : memref<128x64xf32, #tpu.memory_space<vmem>>) dst(%dma_wait3A_576 : memref<10048x64xf32, #tpu.memory_space<vmem_shared>>)
    %eq3A_577 = arith.constant 1 : i32
    %eq3A_578 = arith.cmpi eq, %arg0, %eq3A_577 : i32
    %convert_element_type3A_579 = arith.extui %eq3A_578 : i1 to i32
    %cond3A_580 = arith.constant 0 : i32
    %cond3A_581 = arith.cmpi ne, %convert_element_type3A_579, %cond3A_580 : i32
    scf.if %cond3A_581 {
      %dma_wait3A_619 = arith.constant 1 : i32
      %dma_wait3A_620 = arith.constant 0 : i32
      %dma_wait3A_621 = tpu.memref_slice %arg17[%dma_wait3A_619, %dma_wait3A_620] : memref<2x128xi32, #tpu.memory_space<vmem>> -> memref<1x128xi32, #tpu.memory_space<vmem>>
      %dma_wait3A_622 = tpu.memref_squeeze %dma_wait3A_621 : memref<1x128xi32, #tpu.memory_space<vmem>> -> memref<128xi32, #tpu.memory_space<vmem>>
      %dma_wait3A_623 = arith.constant 0 : i32
      %dma_wait3A_624 = arith.constant 0 : i32
      %dma_wait3A_625 = tpu.memref_slice %arg39[%dma_wait3A_623, %dma_wait3A_624] : memref<10240x8xf32, #tpu.memory_space<vmem_shared>> -> memref<10240x8xf32, #tpu.memory_space<vmem_shared>>
      tpu.wait_indirect_dma semaphore(%arg41 : memref<!tpu.dma_semaphore, #tpu.memory_space<semaphore_mem>>) src(%arg38 : memref<128x8xf32, #tpu.memory_space<vmem>>) dst(%dma_wait3A_625 : memref<10240x8xf32, #tpu.memory_space<vmem_shared>>)
    } else {
    }
    %dma_wait3A_582 = arith.constant 1 : i32
    %dma_wait3A_583 = arith.constant 0 : i32
    %dma_wait3A_584 = tpu.memref_slice %arg18[%dma_wait3A_582, %dma_wait3A_583] : memref<2x128xi32, #tpu.memory_space<vmem>> -> memref<1x128xi32, #tpu.memory_space<vmem>>
    %dma_wait3A_585 = tpu.memref_squeeze %dma_wait3A_584 : memref<1x128xi32, #tpu.memory_space<vmem>> -> memref<128xi32, #tpu.memory_space<vmem>>
    %dma_wait3A_586 = arith.constant 0 : i32
    %dma_wait3A_587 = arith.constant 0 : i32
    %dma_wait3A_588 = tpu.memref_slice %arg21[%dma_wait3A_586, %dma_wait3A_587] : memref<10048x64xf32, #tpu.memory_space<vmem_shared>> -> memref<10048x64xf32, #tpu.memory_space<vmem_shared>>
    tpu.wait_indirect_dma semaphore(%arg28 : memref<!tpu.dma_semaphore, #tpu.memory_space<semaphore_mem>>) src(%arg10 : memref<128x64xf32, #tpu.memory_space<vmem>>) dst(%dma_wait3A_588 : memref<10048x64xf32, #tpu.memory_space<vmem_shared>>)
    %eq3A_589 = arith.constant 0 : i32
    %eq3A_590 = arith.cmpi eq, %arg0, %eq3A_589 : i32
    %convert_element_type3A_591 = arith.extui %eq3A_590 : i1 to i32
    %cond3A_592 = arith.constant 0 : i32
    %cond3A_593 = arith.cmpi ne, %convert_element_type3A_591, %cond3A_592 : i32
    scf.if %cond3A_593 {
      %dma_wait3A_619 = arith.constant 1 : i32
      %dma_wait3A_620 = arith.constant 0 : i32
      %dma_wait3A_621 = tpu.memref_slice %arg18[%dma_wait3A_619, %dma_wait3A_620] : memref<2x128xi32, #tpu.memory_space<vmem>> -> memref<1x128xi32, #tpu.memory_space<vmem>>
      %dma_wait3A_622 = tpu.memref_squeeze %dma_wait3A_621 : memref<1x128xi32, #tpu.memory_space<vmem>> -> memref<128xi32, #tpu.memory_space<vmem>>
      %dma_wait3A_623 = arith.constant 0 : i32
      %dma_wait3A_624 = arith.constant 0 : i32
      %dma_wait3A_625 = tpu.memref_slice %arg39[%dma_wait3A_623, %dma_wait3A_624] : memref<10240x8xf32, #tpu.memory_space<vmem_shared>> -> memref<10240x8xf32, #tpu.memory_space<vmem_shared>>
      tpu.wait_indirect_dma semaphore(%arg42 : memref<!tpu.dma_semaphore, #tpu.memory_space<semaphore_mem>>) src(%arg38 : memref<128x8xf32, #tpu.memory_space<vmem>>) dst(%dma_wait3A_625 : memref<10240x8xf32, #tpu.memory_space<vmem_shared>>)
    } else {
    }
    %dma_wait3A_594 = arith.constant 1 : i32
    %dma_wait3A_595 = arith.constant 0 : i32
    %dma_wait3A_596 = tpu.memref_slice %arg19[%dma_wait3A_594, %dma_wait3A_595] : memref<2x128xi32, #tpu.memory_space<vmem>> -> memref<1x128xi32, #tpu.memory_space<vmem>>
    %dma_wait3A_597 = tpu.memref_squeeze %dma_wait3A_596 : memref<1x128xi32, #tpu.memory_space<vmem>> -> memref<128xi32, #tpu.memory_space<vmem>>
    %dma_wait3A_598 = arith.constant 0 : i32
    %dma_wait3A_599 = arith.constant 0 : i32
    %dma_wait3A_600 = tpu.memref_slice %arg21[%dma_wait3A_598, %dma_wait3A_599] : memref<10048x64xf32, #tpu.memory_space<vmem_shared>> -> memref<10048x64xf32, #tpu.memory_space<vmem_shared>>
    tpu.wait_indirect_dma semaphore(%arg29 : memref<!tpu.dma_semaphore, #tpu.memory_space<semaphore_mem>>) src(%arg11 : memref<128x64xf32, #tpu.memory_space<vmem>>) dst(%dma_wait3A_600 : memref<10048x64xf32, #tpu.memory_space<vmem_shared>>)
    %eq3A_601 = arith.constant 1 : i32
    %eq3A_602 = arith.cmpi eq, %arg0, %eq3A_601 : i32
    %convert_element_type3A_603 = arith.extui %eq3A_602 : i1 to i32
    %cond3A_604 = arith.constant 0 : i32
    %cond3A_605 = arith.cmpi ne, %convert_element_type3A_603, %cond3A_604 : i32
    scf.if %cond3A_605 {
      %dma_wait3A_619 = arith.constant 1 : i32
      %dma_wait3A_620 = arith.constant 0 : i32
      %dma_wait3A_621 = tpu.memref_slice %arg19[%dma_wait3A_619, %dma_wait3A_620] : memref<2x128xi32, #tpu.memory_space<vmem>> -> memref<1x128xi32, #tpu.memory_space<vmem>>
      %dma_wait3A_622 = tpu.memref_squeeze %dma_wait3A_621 : memref<1x128xi32, #tpu.memory_space<vmem>> -> memref<128xi32, #tpu.memory_space<vmem>>
      %dma_wait3A_623 = arith.constant 0 : i32
      %dma_wait3A_624 = arith.constant 0 : i32
      %dma_wait3A_625 = tpu.memref_slice %arg39[%dma_wait3A_623, %dma_wait3A_624] : memref<10240x8xf32, #tpu.memory_space<vmem_shared>> -> memref<10240x8xf32, #tpu.memory_space<vmem_shared>>
      tpu.wait_indirect_dma semaphore(%arg43 : memref<!tpu.dma_semaphore, #tpu.memory_space<semaphore_mem>>) src(%arg38 : memref<128x8xf32, #tpu.memory_space<vmem>>) dst(%dma_wait3A_625 : memref<10240x8xf32, #tpu.memory_space<vmem_shared>>)
    } else {
    }
    %barrier3A_606 = arith.constant 0 : index
    tpu.barrier barrier_id(%barrier3A_606)
    %mul3A_607 = arith.constant 10000 : i32
    %mul3A_608 = arith.muli %arg0, %mul3A_607 : i32
    %add3A_609 = arith.addi %mul3A_608, %mul3A_0 : i32
    "tpu.region"() ({
      %run_scoped3A = tpu.sem_alloc : memref<!tpu.dma_semaphore, #tpu.memory_space<semaphore_mem>>
      %dma_start3A_619 = arith.constant 0 : i32
      %dma_start3A_620 = tpu.memref_slice %arg6[%add3A_609, %dma_start3A_619] : memref<20000x64xf32, #tpu.memory_space<hbm>> -> memref<625x64xf32, #tpu.memory_space<hbm>>
      %dma_start3A_621 = arith.constant 0 : i32
      %dma_start3A_622 = tpu.memref_slice %arg21[%mul3A_0, %dma_start3A_621] : memref<10048x64xf32, #tpu.memory_space<vmem_shared>> -> memref<625x64xf32, #tpu.memory_space<vmem_shared>>
      tpu.enqueue_dma source(%dma_start3A_622 : memref<625x64xf32, #tpu.memory_space<vmem_shared>>) target(%dma_start3A_620 : memref<625x64xf32, #tpu.memory_space<hbm>>) target_semaphore(%run_scoped3A : memref<!tpu.dma_semaphore, #tpu.memory_space<semaphore_mem>>)
      %dma_wait3A_623 = arith.constant 0 : i32
      %dma_wait3A_624 = tpu.memref_slice %arg6[%add3A_609, %dma_wait3A_623] : memref<20000x64xf32, #tpu.memory_space<hbm>> -> memref<625x64xf32, #tpu.memory_space<hbm>>
      %dma_wait3A_625 = arith.constant 0 : i32
      %dma_wait3A_626 = tpu.memref_slice %arg21[%mul3A_0, %dma_wait3A_625] : memref<10048x64xf32, #tpu.memory_space<vmem_shared>> -> memref<625x64xf32, #tpu.memory_space<vmem_shared>>
      tpu.wait_dma2 semaphore(%run_scoped3A : memref<!tpu.dma_semaphore, #tpu.memory_space<semaphore_mem>>) src(%dma_wait3A_626 : memref<625x64xf32, #tpu.memory_space<vmem_shared>>) dst(%dma_wait3A_624 : memref<625x64xf32, #tpu.memory_space<hbm>>)
      tpu.yield
    }) : () -> ()
    %lt3A = arith.constant 15 : i32
    %lt3A_610 = arith.cmpi slt, %arg1, %lt3A : i32
    %convert_element_type3A_611 = arith.extui %lt3A_610 : i1 to i32
    %cond3A_612 = arith.constant 0 : i32
    %cond3A_613 = arith.cmpi ne, %convert_element_type3A_611, %cond3A_612 : i32
    scf.if %cond3A_613 {
      %mul3A_619 = arith.constant 640 : i32
      %mul3A_620 = arith.muli %arg1, %mul3A_619 : i32
      %mul3A_621 = arith.constant 10000 : i32
      %mul3A_622 = arith.muli %arg0, %mul3A_621 : i32
      %mul3A_623 = arith.constant 640 : i32
      %mul3A_624 = arith.muli %arg1, %mul3A_623 : i32
      %add3A_625 = arith.addi %mul3A_622, %mul3A_624 : i32
      "tpu.region"() ({
        %run_scoped3A = tpu.sem_alloc : memref<!tpu.dma_semaphore, #tpu.memory_space<semaphore_mem>>
        %dma_start3A_626 = arith.constant 0 : i32
        %dma_start3A_627 = tpu.memref_slice %arg7[%add3A_625, %dma_start3A_626] : memref<20000x8xf32, #tpu.memory_space<hbm>> -> memref<640x8xf32, #tpu.memory_space<hbm>>
        %dma_start3A_628 = arith.constant 0 : i32
        %dma_start3A_629 = tpu.memref_slice %arg39[%mul3A_620, %dma_start3A_628] : memref<10240x8xf32, #tpu.memory_space<vmem_shared>> -> memref<640x8xf32, #tpu.memory_space<vmem_shared>>
        tpu.enqueue_dma source(%dma_start3A_629 : memref<640x8xf32, #tpu.memory_space<vmem_shared>>) target(%dma_start3A_627 : memref<640x8xf32, #tpu.memory_space<hbm>>) target_semaphore(%run_scoped3A : memref<!tpu.dma_semaphore, #tpu.memory_space<semaphore_mem>>)
        %dma_wait3A_630 = arith.constant 0 : i32
        %dma_wait3A_631 = tpu.memref_slice %arg7[%add3A_625, %dma_wait3A_630] : memref<20000x8xf32, #tpu.memory_space<hbm>> -> memref<640x8xf32, #tpu.memory_space<hbm>>
        %dma_wait3A_632 = arith.constant 0 : i32
        %dma_wait3A_633 = tpu.memref_slice %arg39[%mul3A_620, %dma_wait3A_632] : memref<10240x8xf32, #tpu.memory_space<vmem_shared>> -> memref<640x8xf32, #tpu.memory_space<vmem_shared>>
        tpu.wait_dma2 semaphore(%run_scoped3A : memref<!tpu.dma_semaphore, #tpu.memory_space<semaphore_mem>>) src(%dma_wait3A_633 : memref<640x8xf32, #tpu.memory_space<vmem_shared>>) dst(%dma_wait3A_631 : memref<640x8xf32, #tpu.memory_space<hbm>>)
        tpu.yield
      }) : () -> ()
    } else {
    }
    %eq3A_614 = arith.constant 15 : i32
    %eq3A_615 = arith.cmpi eq, %arg1, %eq3A_614 : i32
    %convert_element_type3A_616 = arith.extui %eq3A_615 : i1 to i32
    %cond3A_617 = arith.constant 0 : i32
    %cond3A_618 = arith.cmpi ne, %convert_element_type3A_616, %cond3A_617 : i32
    scf.if %cond3A_618 {
      %mul3A_619 = arith.constant 640 : i32
      %mul3A_620 = arith.muli %arg1, %mul3A_619 : i32
      %mul3A_621 = arith.constant 640 : i32
      %mul3A_622 = arith.muli %arg1, %mul3A_621 : i32
      %sub3A = arith.constant 10000 : i32
      %sub3A_623 = arith.subi %sub3A, %mul3A_622 : i32
      %mul3A_624 = arith.constant 10000 : i32
      %mul3A_625 = arith.muli %arg0, %mul3A_624 : i32
      %mul3A_626 = arith.constant 640 : i32
      %mul3A_627 = arith.muli %arg1, %mul3A_626 : i32
      %add3A_628 = arith.addi %mul3A_625, %mul3A_627 : i32
      %mul3A_629 = arith.constant 640 : i32
      %mul3A_630 = arith.muli %arg1, %mul3A_629 : i32
      %sub3A_631 = arith.constant 10000 : i32
      %sub3A_632 = arith.subi %sub3A_631, %mul3A_630 : i32
      "tpu.region"() ({
        %run_scoped3A = tpu.sem_alloc : memref<!tpu.dma_semaphore, #tpu.memory_space<semaphore_mem>>
        %dma_start3A_633 = arith.constant 0 : i32
        %dma_start3A_634 = tpu.memref_slice %arg7[%add3A_628, %dma_start3A_633] <%sub3A_632> : memref<20000x8xf32, #tpu.memory_space<hbm>> -> memref<?x8xf32, #tpu.memory_space<hbm>>
        %dma_start3A_635 = arith.constant 0 : i32
        %dma_start3A_636 = tpu.memref_slice %arg39[%mul3A_620, %dma_start3A_635] <%sub3A_623> : memref<10240x8xf32, #tpu.memory_space<vmem_shared>> -> memref<?x8xf32, #tpu.memory_space<vmem_shared>>
        tpu.enqueue_dma source(%dma_start3A_636 : memref<?x8xf32, #tpu.memory_space<vmem_shared>>) target(%dma_start3A_634 : memref<?x8xf32, #tpu.memory_space<hbm>>) target_semaphore(%run_scoped3A : memref<!tpu.dma_semaphore, #tpu.memory_space<semaphore_mem>>)
        %dma_wait3A_637 = arith.constant 0 : i32
        %dma_wait3A_638 = tpu.memref_slice %arg7[%add3A_628, %dma_wait3A_637] <%sub3A_632> : memref<20000x8xf32, #tpu.memory_space<hbm>> -> memref<?x8xf32, #tpu.memory_space<hbm>>
        %dma_wait3A_639 = arith.constant 0 : i32
        %dma_wait3A_640 = tpu.memref_slice %arg39[%mul3A_620, %dma_wait3A_639] <%sub3A_623> : memref<10240x8xf32, #tpu.memory_space<vmem_shared>> -> memref<?x8xf32, #tpu.memory_space<vmem_shared>>
        tpu.wait_dma2 semaphore(%run_scoped3A : memref<!tpu.dma_semaphore, #tpu.memory_space<semaphore_mem>>) src(%dma_wait3A_640 : memref<?x8xf32, #tpu.memory_space<vmem_shared>>) dst(%dma_wait3A_638 : memref<?x8xf32, #tpu.memory_space<hbm>>)
        tpu.yield
      }) : () -> ()
    } else {
    }
    return
  }
}

#map = affine_map<(d0, d1) -> (0, 0)>
#map1 = affine_map<(d0, d1) -> (0, 0, 0)>
module attributes {stable_mosaic.version = 14 : i64} {
  func.func @body(%arg0: i32, %arg1: i32, %arg2: memref<10000x128xf32, #tpu.memory_space<hbm>>, %arg3: memref<2560x2x128xi32, #tpu.memory_space<hbm>>, %arg4: memref<20000x64xf32, #tpu.memory_space<hbm>>, %arg5: memref<128x64xf32, #tpu.memory_space<vmem>>, %arg6: memref<128x64xf32, #tpu.memory_space<vmem>>, %arg7: memref<128x64xf32, #tpu.memory_space<vmem>>, %arg8: memref<128x64xf32, #tpu.memory_space<vmem>>, %arg9: memref<2x128xi32, #tpu.memory_space<vmem>>, %arg10: memref<2x128xi32, #tpu.memory_space<vmem>>, %arg11: memref<2x128xi32, #tpu.memory_space<vmem>>, %arg12: memref<2x128xi32, #tpu.memory_space<vmem>>, %arg13: memref<2x128xi32, #tpu.memory_space<vmem>>, %arg14: memref<2x128xi32, #tpu.memory_space<vmem>>, %arg15: memref<2x128xi32, #tpu.memory_space<vmem>>, %arg16: memref<2x128xi32, #tpu.memory_space<vmem>>, %arg17: memref<10000x64xf32, #tpu.memory_space<vmem_shared>>, %arg18: memref<10048x64xf32, #tpu.memory_space<vmem_shared>>, %arg19: memref<!tpu.dma_semaphore, #tpu.memory_space<semaphore_mem>>, %arg20: memref<!tpu.dma_semaphore, #tpu.memory_space<semaphore_mem>>, %arg21: memref<!tpu.dma_semaphore, #tpu.memory_space<semaphore_mem>>, %arg22: memref<!tpu.dma_semaphore, #tpu.memory_space<semaphore_mem>>, %arg23: memref<!tpu.dma_semaphore, #tpu.memory_space<semaphore_mem>>, %arg24: memref<!tpu.dma_semaphore, #tpu.memory_space<semaphore_mem>>, %arg25: memref<!tpu.dma_semaphore, #tpu.memory_space<semaphore_mem>>, %arg26: memref<!tpu.dma_semaphore, #tpu.memory_space<semaphore_mem>>, %arg27: memref<!tpu.dma_semaphore, #tpu.memory_space<semaphore_mem>>, %arg28: memref<!tpu.dma_semaphore, #tpu.memory_space<semaphore_mem>>, %arg29: memref<!tpu.dma_semaphore, #tpu.memory_space<semaphore_mem>>, %arg30: memref<!tpu.dma_semaphore, #tpu.memory_space<semaphore_mem>>, %arg31: memref<!tpu.dma_semaphore, #tpu.memory_space<semaphore_mem>>, %arg32: memref<!tpu.dma_semaphore, #tpu.memory_space<semaphore_mem>>, %arg33: memref<!tpu.dma_semaphore, #tpu.memory_space<semaphore_mem>>, %arg34: memref<!tpu.dma_semaphore, #tpu.memory_space<semaphore_mem>>) attributes {dimension_semantics = [#tpu.dimension_semantics<core_parallel>, #tpu.dimension_semantics<subcore_parallel>], iteration_bounds = array<i64: 2, 16>, scalar_prefetch = 0 : i64, scratch_operands = 30 : i64, tpu.core_type = #tpu.core_type<sc_vector_subcore>, window_params = [{transform_indices = #map}, {transform_indices = #map1}, {transform_indices = #map}]} {
    %mul3A = arith.constant 625 : i32
    %mul3A_0 = arith.muli %arg1, %mul3A : i32
    %scan3A = arith.constant 0 : i32
    %scan3A_1 = arith.constant 0 : i32
    %scan3A_2 = arith.constant 512 : i32
    %scan3A_3 = arith.addi %scan3A_1, %scan3A_2 : i32
    %scan3A_4 = arith.constant 1 : i32
    %scan3A_5 = scf.for %scan3A_516 = %scan3A_1 to %scan3A_3 step %scan3A_4 iter_args(%scan3A_517 = %scan3A) -> (i32)  : i32 {
      %jit3A = arith.constant 4 : i32
      %div3A = arith.divsi %scan3A_516, %jit3A : i32
      %sign3A = arith.constant 0 : i32
      %sign3A_518 = arith.cmpi sgt, %scan3A_516, %sign3A : i32
      %sign3A_519 = arith.extui %sign3A_518 : i1 to i32
      %sign3A_520 = arith.constant 0 : i32
      %sign3A_521 = arith.cmpi slt, %scan3A_516, %sign3A_520 : i32
      %sign3A_522 = arith.extui %sign3A_521 : i1 to i32
      %sign3A_523 = arith.subi %sign3A_519, %sign3A_522 : i32
      %sign3A_524 = arith.constant 0 : i32
      %sign3A_525 = arith.cmpi sgt, %jit3A, %sign3A_524 : i32
      %sign3A_526 = arith.extui %sign3A_525 : i1 to i32
      %sign3A_527 = arith.constant 0 : i32
      %sign3A_528 = arith.cmpi slt, %jit3A, %sign3A_527 : i32
      %sign3A_529 = arith.extui %sign3A_528 : i1 to i32
      %sign3A_530 = arith.subi %sign3A_526, %sign3A_529 : i32
      %ne3A = arith.cmpi ne, %sign3A_523, %sign3A_530 : i32
      %rem3A = arith.remsi %scan3A_516, %jit3A : i32
      %ne3A_531 = arith.constant 0 : i32
      %ne3A_532 = arith.cmpi ne, %rem3A, %ne3A_531 : i32
      %and3A = arith.andi %ne3A, %ne3A_532 : i1
      %sub3A = arith.constant 1 : i32
      %sub3A_533 = arith.subi %div3A, %sub3A : i32
      %select_n3A = arith.select %and3A, %sub3A_533, %div3A : i32
      %jit3A_534 = arith.constant 4 : i32
      %eq3A = arith.constant 0 : i32
      %eq3A_535 = arith.cmpi eq, %jit3A_534, %eq3A : i32
      %jit3A_536 = arith.constant 1 : i32
      %select_n3A_537 = arith.select %eq3A_535, %jit3A_536, %jit3A_534 : i32
      %rem3A_538 = arith.remsi %scan3A_516, %select_n3A_537 : i32
      %ne3A_539 = arith.constant 0 : i32
      %ne3A_540 = arith.cmpi ne, %rem3A_538, %ne3A_539 : i32
      %lt3A = arith.constant 0 : i32
      %lt3A_541 = arith.cmpi slt, %rem3A_538, %lt3A : i32
      %lt3A_542 = arith.constant 0 : i32
      %lt3A_543 = arith.cmpi slt, %select_n3A_537, %lt3A_542 : i32
      %ne3A_544 = arith.xori %lt3A_541, %lt3A_543 : i1
      %and3A_545 = arith.andi %ne3A_544, %ne3A_540 : i1
      %add3A_546 = arith.addi %rem3A_538, %select_n3A_537 : i32
      %select_n3A_547 = arith.select %and3A_545, %add3A_546, %rem3A_538 : i32
      %broadcast_in_dim3A = arith.constant 0.000000e+00 : f32
      %broadcast_in_dim3A_548 = vector.broadcast %broadcast_in_dim3A : f32 to vector<16xf32>
      %mul3A_549 = arith.constant 16 : i32
      %mul3A_550 = arith.muli %select_n3A_547, %mul3A_549 : i32
      %swap3A = arith.index_cast %select_n3A : i32 to index
      %swap3A_551 = arith.index_cast %mul3A_550 : i32 to index
      %swap3A_552 = tpu.vector_load %arg5[%swap3A, %swap3A_551] {strides = array<i32>} : memref<128x64xf32, #tpu.memory_space<vmem>>, vector<1x16xf32>,
      %swap3A_553 = vector.shape_cast %swap3A_552 : vector<1x16xf32> to vector<16xf32>
      %swap3A_554 = vector.shape_cast %broadcast_in_dim3A_548 : vector<16xf32> to vector<1x16xf32>
      tpu.vector_store %arg5[%swap3A, %swap3A_551], %swap3A_554 {strides = array<i32>} : memref<128x64xf32, #tpu.memory_space<vmem>>, vector<1x16xf32>,
      %scan3A_555 = arith.constant 0 : i32
      scf.yield %scan3A_555 : i32
    }
    %scan3A_6 = arith.constant 512 : i32
    %scan3A_7 = arith.constant 0 : i32
    %scan3A_8 = arith.constant 0 : i32
    %scan3A_9 = arith.constant 5 : i32
    %scan3A_10 = arith.addi %scan3A_8, %scan3A_9 : i32
    %scan3A_11 = arith.constant 1 : i32
    %scan3A_12 = scf.for %scan3A_516 = %scan3A_8 to %scan3A_10 step %scan3A_11 iter_args(%scan3A_517 = %scan3A_7) -> (i32)  : i32 {
      %mul3A_518 = arith.constant 125 : i32
      %mul3A_519 = arith.muli %scan3A_516, %mul3A_518 : i32
      %add3A_520 = arith.addi %mul3A_0, %mul3A_519 : i32
      "tpu.region"() ({
        %run_scoped3A = tpu.sem_alloc : memref<!tpu.dma_semaphore, #tpu.memory_space<semaphore_mem>>
        %dma_start3A_522 = arith.constant 0 : i32
        %dma_start3A_523 = arith.constant 0 : i32
        %dma_start3A_524 = tpu.memref_slice %arg5[%dma_start3A_522, %dma_start3A_523] : memref<128x64xf32, #tpu.memory_space<vmem>> -> memref<125x64xf32, #tpu.memory_space<vmem>>
        %dma_start3A_525 = arith.constant 0 : i32
        %dma_start3A_526 = tpu.memref_slice %arg18[%add3A_520, %dma_start3A_525] : memref<10048x64xf32, #tpu.memory_space<vmem_shared>> -> memref<125x64xf32, #tpu.memory_space<vmem_shared>>
        %dma_start3A_527 = arith.constant 0 : i32
        %dma_start3A_528 = tpu.memref_slice %arg18[%add3A_520, %dma_start3A_527] : memref<10048x64xf32, #tpu.memory_space<vmem_shared>> -> memref<125x64xf32, #tpu.memory_space<vmem_shared>>
        %dma_start3A_529 = arith.constant 0 : i32
        %dma_start3A_530 = arith.constant 0 : i32
        %dma_start3A_531 = tpu.memref_slice %arg5[%dma_start3A_529, %dma_start3A_530] : memref<128x64xf32, #tpu.memory_space<vmem>> -> memref<125x64xf32, #tpu.memory_space<vmem>>
        tpu.enqueue_dma source(%dma_start3A_531 : memref<125x64xf32, #tpu.memory_space<vmem>>) target(%dma_start3A_528 : memref<125x64xf32, #tpu.memory_space<vmem_shared>>) target_semaphore(%run_scoped3A : memref<!tpu.dma_semaphore, #tpu.memory_space<semaphore_mem>>)
        %dma_wait3A_532 = arith.constant 0 : i32
        %dma_wait3A_533 = arith.constant 0 : i32
        %dma_wait3A_534 = tpu.memref_slice %arg5[%dma_wait3A_532, %dma_wait3A_533] : memref<128x64xf32, #tpu.memory_space<vmem>> -> memref<125x64xf32, #tpu.memory_space<vmem>>
        %dma_wait3A_535 = arith.constant 0 : i32
        %dma_wait3A_536 = tpu.memref_slice %arg18[%add3A_520, %dma_wait3A_535] : memref<10048x64xf32, #tpu.memory_space<vmem_shared>> -> memref<125x64xf32, #tpu.memory_space<vmem_shared>>
        %dma_wait3A_537 = arith.constant 0 : i32
        %dma_wait3A_538 = tpu.memref_slice %arg18[%add3A_520, %dma_wait3A_537] : memref<10048x64xf32, #tpu.memory_space<vmem_shared>> -> memref<125x64xf32, #tpu.memory_space<vmem_shared>>
        %dma_wait3A_539 = arith.constant 0 : i32
        %dma_wait3A_540 = arith.constant 0 : i32
        %dma_wait3A_541 = tpu.memref_slice %arg5[%dma_wait3A_539, %dma_wait3A_540] : memref<128x64xf32, #tpu.memory_space<vmem>> -> memref<125x64xf32, #tpu.memory_space<vmem>>
        tpu.wait_dma2 semaphore(%run_scoped3A : memref<!tpu.dma_semaphore, #tpu.memory_space<semaphore_mem>>) src(%dma_wait3A_541 : memref<125x64xf32, #tpu.memory_space<vmem>>) dst(%dma_wait3A_538 : memref<125x64xf32, #tpu.memory_space<vmem_shared>>)
        tpu.yield
      }) : () -> ()
      %scan3A_521 = arith.constant 0 : i32
      scf.yield %scan3A_521 : i32
    }
    %scan3A_13 = arith.constant 5 : i32
    %mul3A_14 = arith.constant 64 : i32
    %mul3A_15 = arith.muli %arg0, %mul3A_14 : i32
    "tpu.region"() ({
      %run_scoped3A = tpu.sem_alloc : memref<!tpu.dma_semaphore, #tpu.memory_space<semaphore_mem>>
      %dma_start3A_516 = arith.constant 0 : i32
      %dma_start3A_517 = tpu.memref_slice %arg17[%mul3A_0, %dma_start3A_516] : memref<10000x64xf32, #tpu.memory_space<vmem_shared>> -> memref<625x64xf32, #tpu.memory_space<vmem_shared>>
      %dma_start3A_518 = tpu.memref_slice %arg2[%mul3A_0, %mul3A_15] : memref<10000x128xf32, #tpu.memory_space<hbm>> -> memref<625x64xf32, #tpu.memory_space<hbm>>
      tpu.enqueue_dma source(%dma_start3A_518 : memref<625x64xf32, #tpu.memory_space<hbm>>) target(%dma_start3A_517 : memref<625x64xf32, #tpu.memory_space<vmem_shared>>) target_semaphore(%run_scoped3A : memref<!tpu.dma_semaphore, #tpu.memory_space<semaphore_mem>>)
      %dma_wait3A_519 = arith.constant 0 : i32
      %dma_wait3A_520 = tpu.memref_slice %arg17[%mul3A_0, %dma_wait3A_519] : memref<10000x64xf32, #tpu.memory_space<vmem_shared>> -> memref<625x64xf32, #tpu.memory_space<vmem_shared>>
      %dma_wait3A_521 = tpu.memref_slice %arg2[%mul3A_0, %mul3A_15] : memref<10000x128xf32, #tpu.memory_space<hbm>> -> memref<625x64xf32, #tpu.memory_space<hbm>>
      tpu.wait_dma2 semaphore(%run_scoped3A : memref<!tpu.dma_semaphore, #tpu.memory_space<semaphore_mem>>) src(%dma_wait3A_521 : memref<625x64xf32, #tpu.memory_space<hbm>>) dst(%dma_wait3A_520 : memref<625x64xf32, #tpu.memory_space<vmem_shared>>)
      tpu.yield
    }) : () -> ()
    %barrier3A = arith.constant 0 : index
    tpu.barrier barrier_id(%barrier3A)
    %add3A = arith.constant 0 : i32
    %add3A_16 = arith.addi %arg1, %add3A : i32
    %dma_start3A = arith.constant 0 : i32
    %dma_start3A_17 = arith.constant 0 : i32
    %dma_start3A_18 = tpu.memref_slice %arg3[%add3A_16, %dma_start3A, %dma_start3A_17] : memref<2560x2x128xi32, #tpu.memory_space<hbm>> -> memref<1x2x128xi32, #tpu.memory_space<hbm>>
    %dma_start3A_19 = tpu.memref_squeeze %dma_start3A_18 : memref<1x2x128xi32, #tpu.memory_space<hbm>> -> memref<2x128xi32, #tpu.memory_space<hbm>>
    %dma_start3A_20 = arith.constant 0 : i32
    %dma_start3A_21 = arith.constant 0 : i32
    %dma_start3A_22 = tpu.memref_slice %arg3[%add3A_16, %dma_start3A_20, %dma_start3A_21] : memref<2560x2x128xi32, #tpu.memory_space<hbm>> -> memref<1x2x128xi32, #tpu.memory_space<hbm>>
    %dma_start3A_23 = tpu.memref_squeeze %dma_start3A_22 : memref<1x2x128xi32, #tpu.memory_space<hbm>> -> memref<2x128xi32, #tpu.memory_space<hbm>>
    tpu.enqueue_dma source(%dma_start3A_23 : memref<2x128xi32, #tpu.memory_space<hbm>>) target(%arg9 : memref<2x128xi32, #tpu.memory_space<vmem>>) target_semaphore(%arg27 : memref<!tpu.dma_semaphore, #tpu.memory_space<semaphore_mem>>)
    %add3A_24 = arith.constant 16 : i32
    %add3A_25 = arith.addi %arg1, %add3A_24 : i32
    %dma_start3A_26 = arith.constant 0 : i32
    %dma_start3A_27 = arith.constant 0 : i32
    %dma_start3A_28 = tpu.memref_slice %arg3[%add3A_25, %dma_start3A_26, %dma_start3A_27] : memref<2560x2x128xi32, #tpu.memory_space<hbm>> -> memref<1x2x128xi32, #tpu.memory_space<hbm>>
    %dma_start3A_29 = tpu.memref_squeeze %dma_start3A_28 : memref<1x2x128xi32, #tpu.memory_space<hbm>> -> memref<2x128xi32, #tpu.memory_space<hbm>>
    %dma_start3A_30 = arith.constant 0 : i32
    %dma_start3A_31 = arith.constant 0 : i32
    %dma_start3A_32 = tpu.memref_slice %arg3[%add3A_25, %dma_start3A_30, %dma_start3A_31] : memref<2560x2x128xi32, #tpu.memory_space<hbm>> -> memref<1x2x128xi32, #tpu.memory_space<hbm>>
    %dma_start3A_33 = tpu.memref_squeeze %dma_start3A_32 : memref<1x2x128xi32, #tpu.memory_space<hbm>> -> memref<2x128xi32, #tpu.memory_space<hbm>>
    tpu.enqueue_dma source(%dma_start3A_33 : memref<2x128xi32, #tpu.memory_space<hbm>>) target(%arg10 : memref<2x128xi32, #tpu.memory_space<vmem>>) target_semaphore(%arg28 : memref<!tpu.dma_semaphore, #tpu.memory_space<semaphore_mem>>)
    %add3A_34 = arith.constant 32 : i32
    %add3A_35 = arith.addi %arg1, %add3A_34 : i32
    %dma_start3A_36 = arith.constant 0 : i32
    %dma_start3A_37 = arith.constant 0 : i32
    %dma_start3A_38 = tpu.memref_slice %arg3[%add3A_35, %dma_start3A_36, %dma_start3A_37] : memref<2560x2x128xi32, #tpu.memory_space<hbm>> -> memref<1x2x128xi32, #tpu.memory_space<hbm>>
    %dma_start3A_39 = tpu.memref_squeeze %dma_start3A_38 : memref<1x2x128xi32, #tpu.memory_space<hbm>> -> memref<2x128xi32, #tpu.memory_space<hbm>>
    %dma_start3A_40 = arith.constant 0 : i32
    %dma_start3A_41 = arith.constant 0 : i32
    %dma_start3A_42 = tpu.memref_slice %arg3[%add3A_35, %dma_start3A_40, %dma_start3A_41] : memref<2560x2x128xi32, #tpu.memory_space<hbm>> -> memref<1x2x128xi32, #tpu.memory_space<hbm>>
    %dma_start3A_43 = tpu.memref_squeeze %dma_start3A_42 : memref<1x2x128xi32, #tpu.memory_space<hbm>> -> memref<2x128xi32, #tpu.memory_space<hbm>>
    tpu.enqueue_dma source(%dma_start3A_43 : memref<2x128xi32, #tpu.memory_space<hbm>>) target(%arg11 : memref<2x128xi32, #tpu.memory_space<vmem>>) target_semaphore(%arg29 : memref<!tpu.dma_semaphore, #tpu.memory_space<semaphore_mem>>)
    %add3A_44 = arith.constant 48 : i32
    %add3A_45 = arith.addi %arg1, %add3A_44 : i32
    %dma_start3A_46 = arith.constant 0 : i32
    %dma_start3A_47 = arith.constant 0 : i32
    %dma_start3A_48 = tpu.memref_slice %arg3[%add3A_45, %dma_start3A_46, %dma_start3A_47] : memref<2560x2x128xi32, #tpu.memory_space<hbm>> -> memref<1x2x128xi32, #tpu.memory_space<hbm>>
    %dma_start3A_49 = tpu.memref_squeeze %dma_start3A_48 : memref<1x2x128xi32, #tpu.memory_space<hbm>> -> memref<2x128xi32, #tpu.memory_space<hbm>>
    %dma_start3A_50 = arith.constant 0 : i32
    %dma_start3A_51 = arith.constant 0 : i32
    %dma_start3A_52 = tpu.memref_slice %arg3[%add3A_45, %dma_start3A_50, %dma_start3A_51] : memref<2560x2x128xi32, #tpu.memory_space<hbm>> -> memref<1x2x128xi32, #tpu.memory_space<hbm>>
    %dma_start3A_53 = tpu.memref_squeeze %dma_start3A_52 : memref<1x2x128xi32, #tpu.memory_space<hbm>> -> memref<2x128xi32, #tpu.memory_space<hbm>>
    tpu.enqueue_dma source(%dma_start3A_53 : memref<2x128xi32, #tpu.memory_space<hbm>>) target(%arg12 : memref<2x128xi32, #tpu.memory_space<vmem>>) target_semaphore(%arg30 : memref<!tpu.dma_semaphore, #tpu.memory_space<semaphore_mem>>)
    %add3A_54 = arith.constant 64 : i32
    %add3A_55 = arith.addi %arg1, %add3A_54 : i32
    %dma_start3A_56 = arith.constant 0 : i32
    %dma_start3A_57 = arith.constant 0 : i32
    %dma_start3A_58 = tpu.memref_slice %arg3[%add3A_55, %dma_start3A_56, %dma_start3A_57] : memref<2560x2x128xi32, #tpu.memory_space<hbm>> -> memref<1x2x128xi32, #tpu.memory_space<hbm>>
    %dma_start3A_59 = tpu.memref_squeeze %dma_start3A_58 : memref<1x2x128xi32, #tpu.memory_space<hbm>> -> memref<2x128xi32, #tpu.memory_space<hbm>>
    %dma_start3A_60 = arith.constant 0 : i32
    %dma_start3A_61 = arith.constant 0 : i32
    %dma_start3A_62 = tpu.memref_slice %arg3[%add3A_55, %dma_start3A_60, %dma_start3A_61] : memref<2560x2x128xi32, #tpu.memory_space<hbm>> -> memref<1x2x128xi32, #tpu.memory_space<hbm>>
    %dma_start3A_63 = tpu.memref_squeeze %dma_start3A_62 : memref<1x2x128xi32, #tpu.memory_space<hbm>> -> memref<2x128xi32, #tpu.memory_space<hbm>>
    tpu.enqueue_dma source(%dma_start3A_63 : memref<2x128xi32, #tpu.memory_space<hbm>>) target(%arg13 : memref<2x128xi32, #tpu.memory_space<vmem>>) target_semaphore(%arg31 : memref<!tpu.dma_semaphore, #tpu.memory_space<semaphore_mem>>)
    %add3A_64 = arith.constant 80 : i32
    %add3A_65 = arith.addi %arg1, %add3A_64 : i32
    %dma_start3A_66 = arith.constant 0 : i32
    %dma_start3A_67 = arith.constant 0 : i32
    %dma_start3A_68 = tpu.memref_slice %arg3[%add3A_65, %dma_start3A_66, %dma_start3A_67] : memref<2560x2x128xi32, #tpu.memory_space<hbm>> -> memref<1x2x128xi32, #tpu.memory_space<hbm>>
    %dma_start3A_69 = tpu.memref_squeeze %dma_start3A_68 : memref<1x2x128xi32, #tpu.memory_space<hbm>> -> memref<2x128xi32, #tpu.memory_space<hbm>>
    %dma_start3A_70 = arith.constant 0 : i32
    %dma_start3A_71 = arith.constant 0 : i32
    %dma_start3A_72 = tpu.memref_slice %arg3[%add3A_65, %dma_start3A_70, %dma_start3A_71] : memref<2560x2x128xi32, #tpu.memory_space<hbm>> -> memref<1x2x128xi32, #tpu.memory_space<hbm>>
    %dma_start3A_73 = tpu.memref_squeeze %dma_start3A_72 : memref<1x2x128xi32, #tpu.memory_space<hbm>> -> memref<2x128xi32, #tpu.memory_space<hbm>>
    tpu.enqueue_dma source(%dma_start3A_73 : memref<2x128xi32, #tpu.memory_space<hbm>>) target(%arg14 : memref<2x128xi32, #tpu.memory_space<vmem>>) target_semaphore(%arg32 : memref<!tpu.dma_semaphore, #tpu.memory_space<semaphore_mem>>)
    %add3A_74 = arith.constant 0 : i32
    %add3A_75 = arith.addi %arg1, %add3A_74 : i32
    %dma_wait3A = arith.constant 0 : i32
    %dma_wait3A_76 = arith.constant 0 : i32
    %dma_wait3A_77 = tpu.memref_slice %arg3[%add3A_75, %dma_wait3A, %dma_wait3A_76] : memref<2560x2x128xi32, #tpu.memory_space<hbm>> -> memref<1x2x128xi32, #tpu.memory_space<hbm>>
    %dma_wait3A_78 = tpu.memref_squeeze %dma_wait3A_77 : memref<1x2x128xi32, #tpu.memory_space<hbm>> -> memref<2x128xi32, #tpu.memory_space<hbm>>
    %dma_wait3A_79 = arith.constant 0 : i32
    %dma_wait3A_80 = arith.constant 0 : i32
    %dma_wait3A_81 = tpu.memref_slice %arg3[%add3A_75, %dma_wait3A_79, %dma_wait3A_80] : memref<2560x2x128xi32, #tpu.memory_space<hbm>> -> memref<1x2x128xi32, #tpu.memory_space<hbm>>
    %dma_wait3A_82 = tpu.memref_squeeze %dma_wait3A_81 : memref<1x2x128xi32, #tpu.memory_space<hbm>> -> memref<2x128xi32, #tpu.memory_space<hbm>>
    tpu.wait_dma2 semaphore(%arg27 : memref<!tpu.dma_semaphore, #tpu.memory_space<semaphore_mem>>) src(%dma_wait3A_82 : memref<2x128xi32, #tpu.memory_space<hbm>>) dst(%arg9 : memref<2x128xi32, #tpu.memory_space<vmem>>)
    %dma_start3A_83 = arith.constant 0 : i32
    %dma_start3A_84 = arith.constant 0 : i32
    %dma_start3A_85 = tpu.memref_slice %arg9[%dma_start3A_83, %dma_start3A_84] : memref<2x128xi32, #tpu.memory_space<vmem>> -> memref<1x128xi32, #tpu.memory_space<vmem>>
    %dma_start3A_86 = tpu.memref_squeeze %dma_start3A_85 : memref<1x128xi32, #tpu.memory_space<vmem>> -> memref<128xi32, #tpu.memory_space<vmem>>
    %dma_start3A_87 = arith.constant 0 : i32
    %dma_start3A_88 = arith.constant 0 : i32
    %dma_start3A_89 = tpu.memref_slice %arg17[%dma_start3A_87, %dma_start3A_88] : memref<10000x64xf32, #tpu.memory_space<vmem_shared>> -> memref<10000x64xf32, #tpu.memory_space<vmem_shared>>
    tpu.enqueue_indirect_dma source(%dma_start3A_89 : memref<10000x64xf32, #tpu.memory_space<vmem_shared>>) target(%arg5 : memref<128x64xf32, #tpu.memory_space<vmem>>) offsets(%dma_start3A_86 : memref<128xi32, #tpu.memory_space<vmem>>) semaphore(%arg19 : memref<!tpu.dma_semaphore, #tpu.memory_space<semaphore_mem>>)
    %add3A_90 = arith.constant 16 : i32
    %add3A_91 = arith.addi %arg1, %add3A_90 : i32
    %dma_wait3A_92 = arith.constant 0 : i32
    %dma_wait3A_93 = arith.constant 0 : i32
    %dma_wait3A_94 = tpu.memref_slice %arg3[%add3A_91, %dma_wait3A_92, %dma_wait3A_93] : memref<2560x2x128xi32, #tpu.memory_space<hbm>> -> memref<1x2x128xi32, #tpu.memory_space<hbm>>
    %dma_wait3A_95 = tpu.memref_squeeze %dma_wait3A_94 : memref<1x2x128xi32, #tpu.memory_space<hbm>> -> memref<2x128xi32, #tpu.memory_space<hbm>>
    %dma_wait3A_96 = arith.constant 0 : i32
    %dma_wait3A_97 = arith.constant 0 : i32
    %dma_wait3A_98 = tpu.memref_slice %arg3[%add3A_91, %dma_wait3A_96, %dma_wait3A_97] : memref<2560x2x128xi32, #tpu.memory_space<hbm>> -> memref<1x2x128xi32, #tpu.memory_space<hbm>>
    %dma_wait3A_99 = tpu.memref_squeeze %dma_wait3A_98 : memref<1x2x128xi32, #tpu.memory_space<hbm>> -> memref<2x128xi32, #tpu.memory_space<hbm>>
    tpu.wait_dma2 semaphore(%arg28 : memref<!tpu.dma_semaphore, #tpu.memory_space<semaphore_mem>>) src(%dma_wait3A_99 : memref<2x128xi32, #tpu.memory_space<hbm>>) dst(%arg10 : memref<2x128xi32, #tpu.memory_space<vmem>>)
    %dma_start3A_100 = arith.constant 0 : i32
    %dma_start3A_101 = arith.constant 0 : i32
    %dma_start3A_102 = tpu.memref_slice %arg10[%dma_start3A_100, %dma_start3A_101] : memref<2x128xi32, #tpu.memory_space<vmem>> -> memref<1x128xi32, #tpu.memory_space<vmem>>
    %dma_start3A_103 = tpu.memref_squeeze %dma_start3A_102 : memref<1x128xi32, #tpu.memory_space<vmem>> -> memref<128xi32, #tpu.memory_space<vmem>>
    %dma_start3A_104 = arith.constant 0 : i32
    %dma_start3A_105 = arith.constant 0 : i32
    %dma_start3A_106 = tpu.memref_slice %arg17[%dma_start3A_104, %dma_start3A_105] : memref<10000x64xf32, #tpu.memory_space<vmem_shared>> -> memref<10000x64xf32, #tpu.memory_space<vmem_shared>>
    tpu.enqueue_indirect_dma source(%dma_start3A_106 : memref<10000x64xf32, #tpu.memory_space<vmem_shared>>) target(%arg6 : memref<128x64xf32, #tpu.memory_space<vmem>>) offsets(%dma_start3A_103 : memref<128xi32, #tpu.memory_space<vmem>>) semaphore(%arg20 : memref<!tpu.dma_semaphore, #tpu.memory_space<semaphore_mem>>)
    %dma_wait3A_107 = arith.constant 0 : i32
    %dma_wait3A_108 = arith.constant 0 : i32
    %dma_wait3A_109 = tpu.memref_slice %arg9[%dma_wait3A_107, %dma_wait3A_108] : memref<2x128xi32, #tpu.memory_space<vmem>> -> memref<1x128xi32, #tpu.memory_space<vmem>>
    %dma_wait3A_110 = tpu.memref_squeeze %dma_wait3A_109 : memref<1x128xi32, #tpu.memory_space<vmem>> -> memref<128xi32, #tpu.memory_space<vmem>>
    %dma_wait3A_111 = arith.constant 0 : i32
    %dma_wait3A_112 = arith.constant 0 : i32
    %dma_wait3A_113 = tpu.memref_slice %arg17[%dma_wait3A_111, %dma_wait3A_112] : memref<10000x64xf32, #tpu.memory_space<vmem_shared>> -> memref<10000x64xf32, #tpu.memory_space<vmem_shared>>
    tpu.wait_indirect_dma semaphore(%arg19 : memref<!tpu.dma_semaphore, #tpu.memory_space<semaphore_mem>>) src(%dma_wait3A_113 : memref<10000x64xf32, #tpu.memory_space<vmem_shared>>) dst(%arg5 : memref<128x64xf32, #tpu.memory_space<vmem>>)
    %dma_start3A_114 = arith.constant 1 : i32
    %dma_start3A_115 = arith.constant 0 : i32
    %dma_start3A_116 = tpu.memref_slice %arg9[%dma_start3A_114, %dma_start3A_115] : memref<2x128xi32, #tpu.memory_space<vmem>> -> memref<1x128xi32, #tpu.memory_space<vmem>>
    %dma_start3A_117 = tpu.memref_squeeze %dma_start3A_116 : memref<1x128xi32, #tpu.memory_space<vmem>> -> memref<128xi32, #tpu.memory_space<vmem>>
    %dma_start3A_118 = arith.constant 0 : i32
    %dma_start3A_119 = arith.constant 0 : i32
    %dma_start3A_120 = tpu.memref_slice %arg18[%dma_start3A_118, %dma_start3A_119] : memref<10048x64xf32, #tpu.memory_space<vmem_shared>> -> memref<10048x64xf32, #tpu.memory_space<vmem_shared>>
    tpu.enqueue_indirect_dma source(%arg5 : memref<128x64xf32, #tpu.memory_space<vmem>>) target(%dma_start3A_120 : memref<10048x64xf32, #tpu.memory_space<vmem_shared>>) offsets(%dma_start3A_117 : memref<128xi32, #tpu.memory_space<vmem>>) semaphore(%arg23 : memref<!tpu.dma_semaphore, #tpu.memory_space<semaphore_mem>>) {add = true}
    %add3A_121 = arith.constant 96 : i32
    %add3A_122 = arith.addi %arg1, %add3A_121 : i32
    %dma_start3A_123 = arith.constant 0 : i32
    %dma_start3A_124 = arith.constant 0 : i32
    %dma_start3A_125 = tpu.memref_slice %arg3[%add3A_122, %dma_start3A_123, %dma_start3A_124] : memref<2560x2x128xi32, #tpu.memory_space<hbm>> -> memref<1x2x128xi32, #tpu.memory_space<hbm>>
    %dma_start3A_126 = tpu.memref_squeeze %dma_start3A_125 : memref<1x2x128xi32, #tpu.memory_space<hbm>> -> memref<2x128xi32, #tpu.memory_space<hbm>>
    %dma_start3A_127 = arith.constant 0 : i32
    %dma_start3A_128 = arith.constant 0 : i32
    %dma_start3A_129 = tpu.memref_slice %arg3[%add3A_122, %dma_start3A_127, %dma_start3A_128] : memref<2560x2x128xi32, #tpu.memory_space<hbm>> -> memref<1x2x128xi32, #tpu.memory_space<hbm>>
    %dma_start3A_130 = tpu.memref_squeeze %dma_start3A_129 : memref<1x2x128xi32, #tpu.memory_space<hbm>> -> memref<2x128xi32, #tpu.memory_space<hbm>>
    tpu.enqueue_dma source(%dma_start3A_130 : memref<2x128xi32, #tpu.memory_space<hbm>>) target(%arg15 : memref<2x128xi32, #tpu.memory_space<vmem>>) target_semaphore(%arg33 : memref<!tpu.dma_semaphore, #tpu.memory_space<semaphore_mem>>)
    %add3A_131 = arith.constant 32 : i32
    %add3A_132 = arith.addi %arg1, %add3A_131 : i32
    %dma_wait3A_133 = arith.constant 0 : i32
    %dma_wait3A_134 = arith.constant 0 : i32
    %dma_wait3A_135 = tpu.memref_slice %arg3[%add3A_132, %dma_wait3A_133, %dma_wait3A_134] : memref<2560x2x128xi32, #tpu.memory_space<hbm>> -> memref<1x2x128xi32, #tpu.memory_space<hbm>>
    %dma_wait3A_136 = tpu.memref_squeeze %dma_wait3A_135 : memref<1x2x128xi32, #tpu.memory_space<hbm>> -> memref<2x128xi32, #tpu.memory_space<hbm>>
    %dma_wait3A_137 = arith.constant 0 : i32
    %dma_wait3A_138 = arith.constant 0 : i32
    %dma_wait3A_139 = tpu.memref_slice %arg3[%add3A_132, %dma_wait3A_137, %dma_wait3A_138] : memref<2560x2x128xi32, #tpu.memory_space<hbm>> -> memref<1x2x128xi32, #tpu.memory_space<hbm>>
    %dma_wait3A_140 = tpu.memref_squeeze %dma_wait3A_139 : memref<1x2x128xi32, #tpu.memory_space<hbm>> -> memref<2x128xi32, #tpu.memory_space<hbm>>
    tpu.wait_dma2 semaphore(%arg29 : memref<!tpu.dma_semaphore, #tpu.memory_space<semaphore_mem>>) src(%dma_wait3A_140 : memref<2x128xi32, #tpu.memory_space<hbm>>) dst(%arg11 : memref<2x128xi32, #tpu.memory_space<vmem>>)
    %dma_start3A_141 = arith.constant 0 : i32
    %dma_start3A_142 = arith.constant 0 : i32
    %dma_start3A_143 = tpu.memref_slice %arg11[%dma_start3A_141, %dma_start3A_142] : memref<2x128xi32, #tpu.memory_space<vmem>> -> memref<1x128xi32, #tpu.memory_space<vmem>>
    %dma_start3A_144 = tpu.memref_squeeze %dma_start3A_143 : memref<1x128xi32, #tpu.memory_space<vmem>> -> memref<128xi32, #tpu.memory_space<vmem>>
    %dma_start3A_145 = arith.constant 0 : i32
    %dma_start3A_146 = arith.constant 0 : i32
    %dma_start3A_147 = tpu.memref_slice %arg17[%dma_start3A_145, %dma_start3A_146] : memref<10000x64xf32, #tpu.memory_space<vmem_shared>> -> memref<10000x64xf32, #tpu.memory_space<vmem_shared>>
    tpu.enqueue_indirect_dma source(%dma_start3A_147 : memref<10000x64xf32, #tpu.memory_space<vmem_shared>>) target(%arg7 : memref<128x64xf32, #tpu.memory_space<vmem>>) offsets(%dma_start3A_144 : memref<128xi32, #tpu.memory_space<vmem>>) semaphore(%arg21 : memref<!tpu.dma_semaphore, #tpu.memory_space<semaphore_mem>>)
    %dma_wait3A_148 = arith.constant 0 : i32
    %dma_wait3A_149 = arith.constant 0 : i32
    %dma_wait3A_150 = tpu.memref_slice %arg10[%dma_wait3A_148, %dma_wait3A_149] : memref<2x128xi32, #tpu.memory_space<vmem>> -> memref<1x128xi32, #tpu.memory_space<vmem>>
    %dma_wait3A_151 = tpu.memref_squeeze %dma_wait3A_150 : memref<1x128xi32, #tpu.memory_space<vmem>> -> memref<128xi32, #tpu.memory_space<vmem>>
    %dma_wait3A_152 = arith.constant 0 : i32
    %dma_wait3A_153 = arith.constant 0 : i32
    %dma_wait3A_154 = tpu.memref_slice %arg17[%dma_wait3A_152, %dma_wait3A_153] : memref<10000x64xf32, #tpu.memory_space<vmem_shared>> -> memref<10000x64xf32, #tpu.memory_space<vmem_shared>>
    tpu.wait_indirect_dma semaphore(%arg20 : memref<!tpu.dma_semaphore, #tpu.memory_space<semaphore_mem>>) src(%dma_wait3A_154 : memref<10000x64xf32, #tpu.memory_space<vmem_shared>>) dst(%arg6 : memref<128x64xf32, #tpu.memory_space<vmem>>)
    %dma_start3A_155 = arith.constant 1 : i32
    %dma_start3A_156 = arith.constant 0 : i32
    %dma_start3A_157 = tpu.memref_slice %arg10[%dma_start3A_155, %dma_start3A_156] : memref<2x128xi32, #tpu.memory_space<vmem>> -> memref<1x128xi32, #tpu.memory_space<vmem>>
    %dma_start3A_158 = tpu.memref_squeeze %dma_start3A_157 : memref<1x128xi32, #tpu.memory_space<vmem>> -> memref<128xi32, #tpu.memory_space<vmem>>
    %dma_start3A_159 = arith.constant 0 : i32
    %dma_start3A_160 = arith.constant 0 : i32
    %dma_start3A_161 = tpu.memref_slice %arg18[%dma_start3A_159, %dma_start3A_160] : memref<10048x64xf32, #tpu.memory_space<vmem_shared>> -> memref<10048x64xf32, #tpu.memory_space<vmem_shared>>
    tpu.enqueue_indirect_dma source(%arg6 : memref<128x64xf32, #tpu.memory_space<vmem>>) target(%dma_start3A_161 : memref<10048x64xf32, #tpu.memory_space<vmem_shared>>) offsets(%dma_start3A_158 : memref<128xi32, #tpu.memory_space<vmem>>) semaphore(%arg24 : memref<!tpu.dma_semaphore, #tpu.memory_space<semaphore_mem>>) {add = true}
    %add3A_162 = arith.constant 112 : i32
    %add3A_163 = arith.addi %arg1, %add3A_162 : i32
    %dma_start3A_164 = arith.constant 0 : i32
    %dma_start3A_165 = arith.constant 0 : i32
    %dma_start3A_166 = tpu.memref_slice %arg3[%add3A_163, %dma_start3A_164, %dma_start3A_165] : memref<2560x2x128xi32, #tpu.memory_space<hbm>> -> memref<1x2x128xi32, #tpu.memory_space<hbm>>
    %dma_start3A_167 = tpu.memref_squeeze %dma_start3A_166 : memref<1x2x128xi32, #tpu.memory_space<hbm>> -> memref<2x128xi32, #tpu.memory_space<hbm>>
    %dma_start3A_168 = arith.constant 0 : i32
    %dma_start3A_169 = arith.constant 0 : i32
    %dma_start3A_170 = tpu.memref_slice %arg3[%add3A_163, %dma_start3A_168, %dma_start3A_169] : memref<2560x2x128xi32, #tpu.memory_space<hbm>> -> memref<1x2x128xi32, #tpu.memory_space<hbm>>
    %dma_start3A_171 = tpu.memref_squeeze %dma_start3A_170 : memref<1x2x128xi32, #tpu.memory_space<hbm>> -> memref<2x128xi32, #tpu.memory_space<hbm>>
    tpu.enqueue_dma source(%dma_start3A_171 : memref<2x128xi32, #tpu.memory_space<hbm>>) target(%arg16 : memref<2x128xi32, #tpu.memory_space<vmem>>) target_semaphore(%arg34 : memref<!tpu.dma_semaphore, #tpu.memory_space<semaphore_mem>>)
    %add3A_172 = arith.constant 48 : i32
    %add3A_173 = arith.addi %arg1, %add3A_172 : i32
    %dma_wait3A_174 = arith.constant 0 : i32
    %dma_wait3A_175 = arith.constant 0 : i32
    %dma_wait3A_176 = tpu.memref_slice %arg3[%add3A_173, %dma_wait3A_174, %dma_wait3A_175] : memref<2560x2x128xi32, #tpu.memory_space<hbm>> -> memref<1x2x128xi32, #tpu.memory_space<hbm>>
    %dma_wait3A_177 = tpu.memref_squeeze %dma_wait3A_176 : memref<1x2x128xi32, #tpu.memory_space<hbm>> -> memref<2x128xi32, #tpu.memory_space<hbm>>
    %dma_wait3A_178 = arith.constant 0 : i32
    %dma_wait3A_179 = arith.constant 0 : i32
    %dma_wait3A_180 = tpu.memref_slice %arg3[%add3A_173, %dma_wait3A_178, %dma_wait3A_179] : memref<2560x2x128xi32, #tpu.memory_space<hbm>> -> memref<1x2x128xi32, #tpu.memory_space<hbm>>
    %dma_wait3A_181 = tpu.memref_squeeze %dma_wait3A_180 : memref<1x2x128xi32, #tpu.memory_space<hbm>> -> memref<2x128xi32, #tpu.memory_space<hbm>>
    tpu.wait_dma2 semaphore(%arg30 : memref<!tpu.dma_semaphore, #tpu.memory_space<semaphore_mem>>) src(%dma_wait3A_181 : memref<2x128xi32, #tpu.memory_space<hbm>>) dst(%arg12 : memref<2x128xi32, #tpu.memory_space<vmem>>)
    %dma_start3A_182 = arith.constant 0 : i32
    %dma_start3A_183 = arith.constant 0 : i32
    %dma_start3A_184 = tpu.memref_slice %arg12[%dma_start3A_182, %dma_start3A_183] : memref<2x128xi32, #tpu.memory_space<vmem>> -> memref<1x128xi32, #tpu.memory_space<vmem>>
    %dma_start3A_185 = tpu.memref_squeeze %dma_start3A_184 : memref<1x128xi32, #tpu.memory_space<vmem>> -> memref<128xi32, #tpu.memory_space<vmem>>
    %dma_start3A_186 = arith.constant 0 : i32
    %dma_start3A_187 = arith.constant 0 : i32
    %dma_start3A_188 = tpu.memref_slice %arg17[%dma_start3A_186, %dma_start3A_187] : memref<10000x64xf32, #tpu.memory_space<vmem_shared>> -> memref<10000x64xf32, #tpu.memory_space<vmem_shared>>
    tpu.enqueue_indirect_dma source(%dma_start3A_188 : memref<10000x64xf32, #tpu.memory_space<vmem_shared>>) target(%arg8 : memref<128x64xf32, #tpu.memory_space<vmem>>) offsets(%dma_start3A_185 : memref<128xi32, #tpu.memory_space<vmem>>) semaphore(%arg22 : memref<!tpu.dma_semaphore, #tpu.memory_space<semaphore_mem>>)
    %dma_wait3A_189 = arith.constant 0 : i32
    %dma_wait3A_190 = arith.constant 0 : i32
    %dma_wait3A_191 = tpu.memref_slice %arg11[%dma_wait3A_189, %dma_wait3A_190] : memref<2x128xi32, #tpu.memory_space<vmem>> -> memref<1x128xi32, #tpu.memory_space<vmem>>
    %dma_wait3A_192 = tpu.memref_squeeze %dma_wait3A_191 : memref<1x128xi32, #tpu.memory_space<vmem>> -> memref<128xi32, #tpu.memory_space<vmem>>
    %dma_wait3A_193 = arith.constant 0 : i32
    %dma_wait3A_194 = arith.constant 0 : i32
    %dma_wait3A_195 = tpu.memref_slice %arg17[%dma_wait3A_193, %dma_wait3A_194] : memref<10000x64xf32, #tpu.memory_space<vmem_shared>> -> memref<10000x64xf32, #tpu.memory_space<vmem_shared>>
    tpu.wait_indirect_dma semaphore(%arg21 : memref<!tpu.dma_semaphore, #tpu.memory_space<semaphore_mem>>) src(%dma_wait3A_195 : memref<10000x64xf32, #tpu.memory_space<vmem_shared>>) dst(%arg7 : memref<128x64xf32, #tpu.memory_space<vmem>>)
    %dma_start3A_196 = arith.constant 1 : i32
    %dma_start3A_197 = arith.constant 0 : i32
    %dma_start3A_198 = tpu.memref_slice %arg11[%dma_start3A_196, %dma_start3A_197] : memref<2x128xi32, #tpu.memory_space<vmem>> -> memref<1x128xi32, #tpu.memory_space<vmem>>
    %dma_start3A_199 = tpu.memref_squeeze %dma_start3A_198 : memref<1x128xi32, #tpu.memory_space<vmem>> -> memref<128xi32, #tpu.memory_space<vmem>>
    %dma_start3A_200 = arith.constant 0 : i32
    %dma_start3A_201 = arith.constant 0 : i32
    %dma_start3A_202 = tpu.memref_slice %arg18[%dma_start3A_200, %dma_start3A_201] : memref<10048x64xf32, #tpu.memory_space<vmem_shared>> -> memref<10048x64xf32, #tpu.memory_space<vmem_shared>>
    tpu.enqueue_indirect_dma source(%arg7 : memref<128x64xf32, #tpu.memory_space<vmem>>) target(%dma_start3A_202 : memref<10048x64xf32, #tpu.memory_space<vmem_shared>>) offsets(%dma_start3A_199 : memref<128xi32, #tpu.memory_space<vmem>>) semaphore(%arg25 : memref<!tpu.dma_semaphore, #tpu.memory_space<semaphore_mem>>) {add = true}
    %dma_wait3A_203 = arith.constant 1 : i32
    %dma_wait3A_204 = arith.constant 0 : i32
    %dma_wait3A_205 = tpu.memref_slice %arg9[%dma_wait3A_203, %dma_wait3A_204] : memref<2x128xi32, #tpu.memory_space<vmem>> -> memref<1x128xi32, #tpu.memory_space<vmem>>
    %dma_wait3A_206 = tpu.memref_squeeze %dma_wait3A_205 : memref<1x128xi32, #tpu.memory_space<vmem>> -> memref<128xi32, #tpu.memory_space<vmem>>
    %dma_wait3A_207 = arith.constant 0 : i32
    %dma_wait3A_208 = arith.constant 0 : i32
    %dma_wait3A_209 = tpu.memref_slice %arg18[%dma_wait3A_207, %dma_wait3A_208] : memref<10048x64xf32, #tpu.memory_space<vmem_shared>> -> memref<10048x64xf32, #tpu.memory_space<vmem_shared>>
    tpu.wait_indirect_dma semaphore(%arg23 : memref<!tpu.dma_semaphore, #tpu.memory_space<semaphore_mem>>) src(%arg5 : memref<128x64xf32, #tpu.memory_space<vmem>>) dst(%dma_wait3A_209 : memref<10048x64xf32, #tpu.memory_space<vmem_shared>>)
    %add3A_210 = arith.constant 128 : i32
    %add3A_211 = arith.addi %arg1, %add3A_210 : i32
    %dma_start3A_212 = arith.constant 0 : i32
    %dma_start3A_213 = arith.constant 0 : i32
    %dma_start3A_214 = tpu.memref_slice %arg3[%add3A_211, %dma_start3A_212, %dma_start3A_213] : memref<2560x2x128xi32, #tpu.memory_space<hbm>> -> memref<1x2x128xi32, #tpu.memory_space<hbm>>
    %dma_start3A_215 = tpu.memref_squeeze %dma_start3A_214 : memref<1x2x128xi32, #tpu.memory_space<hbm>> -> memref<2x128xi32, #tpu.memory_space<hbm>>
    %dma_start3A_216 = arith.constant 0 : i32
    %dma_start3A_217 = arith.constant 0 : i32
    %dma_start3A_218 = tpu.memref_slice %arg3[%add3A_211, %dma_start3A_216, %dma_start3A_217] : memref<2560x2x128xi32, #tpu.memory_space<hbm>> -> memref<1x2x128xi32, #tpu.memory_space<hbm>>
    %dma_start3A_219 = tpu.memref_squeeze %dma_start3A_218 : memref<1x2x128xi32, #tpu.memory_space<hbm>> -> memref<2x128xi32, #tpu.memory_space<hbm>>
    tpu.enqueue_dma source(%dma_start3A_219 : memref<2x128xi32, #tpu.memory_space<hbm>>) target(%arg9 : memref<2x128xi32, #tpu.memory_space<vmem>>) target_semaphore(%arg27 : memref<!tpu.dma_semaphore, #tpu.memory_space<semaphore_mem>>)
    %add3A_220 = arith.constant 64 : i32
    %add3A_221 = arith.addi %arg1, %add3A_220 : i32
    %dma_wait3A_222 = arith.constant 0 : i32
    %dma_wait3A_223 = arith.constant 0 : i32
    %dma_wait3A_224 = tpu.memref_slice %arg3[%add3A_221, %dma_wait3A_222, %dma_wait3A_223] : memref<2560x2x128xi32, #tpu.memory_space<hbm>> -> memref<1x2x128xi32, #tpu.memory_space<hbm>>
    %dma_wait3A_225 = tpu.memref_squeeze %dma_wait3A_224 : memref<1x2x128xi32, #tpu.memory_space<hbm>> -> memref<2x128xi32, #tpu.memory_space<hbm>>
    %dma_wait3A_226 = arith.constant 0 : i32
    %dma_wait3A_227 = arith.constant 0 : i32
    %dma_wait3A_228 = tpu.memref_slice %arg3[%add3A_221, %dma_wait3A_226, %dma_wait3A_227] : memref<2560x2x128xi32, #tpu.memory_space<hbm>> -> memref<1x2x128xi32, #tpu.memory_space<hbm>>
    %dma_wait3A_229 = tpu.memref_squeeze %dma_wait3A_228 : memref<1x2x128xi32, #tpu.memory_space<hbm>> -> memref<2x128xi32, #tpu.memory_space<hbm>>
    tpu.wait_dma2 semaphore(%arg31 : memref<!tpu.dma_semaphore, #tpu.memory_space<semaphore_mem>>) src(%dma_wait3A_229 : memref<2x128xi32, #tpu.memory_space<hbm>>) dst(%arg13 : memref<2x128xi32, #tpu.memory_space<vmem>>)
    %dma_start3A_230 = arith.constant 0 : i32
    %dma_start3A_231 = arith.constant 0 : i32
    %dma_start3A_232 = tpu.memref_slice %arg13[%dma_start3A_230, %dma_start3A_231] : memref<2x128xi32, #tpu.memory_space<vmem>> -> memref<1x128xi32, #tpu.memory_space<vmem>>
    %dma_start3A_233 = tpu.memref_squeeze %dma_start3A_232 : memref<1x128xi32, #tpu.memory_space<vmem>> -> memref<128xi32, #tpu.memory_space<vmem>>
    %dma_start3A_234 = arith.constant 0 : i32
    %dma_start3A_235 = arith.constant 0 : i32
    %dma_start3A_236 = tpu.memref_slice %arg17[%dma_start3A_234, %dma_start3A_235] : memref<10000x64xf32, #tpu.memory_space<vmem_shared>> -> memref<10000x64xf32, #tpu.memory_space<vmem_shared>>
    tpu.enqueue_indirect_dma source(%dma_start3A_236 : memref<10000x64xf32, #tpu.memory_space<vmem_shared>>) target(%arg5 : memref<128x64xf32, #tpu.memory_space<vmem>>) offsets(%dma_start3A_233 : memref<128xi32, #tpu.memory_space<vmem>>) semaphore(%arg19 : memref<!tpu.dma_semaphore, #tpu.memory_space<semaphore_mem>>)
    %dma_wait3A_237 = arith.constant 0 : i32
    %dma_wait3A_238 = arith.constant 0 : i32
    %dma_wait3A_239 = tpu.memref_slice %arg12[%dma_wait3A_237, %dma_wait3A_238] : memref<2x128xi32, #tpu.memory_space<vmem>> -> memref<1x128xi32, #tpu.memory_space<vmem>>
    %dma_wait3A_240 = tpu.memref_squeeze %dma_wait3A_239 : memref<1x128xi32, #tpu.memory_space<vmem>> -> memref<128xi32, #tpu.memory_space<vmem>>
    %dma_wait3A_241 = arith.constant 0 : i32
    %dma_wait3A_242 = arith.constant 0 : i32
    %dma_wait3A_243 = tpu.memref_slice %arg17[%dma_wait3A_241, %dma_wait3A_242] : memref<10000x64xf32, #tpu.memory_space<vmem_shared>> -> memref<10000x64xf32, #tpu.memory_space<vmem_shared>>
    tpu.wait_indirect_dma semaphore(%arg22 : memref<!tpu.dma_semaphore, #tpu.memory_space<semaphore_mem>>) src(%dma_wait3A_243 : memref<10000x64xf32, #tpu.memory_space<vmem_shared>>) dst(%arg8 : memref<128x64xf32, #tpu.memory_space<vmem>>)
    %dma_start3A_244 = arith.constant 1 : i32
    %dma_start3A_245 = arith.constant 0 : i32
    %dma_start3A_246 = tpu.memref_slice %arg12[%dma_start3A_244, %dma_start3A_245] : memref<2x128xi32, #tpu.memory_space<vmem>> -> memref<1x128xi32, #tpu.memory_space<vmem>>
    %dma_start3A_247 = tpu.memref_squeeze %dma_start3A_246 : memref<1x128xi32, #tpu.memory_space<vmem>> -> memref<128xi32, #tpu.memory_space<vmem>>
    %dma_start3A_248 = arith.constant 0 : i32
    %dma_start3A_249 = arith.constant 0 : i32
    %dma_start3A_250 = tpu.memref_slice %arg18[%dma_start3A_248, %dma_start3A_249] : memref<10048x64xf32, #tpu.memory_space<vmem_shared>> -> memref<10048x64xf32, #tpu.memory_space<vmem_shared>>
    tpu.enqueue_indirect_dma source(%arg8 : memref<128x64xf32, #tpu.memory_space<vmem>>) target(%dma_start3A_250 : memref<10048x64xf32, #tpu.memory_space<vmem_shared>>) offsets(%dma_start3A_247 : memref<128xi32, #tpu.memory_space<vmem>>) semaphore(%arg26 : memref<!tpu.dma_semaphore, #tpu.memory_space<semaphore_mem>>) {add = true}
    %dma_wait3A_251 = arith.constant 1 : i32
    %dma_wait3A_252 = arith.constant 0 : i32
    %dma_wait3A_253 = tpu.memref_slice %arg10[%dma_wait3A_251, %dma_wait3A_252] : memref<2x128xi32, #tpu.memory_space<vmem>> -> memref<1x128xi32, #tpu.memory_space<vmem>>
    %dma_wait3A_254 = tpu.memref_squeeze %dma_wait3A_253 : memref<1x128xi32, #tpu.memory_space<vmem>> -> memref<128xi32, #tpu.memory_space<vmem>>
    %dma_wait3A_255 = arith.constant 0 : i32
    %dma_wait3A_256 = arith.constant 0 : i32
    %dma_wait3A_257 = tpu.memref_slice %arg18[%dma_wait3A_255, %dma_wait3A_256] : memref<10048x64xf32, #tpu.memory_space<vmem_shared>> -> memref<10048x64xf32, #tpu.memory_space<vmem_shared>>
    tpu.wait_indirect_dma semaphore(%arg24 : memref<!tpu.dma_semaphore, #tpu.memory_space<semaphore_mem>>) src(%arg6 : memref<128x64xf32, #tpu.memory_space<vmem>>) dst(%dma_wait3A_257 : memref<10048x64xf32, #tpu.memory_space<vmem_shared>>)
    %add3A_258 = arith.constant 144 : i32
    %add3A_259 = arith.addi %arg1, %add3A_258 : i32
    %dma_start3A_260 = arith.constant 0 : i32
    %dma_start3A_261 = arith.constant 0 : i32
    %dma_start3A_262 = tpu.memref_slice %arg3[%add3A_259, %dma_start3A_260, %dma_start3A_261] : memref<2560x2x128xi32, #tpu.memory_space<hbm>> -> memref<1x2x128xi32, #tpu.memory_space<hbm>>
    %dma_start3A_263 = tpu.memref_squeeze %dma_start3A_262 : memref<1x2x128xi32, #tpu.memory_space<hbm>> -> memref<2x128xi32, #tpu.memory_space<hbm>>
    %dma_start3A_264 = arith.constant 0 : i32
    %dma_start3A_265 = arith.constant 0 : i32
    %dma_start3A_266 = tpu.memref_slice %arg3[%add3A_259, %dma_start3A_264, %dma_start3A_265] : memref<2560x2x128xi32, #tpu.memory_space<hbm>> -> memref<1x2x128xi32, #tpu.memory_space<hbm>>
    %dma_start3A_267 = tpu.memref_squeeze %dma_start3A_266 : memref<1x2x128xi32, #tpu.memory_space<hbm>> -> memref<2x128xi32, #tpu.memory_space<hbm>>
    tpu.enqueue_dma source(%dma_start3A_267 : memref<2x128xi32, #tpu.memory_space<hbm>>) target(%arg10 : memref<2x128xi32, #tpu.memory_space<vmem>>) target_semaphore(%arg28 : memref<!tpu.dma_semaphore, #tpu.memory_space<semaphore_mem>>)
    %add3A_268 = arith.constant 80 : i32
    %add3A_269 = arith.addi %arg1, %add3A_268 : i32
    %dma_wait3A_270 = arith.constant 0 : i32
    %dma_wait3A_271 = arith.constant 0 : i32
    %dma_wait3A_272 = tpu.memref_slice %arg3[%add3A_269, %dma_wait3A_270, %dma_wait3A_271] : memref<2560x2x128xi32, #tpu.memory_space<hbm>> -> memref<1x2x128xi32, #tpu.memory_space<hbm>>
    %dma_wait3A_273 = tpu.memref_squeeze %dma_wait3A_272 : memref<1x2x128xi32, #tpu.memory_space<hbm>> -> memref<2x128xi32, #tpu.memory_space<hbm>>
    %dma_wait3A_274 = arith.constant 0 : i32
    %dma_wait3A_275 = arith.constant 0 : i32
    %dma_wait3A_276 = tpu.memref_slice %arg3[%add3A_269, %dma_wait3A_274, %dma_wait3A_275] : memref<2560x2x128xi32, #tpu.memory_space<hbm>> -> memref<1x2x128xi32, #tpu.memory_space<hbm>>
    %dma_wait3A_277 = tpu.memref_squeeze %dma_wait3A_276 : memref<1x2x128xi32, #tpu.memory_space<hbm>> -> memref<2x128xi32, #tpu.memory_space<hbm>>
    tpu.wait_dma2 semaphore(%arg32 : memref<!tpu.dma_semaphore, #tpu.memory_space<semaphore_mem>>) src(%dma_wait3A_277 : memref<2x128xi32, #tpu.memory_space<hbm>>) dst(%arg14 : memref<2x128xi32, #tpu.memory_space<vmem>>)
    %dma_start3A_278 = arith.constant 0 : i32
    %dma_start3A_279 = arith.constant 0 : i32
    %dma_start3A_280 = tpu.memref_slice %arg14[%dma_start3A_278, %dma_start3A_279] : memref<2x128xi32, #tpu.memory_space<vmem>> -> memref<1x128xi32, #tpu.memory_space<vmem>>
    %dma_start3A_281 = tpu.memref_squeeze %dma_start3A_280 : memref<1x128xi32, #tpu.memory_space<vmem>> -> memref<128xi32, #tpu.memory_space<vmem>>
    %dma_start3A_282 = arith.constant 0 : i32
    %dma_start3A_283 = arith.constant 0 : i32
    %dma_start3A_284 = tpu.memref_slice %arg17[%dma_start3A_282, %dma_start3A_283] : memref<10000x64xf32, #tpu.memory_space<vmem_shared>> -> memref<10000x64xf32, #tpu.memory_space<vmem_shared>>
    tpu.enqueue_indirect_dma source(%dma_start3A_284 : memref<10000x64xf32, #tpu.memory_space<vmem_shared>>) target(%arg6 : memref<128x64xf32, #tpu.memory_space<vmem>>) offsets(%dma_start3A_281 : memref<128xi32, #tpu.memory_space<vmem>>) semaphore(%arg20 : memref<!tpu.dma_semaphore, #tpu.memory_space<semaphore_mem>>)
    %dma_wait3A_285 = arith.constant 0 : i32
    %dma_wait3A_286 = arith.constant 0 : i32
    %dma_wait3A_287 = tpu.memref_slice %arg13[%dma_wait3A_285, %dma_wait3A_286] : memref<2x128xi32, #tpu.memory_space<vmem>> -> memref<1x128xi32, #tpu.memory_space<vmem>>
    %dma_wait3A_288 = tpu.memref_squeeze %dma_wait3A_287 : memref<1x128xi32, #tpu.memory_space<vmem>> -> memref<128xi32, #tpu.memory_space<vmem>>
    %dma_wait3A_289 = arith.constant 0 : i32
    %dma_wait3A_290 = arith.constant 0 : i32
    %dma_wait3A_291 = tpu.memref_slice %arg17[%dma_wait3A_289, %dma_wait3A_290] : memref<10000x64xf32, #tpu.memory_space<vmem_shared>> -> memref<10000x64xf32, #tpu.memory_space<vmem_shared>>
    tpu.wait_indirect_dma semaphore(%arg19 : memref<!tpu.dma_semaphore, #tpu.memory_space<semaphore_mem>>) src(%dma_wait3A_291 : memref<10000x64xf32, #tpu.memory_space<vmem_shared>>) dst(%arg5 : memref<128x64xf32, #tpu.memory_space<vmem>>)
    %dma_start3A_292 = arith.constant 1 : i32
    %dma_start3A_293 = arith.constant 0 : i32
    %dma_start3A_294 = tpu.memref_slice %arg13[%dma_start3A_292, %dma_start3A_293] : memref<2x128xi32, #tpu.memory_space<vmem>> -> memref<1x128xi32, #tpu.memory_space<vmem>>
    %dma_start3A_295 = tpu.memref_squeeze %dma_start3A_294 : memref<1x128xi32, #tpu.memory_space<vmem>> -> memref<128xi32, #tpu.memory_space<vmem>>
    %dma_start3A_296 = arith.constant 0 : i32
    %dma_start3A_297 = arith.constant 0 : i32
    %dma_start3A_298 = tpu.memref_slice %arg18[%dma_start3A_296, %dma_start3A_297] : memref<10048x64xf32, #tpu.memory_space<vmem_shared>> -> memref<10048x64xf32, #tpu.memory_space<vmem_shared>>
    tpu.enqueue_indirect_dma source(%arg5 : memref<128x64xf32, #tpu.memory_space<vmem>>) target(%dma_start3A_298 : memref<10048x64xf32, #tpu.memory_space<vmem_shared>>) offsets(%dma_start3A_295 : memref<128xi32, #tpu.memory_space<vmem>>) semaphore(%arg23 : memref<!tpu.dma_semaphore, #tpu.memory_space<semaphore_mem>>) {add = true}
    %dma_wait3A_299 = arith.constant 1 : i32
    %dma_wait3A_300 = arith.constant 0 : i32
    %dma_wait3A_301 = tpu.memref_slice %arg11[%dma_wait3A_299, %dma_wait3A_300] : memref<2x128xi32, #tpu.memory_space<vmem>> -> memref<1x128xi32, #tpu.memory_space<vmem>>
    %dma_wait3A_302 = tpu.memref_squeeze %dma_wait3A_301 : memref<1x128xi32, #tpu.memory_space<vmem>> -> memref<128xi32, #tpu.memory_space<vmem>>
    %dma_wait3A_303 = arith.constant 0 : i32
    %dma_wait3A_304 = arith.constant 0 : i32
    %dma_wait3A_305 = tpu.memref_slice %arg18[%dma_wait3A_303, %dma_wait3A_304] : memref<10048x64xf32, #tpu.memory_space<vmem_shared>> -> memref<10048x64xf32, #tpu.memory_space<vmem_shared>>
    tpu.wait_indirect_dma semaphore(%arg25 : memref<!tpu.dma_semaphore, #tpu.memory_space<semaphore_mem>>) src(%arg7 : memref<128x64xf32, #tpu.memory_space<vmem>>) dst(%dma_wait3A_305 : memref<10048x64xf32, #tpu.memory_space<vmem_shared>>)
    %add3A_306 = arith.constant 160 : i32
    %add3A_307 = arith.addi %arg1, %add3A_306 : i32
    %dma_start3A_308 = arith.constant 0 : i32
    %dma_start3A_309 = arith.constant 0 : i32
    %dma_start3A_310 = tpu.memref_slice %arg3[%add3A_307, %dma_start3A_308, %dma_start3A_309] : memref<2560x2x128xi32, #tpu.memory_space<hbm>> -> memref<1x2x128xi32, #tpu.memory_space<hbm>>
    %dma_start3A_311 = tpu.memref_squeeze %dma_start3A_310 : memref<1x2x128xi32, #tpu.memory_space<hbm>> -> memref<2x128xi32, #tpu.memory_space<hbm>>
    %dma_start3A_312 = arith.constant 0 : i32
    %dma_start3A_313 = arith.constant 0 : i32
    %dma_start3A_314 = tpu.memref_slice %arg3[%add3A_307, %dma_start3A_312, %dma_start3A_313] : memref<2560x2x128xi32, #tpu.memory_space<hbm>> -> memref<1x2x128xi32, #tpu.memory_space<hbm>>
    %dma_start3A_315 = tpu.memref_squeeze %dma_start3A_314 : memref<1x2x128xi32, #tpu.memory_space<hbm>> -> memref<2x128xi32, #tpu.memory_space<hbm>>
    tpu.enqueue_dma source(%dma_start3A_315 : memref<2x128xi32, #tpu.memory_space<hbm>>) target(%arg11 : memref<2x128xi32, #tpu.memory_space<vmem>>) target_semaphore(%arg29 : memref<!tpu.dma_semaphore, #tpu.memory_space<semaphore_mem>>)
    %add3A_316 = arith.constant 96 : i32
    %add3A_317 = arith.addi %arg1, %add3A_316 : i32
    %dma_wait3A_318 = arith.constant 0 : i32
    %dma_wait3A_319 = arith.constant 0 : i32
    %dma_wait3A_320 = tpu.memref_slice %arg3[%add3A_317, %dma_wait3A_318, %dma_wait3A_319] : memref<2560x2x128xi32, #tpu.memory_space<hbm>> -> memref<1x2x128xi32, #tpu.memory_space<hbm>>
    %dma_wait3A_321 = tpu.memref_squeeze %dma_wait3A_320 : memref<1x2x128xi32, #tpu.memory_space<hbm>> -> memref<2x128xi32, #tpu.memory_space<hbm>>
    %dma_wait3A_322 = arith.constant 0 : i32
    %dma_wait3A_323 = arith.constant 0 : i32
    %dma_wait3A_324 = tpu.memref_slice %arg3[%add3A_317, %dma_wait3A_322, %dma_wait3A_323] : memref<2560x2x128xi32, #tpu.memory_space<hbm>> -> memref<1x2x128xi32, #tpu.memory_space<hbm>>
    %dma_wait3A_325 = tpu.memref_squeeze %dma_wait3A_324 : memref<1x2x128xi32, #tpu.memory_space<hbm>> -> memref<2x128xi32, #tpu.memory_space<hbm>>
    tpu.wait_dma2 semaphore(%arg33 : memref<!tpu.dma_semaphore, #tpu.memory_space<semaphore_mem>>) src(%dma_wait3A_325 : memref<2x128xi32, #tpu.memory_space<hbm>>) dst(%arg15 : memref<2x128xi32, #tpu.memory_space<vmem>>)
    %dma_start3A_326 = arith.constant 0 : i32
    %dma_start3A_327 = arith.constant 0 : i32
    %dma_start3A_328 = tpu.memref_slice %arg15[%dma_start3A_326, %dma_start3A_327] : memref<2x128xi32, #tpu.memory_space<vmem>> -> memref<1x128xi32, #tpu.memory_space<vmem>>
    %dma_start3A_329 = tpu.memref_squeeze %dma_start3A_328 : memref<1x128xi32, #tpu.memory_space<vmem>> -> memref<128xi32, #tpu.memory_space<vmem>>
    %dma_start3A_330 = arith.constant 0 : i32
    %dma_start3A_331 = arith.constant 0 : i32
    %dma_start3A_332 = tpu.memref_slice %arg17[%dma_start3A_330, %dma_start3A_331] : memref<10000x64xf32, #tpu.memory_space<vmem_shared>> -> memref<10000x64xf32, #tpu.memory_space<vmem_shared>>
    tpu.enqueue_indirect_dma source(%dma_start3A_332 : memref<10000x64xf32, #tpu.memory_space<vmem_shared>>) target(%arg7 : memref<128x64xf32, #tpu.memory_space<vmem>>) offsets(%dma_start3A_329 : memref<128xi32, #tpu.memory_space<vmem>>) semaphore(%arg21 : memref<!tpu.dma_semaphore, #tpu.memory_space<semaphore_mem>>)
    %dma_wait3A_333 = arith.constant 0 : i32
    %dma_wait3A_334 = arith.constant 0 : i32
    %dma_wait3A_335 = tpu.memref_slice %arg14[%dma_wait3A_333, %dma_wait3A_334] : memref<2x128xi32, #tpu.memory_space<vmem>> -> memref<1x128xi32, #tpu.memory_space<vmem>>
    %dma_wait3A_336 = tpu.memref_squeeze %dma_wait3A_335 : memref<1x128xi32, #tpu.memory_space<vmem>> -> memref<128xi32, #tpu.memory_space<vmem>>
    %dma_wait3A_337 = arith.constant 0 : i32
    %dma_wait3A_338 = arith.constant 0 : i32
    %dma_wait3A_339 = tpu.memref_slice %arg17[%dma_wait3A_337, %dma_wait3A_338] : memref<10000x64xf32, #tpu.memory_space<vmem_shared>> -> memref<10000x64xf32, #tpu.memory_space<vmem_shared>>
    tpu.wait_indirect_dma semaphore(%arg20 : memref<!tpu.dma_semaphore, #tpu.memory_space<semaphore_mem>>) src(%dma_wait3A_339 : memref<10000x64xf32, #tpu.memory_space<vmem_shared>>) dst(%arg6 : memref<128x64xf32, #tpu.memory_space<vmem>>)
    %dma_start3A_340 = arith.constant 1 : i32
    %dma_start3A_341 = arith.constant 0 : i32
    %dma_start3A_342 = tpu.memref_slice %arg14[%dma_start3A_340, %dma_start3A_341] : memref<2x128xi32, #tpu.memory_space<vmem>> -> memref<1x128xi32, #tpu.memory_space<vmem>>
    %dma_start3A_343 = tpu.memref_squeeze %dma_start3A_342 : memref<1x128xi32, #tpu.memory_space<vmem>> -> memref<128xi32, #tpu.memory_space<vmem>>
    %dma_start3A_344 = arith.constant 0 : i32
    %dma_start3A_345 = arith.constant 0 : i32
    %dma_start3A_346 = tpu.memref_slice %arg18[%dma_start3A_344, %dma_start3A_345] : memref<10048x64xf32, #tpu.memory_space<vmem_shared>> -> memref<10048x64xf32, #tpu.memory_space<vmem_shared>>
    tpu.enqueue_indirect_dma source(%arg6 : memref<128x64xf32, #tpu.memory_space<vmem>>) target(%dma_start3A_346 : memref<10048x64xf32, #tpu.memory_space<vmem_shared>>) offsets(%dma_start3A_343 : memref<128xi32, #tpu.memory_space<vmem>>) semaphore(%arg24 : memref<!tpu.dma_semaphore, #tpu.memory_space<semaphore_mem>>) {add = true}
    %dma_wait3A_347 = arith.constant 1 : i32
    %dma_wait3A_348 = arith.constant 0 : i32
    %dma_wait3A_349 = tpu.memref_slice %arg12[%dma_wait3A_347, %dma_wait3A_348] : memref<2x128xi32, #tpu.memory_space<vmem>> -> memref<1x128xi32, #tpu.memory_space<vmem>>
    %dma_wait3A_350 = tpu.memref_squeeze %dma_wait3A_349 : memref<1x128xi32, #tpu.memory_space<vmem>> -> memref<128xi32, #tpu.memory_space<vmem>>
    %dma_wait3A_351 = arith.constant 0 : i32
    %dma_wait3A_352 = arith.constant 0 : i32
    %dma_wait3A_353 = tpu.memref_slice %arg18[%dma_wait3A_351, %dma_wait3A_352] : memref<10048x64xf32, #tpu.memory_space<vmem_shared>> -> memref<10048x64xf32, #tpu.memory_space<vmem_shared>>
    tpu.wait_indirect_dma semaphore(%arg26 : memref<!tpu.dma_semaphore, #tpu.memory_space<semaphore_mem>>) src(%arg8 : memref<128x64xf32, #tpu.memory_space<vmem>>) dst(%dma_wait3A_353 : memref<10048x64xf32, #tpu.memory_space<vmem_shared>>)
    %add3A_354 = arith.constant 176 : i32
    %add3A_355 = arith.addi %arg1, %add3A_354 : i32
    %dma_start3A_356 = arith.constant 0 : i32
    %dma_start3A_357 = arith.constant 0 : i32
    %dma_start3A_358 = tpu.memref_slice %arg3[%add3A_355, %dma_start3A_356, %dma_start3A_357] : memref<2560x2x128xi32, #tpu.memory_space<hbm>> -> memref<1x2x128xi32, #tpu.memory_space<hbm>>
    %dma_start3A_359 = tpu.memref_squeeze %dma_start3A_358 : memref<1x2x128xi32, #tpu.memory_space<hbm>> -> memref<2x128xi32, #tpu.memory_space<hbm>>
    %dma_start3A_360 = arith.constant 0 : i32
    %dma_start3A_361 = arith.constant 0 : i32
    %dma_start3A_362 = tpu.memref_slice %arg3[%add3A_355, %dma_start3A_360, %dma_start3A_361] : memref<2560x2x128xi32, #tpu.memory_space<hbm>> -> memref<1x2x128xi32, #tpu.memory_space<hbm>>
    %dma_start3A_363 = tpu.memref_squeeze %dma_start3A_362 : memref<1x2x128xi32, #tpu.memory_space<hbm>> -> memref<2x128xi32, #tpu.memory_space<hbm>>
    tpu.enqueue_dma source(%dma_start3A_363 : memref<2x128xi32, #tpu.memory_space<hbm>>) target(%arg12 : memref<2x128xi32, #tpu.memory_space<vmem>>) target_semaphore(%arg30 : memref<!tpu.dma_semaphore, #tpu.memory_space<semaphore_mem>>)
    %add3A_364 = arith.constant 112 : i32
    %add3A_365 = arith.addi %arg1, %add3A_364 : i32
    %dma_wait3A_366 = arith.constant 0 : i32
    %dma_wait3A_367 = arith.constant 0 : i32
    %dma_wait3A_368 = tpu.memref_slice %arg3[%add3A_365, %dma_wait3A_366, %dma_wait3A_367] : memref<2560x2x128xi32, #tpu.memory_space<hbm>> -> memref<1x2x128xi32, #tpu.memory_space<hbm>>
    %dma_wait3A_369 = tpu.memref_squeeze %dma_wait3A_368 : memref<1x2x128xi32, #tpu.memory_space<hbm>> -> memref<2x128xi32, #tpu.memory_space<hbm>>
    %dma_wait3A_370 = arith.constant 0 : i32
    %dma_wait3A_371 = arith.constant 0 : i32
    %dma_wait3A_372 = tpu.memref_slice %arg3[%add3A_365, %dma_wait3A_370, %dma_wait3A_371] : memref<2560x2x128xi32, #tpu.memory_space<hbm>> -> memref<1x2x128xi32, #tpu.memory_space<hbm>>
    %dma_wait3A_373 = tpu.memref_squeeze %dma_wait3A_372 : memref<1x2x128xi32, #tpu.memory_space<hbm>> -> memref<2x128xi32, #tpu.memory_space<hbm>>
    tpu.wait_dma2 semaphore(%arg34 : memref<!tpu.dma_semaphore, #tpu.memory_space<semaphore_mem>>) src(%dma_wait3A_373 : memref<2x128xi32, #tpu.memory_space<hbm>>) dst(%arg16 : memref<2x128xi32, #tpu.memory_space<vmem>>)
    %dma_start3A_374 = arith.constant 0 : i32
    %dma_start3A_375 = arith.constant 0 : i32
    %dma_start3A_376 = tpu.memref_slice %arg16[%dma_start3A_374, %dma_start3A_375] : memref<2x128xi32, #tpu.memory_space<vmem>> -> memref<1x128xi32, #tpu.memory_space<vmem>>
    %dma_start3A_377 = tpu.memref_squeeze %dma_start3A_376 : memref<1x128xi32, #tpu.memory_space<vmem>> -> memref<128xi32, #tpu.memory_space<vmem>>
    %dma_start3A_378 = arith.constant 0 : i32
    %dma_start3A_379 = arith.constant 0 : i32
    %dma_start3A_380 = tpu.memref_slice %arg17[%dma_start3A_378, %dma_start3A_379] : memref<10000x64xf32, #tpu.memory_space<vmem_shared>> -> memref<10000x64xf32, #tpu.memory_space<vmem_shared>>
    tpu.enqueue_indirect_dma source(%dma_start3A_380 : memref<10000x64xf32, #tpu.memory_space<vmem_shared>>) target(%arg8 : memref<128x64xf32, #tpu.memory_space<vmem>>) offsets(%dma_start3A_377 : memref<128xi32, #tpu.memory_space<vmem>>) semaphore(%arg22 : memref<!tpu.dma_semaphore, #tpu.memory_space<semaphore_mem>>)
    %dma_wait3A_381 = arith.constant 0 : i32
    %dma_wait3A_382 = arith.constant 0 : i32
    %dma_wait3A_383 = tpu.memref_slice %arg15[%dma_wait3A_381, %dma_wait3A_382] : memref<2x128xi32, #tpu.memory_space<vmem>> -> memref<1x128xi32, #tpu.memory_space<vmem>>
    %dma_wait3A_384 = tpu.memref_squeeze %dma_wait3A_383 : memref<1x128xi32, #tpu.memory_space<vmem>> -> memref<128xi32, #tpu.memory_space<vmem>>
    %dma_wait3A_385 = arith.constant 0 : i32
    %dma_wait3A_386 = arith.constant 0 : i32
    %dma_wait3A_387 = tpu.memref_slice %arg17[%dma_wait3A_385, %dma_wait3A_386] : memref<10000x64xf32, #tpu.memory_space<vmem_shared>> -> memref<10000x64xf32, #tpu.memory_space<vmem_shared>>
    tpu.wait_indirect_dma semaphore(%arg21 : memref<!tpu.dma_semaphore, #tpu.memory_space<semaphore_mem>>) src(%dma_wait3A_387 : memref<10000x64xf32, #tpu.memory_space<vmem_shared>>) dst(%arg7 : memref<128x64xf32, #tpu.memory_space<vmem>>)
    %dma_start3A_388 = arith.constant 1 : i32
    %dma_start3A_389 = arith.constant 0 : i32
    %dma_start3A_390 = tpu.memref_slice %arg15[%dma_start3A_388, %dma_start3A_389] : memref<2x128xi32, #tpu.memory_space<vmem>> -> memref<1x128xi32, #tpu.memory_space<vmem>>
    %dma_start3A_391 = tpu.memref_squeeze %dma_start3A_390 : memref<1x128xi32, #tpu.memory_space<vmem>> -> memref<128xi32, #tpu.memory_space<vmem>>
    %dma_start3A_392 = arith.constant 0 : i32
    %dma_start3A_393 = arith.constant 0 : i32
    %dma_start3A_394 = tpu.memref_slice %arg18[%dma_start3A_392, %dma_start3A_393] : memref<10048x64xf32, #tpu.memory_space<vmem_shared>> -> memref<10048x64xf32, #tpu.memory_space<vmem_shared>>
    tpu.enqueue_indirect_dma source(%arg7 : memref<128x64xf32, #tpu.memory_space<vmem>>) target(%dma_start3A_394 : memref<10048x64xf32, #tpu.memory_space<vmem_shared>>) offsets(%dma_start3A_391 : memref<128xi32, #tpu.memory_space<vmem>>) semaphore(%arg25 : memref<!tpu.dma_semaphore, #tpu.memory_space<semaphore_mem>>) {add = true}
    %dma_wait3A_395 = arith.constant 1 : i32
    %dma_wait3A_396 = arith.constant 0 : i32
    %dma_wait3A_397 = tpu.memref_slice %arg13[%dma_wait3A_395, %dma_wait3A_396] : memref<2x128xi32, #tpu.memory_space<vmem>> -> memref<1x128xi32, #tpu.memory_space<vmem>>
    %dma_wait3A_398 = tpu.memref_squeeze %dma_wait3A_397 : memref<1x128xi32, #tpu.memory_space<vmem>> -> memref<128xi32, #tpu.memory_space<vmem>>
    %dma_wait3A_399 = arith.constant 0 : i32
    %dma_wait3A_400 = arith.constant 0 : i32
    %dma_wait3A_401 = tpu.memref_slice %arg18[%dma_wait3A_399, %dma_wait3A_400] : memref<10048x64xf32, #tpu.memory_space<vmem_shared>> -> memref<10048x64xf32, #tpu.memory_space<vmem_shared>>
    tpu.wait_indirect_dma semaphore(%arg23 : memref<!tpu.dma_semaphore, #tpu.memory_space<semaphore_mem>>) src(%arg5 : memref<128x64xf32, #tpu.memory_space<vmem>>) dst(%dma_wait3A_401 : memref<10048x64xf32, #tpu.memory_space<vmem_shared>>)
    %add3A_402 = arith.constant 192 : i32
    %add3A_403 = arith.addi %arg1, %add3A_402 : i32
    %dma_start3A_404 = arith.constant 0 : i32
    %dma_start3A_405 = arith.constant 0 : i32
    %dma_start3A_406 = tpu.memref_slice %arg3[%add3A_403, %dma_start3A_404, %dma_start3A_405] : memref<2560x2x128xi32, #tpu.memory_space<hbm>> -> memref<1x2x128xi32, #tpu.memory_space<hbm>>
    %dma_start3A_407 = tpu.memref_squeeze %dma_start3A_406 : memref<1x2x128xi32, #tpu.memory_space<hbm>> -> memref<2x128xi32, #tpu.memory_space<hbm>>
    %dma_start3A_408 = arith.constant 0 : i32
    %dma_start3A_409 = arith.constant 0 : i32
    %dma_start3A_410 = tpu.memref_slice %arg3[%add3A_403, %dma_start3A_408, %dma_start3A_409] : memref<2560x2x128xi32, #tpu.memory_space<hbm>> -> memref<1x2x128xi32, #tpu.memory_space<hbm>>
    %dma_start3A_411 = tpu.memref_squeeze %dma_start3A_410 : memref<1x2x128xi32, #tpu.memory_space<hbm>> -> memref<2x128xi32, #tpu.memory_space<hbm>>
    tpu.enqueue_dma source(%dma_start3A_411 : memref<2x128xi32, #tpu.memory_space<hbm>>) target(%arg13 : memref<2x128xi32, #tpu.memory_space<vmem>>) target_semaphore(%arg31 : memref<!tpu.dma_semaphore, #tpu.memory_space<semaphore_mem>>)
    %add3A_412 = arith.constant 128 : i32
    %add3A_413 = arith.addi %arg1, %add3A_412 : i32
    %dma_wait3A_414 = arith.constant 0 : i32
    %dma_wait3A_415 = arith.constant 0 : i32
    %dma_wait3A_416 = tpu.memref_slice %arg3[%add3A_413, %dma_wait3A_414, %dma_wait3A_415] : memref<2560x2x128xi32, #tpu.memory_space<hbm>> -> memref<1x2x128xi32, #tpu.memory_space<hbm>>
    %dma_wait3A_417 = tpu.memref_squeeze %dma_wait3A_416 : memref<1x2x128xi32, #tpu.memory_space<hbm>> -> memref<2x128xi32, #tpu.memory_space<hbm>>
    %dma_wait3A_418 = arith.constant 0 : i32
    %dma_wait3A_419 = arith.constant 0 : i32
    %dma_wait3A_420 = tpu.memref_slice %arg3[%add3A_413, %dma_wait3A_418, %dma_wait3A_419] : memref<2560x2x128xi32, #tpu.memory_space<hbm>> -> memref<1x2x128xi32, #tpu.memory_space<hbm>>
    %dma_wait3A_421 = tpu.memref_squeeze %dma_wait3A_420 : memref<1x2x128xi32, #tpu.memory_space<hbm>> -> memref<2x128xi32, #tpu.memory_space<hbm>>
    tpu.wait_dma2 semaphore(%arg27 : memref<!tpu.dma_semaphore, #tpu.memory_space<semaphore_mem>>) src(%dma_wait3A_421 : memref<2x128xi32, #tpu.memory_space<hbm>>) dst(%arg9 : memref<2x128xi32, #tpu.memory_space<vmem>>)
    %dma_start3A_422 = arith.constant 0 : i32
    %dma_start3A_423 = arith.constant 0 : i32
    %dma_start3A_424 = tpu.memref_slice %arg9[%dma_start3A_422, %dma_start3A_423] : memref<2x128xi32, #tpu.memory_space<vmem>> -> memref<1x128xi32, #tpu.memory_space<vmem>>
    %dma_start3A_425 = tpu.memref_squeeze %dma_start3A_424 : memref<1x128xi32, #tpu.memory_space<vmem>> -> memref<128xi32, #tpu.memory_space<vmem>>
    %dma_start3A_426 = arith.constant 0 : i32
    %dma_start3A_427 = arith.constant 0 : i32
    %dma_start3A_428 = tpu.memref_slice %arg17[%dma_start3A_426, %dma_start3A_427] : memref<10000x64xf32, #tpu.memory_space<vmem_shared>> -> memref<10000x64xf32, #tpu.memory_space<vmem_shared>>
    tpu.enqueue_indirect_dma source(%dma_start3A_428 : memref<10000x64xf32, #tpu.memory_space<vmem_shared>>) target(%arg5 : memref<128x64xf32, #tpu.memory_space<vmem>>) offsets(%dma_start3A_425 : memref<128xi32, #tpu.memory_space<vmem>>) semaphore(%arg19 : memref<!tpu.dma_semaphore, #tpu.memory_space<semaphore_mem>>)
    %dma_wait3A_429 = arith.constant 0 : i32
    %dma_wait3A_430 = arith.constant 0 : i32
    %dma_wait3A_431 = tpu.memref_slice %arg16[%dma_wait3A_429, %dma_wait3A_430] : memref<2x128xi32, #tpu.memory_space<vmem>> -> memref<1x128xi32, #tpu.memory_space<vmem>>
    %dma_wait3A_432 = tpu.memref_squeeze %dma_wait3A_431 : memref<1x128xi32, #tpu.memory_space<vmem>> -> memref<128xi32, #tpu.memory_space<vmem>>
    %dma_wait3A_433 = arith.constant 0 : i32
    %dma_wait3A_434 = arith.constant 0 : i32
    %dma_wait3A_435 = tpu.memref_slice %arg17[%dma_wait3A_433, %dma_wait3A_434] : memref<10000x64xf32, #tpu.memory_space<vmem_shared>> -> memref<10000x64xf32, #tpu.memory_space<vmem_shared>>
    tpu.wait_indirect_dma semaphore(%arg22 : memref<!tpu.dma_semaphore, #tpu.memory_space<semaphore_mem>>) src(%dma_wait3A_435 : memref<10000x64xf32, #tpu.memory_space<vmem_shared>>) dst(%arg8 : memref<128x64xf32, #tpu.memory_space<vmem>>)
    %dma_start3A_436 = arith.constant 1 : i32
    %dma_start3A_437 = arith.constant 0 : i32
    %dma_start3A_438 = tpu.memref_slice %arg16[%dma_start3A_436, %dma_start3A_437] : memref<2x128xi32, #tpu.memory_space<vmem>> -> memref<1x128xi32, #tpu.memory_space<vmem>>
    %dma_start3A_439 = tpu.memref_squeeze %dma_start3A_438 : memref<1x128xi32, #tpu.memory_space<vmem>> -> memref<128xi32, #tpu.memory_space<vmem>>
    %dma_start3A_440 = arith.constant 0 : i32
    %dma_start3A_441 = arith.constant 0 : i32
    %dma_start3A_442 = tpu.memref_slice %arg18[%dma_start3A_440, %dma_start3A_441] : memref<10048x64xf32, #tpu.memory_space<vmem_shared>> -> memref<10048x64xf32, #tpu.memory_space<vmem_shared>>
    tpu.enqueue_indirect_dma source(%arg8 : memref<128x64xf32, #tpu.memory_space<vmem>>) target(%dma_start3A_442 : memref<10048x64xf32, #tpu.memory_space<vmem_shared>>) offsets(%dma_start3A_439 : memref<128xi32, #tpu.memory_space<vmem>>) semaphore(%arg26 : memref<!tpu.dma_semaphore, #tpu.memory_space<semaphore_mem>>) {add = true}
    %dma_wait3A_443 = arith.constant 1 : i32
    %dma_wait3A_444 = arith.constant 0 : i32
    %dma_wait3A_445 = tpu.memref_slice %arg14[%dma_wait3A_443, %dma_wait3A_444] : memref<2x128xi32, #tpu.memory_space<vmem>> -> memref<1x128xi32, #tpu.memory_space<vmem>>
    %dma_wait3A_446 = tpu.memref_squeeze %dma_wait3A_445 : memref<1x128xi32, #tpu.memory_space<vmem>> -> memref<128xi32, #tpu.memory_space<vmem>>
    %dma_wait3A_447 = arith.constant 0 : i32
    %dma_wait3A_448 = arith.constant 0 : i32
    %dma_wait3A_449 = tpu.memref_slice %arg18[%dma_wait3A_447, %dma_wait3A_448] : memref<10048x64xf32, #tpu.memory_space<vmem_shared>> -> memref<10048x64xf32, #tpu.memory_space<vmem_shared>>
    tpu.wait_indirect_dma semaphore(%arg24 : memref<!tpu.dma_semaphore, #tpu.memory_space<semaphore_mem>>) src(%arg6 : memref<128x64xf32, #tpu.memory_space<vmem>>) dst(%dma_wait3A_449 : memref<10048x64xf32, #tpu.memory_space<vmem_shared>>)
    %add3A_450 = arith.constant 208 : i32
    %add3A_451 = arith.addi %arg1, %add3A_450 : i32
    %dma_start3A_452 = arith.constant 0 : i32
    %dma_start3A_453 = arith.constant 0 : i32
    %dma_start3A_454 = tpu.memref_slice %arg3[%add3A_451, %dma_start3A_452, %dma_start3A_453] : memref<2560x2x128xi32, #tpu.memory_space<hbm>> -> memref<1x2x128xi32, #tpu.memory_space<hbm>>
    %dma_start3A_455 = tpu.memref_squeeze %dma_start3A_454 : memref<1x2x128xi32, #tpu.memory_space<hbm>> -> memref<2x128xi32, #tpu.memory_space<hbm>>
    %dma_start3A_456 = arith.constant 0 : i32
    %dma_start3A_457 = arith.constant 0 : i32
    %dma_start3A_458 = tpu.memref_slice %arg3[%add3A_451, %dma_start3A_456, %dma_start3A_457] : memref<2560x2x128xi32, #tpu.memory_space<hbm>> -> memref<1x2x128xi32, #tpu.memory_space<hbm>>
    %dma_start3A_459 = tpu.memref_squeeze %dma_start3A_458 : memref<1x2x128xi32, #tpu.memory_space<hbm>> -> memref<2x128xi32, #tpu.memory_space<hbm>>
    tpu.enqueue_dma source(%dma_start3A_459 : memref<2x128xi32, #tpu.memory_space<hbm>>) target(%arg14 : memref<2x128xi32, #tpu.memory_space<vmem>>) target_semaphore(%arg32 : memref<!tpu.dma_semaphore, #tpu.memory_space<semaphore_mem>>)
    %add3A_460 = arith.constant 144 : i32
    %add3A_461 = arith.addi %arg1, %add3A_460 : i32
    %dma_wait3A_462 = arith.constant 0 : i32
    %dma_wait3A_463 = arith.constant 0 : i32
    %dma_wait3A_464 = tpu.memref_slice %arg3[%add3A_461, %dma_wait3A_462, %dma_wait3A_463] : memref<2560x2x128xi32, #tpu.memory_space<hbm>> -> memref<1x2x128xi32, #tpu.memory_space<hbm>>
    %dma_wait3A_465 = tpu.memref_squeeze %dma_wait3A_464 : memref<1x2x128xi32, #tpu.memory_space<hbm>> -> memref<2x128xi32, #tpu.memory_space<hbm>>
    %dma_wait3A_466 = arith.constant 0 : i32
    %dma_wait3A_467 = arith.constant 0 : i32
    %dma_wait3A_468 = tpu.memref_slice %arg3[%add3A_461, %dma_wait3A_466, %dma_wait3A_467] : memref<2560x2x128xi32, #tpu.memory_space<hbm>> -> memref<1x2x128xi32, #tpu.memory_space<hbm>>
    %dma_wait3A_469 = tpu.memref_squeeze %dma_wait3A_468 : memref<1x2x128xi32, #tpu.memory_space<hbm>> -> memref<2x128xi32, #tpu.memory_space<hbm>>
    tpu.wait_dma2 semaphore(%arg28 : memref<!tpu.dma_semaphore, #tpu.memory_space<semaphore_mem>>) src(%dma_wait3A_469 : memref<2x128xi32, #tpu.memory_space<hbm>>) dst(%arg10 : memref<2x128xi32, #tpu.memory_space<vmem>>)
    %dma_start3A_470 = arith.constant 0 : i32
    %dma_start3A_471 = arith.constant 0 : i32
    %dma_start3A_472 = tpu.memref_slice %arg10[%dma_start3A_470, %dma_start3A_471] : memref<2x128xi32, #tpu.memory_space<vmem>> -> memref<1x128xi32, #tpu.memory_space<vmem>>
    %dma_start3A_473 = tpu.memref_squeeze %dma_start3A_472 : memref<1x128xi32, #tpu.memory_space<vmem>> -> memref<128xi32, #tpu.memory_space<vmem>>
    %dma_start3A_474 = arith.constant 0 : i32
    %dma_start3A_475 = arith.constant 0 : i32
    %dma_start3A_476 = tpu.memref_slice %arg17[%dma_start3A_474, %dma_start3A_475] : memref<10000x64xf32, #tpu.memory_space<vmem_shared>> -> memref<10000x64xf32, #tpu.memory_space<vmem_shared>>
    tpu.enqueue_indirect_dma source(%dma_start3A_476 : memref<10000x64xf32, #tpu.memory_space<vmem_shared>>) target(%arg6 : memref<128x64xf32, #tpu.memory_space<vmem>>) offsets(%dma_start3A_473 : memref<128xi32, #tpu.memory_space<vmem>>) semaphore(%arg20 : memref<!tpu.dma_semaphore, #tpu.memory_space<semaphore_mem>>)
    %scan3A_477 = arith.constant 0 : i32
    %scan3A_478 = arith.constant 1 : i32
    %scan3A_479 = arith.constant 19 : i32
    %scan3A_480 = arith.addi %scan3A_478, %scan3A_479 : i32
    %scan3A_481 = arith.constant 1 : i32
    %scan3A_482 = scf.for %scan3A_516 = %scan3A_478 to %scan3A_480 step %scan3A_481 iter_args(%scan3A_517 = %scan3A_477) -> (i32)  : i32 {
      %mul3A_518 = arith.constant 8 : i32
      %mul3A_519 = arith.muli %scan3A_516, %mul3A_518 : i32
      %add3A_520 = arith.constant 0 : i32
      %add3A_521 = arith.addi %mul3A_519, %add3A_520 : i32
      %dma_wait3A_522 = arith.constant 0 : i32
      %dma_wait3A_523 = arith.constant 0 : i32
      %dma_wait3A_524 = tpu.memref_slice %arg9[%dma_wait3A_522, %dma_wait3A_523] : memref<2x128xi32, #tpu.memory_space<vmem>> -> memref<1x128xi32, #tpu.memory_space<vmem>>
      %dma_wait3A_525 = tpu.memref_squeeze %dma_wait3A_524 : memref<1x128xi32, #tpu.memory_space<vmem>> -> memref<128xi32, #tpu.memory_space<vmem>>
      %dma_wait3A_526 = arith.constant 0 : i32
      %dma_wait3A_527 = arith.constant 0 : i32
      %dma_wait3A_528 = tpu.memref_slice %arg17[%dma_wait3A_526, %dma_wait3A_527] : memref<10000x64xf32, #tpu.memory_space<vmem_shared>> -> memref<10000x64xf32, #tpu.memory_space<vmem_shared>>
      tpu.wait_indirect_dma semaphore(%arg19 : memref<!tpu.dma_semaphore, #tpu.memory_space<semaphore_mem>>) src(%dma_wait3A_528 : memref<10000x64xf32, #tpu.memory_space<vmem_shared>>) dst(%arg5 : memref<128x64xf32, #tpu.memory_space<vmem>>)
      %dma_start3A_529 = arith.constant 1 : i32
      %dma_start3A_530 = arith.constant 0 : i32
      %dma_start3A_531 = tpu.memref_slice %arg9[%dma_start3A_529, %dma_start3A_530] : memref<2x128xi32, #tpu.memory_space<vmem>> -> memref<1x128xi32, #tpu.memory_space<vmem>>
      %dma_start3A_532 = tpu.memref_squeeze %dma_start3A_531 : memref<1x128xi32, #tpu.memory_space<vmem>> -> memref<128xi32, #tpu.memory_space<vmem>>
      %dma_start3A_533 = arith.constant 0 : i32
      %dma_start3A_534 = arith.constant 0 : i32
      %dma_start3A_535 = tpu.memref_slice %arg18[%dma_start3A_533, %dma_start3A_534] : memref<10048x64xf32, #tpu.memory_space<vmem_shared>> -> memref<10048x64xf32, #tpu.memory_space<vmem_shared>>
      tpu.enqueue_indirect_dma source(%arg5 : memref<128x64xf32, #tpu.memory_space<vmem>>) target(%dma_start3A_535 : memref<10048x64xf32, #tpu.memory_space<vmem_shared>>) offsets(%dma_start3A_532 : memref<128xi32, #tpu.memory_space<vmem>>) semaphore(%arg23 : memref<!tpu.dma_semaphore, #tpu.memory_space<semaphore_mem>>) {add = true}
      %add3A_536 = arith.constant 2 : i32
      %add3A_537 = arith.addi %add3A_521, %add3A_536 : i32
      %lt3A = arith.constant 160 : i32
      %lt3A_538 = arith.cmpi slt, %add3A_537, %lt3A : i32
      %convert_element_type3A = arith.extui %lt3A_538 : i1 to i32
      %cond3A = arith.constant 0 : i32
      %cond3A_539 = arith.cmpi ne, %convert_element_type3A, %cond3A : i32
      scf.if %cond3A_539 {
        %dma_wait3A_716 = arith.constant 1 : i32
        %dma_wait3A_717 = arith.constant 0 : i32
        %dma_wait3A_718 = tpu.memref_slice %arg15[%dma_wait3A_716, %dma_wait3A_717] : memref<2x128xi32, #tpu.memory_space<vmem>> -> memref<1x128xi32, #tpu.memory_space<vmem>>
        %dma_wait3A_719 = tpu.memref_squeeze %dma_wait3A_718 : memref<1x128xi32, #tpu.memory_space<vmem>> -> memref<128xi32, #tpu.memory_space<vmem>>
        %dma_wait3A_720 = arith.constant 0 : i32
        %dma_wait3A_721 = arith.constant 0 : i32
        %dma_wait3A_722 = tpu.memref_slice %arg18[%dma_wait3A_720, %dma_wait3A_721] : memref<10048x64xf32, #tpu.memory_space<vmem_shared>> -> memref<10048x64xf32, #tpu.memory_space<vmem_shared>>
        tpu.wait_indirect_dma semaphore(%arg25 : memref<!tpu.dma_semaphore, #tpu.memory_space<semaphore_mem>>) src(%arg7 : memref<128x64xf32, #tpu.memory_space<vmem>>) dst(%dma_wait3A_722 : memref<10048x64xf32, #tpu.memory_space<vmem_shared>>)
        %add3A_723 = arith.constant 6 : i32
        %add3A_724 = arith.addi %add3A_521, %add3A_723 : i32
        %lt3A_725 = arith.constant 160 : i32
        %lt3A_726 = arith.cmpi slt, %add3A_724, %lt3A_725 : i32
        %convert_element_type3A_727 = arith.extui %lt3A_726 : i1 to i32
        %cond3A_728 = arith.constant 0 : i32
        %cond3A_729 = arith.cmpi ne, %convert_element_type3A_727, %cond3A_728 : i32
        scf.if %cond3A_729 {
          %add3A_750 = arith.constant 6 : i32
          %add3A_751 = arith.addi %add3A_521, %add3A_750 : i32
          %mul3A_752 = arith.constant 16 : i32
          %mul3A_753 = arith.muli %add3A_751, %mul3A_752 : i32
          %add3A_754 = arith.addi %arg1, %mul3A_753 : i32
          %dma_start3A_755 = arith.constant 0 : i32
          %dma_start3A_756 = arith.constant 0 : i32
          %dma_start3A_757 = tpu.memref_slice %arg3[%add3A_754, %dma_start3A_755, %dma_start3A_756] : memref<2560x2x128xi32, #tpu.memory_space<hbm>> -> memref<1x2x128xi32, #tpu.memory_space<hbm>>
          %dma_start3A_758 = tpu.memref_squeeze %dma_start3A_757 : memref<1x2x128xi32, #tpu.memory_space<hbm>> -> memref<2x128xi32, #tpu.memory_space<hbm>>
          %dma_start3A_759 = arith.constant 0 : i32
          %dma_start3A_760 = arith.constant 0 : i32
          %dma_start3A_761 = tpu.memref_slice %arg3[%add3A_754, %dma_start3A_759, %dma_start3A_760] : memref<2560x2x128xi32, #tpu.memory_space<hbm>> -> memref<1x2x128xi32, #tpu.memory_space<hbm>>
          %dma_start3A_762 = tpu.memref_squeeze %dma_start3A_761 : memref<1x2x128xi32, #tpu.memory_space<hbm>> -> memref<2x128xi32, #tpu.memory_space<hbm>>
          tpu.enqueue_dma source(%dma_start3A_762 : memref<2x128xi32, #tpu.memory_space<hbm>>) target(%arg15 : memref<2x128xi32, #tpu.memory_space<vmem>>) target_semaphore(%arg33 : memref<!tpu.dma_semaphore, #tpu.memory_space<semaphore_mem>>)
        } else {
        }
        %add3A_730 = arith.constant 2 : i32
        %add3A_731 = arith.addi %add3A_521, %add3A_730 : i32
        %mul3A_732 = arith.constant 16 : i32
        %mul3A_733 = arith.muli %add3A_731, %mul3A_732 : i32
        %add3A_734 = arith.addi %arg1, %mul3A_733 : i32
        %dma_wait3A_735 = arith.constant 0 : i32
        %dma_wait3A_736 = arith.constant 0 : i32
        %dma_wait3A_737 = tpu.memref_slice %arg3[%add3A_734, %dma_wait3A_735, %dma_wait3A_736] : memref<2560x2x128xi32, #tpu.memory_space<hbm>> -> memref<1x2x128xi32, #tpu.memory_space<hbm>>
        %dma_wait3A_738 = tpu.memref_squeeze %dma_wait3A_737 : memref<1x2x128xi32, #tpu.memory_space<hbm>> -> memref<2x128xi32, #tpu.memory_space<hbm>>
        %dma_wait3A_739 = arith.constant 0 : i32
        %dma_wait3A_740 = arith.constant 0 : i32
        %dma_wait3A_741 = tpu.memref_slice %arg3[%add3A_734, %dma_wait3A_739, %dma_wait3A_740] : memref<2560x2x128xi32, #tpu.memory_space<hbm>> -> memref<1x2x128xi32, #tpu.memory_space<hbm>>
        %dma_wait3A_742 = tpu.memref_squeeze %dma_wait3A_741 : memref<1x2x128xi32, #tpu.memory_space<hbm>> -> memref<2x128xi32, #tpu.memory_space<hbm>>
        tpu.wait_dma2 semaphore(%arg29 : memref<!tpu.dma_semaphore, #tpu.memory_space<semaphore_mem>>) src(%dma_wait3A_742 : memref<2x128xi32, #tpu.memory_space<hbm>>) dst(%arg11 : memref<2x128xi32, #tpu.memory_space<vmem>>)
        %dma_start3A_743 = arith.constant 0 : i32
        %dma_start3A_744 = arith.constant 0 : i32
        %dma_start3A_745 = tpu.memref_slice %arg11[%dma_start3A_743, %dma_start3A_744] : memref<2x128xi32, #tpu.memory_space<vmem>> -> memref<1x128xi32, #tpu.memory_space<vmem>>
        %dma_start3A_746 = tpu.memref_squeeze %dma_start3A_745 : memref<1x128xi32, #tpu.memory_space<vmem>> -> memref<128xi32, #tpu.memory_space<vmem>>
        %dma_start3A_747 = arith.constant 0 : i32
        %dma_start3A_748 = arith.constant 0 : i32
        %dma_start3A_749 = tpu.memref_slice %arg17[%dma_start3A_747, %dma_start3A_748] : memref<10000x64xf32, #tpu.memory_space<vmem_shared>> -> memref<10000x64xf32, #tpu.memory_space<vmem_shared>>
        tpu.enqueue_indirect_dma source(%dma_start3A_749 : memref<10000x64xf32, #tpu.memory_space<vmem_shared>>) target(%arg7 : memref<128x64xf32, #tpu.memory_space<vmem>>) offsets(%dma_start3A_746 : memref<128xi32, #tpu.memory_space<vmem>>) semaphore(%arg21 : memref<!tpu.dma_semaphore, #tpu.memory_space<semaphore_mem>>)
      } else {
      }
      %mul3A_540 = arith.constant 8 : i32
      %mul3A_541 = arith.muli %scan3A_516, %mul3A_540 : i32
      %add3A_542 = arith.constant 1 : i32
      %add3A_543 = arith.addi %mul3A_541, %add3A_542 : i32
      %dma_wait3A_544 = arith.constant 0 : i32
      %dma_wait3A_545 = arith.constant 0 : i32
      %dma_wait3A_546 = tpu.memref_slice %arg10[%dma_wait3A_544, %dma_wait3A_545] : memref<2x128xi32, #tpu.memory_space<vmem>> -> memref<1x128xi32, #tpu.memory_space<vmem>>
      %dma_wait3A_547 = tpu.memref_squeeze %dma_wait3A_546 : memref<1x128xi32, #tpu.memory_space<vmem>> -> memref<128xi32, #tpu.memory_space<vmem>>
      %dma_wait3A_548 = arith.constant 0 : i32
      %dma_wait3A_549 = arith.constant 0 : i32
      %dma_wait3A_550 = tpu.memref_slice %arg17[%dma_wait3A_548, %dma_wait3A_549] : memref<10000x64xf32, #tpu.memory_space<vmem_shared>> -> memref<10000x64xf32, #tpu.memory_space<vmem_shared>>
      tpu.wait_indirect_dma semaphore(%arg20 : memref<!tpu.dma_semaphore, #tpu.memory_space<semaphore_mem>>) src(%dma_wait3A_550 : memref<10000x64xf32, #tpu.memory_space<vmem_shared>>) dst(%arg6 : memref<128x64xf32, #tpu.memory_space<vmem>>)
      %dma_start3A_551 = arith.constant 1 : i32
      %dma_start3A_552 = arith.constant 0 : i32
      %dma_start3A_553 = tpu.memref_slice %arg10[%dma_start3A_551, %dma_start3A_552] : memref<2x128xi32, #tpu.memory_space<vmem>> -> memref<1x128xi32, #tpu.memory_space<vmem>>
      %dma_start3A_554 = tpu.memref_squeeze %dma_start3A_553 : memref<1x128xi32, #tpu.memory_space<vmem>> -> memref<128xi32, #tpu.memory_space<vmem>>
      %dma_start3A_555 = arith.constant 0 : i32
      %dma_start3A_556 = arith.constant 0 : i32
      %dma_start3A_557 = tpu.memref_slice %arg18[%dma_start3A_555, %dma_start3A_556] : memref<10048x64xf32, #tpu.memory_space<vmem_shared>> -> memref<10048x64xf32, #tpu.memory_space<vmem_shared>>
      tpu.enqueue_indirect_dma source(%arg6 : memref<128x64xf32, #tpu.memory_space<vmem>>) target(%dma_start3A_557 : memref<10048x64xf32, #tpu.memory_space<vmem_shared>>) offsets(%dma_start3A_554 : memref<128xi32, #tpu.memory_space<vmem>>) semaphore(%arg24 : memref<!tpu.dma_semaphore, #tpu.memory_space<semaphore_mem>>) {add = true}
      %add3A_558 = arith.constant 2 : i32
      %add3A_559 = arith.addi %add3A_543, %add3A_558 : i32
      %lt3A_560 = arith.constant 160 : i32
      %lt3A_561 = arith.cmpi slt, %add3A_559, %lt3A_560 : i32
      %convert_element_type3A_562 = arith.extui %lt3A_561 : i1 to i32
      %cond3A_563 = arith.constant 0 : i32
      %cond3A_564 = arith.cmpi ne, %convert_element_type3A_562, %cond3A_563 : i32
      scf.if %cond3A_564 {
        %dma_wait3A_716 = arith.constant 1 : i32
        %dma_wait3A_717 = arith.constant 0 : i32
        %dma_wait3A_718 = tpu.memref_slice %arg16[%dma_wait3A_716, %dma_wait3A_717] : memref<2x128xi32, #tpu.memory_space<vmem>> -> memref<1x128xi32, #tpu.memory_space<vmem>>
        %dma_wait3A_719 = tpu.memref_squeeze %dma_wait3A_718 : memref<1x128xi32, #tpu.memory_space<vmem>> -> memref<128xi32, #tpu.memory_space<vmem>>
        %dma_wait3A_720 = arith.constant 0 : i32
        %dma_wait3A_721 = arith.constant 0 : i32
        %dma_wait3A_722 = tpu.memref_slice %arg18[%dma_wait3A_720, %dma_wait3A_721] : memref<10048x64xf32, #tpu.memory_space<vmem_shared>> -> memref<10048x64xf32, #tpu.memory_space<vmem_shared>>
        tpu.wait_indirect_dma semaphore(%arg26 : memref<!tpu.dma_semaphore, #tpu.memory_space<semaphore_mem>>) src(%arg8 : memref<128x64xf32, #tpu.memory_space<vmem>>) dst(%dma_wait3A_722 : memref<10048x64xf32, #tpu.memory_space<vmem_shared>>)
        %add3A_723 = arith.constant 6 : i32
        %add3A_724 = arith.addi %add3A_543, %add3A_723 : i32
        %lt3A_725 = arith.constant 160 : i32
        %lt3A_726 = arith.cmpi slt, %add3A_724, %lt3A_725 : i32
        %convert_element_type3A_727 = arith.extui %lt3A_726 : i1 to i32
        %cond3A_728 = arith.constant 0 : i32
        %cond3A_729 = arith.cmpi ne, %convert_element_type3A_727, %cond3A_728 : i32
        scf.if %cond3A_729 {
          %add3A_750 = arith.constant 6 : i32
          %add3A_751 = arith.addi %add3A_543, %add3A_750 : i32
          %mul3A_752 = arith.constant 16 : i32
          %mul3A_753 = arith.muli %add3A_751, %mul3A_752 : i32
          %add3A_754 = arith.addi %arg1, %mul3A_753 : i32
          %dma_start3A_755 = arith.constant 0 : i32
          %dma_start3A_756 = arith.constant 0 : i32
          %dma_start3A_757 = tpu.memref_slice %arg3[%add3A_754, %dma_start3A_755, %dma_start3A_756] : memref<2560x2x128xi32, #tpu.memory_space<hbm>> -> memref<1x2x128xi32, #tpu.memory_space<hbm>>
          %dma_start3A_758 = tpu.memref_squeeze %dma_start3A_757 : memref<1x2x128xi32, #tpu.memory_space<hbm>> -> memref<2x128xi32, #tpu.memory_space<hbm>>
          %dma_start3A_759 = arith.constant 0 : i32
          %dma_start3A_760 = arith.constant 0 : i32
          %dma_start3A_761 = tpu.memref_slice %arg3[%add3A_754, %dma_start3A_759, %dma_start3A_760] : memref<2560x2x128xi32, #tpu.memory_space<hbm>> -> memref<1x2x128xi32, #tpu.memory_space<hbm>>
          %dma_start3A_762 = tpu.memref_squeeze %dma_start3A_761 : memref<1x2x128xi32, #tpu.memory_space<hbm>> -> memref<2x128xi32, #tpu.memory_space<hbm>>
          tpu.enqueue_dma source(%dma_start3A_762 : memref<2x128xi32, #tpu.memory_space<hbm>>) target(%arg16 : memref<2x128xi32, #tpu.memory_space<vmem>>) target_semaphore(%arg34 : memref<!tpu.dma_semaphore, #tpu.memory_space<semaphore_mem>>)
        } else {
        }
        %add3A_730 = arith.constant 2 : i32
        %add3A_731 = arith.addi %add3A_543, %add3A_730 : i32
        %mul3A_732 = arith.constant 16 : i32
        %mul3A_733 = arith.muli %add3A_731, %mul3A_732 : i32
        %add3A_734 = arith.addi %arg1, %mul3A_733 : i32
        %dma_wait3A_735 = arith.constant 0 : i32
        %dma_wait3A_736 = arith.constant 0 : i32
        %dma_wait3A_737 = tpu.memref_slice %arg3[%add3A_734, %dma_wait3A_735, %dma_wait3A_736] : memref<2560x2x128xi32, #tpu.memory_space<hbm>> -> memref<1x2x128xi32, #tpu.memory_space<hbm>>
        %dma_wait3A_738 = tpu.memref_squeeze %dma_wait3A_737 : memref<1x2x128xi32, #tpu.memory_space<hbm>> -> memref<2x128xi32, #tpu.memory_space<hbm>>
        %dma_wait3A_739 = arith.constant 0 : i32
        %dma_wait3A_740 = arith.constant 0 : i32
        %dma_wait3A_741 = tpu.memref_slice %arg3[%add3A_734, %dma_wait3A_739, %dma_wait3A_740] : memref<2560x2x128xi32, #tpu.memory_space<hbm>> -> memref<1x2x128xi32, #tpu.memory_space<hbm>>
        %dma_wait3A_742 = tpu.memref_squeeze %dma_wait3A_741 : memref<1x2x128xi32, #tpu.memory_space<hbm>> -> memref<2x128xi32, #tpu.memory_space<hbm>>
        tpu.wait_dma2 semaphore(%arg30 : memref<!tpu.dma_semaphore, #tpu.memory_space<semaphore_mem>>) src(%dma_wait3A_742 : memref<2x128xi32, #tpu.memory_space<hbm>>) dst(%arg12 : memref<2x128xi32, #tpu.memory_space<vmem>>)
        %dma_start3A_743 = arith.constant 0 : i32
        %dma_start3A_744 = arith.constant 0 : i32
        %dma_start3A_745 = tpu.memref_slice %arg12[%dma_start3A_743, %dma_start3A_744] : memref<2x128xi32, #tpu.memory_space<vmem>> -> memref<1x128xi32, #tpu.memory_space<vmem>>
        %dma_start3A_746 = tpu.memref_squeeze %dma_start3A_745 : memref<1x128xi32, #tpu.memory_space<vmem>> -> memref<128xi32, #tpu.memory_space<vmem>>
        %dma_start3A_747 = arith.constant 0 : i32
        %dma_start3A_748 = arith.constant 0 : i32
        %dma_start3A_749 = tpu.memref_slice %arg17[%dma_start3A_747, %dma_start3A_748] : memref<10000x64xf32, #tpu.memory_space<vmem_shared>> -> memref<10000x64xf32, #tpu.memory_space<vmem_shared>>
        tpu.enqueue_indirect_dma source(%dma_start3A_749 : memref<10000x64xf32, #tpu.memory_space<vmem_shared>>) target(%arg8 : memref<128x64xf32, #tpu.memory_space<vmem>>) offsets(%dma_start3A_746 : memref<128xi32, #tpu.memory_space<vmem>>) semaphore(%arg22 : memref<!tpu.dma_semaphore, #tpu.memory_space<semaphore_mem>>)
      } else {
      }
      %mul3A_565 = arith.constant 8 : i32
      %mul3A_566 = arith.muli %scan3A_516, %mul3A_565 : i32
      %add3A_567 = arith.constant 2 : i32
      %add3A_568 = arith.addi %mul3A_566, %add3A_567 : i32
      %dma_wait3A_569 = arith.constant 0 : i32
      %dma_wait3A_570 = arith.constant 0 : i32
      %dma_wait3A_571 = tpu.memref_slice %arg11[%dma_wait3A_569, %dma_wait3A_570] : memref<2x128xi32, #tpu.memory_space<vmem>> -> memref<1x128xi32, #tpu.memory_space<vmem>>
      %dma_wait3A_572 = tpu.memref_squeeze %dma_wait3A_571 : memref<1x128xi32, #tpu.memory_space<vmem>> -> memref<128xi32, #tpu.memory_space<vmem>>
      %dma_wait3A_573 = arith.constant 0 : i32
      %dma_wait3A_574 = arith.constant 0 : i32
      %dma_wait3A_575 = tpu.memref_slice %arg17[%dma_wait3A_573, %dma_wait3A_574] : memref<10000x64xf32, #tpu.memory_space<vmem_shared>> -> memref<10000x64xf32, #tpu.memory_space<vmem_shared>>
      tpu.wait_indirect_dma semaphore(%arg21 : memref<!tpu.dma_semaphore, #tpu.memory_space<semaphore_mem>>) src(%dma_wait3A_575 : memref<10000x64xf32, #tpu.memory_space<vmem_shared>>) dst(%arg7 : memref<128x64xf32, #tpu.memory_space<vmem>>)
      %dma_start3A_576 = arith.constant 1 : i32
      %dma_start3A_577 = arith.constant 0 : i32
      %dma_start3A_578 = tpu.memref_slice %arg11[%dma_start3A_576, %dma_start3A_577] : memref<2x128xi32, #tpu.memory_space<vmem>> -> memref<1x128xi32, #tpu.memory_space<vmem>>
      %dma_start3A_579 = tpu.memref_squeeze %dma_start3A_578 : memref<1x128xi32, #tpu.memory_space<vmem>> -> memref<128xi32, #tpu.memory_space<vmem>>
      %dma_start3A_580 = arith.constant 0 : i32
      %dma_start3A_581 = arith.constant 0 : i32
      %dma_start3A_582 = tpu.memref_slice %arg18[%dma_start3A_580, %dma_start3A_581] : memref<10048x64xf32, #tpu.memory_space<vmem_shared>> -> memref<10048x64xf32, #tpu.memory_space<vmem_shared>>
      tpu.enqueue_indirect_dma source(%arg7 : memref<128x64xf32, #tpu.memory_space<vmem>>) target(%dma_start3A_582 : memref<10048x64xf32, #tpu.memory_space<vmem_shared>>) offsets(%dma_start3A_579 : memref<128xi32, #tpu.memory_space<vmem>>) semaphore(%arg25 : memref<!tpu.dma_semaphore, #tpu.memory_space<semaphore_mem>>) {add = true}
      %add3A_583 = arith.constant 2 : i32
      %add3A_584 = arith.addi %add3A_568, %add3A_583 : i32
      %lt3A_585 = arith.constant 160 : i32
      %lt3A_586 = arith.cmpi slt, %add3A_584, %lt3A_585 : i32
      %convert_element_type3A_587 = arith.extui %lt3A_586 : i1 to i32
      %cond3A_588 = arith.constant 0 : i32
      %cond3A_589 = arith.cmpi ne, %convert_element_type3A_587, %cond3A_588 : i32
      scf.if %cond3A_589 {
        %dma_wait3A_716 = arith.constant 1 : i32
        %dma_wait3A_717 = arith.constant 0 : i32
        %dma_wait3A_718 = tpu.memref_slice %arg9[%dma_wait3A_716, %dma_wait3A_717] : memref<2x128xi32, #tpu.memory_space<vmem>> -> memref<1x128xi32, #tpu.memory_space<vmem>>
        %dma_wait3A_719 = tpu.memref_squeeze %dma_wait3A_718 : memref<1x128xi32, #tpu.memory_space<vmem>> -> memref<128xi32, #tpu.memory_space<vmem>>
        %dma_wait3A_720 = arith.constant 0 : i32
        %dma_wait3A_721 = arith.constant 0 : i32
        %dma_wait3A_722 = tpu.memref_slice %arg18[%dma_wait3A_720, %dma_wait3A_721] : memref<10048x64xf32, #tpu.memory_space<vmem_shared>> -> memref<10048x64xf32, #tpu.memory_space<vmem_shared>>
        tpu.wait_indirect_dma semaphore(%arg23 : memref<!tpu.dma_semaphore, #tpu.memory_space<semaphore_mem>>) src(%arg5 : memref<128x64xf32, #tpu.memory_space<vmem>>) dst(%dma_wait3A_722 : memref<10048x64xf32, #tpu.memory_space<vmem_shared>>)
        %add3A_723 = arith.constant 6 : i32
        %add3A_724 = arith.addi %add3A_568, %add3A_723 : i32
        %lt3A_725 = arith.constant 160 : i32
        %lt3A_726 = arith.cmpi slt, %add3A_724, %lt3A_725 : i32
        %convert_element_type3A_727 = arith.extui %lt3A_726 : i1 to i32
        %cond3A_728 = arith.constant 0 : i32
        %cond3A_729 = arith.cmpi ne, %convert_element_type3A_727, %cond3A_728 : i32
        scf.if %cond3A_729 {
          %add3A_750 = arith.constant 6 : i32
          %add3A_751 = arith.addi %add3A_568, %add3A_750 : i32
          %mul3A_752 = arith.constant 16 : i32
          %mul3A_753 = arith.muli %add3A_751, %mul3A_752 : i32
          %add3A_754 = arith.addi %arg1, %mul3A_753 : i32
          %dma_start3A_755 = arith.constant 0 : i32
          %dma_start3A_756 = arith.constant 0 : i32
          %dma_start3A_757 = tpu.memref_slice %arg3[%add3A_754, %dma_start3A_755, %dma_start3A_756] : memref<2560x2x128xi32, #tpu.memory_space<hbm>> -> memref<1x2x128xi32, #tpu.memory_space<hbm>>
          %dma_start3A_758 = tpu.memref_squeeze %dma_start3A_757 : memref<1x2x128xi32, #tpu.memory_space<hbm>> -> memref<2x128xi32, #tpu.memory_space<hbm>>
          %dma_start3A_759 = arith.constant 0 : i32
          %dma_start3A_760 = arith.constant 0 : i32
          %dma_start3A_761 = tpu.memref_slice %arg3[%add3A_754, %dma_start3A_759, %dma_start3A_760] : memref<2560x2x128xi32, #tpu.memory_space<hbm>> -> memref<1x2x128xi32, #tpu.memory_space<hbm>>
          %dma_start3A_762 = tpu.memref_squeeze %dma_start3A_761 : memref<1x2x128xi32, #tpu.memory_space<hbm>> -> memref<2x128xi32, #tpu.memory_space<hbm>>
          tpu.enqueue_dma source(%dma_start3A_762 : memref<2x128xi32, #tpu.memory_space<hbm>>) target(%arg9 : memref<2x128xi32, #tpu.memory_space<vmem>>) target_semaphore(%arg27 : memref<!tpu.dma_semaphore, #tpu.memory_space<semaphore_mem>>)
        } else {
        }
        %add3A_730 = arith.constant 2 : i32
        %add3A_731 = arith.addi %add3A_568, %add3A_730 : i32
        %mul3A_732 = arith.constant 16 : i32
        %mul3A_733 = arith.muli %add3A_731, %mul3A_732 : i32
        %add3A_734 = arith.addi %arg1, %mul3A_733 : i32
        %dma_wait3A_735 = arith.constant 0 : i32
        %dma_wait3A_736 = arith.constant 0 : i32
        %dma_wait3A_737 = tpu.memref_slice %arg3[%add3A_734, %dma_wait3A_735, %dma_wait3A_736] : memref<2560x2x128xi32, #tpu.memory_space<hbm>> -> memref<1x2x128xi32, #tpu.memory_space<hbm>>
        %dma_wait3A_738 = tpu.memref_squeeze %dma_wait3A_737 : memref<1x2x128xi32, #tpu.memory_space<hbm>> -> memref<2x128xi32, #tpu.memory_space<hbm>>
        %dma_wait3A_739 = arith.constant 0 : i32
        %dma_wait3A_740 = arith.constant 0 : i32
        %dma_wait3A_741 = tpu.memref_slice %arg3[%add3A_734, %dma_wait3A_739, %dma_wait3A_740] : memref<2560x2x128xi32, #tpu.memory_space<hbm>> -> memref<1x2x128xi32, #tpu.memory_space<hbm>>
        %dma_wait3A_742 = tpu.memref_squeeze %dma_wait3A_741 : memref<1x2x128xi32, #tpu.memory_space<hbm>> -> memref<2x128xi32, #tpu.memory_space<hbm>>
        tpu.wait_dma2 semaphore(%arg31 : memref<!tpu.dma_semaphore, #tpu.memory_space<semaphore_mem>>) src(%dma_wait3A_742 : memref<2x128xi32, #tpu.memory_space<hbm>>) dst(%arg13 : memref<2x128xi32, #tpu.memory_space<vmem>>)
        %dma_start3A_743 = arith.constant 0 : i32
        %dma_start3A_744 = arith.constant 0 : i32
        %dma_start3A_745 = tpu.memref_slice %arg13[%dma_start3A_743, %dma_start3A_744] : memref<2x128xi32, #tpu.memory_space<vmem>> -> memref<1x128xi32, #tpu.memory_space<vmem>>
        %dma_start3A_746 = tpu.memref_squeeze %dma_start3A_745 : memref<1x128xi32, #tpu.memory_space<vmem>> -> memref<128xi32, #tpu.memory_space<vmem>>
        %dma_start3A_747 = arith.constant 0 : i32
        %dma_start3A_748 = arith.constant 0 : i32
        %dma_start3A_749 = tpu.memref_slice %arg17[%dma_start3A_747, %dma_start3A_748] : memref<10000x64xf32, #tpu.memory_space<vmem_shared>> -> memref<10000x64xf32, #tpu.memory_space<vmem_shared>>
        tpu.enqueue_indirect_dma source(%dma_start3A_749 : memref<10000x64xf32, #tpu.memory_space<vmem_shared>>) target(%arg5 : memref<128x64xf32, #tpu.memory_space<vmem>>) offsets(%dma_start3A_746 : memref<128xi32, #tpu.memory_space<vmem>>) semaphore(%arg19 : memref<!tpu.dma_semaphore, #tpu.memory_space<semaphore_mem>>)
      } else {
      }
      %mul3A_590 = arith.constant 8 : i32
      %mul3A_591 = arith.muli %scan3A_516, %mul3A_590 : i32
      %add3A_592 = arith.constant 3 : i32
      %add3A_593 = arith.addi %mul3A_591, %add3A_592 : i32
      %dma_wait3A_594 = arith.constant 0 : i32
      %dma_wait3A_595 = arith.constant 0 : i32
      %dma_wait3A_596 = tpu.memref_slice %arg12[%dma_wait3A_594, %dma_wait3A_595] : memref<2x128xi32, #tpu.memory_space<vmem>> -> memref<1x128xi32, #tpu.memory_space<vmem>>
      %dma_wait3A_597 = tpu.memref_squeeze %dma_wait3A_596 : memref<1x128xi32, #tpu.memory_space<vmem>> -> memref<128xi32, #tpu.memory_space<vmem>>
      %dma_wait3A_598 = arith.constant 0 : i32
      %dma_wait3A_599 = arith.constant 0 : i32
      %dma_wait3A_600 = tpu.memref_slice %arg17[%dma_wait3A_598, %dma_wait3A_599] : memref<10000x64xf32, #tpu.memory_space<vmem_shared>> -> memref<10000x64xf32, #tpu.memory_space<vmem_shared>>
      tpu.wait_indirect_dma semaphore(%arg22 : memref<!tpu.dma_semaphore, #tpu.memory_space<semaphore_mem>>) src(%dma_wait3A_600 : memref<10000x64xf32, #tpu.memory_space<vmem_shared>>) dst(%arg8 : memref<128x64xf32, #tpu.memory_space<vmem>>)
      %dma_start3A_601 = arith.constant 1 : i32
      %dma_start3A_602 = arith.constant 0 : i32
      %dma_start3A_603 = tpu.memref_slice %arg12[%dma_start3A_601, %dma_start3A_602] : memref<2x128xi32, #tpu.memory_space<vmem>> -> memref<1x128xi32, #tpu.memory_space<vmem>>
      %dma_start3A_604 = tpu.memref_squeeze %dma_start3A_603 : memref<1x128xi32, #tpu.memory_space<vmem>> -> memref<128xi32, #tpu.memory_space<vmem>>
      %dma_start3A_605 = arith.constant 0 : i32
      %dma_start3A_606 = arith.constant 0 : i32
      %dma_start3A_607 = tpu.memref_slice %arg18[%dma_start3A_605, %dma_start3A_606] : memref<10048x64xf32, #tpu.memory_space<vmem_shared>> -> memref<10048x64xf32, #tpu.memory_space<vmem_shared>>
      tpu.enqueue_indirect_dma source(%arg8 : memref<128x64xf32, #tpu.memory_space<vmem>>) target(%dma_start3A_607 : memref<10048x64xf32, #tpu.memory_space<vmem_shared>>) offsets(%dma_start3A_604 : memref<128xi32, #tpu.memory_space<vmem>>) semaphore(%arg26 : memref<!tpu.dma_semaphore, #tpu.memory_space<semaphore_mem>>) {add = true}
      %add3A_608 = arith.constant 2 : i32
      %add3A_609 = arith.addi %add3A_593, %add3A_608 : i32
      %lt3A_610 = arith.constant 160 : i32
      %lt3A_611 = arith.cmpi slt, %add3A_609, %lt3A_610 : i32
      %convert_element_type3A_612 = arith.extui %lt3A_611 : i1 to i32
      %cond3A_613 = arith.constant 0 : i32
      %cond3A_614 = arith.cmpi ne, %convert_element_type3A_612, %cond3A_613 : i32
      scf.if %cond3A_614 {
        %dma_wait3A_716 = arith.constant 1 : i32
        %dma_wait3A_717 = arith.constant 0 : i32
        %dma_wait3A_718 = tpu.memref_slice %arg10[%dma_wait3A_716, %dma_wait3A_717] : memref<2x128xi32, #tpu.memory_space<vmem>> -> memref<1x128xi32, #tpu.memory_space<vmem>>
        %dma_wait3A_719 = tpu.memref_squeeze %dma_wait3A_718 : memref<1x128xi32, #tpu.memory_space<vmem>> -> memref<128xi32, #tpu.memory_space<vmem>>
        %dma_wait3A_720 = arith.constant 0 : i32
        %dma_wait3A_721 = arith.constant 0 : i32
        %dma_wait3A_722 = tpu.memref_slice %arg18[%dma_wait3A_720, %dma_wait3A_721] : memref<10048x64xf32, #tpu.memory_space<vmem_shared>> -> memref<10048x64xf32, #tpu.memory_space<vmem_shared>>
        tpu.wait_indirect_dma semaphore(%arg24 : memref<!tpu.dma_semaphore, #tpu.memory_space<semaphore_mem>>) src(%arg6 : memref<128x64xf32, #tpu.memory_space<vmem>>) dst(%dma_wait3A_722 : memref<10048x64xf32, #tpu.memory_space<vmem_shared>>)
        %add3A_723 = arith.constant 6 : i32
        %add3A_724 = arith.addi %add3A_593, %add3A_723 : i32
        %lt3A_725 = arith.constant 160 : i32
        %lt3A_726 = arith.cmpi slt, %add3A_724, %lt3A_725 : i32
        %convert_element_type3A_727 = arith.extui %lt3A_726 : i1 to i32
        %cond3A_728 = arith.constant 0 : i32
        %cond3A_729 = arith.cmpi ne, %convert_element_type3A_727, %cond3A_728 : i32
        scf.if %cond3A_729 {
          %add3A_750 = arith.constant 6 : i32
          %add3A_751 = arith.addi %add3A_593, %add3A_750 : i32
          %mul3A_752 = arith.constant 16 : i32
          %mul3A_753 = arith.muli %add3A_751, %mul3A_752 : i32
          %add3A_754 = arith.addi %arg1, %mul3A_753 : i32
          %dma_start3A_755 = arith.constant 0 : i32
          %dma_start3A_756 = arith.constant 0 : i32
          %dma_start3A_757 = tpu.memref_slice %arg3[%add3A_754, %dma_start3A_755, %dma_start3A_756] : memref<2560x2x128xi32, #tpu.memory_space<hbm>> -> memref<1x2x128xi32, #tpu.memory_space<hbm>>
          %dma_start3A_758 = tpu.memref_squeeze %dma_start3A_757 : memref<1x2x128xi32, #tpu.memory_space<hbm>> -> memref<2x128xi32, #tpu.memory_space<hbm>>
          %dma_start3A_759 = arith.constant 0 : i32
          %dma_start3A_760 = arith.constant 0 : i32
          %dma_start3A_761 = tpu.memref_slice %arg3[%add3A_754, %dma_start3A_759, %dma_start3A_760] : memref<2560x2x128xi32, #tpu.memory_space<hbm>> -> memref<1x2x128xi32, #tpu.memory_space<hbm>>
          %dma_start3A_762 = tpu.memref_squeeze %dma_start3A_761 : memref<1x2x128xi32, #tpu.memory_space<hbm>> -> memref<2x128xi32, #tpu.memory_space<hbm>>
          tpu.enqueue_dma source(%dma_start3A_762 : memref<2x128xi32, #tpu.memory_space<hbm>>) target(%arg10 : memref<2x128xi32, #tpu.memory_space<vmem>>) target_semaphore(%arg28 : memref<!tpu.dma_semaphore, #tpu.memory_space<semaphore_mem>>)
        } else {
        }
        %add3A_730 = arith.constant 2 : i32
        %add3A_731 = arith.addi %add3A_593, %add3A_730 : i32
        %mul3A_732 = arith.constant 16 : i32
        %mul3A_733 = arith.muli %add3A_731, %mul3A_732 : i32
        %add3A_734 = arith.addi %arg1, %mul3A_733 : i32
        %dma_wait3A_735 = arith.constant 0 : i32
        %dma_wait3A_736 = arith.constant 0 : i32
        %dma_wait3A_737 = tpu.memref_slice %arg3[%add3A_734, %dma_wait3A_735, %dma_wait3A_736] : memref<2560x2x128xi32, #tpu.memory_space<hbm>> -> memref<1x2x128xi32, #tpu.memory_space<hbm>>
        %dma_wait3A_738 = tpu.memref_squeeze %dma_wait3A_737 : memref<1x2x128xi32, #tpu.memory_space<hbm>> -> memref<2x128xi32, #tpu.memory_space<hbm>>
        %dma_wait3A_739 = arith.constant 0 : i32
        %dma_wait3A_740 = arith.constant 0 : i32
        %dma_wait3A_741 = tpu.memref_slice %arg3[%add3A_734, %dma_wait3A_739, %dma_wait3A_740] : memref<2560x2x128xi32, #tpu.memory_space<hbm>> -> memref<1x2x128xi32, #tpu.memory_space<hbm>>
        %dma_wait3A_742 = tpu.memref_squeeze %dma_wait3A_741 : memref<1x2x128xi32, #tpu.memory_space<hbm>> -> memref<2x128xi32, #tpu.memory_space<hbm>>
        tpu.wait_dma2 semaphore(%arg32 : memref<!tpu.dma_semaphore, #tpu.memory_space<semaphore_mem>>) src(%dma_wait3A_742 : memref<2x128xi32, #tpu.memory_space<hbm>>) dst(%arg14 : memref<2x128xi32, #tpu.memory_space<vmem>>)
        %dma_start3A_743 = arith.constant 0 : i32
        %dma_start3A_744 = arith.constant 0 : i32
        %dma_start3A_745 = tpu.memref_slice %arg14[%dma_start3A_743, %dma_start3A_744] : memref<2x128xi32, #tpu.memory_space<vmem>> -> memref<1x128xi32, #tpu.memory_space<vmem>>
        %dma_start3A_746 = tpu.memref_squeeze %dma_start3A_745 : memref<1x128xi32, #tpu.memory_space<vmem>> -> memref<128xi32, #tpu.memory_space<vmem>>
        %dma_start3A_747 = arith.constant 0 : i32
        %dma_start3A_748 = arith.constant 0 : i32
        %dma_start3A_749 = tpu.memref_slice %arg17[%dma_start3A_747, %dma_start3A_748] : memref<10000x64xf32, #tpu.memory_space<vmem_shared>> -> memref<10000x64xf32, #tpu.memory_space<vmem_shared>>
        tpu.enqueue_indirect_dma source(%dma_start3A_749 : memref<10000x64xf32, #tpu.memory_space<vmem_shared>>) target(%arg6 : memref<128x64xf32, #tpu.memory_space<vmem>>) offsets(%dma_start3A_746 : memref<128xi32, #tpu.memory_space<vmem>>) semaphore(%arg20 : memref<!tpu.dma_semaphore, #tpu.memory_space<semaphore_mem>>)
      } else {
      }
      %mul3A_615 = arith.constant 8 : i32
      %mul3A_616 = arith.muli %scan3A_516, %mul3A_615 : i32
      %add3A_617 = arith.constant 4 : i32
      %add3A_618 = arith.addi %mul3A_616, %add3A_617 : i32
      %dma_wait3A_619 = arith.constant 0 : i32
      %dma_wait3A_620 = arith.constant 0 : i32
      %dma_wait3A_621 = tpu.memref_slice %arg13[%dma_wait3A_619, %dma_wait3A_620] : memref<2x128xi32, #tpu.memory_space<vmem>> -> memref<1x128xi32, #tpu.memory_space<vmem>>
      %dma_wait3A_622 = tpu.memref_squeeze %dma_wait3A_621 : memref<1x128xi32, #tpu.memory_space<vmem>> -> memref<128xi32, #tpu.memory_space<vmem>>
      %dma_wait3A_623 = arith.constant 0 : i32
      %dma_wait3A_624 = arith.constant 0 : i32
      %dma_wait3A_625 = tpu.memref_slice %arg17[%dma_wait3A_623, %dma_wait3A_624] : memref<10000x64xf32, #tpu.memory_space<vmem_shared>> -> memref<10000x64xf32, #tpu.memory_space<vmem_shared>>
      tpu.wait_indirect_dma semaphore(%arg19 : memref<!tpu.dma_semaphore, #tpu.memory_space<semaphore_mem>>) src(%dma_wait3A_625 : memref<10000x64xf32, #tpu.memory_space<vmem_shared>>) dst(%arg5 : memref<128x64xf32, #tpu.memory_space<vmem>>)
      %dma_start3A_626 = arith.constant 1 : i32
      %dma_start3A_627 = arith.constant 0 : i32
      %dma_start3A_628 = tpu.memref_slice %arg13[%dma_start3A_626, %dma_start3A_627] : memref<2x128xi32, #tpu.memory_space<vmem>> -> memref<1x128xi32, #tpu.memory_space<vmem>>
      %dma_start3A_629 = tpu.memref_squeeze %dma_start3A_628 : memref<1x128xi32, #tpu.memory_space<vmem>> -> memref<128xi32, #tpu.memory_space<vmem>>
      %dma_start3A_630 = arith.constant 0 : i32
      %dma_start3A_631 = arith.constant 0 : i32
      %dma_start3A_632 = tpu.memref_slice %arg18[%dma_start3A_630, %dma_start3A_631] : memref<10048x64xf32, #tpu.memory_space<vmem_shared>> -> memref<10048x64xf32, #tpu.memory_space<vmem_shared>>
      tpu.enqueue_indirect_dma source(%arg5 : memref<128x64xf32, #tpu.memory_space<vmem>>) target(%dma_start3A_632 : memref<10048x64xf32, #tpu.memory_space<vmem_shared>>) offsets(%dma_start3A_629 : memref<128xi32, #tpu.memory_space<vmem>>) semaphore(%arg23 : memref<!tpu.dma_semaphore, #tpu.memory_space<semaphore_mem>>) {add = true}
      %add3A_633 = arith.constant 2 : i32
      %add3A_634 = arith.addi %add3A_618, %add3A_633 : i32
      %lt3A_635 = arith.constant 160 : i32
      %lt3A_636 = arith.cmpi slt, %add3A_634, %lt3A_635 : i32
      %convert_element_type3A_637 = arith.extui %lt3A_636 : i1 to i32
      %cond3A_638 = arith.constant 0 : i32
      %cond3A_639 = arith.cmpi ne, %convert_element_type3A_637, %cond3A_638 : i32
      scf.if %cond3A_639 {
        %dma_wait3A_716 = arith.constant 1 : i32
        %dma_wait3A_717 = arith.constant 0 : i32
        %dma_wait3A_718 = tpu.memref_slice %arg11[%dma_wait3A_716, %dma_wait3A_717] : memref<2x128xi32, #tpu.memory_space<vmem>> -> memref<1x128xi32, #tpu.memory_space<vmem>>
        %dma_wait3A_719 = tpu.memref_squeeze %dma_wait3A_718 : memref<1x128xi32, #tpu.memory_space<vmem>> -> memref<128xi32, #tpu.memory_space<vmem>>
        %dma_wait3A_720 = arith.constant 0 : i32
        %dma_wait3A_721 = arith.constant 0 : i32
        %dma_wait3A_722 = tpu.memref_slice %arg18[%dma_wait3A_720, %dma_wait3A_721] : memref<10048x64xf32, #tpu.memory_space<vmem_shared>> -> memref<10048x64xf32, #tpu.memory_space<vmem_shared>>
        tpu.wait_indirect_dma semaphore(%arg25 : memref<!tpu.dma_semaphore, #tpu.memory_space<semaphore_mem>>) src(%arg7 : memref<128x64xf32, #tpu.memory_space<vmem>>) dst(%dma_wait3A_722 : memref<10048x64xf32, #tpu.memory_space<vmem_shared>>)
        %add3A_723 = arith.constant 6 : i32
        %add3A_724 = arith.addi %add3A_618, %add3A_723 : i32
        %lt3A_725 = arith.constant 160 : i32
        %lt3A_726 = arith.cmpi slt, %add3A_724, %lt3A_725 : i32
        %convert_element_type3A_727 = arith.extui %lt3A_726 : i1 to i32
        %cond3A_728 = arith.constant 0 : i32
        %cond3A_729 = arith.cmpi ne, %convert_element_type3A_727, %cond3A_728 : i32
        scf.if %cond3A_729 {
          %add3A_750 = arith.constant 6 : i32
          %add3A_751 = arith.addi %add3A_618, %add3A_750 : i32
          %mul3A_752 = arith.constant 16 : i32
          %mul3A_753 = arith.muli %add3A_751, %mul3A_752 : i32
          %add3A_754 = arith.addi %arg1, %mul3A_753 : i32
          %dma_start3A_755 = arith.constant 0 : i32
          %dma_start3A_756 = arith.constant 0 : i32
          %dma_start3A_757 = tpu.memref_slice %arg3[%add3A_754, %dma_start3A_755, %dma_start3A_756] : memref<2560x2x128xi32, #tpu.memory_space<hbm>> -> memref<1x2x128xi32, #tpu.memory_space<hbm>>
          %dma_start3A_758 = tpu.memref_squeeze %dma_start3A_757 : memref<1x2x128xi32, #tpu.memory_space<hbm>> -> memref<2x128xi32, #tpu.memory_space<hbm>>
          %dma_start3A_759 = arith.constant 0 : i32
          %dma_start3A_760 = arith.constant 0 : i32
          %dma_start3A_761 = tpu.memref_slice %arg3[%add3A_754, %dma_start3A_759, %dma_start3A_760] : memref<2560x2x128xi32, #tpu.memory_space<hbm>> -> memref<1x2x128xi32, #tpu.memory_space<hbm>>
          %dma_start3A_762 = tpu.memref_squeeze %dma_start3A_761 : memref<1x2x128xi32, #tpu.memory_space<hbm>> -> memref<2x128xi32, #tpu.memory_space<hbm>>
          tpu.enqueue_dma source(%dma_start3A_762 : memref<2x128xi32, #tpu.memory_space<hbm>>) target(%arg11 : memref<2x128xi32, #tpu.memory_space<vmem>>) target_semaphore(%arg29 : memref<!tpu.dma_semaphore, #tpu.memory_space<semaphore_mem>>)
        } else {
        }
        %add3A_730 = arith.constant 2 : i32
        %add3A_731 = arith.addi %add3A_618, %add3A_730 : i32
        %mul3A_732 = arith.constant 16 : i32
        %mul3A_733 = arith.muli %add3A_731, %mul3A_732 : i32
        %add3A_734 = arith.addi %arg1, %mul3A_733 : i32
        %dma_wait3A_735 = arith.constant 0 : i32
        %dma_wait3A_736 = arith.constant 0 : i32
        %dma_wait3A_737 = tpu.memref_slice %arg3[%add3A_734, %dma_wait3A_735, %dma_wait3A_736] : memref<2560x2x128xi32, #tpu.memory_space<hbm>> -> memref<1x2x128xi32, #tpu.memory_space<hbm>>
        %dma_wait3A_738 = tpu.memref_squeeze %dma_wait3A_737 : memref<1x2x128xi32, #tpu.memory_space<hbm>> -> memref<2x128xi32, #tpu.memory_space<hbm>>
        %dma_wait3A_739 = arith.constant 0 : i32
        %dma_wait3A_740 = arith.constant 0 : i32
        %dma_wait3A_741 = tpu.memref_slice %arg3[%add3A_734, %dma_wait3A_739, %dma_wait3A_740] : memref<2560x2x128xi32, #tpu.memory_space<hbm>> -> memref<1x2x128xi32, #tpu.memory_space<hbm>>
        %dma_wait3A_742 = tpu.memref_squeeze %dma_wait3A_741 : memref<1x2x128xi32, #tpu.memory_space<hbm>> -> memref<2x128xi32, #tpu.memory_space<hbm>>
        tpu.wait_dma2 semaphore(%arg33 : memref<!tpu.dma_semaphore, #tpu.memory_space<semaphore_mem>>) src(%dma_wait3A_742 : memref<2x128xi32, #tpu.memory_space<hbm>>) dst(%arg15 : memref<2x128xi32, #tpu.memory_space<vmem>>)
        %dma_start3A_743 = arith.constant 0 : i32
        %dma_start3A_744 = arith.constant 0 : i32
        %dma_start3A_745 = tpu.memref_slice %arg15[%dma_start3A_743, %dma_start3A_744] : memref<2x128xi32, #tpu.memory_space<vmem>> -> memref<1x128xi32, #tpu.memory_space<vmem>>
        %dma_start3A_746 = tpu.memref_squeeze %dma_start3A_745 : memref<1x128xi32, #tpu.memory_space<vmem>> -> memref<128xi32, #tpu.memory_space<vmem>>
        %dma_start3A_747 = arith.constant 0 : i32
        %dma_start3A_748 = arith.constant 0 : i32
        %dma_start3A_749 = tpu.memref_slice %arg17[%dma_start3A_747, %dma_start3A_748] : memref<10000x64xf32, #tpu.memory_space<vmem_shared>> -> memref<10000x64xf32, #tpu.memory_space<vmem_shared>>
        tpu.enqueue_indirect_dma source(%dma_start3A_749 : memref<10000x64xf32, #tpu.memory_space<vmem_shared>>) target(%arg7 : memref<128x64xf32, #tpu.memory_space<vmem>>) offsets(%dma_start3A_746 : memref<128xi32, #tpu.memory_space<vmem>>) semaphore(%arg21 : memref<!tpu.dma_semaphore, #tpu.memory_space<semaphore_mem>>)
      } else {
      }
      %mul3A_640 = arith.constant 8 : i32
      %mul3A_641 = arith.muli %scan3A_516, %mul3A_640 : i32
      %add3A_642 = arith.constant 5 : i32
      %add3A_643 = arith.addi %mul3A_641, %add3A_642 : i32
      %dma_wait3A_644 = arith.constant 0 : i32
      %dma_wait3A_645 = arith.constant 0 : i32
      %dma_wait3A_646 = tpu.memref_slice %arg14[%dma_wait3A_644, %dma_wait3A_645] : memref<2x128xi32, #tpu.memory_space<vmem>> -> memref<1x128xi32, #tpu.memory_space<vmem>>
      %dma_wait3A_647 = tpu.memref_squeeze %dma_wait3A_646 : memref<1x128xi32, #tpu.memory_space<vmem>> -> memref<128xi32, #tpu.memory_space<vmem>>
      %dma_wait3A_648 = arith.constant 0 : i32
      %dma_wait3A_649 = arith.constant 0 : i32
      %dma_wait3A_650 = tpu.memref_slice %arg17[%dma_wait3A_648, %dma_wait3A_649] : memref<10000x64xf32, #tpu.memory_space<vmem_shared>> -> memref<10000x64xf32, #tpu.memory_space<vmem_shared>>
      tpu.wait_indirect_dma semaphore(%arg20 : memref<!tpu.dma_semaphore, #tpu.memory_space<semaphore_mem>>) src(%dma_wait3A_650 : memref<10000x64xf32, #tpu.memory_space<vmem_shared>>) dst(%arg6 : memref<128x64xf32, #tpu.memory_space<vmem>>)
      %dma_start3A_651 = arith.constant 1 : i32
      %dma_start3A_652 = arith.constant 0 : i32
      %dma_start3A_653 = tpu.memref_slice %arg14[%dma_start3A_651, %dma_start3A_652] : memref<2x128xi32, #tpu.memory_space<vmem>> -> memref<1x128xi32, #tpu.memory_space<vmem>>
      %dma_start3A_654 = tpu.memref_squeeze %dma_start3A_653 : memref<1x128xi32, #tpu.memory_space<vmem>> -> memref<128xi32, #tpu.memory_space<vmem>>
      %dma_start3A_655 = arith.constant 0 : i32
      %dma_start3A_656 = arith.constant 0 : i32
      %dma_start3A_657 = tpu.memref_slice %arg18[%dma_start3A_655, %dma_start3A_656] : memref<10048x64xf32, #tpu.memory_space<vmem_shared>> -> memref<10048x64xf32, #tpu.memory_space<vmem_shared>>
      tpu.enqueue_indirect_dma source(%arg6 : memref<128x64xf32, #tpu.memory_space<vmem>>) target(%dma_start3A_657 : memref<10048x64xf32, #tpu.memory_space<vmem_shared>>) offsets(%dma_start3A_654 : memref<128xi32, #tpu.memory_space<vmem>>) semaphore(%arg24 : memref<!tpu.dma_semaphore, #tpu.memory_space<semaphore_mem>>) {add = true}
      %add3A_658 = arith.constant 2 : i32
      %add3A_659 = arith.addi %add3A_643, %add3A_658 : i32
      %lt3A_660 = arith.constant 160 : i32
      %lt3A_661 = arith.cmpi slt, %add3A_659, %lt3A_660 : i32
      %convert_element_type3A_662 = arith.extui %lt3A_661 : i1 to i32
      %cond3A_663 = arith.constant 0 : i32
      %cond3A_664 = arith.cmpi ne, %convert_element_type3A_662, %cond3A_663 : i32
      scf.if %cond3A_664 {
        %dma_wait3A_716 = arith.constant 1 : i32
        %dma_wait3A_717 = arith.constant 0 : i32
        %dma_wait3A_718 = tpu.memref_slice %arg12[%dma_wait3A_716, %dma_wait3A_717] : memref<2x128xi32, #tpu.memory_space<vmem>> -> memref<1x128xi32, #tpu.memory_space<vmem>>
        %dma_wait3A_719 = tpu.memref_squeeze %dma_wait3A_718 : memref<1x128xi32, #tpu.memory_space<vmem>> -> memref<128xi32, #tpu.memory_space<vmem>>
        %dma_wait3A_720 = arith.constant 0 : i32
        %dma_wait3A_721 = arith.constant 0 : i32
        %dma_wait3A_722 = tpu.memref_slice %arg18[%dma_wait3A_720, %dma_wait3A_721] : memref<10048x64xf32, #tpu.memory_space<vmem_shared>> -> memref<10048x64xf32, #tpu.memory_space<vmem_shared>>
        tpu.wait_indirect_dma semaphore(%arg26 : memref<!tpu.dma_semaphore, #tpu.memory_space<semaphore_mem>>) src(%arg8 : memref<128x64xf32, #tpu.memory_space<vmem>>) dst(%dma_wait3A_722 : memref<10048x64xf32, #tpu.memory_space<vmem_shared>>)
        %add3A_723 = arith.constant 6 : i32
        %add3A_724 = arith.addi %add3A_643, %add3A_723 : i32
        %lt3A_725 = arith.constant 160 : i32
        %lt3A_726 = arith.cmpi slt, %add3A_724, %lt3A_725 : i32
        %convert_element_type3A_727 = arith.extui %lt3A_726 : i1 to i32
        %cond3A_728 = arith.constant 0 : i32
        %cond3A_729 = arith.cmpi ne, %convert_element_type3A_727, %cond3A_728 : i32
        scf.if %cond3A_729 {
          %add3A_750 = arith.constant 6 : i32
          %add3A_751 = arith.addi %add3A_643, %add3A_750 : i32
          %mul3A_752 = arith.constant 16 : i32
          %mul3A_753 = arith.muli %add3A_751, %mul3A_752 : i32
          %add3A_754 = arith.addi %arg1, %mul3A_753 : i32
          %dma_start3A_755 = arith.constant 0 : i32
          %dma_start3A_756 = arith.constant 0 : i32
          %dma_start3A_757 = tpu.memref_slice %arg3[%add3A_754, %dma_start3A_755, %dma_start3A_756] : memref<2560x2x128xi32, #tpu.memory_space<hbm>> -> memref<1x2x128xi32, #tpu.memory_space<hbm>>
          %dma_start3A_758 = tpu.memref_squeeze %dma_start3A_757 : memref<1x2x128xi32, #tpu.memory_space<hbm>> -> memref<2x128xi32, #tpu.memory_space<hbm>>
          %dma_start3A_759 = arith.constant 0 : i32
          %dma_start3A_760 = arith.constant 0 : i32
          %dma_start3A_761 = tpu.memref_slice %arg3[%add3A_754, %dma_start3A_759, %dma_start3A_760] : memref<2560x2x128xi32, #tpu.memory_space<hbm>> -> memref<1x2x128xi32, #tpu.memory_space<hbm>>
          %dma_start3A_762 = tpu.memref_squeeze %dma_start3A_761 : memref<1x2x128xi32, #tpu.memory_space<hbm>> -> memref<2x128xi32, #tpu.memory_space<hbm>>
          tpu.enqueue_dma source(%dma_start3A_762 : memref<2x128xi32, #tpu.memory_space<hbm>>) target(%arg12 : memref<2x128xi32, #tpu.memory_space<vmem>>) target_semaphore(%arg30 : memref<!tpu.dma_semaphore, #tpu.memory_space<semaphore_mem>>)
        } else {
        }
        %add3A_730 = arith.constant 2 : i32
        %add3A_731 = arith.addi %add3A_643, %add3A_730 : i32
        %mul3A_732 = arith.constant 16 : i32
        %mul3A_733 = arith.muli %add3A_731, %mul3A_732 : i32
        %add3A_734 = arith.addi %arg1, %mul3A_733 : i32
        %dma_wait3A_735 = arith.constant 0 : i32
        %dma_wait3A_736 = arith.constant 0 : i32
        %dma_wait3A_737 = tpu.memref_slice %arg3[%add3A_734, %dma_wait3A_735, %dma_wait3A_736] : memref<2560x2x128xi32, #tpu.memory_space<hbm>> -> memref<1x2x128xi32, #tpu.memory_space<hbm>>
        %dma_wait3A_738 = tpu.memref_squeeze %dma_wait3A_737 : memref<1x2x128xi32, #tpu.memory_space<hbm>> -> memref<2x128xi32, #tpu.memory_space<hbm>>
        %dma_wait3A_739 = arith.constant 0 : i32
        %dma_wait3A_740 = arith.constant 0 : i32
        %dma_wait3A_741 = tpu.memref_slice %arg3[%add3A_734, %dma_wait3A_739, %dma_wait3A_740] : memref<2560x2x128xi32, #tpu.memory_space<hbm>> -> memref<1x2x128xi32, #tpu.memory_space<hbm>>
        %dma_wait3A_742 = tpu.memref_squeeze %dma_wait3A_741 : memref<1x2x128xi32, #tpu.memory_space<hbm>> -> memref<2x128xi32, #tpu.memory_space<hbm>>
        tpu.wait_dma2 semaphore(%arg34 : memref<!tpu.dma_semaphore, #tpu.memory_space<semaphore_mem>>) src(%dma_wait3A_742 : memref<2x128xi32, #tpu.memory_space<hbm>>) dst(%arg16 : memref<2x128xi32, #tpu.memory_space<vmem>>)
        %dma_start3A_743 = arith.constant 0 : i32
        %dma_start3A_744 = arith.constant 0 : i32
        %dma_start3A_745 = tpu.memref_slice %arg16[%dma_start3A_743, %dma_start3A_744] : memref<2x128xi32, #tpu.memory_space<vmem>> -> memref<1x128xi32, #tpu.memory_space<vmem>>
        %dma_start3A_746 = tpu.memref_squeeze %dma_start3A_745 : memref<1x128xi32, #tpu.memory_space<vmem>> -> memref<128xi32, #tpu.memory_space<vmem>>
        %dma_start3A_747 = arith.constant 0 : i32
        %dma_start3A_748 = arith.constant 0 : i32
        %dma_start3A_749 = tpu.memref_slice %arg17[%dma_start3A_747, %dma_start3A_748] : memref<10000x64xf32, #tpu.memory_space<vmem_shared>> -> memref<10000x64xf32, #tpu.memory_space<vmem_shared>>
        tpu.enqueue_indirect_dma source(%dma_start3A_749 : memref<10000x64xf32, #tpu.memory_space<vmem_shared>>) target(%arg8 : memref<128x64xf32, #tpu.memory_space<vmem>>) offsets(%dma_start3A_746 : memref<128xi32, #tpu.memory_space<vmem>>) semaphore(%arg22 : memref<!tpu.dma_semaphore, #tpu.memory_space<semaphore_mem>>)
      } else {
      }
      %mul3A_665 = arith.constant 8 : i32
      %mul3A_666 = arith.muli %scan3A_516, %mul3A_665 : i32
      %add3A_667 = arith.constant 6 : i32
      %add3A_668 = arith.addi %mul3A_666, %add3A_667 : i32
      %dma_wait3A_669 = arith.constant 0 : i32
      %dma_wait3A_670 = arith.constant 0 : i32
      %dma_wait3A_671 = tpu.memref_slice %arg15[%dma_wait3A_669, %dma_wait3A_670] : memref<2x128xi32, #tpu.memory_space<vmem>> -> memref<1x128xi32, #tpu.memory_space<vmem>>
      %dma_wait3A_672 = tpu.memref_squeeze %dma_wait3A_671 : memref<1x128xi32, #tpu.memory_space<vmem>> -> memref<128xi32, #tpu.memory_space<vmem>>
      %dma_wait3A_673 = arith.constant 0 : i32
      %dma_wait3A_674 = arith.constant 0 : i32
      %dma_wait3A_675 = tpu.memref_slice %arg17[%dma_wait3A_673, %dma_wait3A_674] : memref<10000x64xf32, #tpu.memory_space<vmem_shared>> -> memref<10000x64xf32, #tpu.memory_space<vmem_shared>>
      tpu.wait_indirect_dma semaphore(%arg21 : memref<!tpu.dma_semaphore, #tpu.memory_space<semaphore_mem>>) src(%dma_wait3A_675 : memref<10000x64xf32, #tpu.memory_space<vmem_shared>>) dst(%arg7 : memref<128x64xf32, #tpu.memory_space<vmem>>)
      %dma_start3A_676 = arith.constant 1 : i32
      %dma_start3A_677 = arith.constant 0 : i32
      %dma_start3A_678 = tpu.memref_slice %arg15[%dma_start3A_676, %dma_start3A_677] : memref<2x128xi32, #tpu.memory_space<vmem>> -> memref<1x128xi32, #tpu.memory_space<vmem>>
      %dma_start3A_679 = tpu.memref_squeeze %dma_start3A_678 : memref<1x128xi32, #tpu.memory_space<vmem>> -> memref<128xi32, #tpu.memory_space<vmem>>
      %dma_start3A_680 = arith.constant 0 : i32
      %dma_start3A_681 = arith.constant 0 : i32
      %dma_start3A_682 = tpu.memref_slice %arg18[%dma_start3A_680, %dma_start3A_681] : memref<10048x64xf32, #tpu.memory_space<vmem_shared>> -> memref<10048x64xf32, #tpu.memory_space<vmem_shared>>
      tpu.enqueue_indirect_dma source(%arg7 : memref<128x64xf32, #tpu.memory_space<vmem>>) target(%dma_start3A_682 : memref<10048x64xf32, #tpu.memory_space<vmem_shared>>) offsets(%dma_start3A_679 : memref<128xi32, #tpu.memory_space<vmem>>) semaphore(%arg25 : memref<!tpu.dma_semaphore, #tpu.memory_space<semaphore_mem>>) {add = true}
      %add3A_683 = arith.constant 2 : i32
      %add3A_684 = arith.addi %add3A_668, %add3A_683 : i32
      %lt3A_685 = arith.constant 160 : i32
      %lt3A_686 = arith.cmpi slt, %add3A_684, %lt3A_685 : i32
      %convert_element_type3A_687 = arith.extui %lt3A_686 : i1 to i32
      %cond3A_688 = arith.constant 0 : i32
      %cond3A_689 = arith.cmpi ne, %convert_element_type3A_687, %cond3A_688 : i32
      scf.if %cond3A_689 {
        %dma_wait3A_716 = arith.constant 1 : i32
        %dma_wait3A_717 = arith.constant 0 : i32
        %dma_wait3A_718 = tpu.memref_slice %arg13[%dma_wait3A_716, %dma_wait3A_717] : memref<2x128xi32, #tpu.memory_space<vmem>> -> memref<1x128xi32, #tpu.memory_space<vmem>>
        %dma_wait3A_719 = tpu.memref_squeeze %dma_wait3A_718 : memref<1x128xi32, #tpu.memory_space<vmem>> -> memref<128xi32, #tpu.memory_space<vmem>>
        %dma_wait3A_720 = arith.constant 0 : i32
        %dma_wait3A_721 = arith.constant 0 : i32
        %dma_wait3A_722 = tpu.memref_slice %arg18[%dma_wait3A_720, %dma_wait3A_721] : memref<10048x64xf32, #tpu.memory_space<vmem_shared>> -> memref<10048x64xf32, #tpu.memory_space<vmem_shared>>
        tpu.wait_indirect_dma semaphore(%arg23 : memref<!tpu.dma_semaphore, #tpu.memory_space<semaphore_mem>>) src(%arg5 : memref<128x64xf32, #tpu.memory_space<vmem>>) dst(%dma_wait3A_722 : memref<10048x64xf32, #tpu.memory_space<vmem_shared>>)
        %add3A_723 = arith.constant 6 : i32
        %add3A_724 = arith.addi %add3A_668, %add3A_723 : i32
        %lt3A_725 = arith.constant 160 : i32
        %lt3A_726 = arith.cmpi slt, %add3A_724, %lt3A_725 : i32
        %convert_element_type3A_727 = arith.extui %lt3A_726 : i1 to i32
        %cond3A_728 = arith.constant 0 : i32
        %cond3A_729 = arith.cmpi ne, %convert_element_type3A_727, %cond3A_728 : i32
        scf.if %cond3A_729 {
          %add3A_750 = arith.constant 6 : i32
          %add3A_751 = arith.addi %add3A_668, %add3A_750 : i32
          %mul3A_752 = arith.constant 16 : i32
          %mul3A_753 = arith.muli %add3A_751, %mul3A_752 : i32
          %add3A_754 = arith.addi %arg1, %mul3A_753 : i32
          %dma_start3A_755 = arith.constant 0 : i32
          %dma_start3A_756 = arith.constant 0 : i32
          %dma_start3A_757 = tpu.memref_slice %arg3[%add3A_754, %dma_start3A_755, %dma_start3A_756] : memref<2560x2x128xi32, #tpu.memory_space<hbm>> -> memref<1x2x128xi32, #tpu.memory_space<hbm>>
          %dma_start3A_758 = tpu.memref_squeeze %dma_start3A_757 : memref<1x2x128xi32, #tpu.memory_space<hbm>> -> memref<2x128xi32, #tpu.memory_space<hbm>>
          %dma_start3A_759 = arith.constant 0 : i32
          %dma_start3A_760 = arith.constant 0 : i32
          %dma_start3A_761 = tpu.memref_slice %arg3[%add3A_754, %dma_start3A_759, %dma_start3A_760] : memref<2560x2x128xi32, #tpu.memory_space<hbm>> -> memref<1x2x128xi32, #tpu.memory_space<hbm>>
          %dma_start3A_762 = tpu.memref_squeeze %dma_start3A_761 : memref<1x2x128xi32, #tpu.memory_space<hbm>> -> memref<2x128xi32, #tpu.memory_space<hbm>>
          tpu.enqueue_dma source(%dma_start3A_762 : memref<2x128xi32, #tpu.memory_space<hbm>>) target(%arg13 : memref<2x128xi32, #tpu.memory_space<vmem>>) target_semaphore(%arg31 : memref<!tpu.dma_semaphore, #tpu.memory_space<semaphore_mem>>)
        } else {
        }
        %add3A_730 = arith.constant 2 : i32
        %add3A_731 = arith.addi %add3A_668, %add3A_730 : i32
        %mul3A_732 = arith.constant 16 : i32
        %mul3A_733 = arith.muli %add3A_731, %mul3A_732 : i32
        %add3A_734 = arith.addi %arg1, %mul3A_733 : i32
        %dma_wait3A_735 = arith.constant 0 : i32
        %dma_wait3A_736 = arith.constant 0 : i32
        %dma_wait3A_737 = tpu.memref_slice %arg3[%add3A_734, %dma_wait3A_735, %dma_wait3A_736] : memref<2560x2x128xi32, #tpu.memory_space<hbm>> -> memref<1x2x128xi32, #tpu.memory_space<hbm>>
        %dma_wait3A_738 = tpu.memref_squeeze %dma_wait3A_737 : memref<1x2x128xi32, #tpu.memory_space<hbm>> -> memref<2x128xi32, #tpu.memory_space<hbm>>
        %dma_wait3A_739 = arith.constant 0 : i32
        %dma_wait3A_740 = arith.constant 0 : i32
        %dma_wait3A_741 = tpu.memref_slice %arg3[%add3A_734, %dma_wait3A_739, %dma_wait3A_740] : memref<2560x2x128xi32, #tpu.memory_space<hbm>> -> memref<1x2x128xi32, #tpu.memory_space<hbm>>
        %dma_wait3A_742 = tpu.memref_squeeze %dma_wait3A_741 : memref<1x2x128xi32, #tpu.memory_space<hbm>> -> memref<2x128xi32, #tpu.memory_space<hbm>>
        tpu.wait_dma2 semaphore(%arg27 : memref<!tpu.dma_semaphore, #tpu.memory_space<semaphore_mem>>) src(%dma_wait3A_742 : memref<2x128xi32, #tpu.memory_space<hbm>>) dst(%arg9 : memref<2x128xi32, #tpu.memory_space<vmem>>)
        %dma_start3A_743 = arith.constant 0 : i32
        %dma_start3A_744 = arith.constant 0 : i32
        %dma_start3A_745 = tpu.memref_slice %arg9[%dma_start3A_743, %dma_start3A_744] : memref<2x128xi32, #tpu.memory_space<vmem>> -> memref<1x128xi32, #tpu.memory_space<vmem>>
        %dma_start3A_746 = tpu.memref_squeeze %dma_start3A_745 : memref<1x128xi32, #tpu.memory_space<vmem>> -> memref<128xi32, #tpu.memory_space<vmem>>
        %dma_start3A_747 = arith.constant 0 : i32
        %dma_start3A_748 = arith.constant 0 : i32
        %dma_start3A_749 = tpu.memref_slice %arg17[%dma_start3A_747, %dma_start3A_748] : memref<10000x64xf32, #tpu.memory_space<vmem_shared>> -> memref<10000x64xf32, #tpu.memory_space<vmem_shared>>
        tpu.enqueue_indirect_dma source(%dma_start3A_749 : memref<10000x64xf32, #tpu.memory_space<vmem_shared>>) target(%arg5 : memref<128x64xf32, #tpu.memory_space<vmem>>) offsets(%dma_start3A_746 : memref<128xi32, #tpu.memory_space<vmem>>) semaphore(%arg19 : memref<!tpu.dma_semaphore, #tpu.memory_space<semaphore_mem>>)
      } else {
      }
      %mul3A_690 = arith.constant 8 : i32
      %mul3A_691 = arith.muli %scan3A_516, %mul3A_690 : i32
      %add3A_692 = arith.constant 7 : i32
      %add3A_693 = arith.addi %mul3A_691, %add3A_692 : i32
      %dma_wait3A_694 = arith.constant 0 : i32
      %dma_wait3A_695 = arith.constant 0 : i32
      %dma_wait3A_696 = tpu.memref_slice %arg16[%dma_wait3A_694, %dma_wait3A_695] : memref<2x128xi32, #tpu.memory_space<vmem>> -> memref<1x128xi32, #tpu.memory_space<vmem>>
      %dma_wait3A_697 = tpu.memref_squeeze %dma_wait3A_696 : memref<1x128xi32, #tpu.memory_space<vmem>> -> memref<128xi32, #tpu.memory_space<vmem>>
      %dma_wait3A_698 = arith.constant 0 : i32
      %dma_wait3A_699 = arith.constant 0 : i32
      %dma_wait3A_700 = tpu.memref_slice %arg17[%dma_wait3A_698, %dma_wait3A_699] : memref<10000x64xf32, #tpu.memory_space<vmem_shared>> -> memref<10000x64xf32, #tpu.memory_space<vmem_shared>>
      tpu.wait_indirect_dma semaphore(%arg22 : memref<!tpu.dma_semaphore, #tpu.memory_space<semaphore_mem>>) src(%dma_wait3A_700 : memref<10000x64xf32, #tpu.memory_space<vmem_shared>>) dst(%arg8 : memref<128x64xf32, #tpu.memory_space<vmem>>)
      %dma_start3A_701 = arith.constant 1 : i32
      %dma_start3A_702 = arith.constant 0 : i32
      %dma_start3A_703 = tpu.memref_slice %arg16[%dma_start3A_701, %dma_start3A_702] : memref<2x128xi32, #tpu.memory_space<vmem>> -> memref<1x128xi32, #tpu.memory_space<vmem>>
      %dma_start3A_704 = tpu.memref_squeeze %dma_start3A_703 : memref<1x128xi32, #tpu.memory_space<vmem>> -> memref<128xi32, #tpu.memory_space<vmem>>
      %dma_start3A_705 = arith.constant 0 : i32
      %dma_start3A_706 = arith.constant 0 : i32
      %dma_start3A_707 = tpu.memref_slice %arg18[%dma_start3A_705, %dma_start3A_706] : memref<10048x64xf32, #tpu.memory_space<vmem_shared>> -> memref<10048x64xf32, #tpu.memory_space<vmem_shared>>
      tpu.enqueue_indirect_dma source(%arg8 : memref<128x64xf32, #tpu.memory_space<vmem>>) target(%dma_start3A_707 : memref<10048x64xf32, #tpu.memory_space<vmem_shared>>) offsets(%dma_start3A_704 : memref<128xi32, #tpu.memory_space<vmem>>) semaphore(%arg26 : memref<!tpu.dma_semaphore, #tpu.memory_space<semaphore_mem>>) {add = true}
      %add3A_708 = arith.constant 2 : i32
      %add3A_709 = arith.addi %add3A_693, %add3A_708 : i32
      %lt3A_710 = arith.constant 160 : i32
      %lt3A_711 = arith.cmpi slt, %add3A_709, %lt3A_710 : i32
      %convert_element_type3A_712 = arith.extui %lt3A_711 : i1 to i32
      %cond3A_713 = arith.constant 0 : i32
      %cond3A_714 = arith.cmpi ne, %convert_element_type3A_712, %cond3A_713 : i32
      scf.if %cond3A_714 {
        %dma_wait3A_716 = arith.constant 1 : i32
        %dma_wait3A_717 = arith.constant 0 : i32
        %dma_wait3A_718 = tpu.memref_slice %arg14[%dma_wait3A_716, %dma_wait3A_717] : memref<2x128xi32, #tpu.memory_space<vmem>> -> memref<1x128xi32, #tpu.memory_space<vmem>>
        %dma_wait3A_719 = tpu.memref_squeeze %dma_wait3A_718 : memref<1x128xi32, #tpu.memory_space<vmem>> -> memref<128xi32, #tpu.memory_space<vmem>>
        %dma_wait3A_720 = arith.constant 0 : i32
        %dma_wait3A_721 = arith.constant 0 : i32
        %dma_wait3A_722 = tpu.memref_slice %arg18[%dma_wait3A_720, %dma_wait3A_721] : memref<10048x64xf32, #tpu.memory_space<vmem_shared>> -> memref<10048x64xf32, #tpu.memory_space<vmem_shared>>
        tpu.wait_indirect_dma semaphore(%arg24 : memref<!tpu.dma_semaphore, #tpu.memory_space<semaphore_mem>>) src(%arg6 : memref<128x64xf32, #tpu.memory_space<vmem>>) dst(%dma_wait3A_722 : memref<10048x64xf32, #tpu.memory_space<vmem_shared>>)
        %add3A_723 = arith.constant 6 : i32
        %add3A_724 = arith.addi %add3A_693, %add3A_723 : i32
        %lt3A_725 = arith.constant 160 : i32
        %lt3A_726 = arith.cmpi slt, %add3A_724, %lt3A_725 : i32
        %convert_element_type3A_727 = arith.extui %lt3A_726 : i1 to i32
        %cond3A_728 = arith.constant 0 : i32
        %cond3A_729 = arith.cmpi ne, %convert_element_type3A_727, %cond3A_728 : i32
        scf.if %cond3A_729 {
          %add3A_750 = arith.constant 6 : i32
          %add3A_751 = arith.addi %add3A_693, %add3A_750 : i32
          %mul3A_752 = arith.constant 16 : i32
          %mul3A_753 = arith.muli %add3A_751, %mul3A_752 : i32
          %add3A_754 = arith.addi %arg1, %mul3A_753 : i32
          %dma_start3A_755 = arith.constant 0 : i32
          %dma_start3A_756 = arith.constant 0 : i32
          %dma_start3A_757 = tpu.memref_slice %arg3[%add3A_754, %dma_start3A_755, %dma_start3A_756] : memref<2560x2x128xi32, #tpu.memory_space<hbm>> -> memref<1x2x128xi32, #tpu.memory_space<hbm>>
          %dma_start3A_758 = tpu.memref_squeeze %dma_start3A_757 : memref<1x2x128xi32, #tpu.memory_space<hbm>> -> memref<2x128xi32, #tpu.memory_space<hbm>>
          %dma_start3A_759 = arith.constant 0 : i32
          %dma_start3A_760 = arith.constant 0 : i32
          %dma_start3A_761 = tpu.memref_slice %arg3[%add3A_754, %dma_start3A_759, %dma_start3A_760] : memref<2560x2x128xi32, #tpu.memory_space<hbm>> -> memref<1x2x128xi32, #tpu.memory_space<hbm>>
          %dma_start3A_762 = tpu.memref_squeeze %dma_start3A_761 : memref<1x2x128xi32, #tpu.memory_space<hbm>> -> memref<2x128xi32, #tpu.memory_space<hbm>>
          tpu.enqueue_dma source(%dma_start3A_762 : memref<2x128xi32, #tpu.memory_space<hbm>>) target(%arg14 : memref<2x128xi32, #tpu.memory_space<vmem>>) target_semaphore(%arg32 : memref<!tpu.dma_semaphore, #tpu.memory_space<semaphore_mem>>)
        } else {
        }
        %add3A_730 = arith.constant 2 : i32
        %add3A_731 = arith.addi %add3A_693, %add3A_730 : i32
        %mul3A_732 = arith.constant 16 : i32
        %mul3A_733 = arith.muli %add3A_731, %mul3A_732 : i32
        %add3A_734 = arith.addi %arg1, %mul3A_733 : i32
        %dma_wait3A_735 = arith.constant 0 : i32
        %dma_wait3A_736 = arith.constant 0 : i32
        %dma_wait3A_737 = tpu.memref_slice %arg3[%add3A_734, %dma_wait3A_735, %dma_wait3A_736] : memref<2560x2x128xi32, #tpu.memory_space<hbm>> -> memref<1x2x128xi32, #tpu.memory_space<hbm>>
        %dma_wait3A_738 = tpu.memref_squeeze %dma_wait3A_737 : memref<1x2x128xi32, #tpu.memory_space<hbm>> -> memref<2x128xi32, #tpu.memory_space<hbm>>
        %dma_wait3A_739 = arith.constant 0 : i32
        %dma_wait3A_740 = arith.constant 0 : i32
        %dma_wait3A_741 = tpu.memref_slice %arg3[%add3A_734, %dma_wait3A_739, %dma_wait3A_740] : memref<2560x2x128xi32, #tpu.memory_space<hbm>> -> memref<1x2x128xi32, #tpu.memory_space<hbm>>
        %dma_wait3A_742 = tpu.memref_squeeze %dma_wait3A_741 : memref<1x2x128xi32, #tpu.memory_space<hbm>> -> memref<2x128xi32, #tpu.memory_space<hbm>>
        tpu.wait_dma2 semaphore(%arg28 : memref<!tpu.dma_semaphore, #tpu.memory_space<semaphore_mem>>) src(%dma_wait3A_742 : memref<2x128xi32, #tpu.memory_space<hbm>>) dst(%arg10 : memref<2x128xi32, #tpu.memory_space<vmem>>)
        %dma_start3A_743 = arith.constant 0 : i32
        %dma_start3A_744 = arith.constant 0 : i32
        %dma_start3A_745 = tpu.memref_slice %arg10[%dma_start3A_743, %dma_start3A_744] : memref<2x128xi32, #tpu.memory_space<vmem>> -> memref<1x128xi32, #tpu.memory_space<vmem>>
        %dma_start3A_746 = tpu.memref_squeeze %dma_start3A_745 : memref<1x128xi32, #tpu.memory_space<vmem>> -> memref<128xi32, #tpu.memory_space<vmem>>
        %dma_start3A_747 = arith.constant 0 : i32
        %dma_start3A_748 = arith.constant 0 : i32
        %dma_start3A_749 = tpu.memref_slice %arg17[%dma_start3A_747, %dma_start3A_748] : memref<10000x64xf32, #tpu.memory_space<vmem_shared>> -> memref<10000x64xf32, #tpu.memory_space<vmem_shared>>
        tpu.enqueue_indirect_dma source(%dma_start3A_749 : memref<10000x64xf32, #tpu.memory_space<vmem_shared>>) target(%arg6 : memref<128x64xf32, #tpu.memory_space<vmem>>) offsets(%dma_start3A_746 : memref<128xi32, #tpu.memory_space<vmem>>) semaphore(%arg20 : memref<!tpu.dma_semaphore, #tpu.memory_space<semaphore_mem>>)
      } else {
      }
      %scan3A_715 = arith.constant 0 : i32
      scf.yield %scan3A_715 : i32
    }
    %scan3A_483 = arith.constant 19 : i32
    %dma_wait3A_484 = arith.constant 1 : i32
    %dma_wait3A_485 = arith.constant 0 : i32
    %dma_wait3A_486 = tpu.memref_slice %arg13[%dma_wait3A_484, %dma_wait3A_485] : memref<2x128xi32, #tpu.memory_space<vmem>> -> memref<1x128xi32, #tpu.memory_space<vmem>>
    %dma_wait3A_487 = tpu.memref_squeeze %dma_wait3A_486 : memref<1x128xi32, #tpu.memory_space<vmem>> -> memref<128xi32, #tpu.memory_space<vmem>>
    %dma_wait3A_488 = arith.constant 0 : i32
    %dma_wait3A_489 = arith.constant 0 : i32
    %dma_wait3A_490 = tpu.memref_slice %arg18[%dma_wait3A_488, %dma_wait3A_489] : memref<10048x64xf32, #tpu.memory_space<vmem_shared>> -> memref<10048x64xf32, #tpu.memory_space<vmem_shared>>
    tpu.wait_indirect_dma semaphore(%arg23 : memref<!tpu.dma_semaphore, #tpu.memory_space<semaphore_mem>>) src(%arg5 : memref<128x64xf32, #tpu.memory_space<vmem>>) dst(%dma_wait3A_490 : memref<10048x64xf32, #tpu.memory_space<vmem_shared>>)
    %dma_wait3A_491 = arith.constant 1 : i32
    %dma_wait3A_492 = arith.constant 0 : i32
    %dma_wait3A_493 = tpu.memref_slice %arg14[%dma_wait3A_491, %dma_wait3A_492] : memref<2x128xi32, #tpu.memory_space<vmem>> -> memref<1x128xi32, #tpu.memory_space<vmem>>
    %dma_wait3A_494 = tpu.memref_squeeze %dma_wait3A_493 : memref<1x128xi32, #tpu.memory_space<vmem>> -> memref<128xi32, #tpu.memory_space<vmem>>
    %dma_wait3A_495 = arith.constant 0 : i32
    %dma_wait3A_496 = arith.constant 0 : i32
    %dma_wait3A_497 = tpu.memref_slice %arg18[%dma_wait3A_495, %dma_wait3A_496] : memref<10048x64xf32, #tpu.memory_space<vmem_shared>> -> memref<10048x64xf32, #tpu.memory_space<vmem_shared>>
    tpu.wait_indirect_dma semaphore(%arg24 : memref<!tpu.dma_semaphore, #tpu.memory_space<semaphore_mem>>) src(%arg6 : memref<128x64xf32, #tpu.memory_space<vmem>>) dst(%dma_wait3A_497 : memref<10048x64xf32, #tpu.memory_space<vmem_shared>>)
    %dma_wait3A_498 = arith.constant 1 : i32
    %dma_wait3A_499 = arith.constant 0 : i32
    %dma_wait3A_500 = tpu.memref_slice %arg15[%dma_wait3A_498, %dma_wait3A_499] : memref<2x128xi32, #tpu.memory_space<vmem>> -> memref<1x128xi32, #tpu.memory_space<vmem>>
    %dma_wait3A_501 = tpu.memref_squeeze %dma_wait3A_500 : memref<1x128xi32, #tpu.memory_space<vmem>> -> memref<128xi32, #tpu.memory_space<vmem>>
    %dma_wait3A_502 = arith.constant 0 : i32
    %dma_wait3A_503 = arith.constant 0 : i32
    %dma_wait3A_504 = tpu.memref_slice %arg18[%dma_wait3A_502, %dma_wait3A_503] : memref<10048x64xf32, #tpu.memory_space<vmem_shared>> -> memref<10048x64xf32, #tpu.memory_space<vmem_shared>>
    tpu.wait_indirect_dma semaphore(%arg25 : memref<!tpu.dma_semaphore, #tpu.memory_space<semaphore_mem>>) src(%arg7 : memref<128x64xf32, #tpu.memory_space<vmem>>) dst(%dma_wait3A_504 : memref<10048x64xf32, #tpu.memory_space<vmem_shared>>)
    %dma_wait3A_505 = arith.constant 1 : i32
    %dma_wait3A_506 = arith.constant 0 : i32
    %dma_wait3A_507 = tpu.memref_slice %arg16[%dma_wait3A_505, %dma_wait3A_506] : memref<2x128xi32, #tpu.memory_space<vmem>> -> memref<1x128xi32, #tpu.memory_space<vmem>>
    %dma_wait3A_508 = tpu.memref_squeeze %dma_wait3A_507 : memref<1x128xi32, #tpu.memory_space<vmem>> -> memref<128xi32, #tpu.memory_space<vmem>>
    %dma_wait3A_509 = arith.constant 0 : i32
    %dma_wait3A_510 = arith.constant 0 : i32
    %dma_wait3A_511 = tpu.memref_slice %arg18[%dma_wait3A_509, %dma_wait3A_510] : memref<10048x64xf32, #tpu.memory_space<vmem_shared>> -> memref<10048x64xf32, #tpu.memory_space<vmem_shared>>
    tpu.wait_indirect_dma semaphore(%arg26 : memref<!tpu.dma_semaphore, #tpu.memory_space<semaphore_mem>>) src(%arg8 : memref<128x64xf32, #tpu.memory_space<vmem>>) dst(%dma_wait3A_511 : memref<10048x64xf32, #tpu.memory_space<vmem_shared>>)
    %barrier3A_512 = arith.constant 0 : index
    tpu.barrier barrier_id(%barrier3A_512)
    %mul3A_513 = arith.constant 10000 : i32
    %mul3A_514 = arith.muli %arg0, %mul3A_513 : i32
    %add3A_515 = arith.addi %mul3A_514, %mul3A_0 : i32
    "tpu.region"() ({
      %run_scoped3A = tpu.sem_alloc : memref<!tpu.dma_semaphore, #tpu.memory_space<semaphore_mem>>
      %dma_start3A_516 = arith.constant 0 : i32
      %dma_start3A_517 = tpu.memref_slice %arg4[%add3A_515, %dma_start3A_516] : memref<20000x64xf32, #tpu.memory_space<hbm>> -> memref<625x64xf32, #tpu.memory_space<hbm>>
      %dma_start3A_518 = arith.constant 0 : i32
      %dma_start3A_519 = tpu.memref_slice %arg18[%mul3A_0, %dma_start3A_518] : memref<10048x64xf32, #tpu.memory_space<vmem_shared>> -> memref<625x64xf32, #tpu.memory_space<vmem_shared>>
      tpu.enqueue_dma source(%dma_start3A_519 : memref<625x64xf32, #tpu.memory_space<vmem_shared>>) target(%dma_start3A_517 : memref<625x64xf32, #tpu.memory_space<hbm>>) target_semaphore(%run_scoped3A : memref<!tpu.dma_semaphore, #tpu.memory_space<semaphore_mem>>)
      %dma_wait3A_520 = arith.constant 0 : i32
      %dma_wait3A_521 = tpu.memref_slice %arg4[%add3A_515, %dma_wait3A_520] : memref<20000x64xf32, #tpu.memory_space<hbm>> -> memref<625x64xf32, #tpu.memory_space<hbm>>
      %dma_wait3A_522 = arith.constant 0 : i32
      %dma_wait3A_523 = tpu.memref_slice %arg18[%mul3A_0, %dma_wait3A_522] : memref<10048x64xf32, #tpu.memory_space<vmem_shared>> -> memref<625x64xf32, #tpu.memory_space<vmem_shared>>
      tpu.wait_dma2 semaphore(%run_scoped3A : memref<!tpu.dma_semaphore, #tpu.memory_space<semaphore_mem>>) src(%dma_wait3A_523 : memref<625x64xf32, #tpu.memory_space<vmem_shared>>) dst(%dma_wait3A_521 : memref<625x64xf32, #tpu.memory_space<hbm>>)
      tpu.yield
    }) : () -> ()
    return
  }
}

module attributes {stable_mosaic.version = 14 : i64} {
  func.func @body(%arg0: i32, %arg1: memref<1000x128xf32, #tpu.memory_space<vmem>>, %arg2: memref<1000x64xf32, #tpu.memory_space<vmem>>, %arg3: memref<1000x64xf32, #tpu.memory_space<vmem>>, %arg4: memref<1000x8xf32, #tpu.memory_space<vmem>>, %arg5: memref<1000x8xf32, #tpu.memory_space<vmem>>, %arg6: memref<128x128xf32, #tpu.memory_space<vmem>>, %arg7: memref<128x128xf32, #tpu.memory_space<vmem>>, %arg8: memref<1x128xf32, #tpu.memory_space<vmem>>, %arg9: memref<1000x128xf32, #tpu.memory_space<vmem>>) attributes {dimension_semantics = [#tpu.dimension_semantics<arbitrary>], iteration_bounds = array<i64: 10>, scalar_prefetch = 0 : i64, scratch_operands = 0 : i64, tpu.core_type = #tpu.core_type<tc>, window_params = [{transform_indices = @transform_0, window_bounds = array<i64: 1000, 128>}, {transform_indices = @transform_1, window_bounds = array<i64: 1000, 64>}, {transform_indices = @transform_2, window_bounds = array<i64: 1000, 64>}, {transform_indices = @transform_3, window_bounds = array<i64: 1000, 8>}, {transform_indices = @transform_4, window_bounds = array<i64: 1000, 8>}, {pipeline_mode = #tpu.pipeline_mode<synchronous>, transform_indices = @transform_5, window_bounds = array<i64: 128, 128>}, {pipeline_mode = #tpu.pipeline_mode<synchronous>, transform_indices = @transform_6, window_bounds = array<i64: 128, 128>}, {pipeline_mode = #tpu.pipeline_mode<synchronous>, transform_indices = @transform_7, window_bounds = array<i64: 1, 128>}, {transform_indices = @transform_8, window_bounds = array<i64: 1000, 128>}]} {
    %get3A = arith.constant 0 : index
    %get3A_0 = arith.constant 0 : index
    %get3A_1 = vector.load %arg4[%get3A, %get3A_0] : memref<1000x8xf32, #tpu.memory_space<vmem>>, vector<1000x8xf32>
    %slice3A = vector.extract_strided_slice %get3A_1 {offsets = [0, 0], sizes = [1000, 1], strides = [1, 1]} : vector<1000x8xf32> to vector<1000x1xf32>
    %get3A_2 = arith.constant 0 : index
    %get3A_3 = arith.constant 0 : index
    %get3A_4 = vector.load %arg5[%get3A_2, %get3A_3] : memref<1000x8xf32, #tpu.memory_space<vmem>>, vector<1000x8xf32>
    %slice3A_5 = vector.extract_strided_slice %get3A_4 {offsets = [0, 0], sizes = [1000, 1], strides = [1, 1]} : vector<1000x8xf32> to vector<1000x1xf32>
    %add3A = arith.addf %slice3A, %slice3A_5 : vector<1000x1xf32>
    %eq3A = arith.constant 0.000000e+00 : f32
    %eq3A_6 = vector.broadcast %eq3A : f32 to vector<1000x1xf32>
    %eq3A_7 = arith.cmpf oeq, %add3A, %eq3A_6 : vector<1000x1xf32>
    %jit3A = arith.constant 1.000000e+00 : f32
    %broadcast_in_dim3A = vector.broadcast %jit3A : f32 to vector<1000x1xf32>
    %select_n3A = arith.select %eq3A_7, %broadcast_in_dim3A, %add3A : vector<1000x1xi1>, vector<1000x1xf32>
    %get3A_8 = arith.constant 0 : index
    %get3A_9 = arith.constant 0 : index
    %get3A_10 = vector.load %arg2[%get3A_8, %get3A_9] : memref<1000x64xf32, #tpu.memory_space<vmem>>, vector<1000x64xf32>
    %get3A_11 = arith.constant 0 : index
    %get3A_12 = arith.constant 0 : index
    %get3A_13 = vector.load %arg3[%get3A_11, %get3A_12] : memref<1000x64xf32, #tpu.memory_space<vmem>>, vector<1000x64xf32>
    %concatenate3A = tpu.concatenate %get3A_10, %get3A_13 in 1 : vector<1000x64xf32>, vector<1000x64xf32> -> vector<1000x128xf32>
    %div3A = vector.broadcast %select_n3A : vector<1000x1xf32> to vector<1000x128xf32>
    %div3A_14 = arith.divf %concatenate3A, %div3A : vector<1000x128xf32>
    %get3A_15 = arith.constant 0 : index
    %get3A_16 = arith.constant 0 : index
    %get3A_17 = vector.load %arg1[%get3A_15, %get3A_16] : memref<1000x128xf32, #tpu.memory_space<vmem>>, vector<1000x128xf32>
    %get3A_18 = arith.constant 0 : index
    %get3A_19 = arith.constant 0 : index
    %get3A_20 = vector.load %arg6[%get3A_18, %get3A_19] : memref<128x128xf32, #tpu.memory_space<vmem>>, vector<128x128xf32>
    %dot_general3A = arith.constant dense<0.000000e+00> : vector<1000x128xf32>
    %dot_general3A_21 = tpu.matmul %get3A_17, %get3A_20, %dot_general3A {dimension_numbers = #tpu.dot_dimension_numbers<[1], [0], [0], [1], [0, 0, 1, 1], [], []>, transpose_lhs_hint = false} : vector<1000x128xf32>, vector<128x128xf32>, vector<1000x128xf32> -> vector<1000x128xf32>
    %get3A_22 = arith.constant 0 : index
    %get3A_23 = arith.constant 0 : index
    %get3A_24 = vector.load %arg7[%get3A_22, %get3A_23] : memref<128x128xf32, #tpu.memory_space<vmem>>, vector<128x128xf32>
    %dot_general3A_25 = arith.constant dense<0.000000e+00> : vector<1000x128xf32>
    %dot_general3A_26 = tpu.matmul %div3A_14, %get3A_24, %dot_general3A_25 {dimension_numbers = #tpu.dot_dimension_numbers<[1], [0], [0], [1], [0, 0, 1, 1], [], []>, transpose_lhs_hint = false} : vector<1000x128xf32>, vector<128x128xf32>, vector<1000x128xf32> -> vector<1000x128xf32>
    %add3A_27 = arith.addf %dot_general3A_21, %dot_general3A_26 : vector<1000x128xf32>
    %get3A_28 = arith.constant 0 : index
    %get3A_29 = arith.constant 0 : index
    %get3A_30 = vector.load %arg8[%get3A_28, %get3A_29] : memref<1x128xf32, #tpu.memory_space<vmem>>, vector<1x128xf32>
    %add3A_31 = vector.broadcast %get3A_30 : vector<1x128xf32> to vector<1000x128xf32>
    %add3A_32 = arith.addf %add3A_27, %add3A_31 : vector<1000x128xf32>
    %max3A = arith.constant 0.000000e+00 : f32
    %max3A_33 = vector.broadcast %max3A : f32 to vector<1000x128xf32>
    %max3A_34 = arith.maximumf %add3A_32, %max3A_33 : vector<1000x128xf32>
    %get3A_35 = arith.constant 0 : index
    %get3A_36 = arith.constant 0 : index
    %get3A_37 = vector.load %arg1[%get3A_35, %get3A_36] : memref<1000x128xf32, #tpu.memory_space<vmem>>, vector<1000x128xf32>
    %add3A_38 = arith.addf %max3A_34, %get3A_37 : vector<1000x128xf32>
    %swap3A = arith.constant 0 : index
    %swap3A_39 = arith.constant 0 : index
    %swap3A_40 = vector.load %arg9[%swap3A, %swap3A_39] : memref<1000x128xf32, #tpu.memory_space<vmem>>, vector<1000x128xf32>
    tpu.vector_store %arg9[%swap3A, %swap3A_39], %add3A_38 {strides = array<i32>} : memref<1000x128xf32, #tpu.memory_space<vmem>>, vector<1000x128xf32>,
    return
  }
  func.func @transform_0(%arg0: i32) -> (i32, i32) {
    %c0_i32 = arith.constant 0 : i32
    %c0_i32_0 = arith.constant 0 : i32
    return %arg0, %c0_i32 : i32, i32
  }
  func.func @transform_1(%arg0: i32) -> (i32, i32) {
    %c0_i32 = arith.constant 0 : i32
    %c0_i32_0 = arith.constant 0 : i32
    return %arg0, %c0_i32 : i32, i32
  }
  func.func @transform_2(%arg0: i32) -> (i32, i32) {
    %add3A = arith.constant 10 : i32
    %add3A_0 = arith.addi %arg0, %add3A : i32
    %c0_i32 = arith.constant 0 : i32
    %c0_i32_1 = arith.constant 0 : i32
    return %add3A_0, %c0_i32 : i32, i32
  }
  func.func @transform_3(%arg0: i32) -> (i32, i32) {
    %c0_i32 = arith.constant 0 : i32
    %c0_i32_0 = arith.constant 0 : i32
    return %arg0, %c0_i32 : i32, i32
  }
  func.func @transform_4(%arg0: i32) -> (i32, i32) {
    %add3A = arith.constant 10 : i32
    %add3A_0 = arith.addi %arg0, %add3A : i32
    %c0_i32 = arith.constant 0 : i32
    %c0_i32_1 = arith.constant 0 : i32
    return %add3A_0, %c0_i32 : i32, i32
  }
  func.func @transform_5(%arg0: i32) -> (i32, i32) {
    %c0_i32 = arith.constant 0 : i32
    %c0_i32_0 = arith.constant 0 : i32
    %c0_i32_1 = arith.constant 0 : i32
    return %c0_i32, %c0_i32_0 : i32, i32
  }
  func.func @transform_6(%arg0: i32) -> (i32, i32) {
    %c0_i32 = arith.constant 0 : i32
    %c0_i32_0 = arith.constant 0 : i32
    %c0_i32_1 = arith.constant 0 : i32
    return %c0_i32, %c0_i32_0 : i32, i32
  }
  func.func @transform_7(%arg0: i32) -> (i32, i32) {
    %c0_i32 = arith.constant 0 : i32
    %c0_i32_0 = arith.constant 0 : i32
    %c0_i32_1 = arith.constant 0 : i32
    return %c0_i32, %c0_i32_0 : i32, i32
  }
  func.func @transform_8(%arg0: i32) -> (i32, i32) {
    %c0_i32 = arith.constant 0 : i32
    %c0_i32_0 = arith.constant 0 : i32
    return %arg0, %c0_i32 : i32, i32
  }
}

module attributes {stable_mosaic.version = 14 : i64} {
  func.func @body(%arg0: i32, %arg1: memref<1000x128xf32, #tpu.memory_space<vmem>>, %arg2: memref<1000x64xf32, #tpu.memory_space<vmem>>, %arg3: memref<1000x64xf32, #tpu.memory_space<vmem>>, %arg4: memref<1000x8xf32, #tpu.memory_space<vmem>>, %arg5: memref<1000x8xf32, #tpu.memory_space<vmem>>, %arg6: memref<128x128xf32, #tpu.memory_space<vmem>>, %arg7: memref<128x128xf32, #tpu.memory_space<vmem>>, %arg8: memref<1x128xf32, #tpu.memory_space<vmem>>, %arg9: memref<1000x128xf32, #tpu.memory_space<vmem>>) attributes {dimension_semantics = [#tpu.dimension_semantics<arbitrary>], iteration_bounds = array<i64: 10>, scalar_prefetch = 0 : i64, scratch_operands = 0 : i64, tpu.core_type = #tpu.core_type<tc>, window_params = [{transform_indices = @transform_0, window_bounds = array<i64: 1000, 128>}, {transform_indices = @transform_1, window_bounds = array<i64: 1000, 64>}, {transform_indices = @transform_2, window_bounds = array<i64: 1000, 64>}, {transform_indices = @transform_3, window_bounds = array<i64: 1000, 8>}, {transform_indices = @transform_4, window_bounds = array<i64: 1000, 8>}, {pipeline_mode = #tpu.pipeline_mode<synchronous>, transform_indices = @transform_5, window_bounds = array<i64: 128, 128>}, {pipeline_mode = #tpu.pipeline_mode<synchronous>, transform_indices = @transform_6, window_bounds = array<i64: 128, 128>}, {pipeline_mode = #tpu.pipeline_mode<synchronous>, transform_indices = @transform_7, window_bounds = array<i64: 1, 128>}, {transform_indices = @transform_8, window_bounds = array<i64: 1000, 128>}]} {
    %get3A = arith.constant 0 : index
    %get3A_0 = arith.constant 0 : index
    %get3A_1 = vector.load %arg4[%get3A, %get3A_0] : memref<1000x8xf32, #tpu.memory_space<vmem>>, vector<1000x8xf32>
    %slice3A = vector.extract_strided_slice %get3A_1 {offsets = [0, 0], sizes = [1000, 1], strides = [1, 1]} : vector<1000x8xf32> to vector<1000x1xf32>
    %get3A_2 = arith.constant 0 : index
    %get3A_3 = arith.constant 0 : index
    %get3A_4 = vector.load %arg5[%get3A_2, %get3A_3] : memref<1000x8xf32, #tpu.memory_space<vmem>>, vector<1000x8xf32>
    %slice3A_5 = vector.extract_strided_slice %get3A_4 {offsets = [0, 0], sizes = [1000, 1], strides = [1, 1]} : vector<1000x8xf32> to vector<1000x1xf32>
    %add3A = arith.addf %slice3A, %slice3A_5 : vector<1000x1xf32>
    %eq3A = arith.constant 0.000000e+00 : f32
    %eq3A_6 = vector.broadcast %eq3A : f32 to vector<1000x1xf32>
    %eq3A_7 = arith.cmpf oeq, %add3A, %eq3A_6 : vector<1000x1xf32>
    %jit3A = arith.constant 1.000000e+00 : f32
    %broadcast_in_dim3A = vector.broadcast %jit3A : f32 to vector<1000x1xf32>
    %select_n3A = arith.select %eq3A_7, %broadcast_in_dim3A, %add3A : vector<1000x1xi1>, vector<1000x1xf32>
    %get3A_8 = arith.constant 0 : index
    %get3A_9 = arith.constant 0 : index
    %get3A_10 = vector.load %arg2[%get3A_8, %get3A_9] : memref<1000x64xf32, #tpu.memory_space<vmem>>, vector<1000x64xf32>
    %get3A_11 = arith.constant 0 : index
    %get3A_12 = arith.constant 0 : index
    %get3A_13 = vector.load %arg3[%get3A_11, %get3A_12] : memref<1000x64xf32, #tpu.memory_space<vmem>>, vector<1000x64xf32>
    %concatenate3A = tpu.concatenate %get3A_10, %get3A_13 in 1 : vector<1000x64xf32>, vector<1000x64xf32> -> vector<1000x128xf32>
    %div3A = vector.broadcast %select_n3A : vector<1000x1xf32> to vector<1000x128xf32>
    %div3A_14 = arith.divf %concatenate3A, %div3A : vector<1000x128xf32>
    %get3A_15 = arith.constant 0 : index
    %get3A_16 = arith.constant 0 : index
    %get3A_17 = vector.load %arg1[%get3A_15, %get3A_16] : memref<1000x128xf32, #tpu.memory_space<vmem>>, vector<1000x128xf32>
    %get3A_18 = arith.constant 0 : index
    %get3A_19 = arith.constant 0 : index
    %get3A_20 = vector.load %arg6[%get3A_18, %get3A_19] : memref<128x128xf32, #tpu.memory_space<vmem>>, vector<128x128xf32>
    %dot_general3A = arith.constant dense<0.000000e+00> : vector<1000x128xf32>
    %dot_general3A_21 = tpu.matmul %get3A_17, %get3A_20, %dot_general3A {dimension_numbers = #tpu.dot_dimension_numbers<[1], [0], [0], [1], [0, 0, 1, 1], [], []>, transpose_lhs_hint = false} : vector<1000x128xf32>, vector<128x128xf32>, vector<1000x128xf32> -> vector<1000x128xf32>
    %get3A_22 = arith.constant 0 : index
    %get3A_23 = arith.constant 0 : index
    %get3A_24 = vector.load %arg7[%get3A_22, %get3A_23] : memref<128x128xf32, #tpu.memory_space<vmem>>, vector<128x128xf32>
    %dot_general3A_25 = arith.constant dense<0.000000e+00> : vector<1000x128xf32>
    %dot_general3A_26 = tpu.matmul %div3A_14, %get3A_24, %dot_general3A_25 {dimension_numbers = #tpu.dot_dimension_numbers<[1], [0], [0], [1], [0, 0, 1, 1], [], []>, transpose_lhs_hint = false} : vector<1000x128xf32>, vector<128x128xf32>, vector<1000x128xf32> -> vector<1000x128xf32>
    %add3A_27 = arith.addf %dot_general3A_21, %dot_general3A_26 : vector<1000x128xf32>
    %get3A_28 = arith.constant 0 : index
    %get3A_29 = arith.constant 0 : index
    %get3A_30 = vector.load %arg8[%get3A_28, %get3A_29] : memref<1x128xf32, #tpu.memory_space<vmem>>, vector<1x128xf32>
    %add3A_31 = vector.broadcast %get3A_30 : vector<1x128xf32> to vector<1000x128xf32>
    %add3A_32 = arith.addf %add3A_27, %add3A_31 : vector<1000x128xf32>
    %max3A = arith.constant 0.000000e+00 : f32
    %max3A_33 = vector.broadcast %max3A : f32 to vector<1000x128xf32>
    %max3A_34 = arith.maximumf %add3A_32, %max3A_33 : vector<1000x128xf32>
    %swap3A = arith.constant 0 : index
    %swap3A_35 = arith.constant 0 : index
    %swap3A_36 = vector.load %arg9[%swap3A, %swap3A_35] : memref<1000x128xf32, #tpu.memory_space<vmem>>, vector<1000x128xf32>
    tpu.vector_store %arg9[%swap3A, %swap3A_35], %max3A_34 {strides = array<i32>} : memref<1000x128xf32, #tpu.memory_space<vmem>>, vector<1000x128xf32>,
    return
  }
  func.func @transform_0(%arg0: i32) -> (i32, i32) {
    %c0_i32 = arith.constant 0 : i32
    %c0_i32_0 = arith.constant 0 : i32
    return %arg0, %c0_i32 : i32, i32
  }
  func.func @transform_1(%arg0: i32) -> (i32, i32) {
    %c0_i32 = arith.constant 0 : i32
    %c0_i32_0 = arith.constant 0 : i32
    return %arg0, %c0_i32 : i32, i32
  }
  func.func @transform_2(%arg0: i32) -> (i32, i32) {
    %add3A = arith.constant 10 : i32
    %add3A_0 = arith.addi %arg0, %add3A : i32
    %c0_i32 = arith.constant 0 : i32
    %c0_i32_1 = arith.constant 0 : i32
    return %add3A_0, %c0_i32 : i32, i32
  }
  func.func @transform_3(%arg0: i32) -> (i32, i32) {
    %c0_i32 = arith.constant 0 : i32
    %c0_i32_0 = arith.constant 0 : i32
    return %arg0, %c0_i32 : i32, i32
  }
  func.func @transform_4(%arg0: i32) -> (i32, i32) {
    %add3A = arith.constant 10 : i32
    %add3A_0 = arith.addi %arg0, %add3A : i32
    %c0_i32 = arith.constant 0 : i32
    %c0_i32_1 = arith.constant 0 : i32
    return %add3A_0, %c0_i32 : i32, i32
  }
  func.func @transform_5(%arg0: i32) -> (i32, i32) {
    %c0_i32 = arith.constant 0 : i32
    %c0_i32_0 = arith.constant 0 : i32
    %c0_i32_1 = arith.constant 0 : i32
    return %c0_i32, %c0_i32_0 : i32, i32
  }
  func.func @transform_6(%arg0: i32) -> (i32, i32) {
    %c0_i32 = arith.constant 0 : i32
    %c0_i32_0 = arith.constant 0 : i32
    %c0_i32_1 = arith.constant 0 : i32
    return %c0_i32, %c0_i32_0 : i32, i32
  }
  func.func @transform_7(%arg0: i32) -> (i32, i32) {
    %c0_i32 = arith.constant 0 : i32
    %c0_i32_0 = arith.constant 0 : i32
    %c0_i32_1 = arith.constant 0 : i32
    return %c0_i32, %c0_i32_0 : i32, i32
  }
  func.func @transform_8(%arg0: i32) -> (i32, i32) {
    %c0_i32 = arith.constant 0 : i32
    %c0_i32_0 = arith.constant 0 : i32
    return %arg0, %c0_i32 : i32, i32
  }
}

</mosaic_0001>

<sc_bundles>
// kernel: kernel.6.cloned.1.call-start
scs
__scs_entry_jumppad:
0x0: {  	(pc) =	sbr.rel $0x88, $3  }
0x1: {  	(tag) =	ssettag $0x0;
	lr =	simm.s32 $0x1  }
0x2: {  	[smem:$0x3F9B] =	sst lr;
	_ =	strace $0xD0000000  }
0x3: {  	_ = 	snop  }
0x4: {  	_ = 	snop  }
0x5: {  	_ = 	snop  }
0x6: {  	_ = 	snop  }
0x7: {  	_ = 	snop  }
__scs_overlays_trampoline_lowered:
0x8: {  	[smem:$0x3FAA] =	sst s0  }
0x9: {  	[smem:$0x3FAB] =	sst s1  }
0xa: {  	[smem:$0x3FAC] =	sst s2  }
0xb: {  	[smem:$0x3FAD] =	sst s3  }
0xc: {  	[smem:$0x3FAE] =	sst s4  }
0xd: {  	[smem:$0x3FAF] =	sst s5  }
0xe: {  	[smem:$0x3FB0] =	sst s6  }
0xf: {  	[smem:$0x3FB1] =	sst s7  }
0x10: {  	[smem:$0x3FB2] =	sst s8  }
0x11: {  	[smem:$0x3FB3] =	sst s9;
	s0 =	simm.s32 @!p0 $0x0  }
0x12: {  	s1 =	sld [smem:$0x3F99];
	s0 =	simm.s32 @p0 $0x1  }
0x13: {  	[smem:$0x3FB4] =	sst s0;
	s0 =	simm.s32 @!p1 $0x0  }
0x14: {  	s2 =	sld [smem:$0x3F98];
	s0 =	simm.s32 @p1 $0x1  }
0x15: {  	[smem:$0x3FB5] =	sst s0;
	s0 =	simm.s32 @!p2 $0x0  }
0x16: {  	s3 =	sld [smem:$0x3FDB];
	s0 =	simm.s32 @p2 $0x1  }
0x17: {  	s4 =	simm.s32 $0x1BF5;
	[smem:$0x3FB7] =	sst s0  }
0x18: {  	s0 =	sld [smem:$0x3F9A];
	_ =	swait.ge [sflag:s4], $0x0  }
0x19: {  	s7 =	sld [smem:$0x3F9B]  }
0x1a: {  	s8 =	sadd.s32 $0xFFFFE003, lr  }
0x1b: {  	s9 =	sadd.s32 $0xFFFFFEF7, lr;
	s5 =	simm.s32 $0xFFFFFFFF;
	p2 =	slt.u32 s8, $0xFFFFF086  }
0x1c: {  	p1 =	slt.u32 s9, $0xF7A;
	s5 =	simm.s32 @!p2 $0x0  }
0x1d: {  	s5 =	simm.s32 @p1 $0x1;
	p0 =	seq.s32 s7, s2  }
0x1e: {  	s7 =	smul.u32 @!p0 $0xF7A, s2;
	p2 =	seq.s32 @!p0 s5, $0x0  }
0x1f: {  	s9 =	smul.u32 $0xF7A, s1;
	s8 =	simm.s32 @!p0 $0x1BF5;
	p2 =	por !p2, p0  }
0x20: {  	[sflag:s8] =	ssyncset.s32 @!p0 $0xFFFFF086;
	s6 =	sadd.s32 @!p0 s3, s7;
	s7 =	simm.s32 @!p0 $0x108  }
0x21: {  	s3 =	sadd.s32 s3, s9;
	s6 =	sadd.s32 @!p0 $0x88, s6;
	s7 =	simm.s32 @p2 $0x1082  }
0x22: {  	[simem:s7], [sflag:s8] =	dma.local @!p0 [hbm:s6], $0xF7A  }
0x23: {  	s9 =	sor.u32 $0xD0000000, s2;
	s6 =	simm.s32 $0x108;
	_ =	swait.ge @!p0 [sflag:s8], $0x0  }
0x24: {  	s3 =	sadd.s32 $0x88, s3;
	s6 =	simm.s32 @!p1 $0x1082;
	[sflag:s4] =	ssyncset.s32 $0xFFFFF086  }
0x25: {  	[simem:s6], [sflag:s4] =	dma.local [hbm:s3], $0xF7A  }
0x26: {  	[smem:$0x3F9B] =	sst s1;
	(tag) =	ssettag s2;
	_ =	strace s9  }
0x27: {  	s1 =	sld [smem:$0x3FAB]  }
0x28: {  	s2 =	sld [smem:$0x3FAC]  }
0x29: {  	s4 =	sld [smem:$0x3FAE]  }
0x2a: {  	p0 =	seq.s32 s5, $0x0;
	s5 =	sld [smem:$0x3FAF]  }
0x2b: {  	s6 =	sld [smem:$0x3FB0]  }
0x2c: {  	s7 =	sld [smem:$0x3FB1]  }
0x2d: {  	s3 =	simm.s32 $0x108;
	s8 =	sld [smem:$0x3FB2]  }
0x2e: {  	s3 =	simm.s32 @!p0 $0x1082;
	s9 =	sld [smem:$0x3FB3]  }
0x2f: {  	lr =	sadd.s32 s0, s3;
	s0 =	sld [smem:$0x3FAA]  }
0x30: {  	s3 =	sld [smem:$0x3FAD]  }
0x31: {  	[smem:$0x3FB6] =	sst s10  }
0x32: {  	s10 =	sld [smem:$0x3FB4];
	_ =	sdelay $0x3  }
0x33: {  	p0 =	seq.s32 s10, $0x1;
	s10 =	sld [smem:$0x3FB6];
	_ =	sdelay $0x3  }
0x34: {  	[smem:$0x3FB6] =	sst s10  }
0x35: {  	s10 =	sld [smem:$0x3FB5];
	_ =	sdelay $0x3  }
0x36: {  	p1 =	seq.s32 s10, $0x1;
	s10 =	sld [smem:$0x3FB6];
	_ =	sdelay $0x3  }
0x37: {  	[smem:$0x3FB6] =	sst s10  }
0x38: {  	s10 =	sld [smem:$0x3FB7]  }
0x39: {  	_ = 	snop;
	(pc) =	sbr.ind lr, $3  }
0x3a: {  	_ = 	snop  }
0x3b: {  	_ = 	snop  }
0x3c: {  	p2 =	seq.s32 s10, $0x1;
	s10 =	sld [smem:$0x3FB6]  }
0x3d: {  	_ =	shalt  }
0x3e: {  	_ =	shalt  }
0x3f: {  	_ =	shalt  }
0x40: {  	_ =	shalt  }
0x41: {  	_ =	shalt  }
0x42: {  	_ =	shalt  }
0x43: {  	_ =	shalt  }
0x44: {  	_ =	shalt  }
0x45: {  	_ =	shalt  }
0x46: {  	_ =	shalt  }
0x47: {  	_ =	shalt  }
0x48: {  	_ =	shalt  }
0x49: {  	_ =	shalt  }
0x4a: {  	_ =	shalt  }
0x4b: {  	_ =	shalt  }
0x4c: {  	_ =	shalt  }
0x4d: {  	_ =	shalt  }
0x4e: {  	_ =	shalt  }
0x4f: {  	_ =	shalt  }
0x50: {  	_ =	shalt  }
0x51: {  	_ =	shalt  }
0x52: {  	_ =	shalt  }
0x53: {  	_ =	shalt  }
0x54: {  	_ =	shalt  }
0x55: {  	_ =	shalt  }
0x56: {  	_ =	shalt  }
0x57: {  	_ =	shalt  }
0x58: {  	_ =	shalt  }
0x59: {  	_ =	shalt  }
0x5a: {  	_ =	shalt  }
0x5b: {  	_ =	shalt  }
0x5c: {  	_ =	shalt  }
0x5d: {  	_ =	shalt  }
0x5e: {  	_ =	shalt  }
0x5f: {  	_ =	shalt  }
0x60: {  	_ =	shalt  }
0x61: {  	_ =	shalt  }
0x62: {  	_ =	shalt  }
0x63: {  	_ =	shalt  }
0x64: {  	_ =	shalt  }
0x65: {  	_ =	shalt  }
0x66: {  	_ =	shalt  }
0x67: {  	_ =	shalt  }
0x68: {  	_ =	shalt  }
0x69: {  	_ =	shalt  }
0x6a: {  	_ =	shalt  }
0x6b: {  	_ =	shalt  }
0x6c: {  	_ =	shalt  }
0x6d: {  	_ =	shalt  }
0x6e: {  	_ =	shalt  }
0x6f: {  	_ =	shalt  }
0x70: {  	_ =	shalt  }
0x71: {  	_ =	shalt  }
0x72: {  	_ =	shalt  }
0x73: {  	_ =	shalt  }
0x74: {  	_ =	shalt  }
0x75: {  	_ =	shalt  }
0x76: {  	_ =	shalt  }
0x77: {  	_ =	shalt  }
0x78: {  	_ =	shalt  }
0x79: {  	_ =	shalt  }
0x7a: {  	_ =	shalt  }
0x7b: {  	_ =	shalt  }
0x7c: {  	_ =	shalt  }
0x7d: {  	_ =	shalt  }
0x7e: {  	_ =	shalt  }
0x7f: {  	_ =	shalt  }
0x80: {  	_ =	shalt  }
0x81: {  	_ =	shalt  }
0x82: {  	_ =	shalt  }
0x83: {  	_ =	shalt  }
0x84: {  	_ =	shalt  }
0x85: {  	_ =	shalt  }
0x86: {  	_ =	shalt  }
0x87: {  	_ =	shalt  }
.Lfunc_end0:
.L_simem_size_0:
called_computation_lowered:
.L_overlay_start_0:
0x88: {  	s2 =	sld [smem:$0x3FD9]  }
0x89: {  	s3 =	sld [smem:$0x3FFE];
	_ =	sdelay $0x1  }
0x8a: {  	s1 =	srdreg.scid  }
0x8b: {  	s0 =	sand.u32 $0x1, s1  }
0x8c: {  	s17 =	sshll.u32 s0, $0xA;
	s2 =	sadd.s32 s3, s2  }
0x8d: {  	s2 =	sadd.s32 s2, s17  }
0x8e: {  	[smem:$0x3FC2] =	sst s2  }
0x8f: {  	_ = 	snop  }
0x90: {  	s2 =	sld [smem:$0x3FC9]  }
0x91: {  	s18 =	sld [smem:$0x3FD0];
	(tm) =	ssettm $0x1  }
0x92: {  	s4 =	sld [smem:$0x3FFB];
	_ =	sdelay $0x3  }
0x93: {  	_ =	strace s4  }
0x94: {  	s4 =	sld [smem:$0x3FFC];
	_ =	sdelay $0x3  }
0x95: {  	_ =	strace s4  }
0x96: {  	s4 =	sld [smem:$0x3FFD];
	_ =	sdelay $0x3  }
0x97: {  	_ =	strace s4  }
0x98: {  	_ =	strace $0x8FFFFFFF  }
0x99: {  	s19 =	sld [smem:$0x3FDB];
	_ =	sdelay $0x1  }
0x9a: {  	s5 =	simm.s32 $_scs_section_size  }
0x9b: {  	s6 =	simm.s32 $_size__tile_overlayer_lowered;
	s7 =	simm.s32 $_tile_overlayer_lowered  }
0x9c: {  	s22 =	simm.s32 $0x1BFF;
	s21 =	sshll.u32 s7, $0x1;
	s4 =	sadd.s32 s5, s19  }
0x9d: {  	s8 =	simm.s32 $0x0;
	s20 =	sshll.u32 s6, $0x1;
	s6 =	sadd.s32 s21, s4  }
0x9e: {  	[timem:s8], [sflag:s22] =	dma.local [hbm:s6], s20  }
0x9f: {  	_ =	swait.ge [sflag:s22], s20  }
0xa0: {  	s5 =	ssub.s32 $0x0, s20;
	[sflag:s22] =	ssyncset.done $0x0  }
0xa1: {  	[sflag:s22] =	ssyncadd.s32 s5;
	_ =	sdelay $0x1  }
0xa2: {  	s23 =	simm.s32 $0x1B8B  }
0xa3: {  	_ =	swait.ge [sflag:s23], $0x1  }
0xa4: {  	[sflag:s23] =	ssyncset.done $0x0  }
0xa5: {  	s25 =	simm.s32 $0x1B8E;
	s24 =	sld [smem:$0x3FFE];
	[sflag:s23] =	ssyncadd.s32 $0xFFFFFFFF  }
0xa6: {  	s26 =	simm.s32 $execute0_lowered;
	[smem:$0x3FD2] =	sst s25  }
0xa7: {  	s6 =	sshll.u32 s26, $0x1;
	_ =	strace $0x80000046;
	[dreg:$0x1] =	wrdreg $0xFFFFFFFF  }
0xa8: {  	s28 =	simm.s32 $_size_execute0_lowered;
	s4 =	sadd.s32 s4, s6;
	[dreg:$0x0] =	wrdreg $0x0  }
0xa9: {  	s6 =	sshll.u32 s28, $0x1;
	[dreg:$0x2] =	wrdreg s4  }
0xaa: {  	[dreg:$0x3] =	wrdreg s6  }
0xab: {  	[dreg:$0x4] =	wrdreg $0xC0  }
0xac: {  	_ =	task [dreg:s8], $0x5FFFF  }
0xad: {  	[dreg:$0x1] =	wrdreg $0xFFFFFFFF  }
0xae: {  	[dreg:$0x0] =	wrdreg $0x60  }
0xaf: {  	[dreg:$0x2] =	wrdreg s2  }
0xb0: {  	[dreg:$0x3] =	wrdreg s24  }
0xb1: {  	[dreg:$0x4] =	wrdreg s18  }
0xb2: {  	[dreg:$0x5] =	wrdreg $0x124400  }
0xb3: {  	[dreg:$0x6] =	wrdreg $0x88000  }
0xb4: {  	[dreg:$0x7] =	wrdreg $0x1C5400  }
0xb5: {  	[dreg:$0x8] =	wrdreg $0x9  }
0xb6: {  	_ =	task.clear_ibuf [dreg:s8], $0x9FFFF;
	_ =	strace $0x90000046  }
0xb7: {  	s29 =	simm.s32 $0x9;
	_ =	strace $0x80000048  }
0xb8: {  	_ =	swait.ge [sflag:s29], $0x1  }
0xb9: {  	[sflag:s29] =	ssyncadd.s32 $0xFFFFFFFF  }
0xba: {  	_ =	strace $0x90000048  }
0xbb: {  	_ =	sfence  }
0xbc: {  	s30 =	sld [smem:$0x0];
	_ =	sdelay $0x2  }
0xbd: {  	s31 =	sshll.u32 s1, $0xD;
	s1 =	sshrl.u32 s1, $0x2  }
0xbe: {  	s3 =	sand.u32 $0x4000, s31;
	s1 =	sadd.s32 s1, s30  }
0xbf: {  	s0 =	sor.u32 s3, s0;
	s1 =	sshll.u32 s1, $0x11  }
0xc0: {  	s0 =	sor.u32 s1, s0  }
0xc1: {  	s0 =	sadd.s32 $0x8F2B, s0  }
0xc2: {  	[sflag:s0] =	ssyncadd.remote.s32 $0x1  }
0xc3: {  	_ =	sfence.sel $0xFFFF  }
0xc4: {  	[dreg:$0x0] =	wrdreg $0xFFFFFFFF;
	(pc) =	sbr.abs _section_cstart, $3  }
0xc5: {  	[dreg:$0x1] =	wrdreg $0xFFFFFFFF  }
0xc6: {  	_ =	task.clear_ibuf [dreg:s8], $0x2FFFF;
	_ =	strace $0x9FFFFFFF  }
0xc7: {  	(tm) =	ssettm $0x7FFFFFFF  }
tec
execute0_lowered:
.L_overlay_start_1:
0x0: {  	(tag) =	ssettag $0x1  }
0x1: {  	s0 =	rddreg [dreg:$0x0]  }
0x2: {  	s2 =	rddreg [dreg:$0x1]  }
0x3: {  	s6 =	rddreg [dreg:$0x2]  }
0x4: {  	s1 =	rddreg [dreg:$0x3]  }
0x5: {  	s3 =	rddreg [dreg:$0x4]  }
0x6: {  	s4 =	rddreg [dreg:$0x5];
	s15 =	stileid.u32  }
0x7: {  	s5 =	simm.s32 $0x0;
	s8 =	srdreg.scid;
	s10 =	smul.u32 $0x13880, s15  }
0x8: {  	s31 =	simm.s32 $0x80;
	[smem:$0x7FF] =	sst s5;
	s12 =	smul.u32 $0x9C40, s15  }
0x9: {  	s7 =	sshll.u32 s15, $0x5;
	s9 =	sadd.s32 $0x16600, s2;
	s21 =	smul.u32 $0x5000, s15  }
0xa: {  	s19 =	sadd.s32 $0x16400, s2;
	s8 =	sand.u32 $0x1, s8;
	s22 =	smul.u32 $0x271, s15  }
0xb: {  	s30 =	smul.u32 $0x280, s15;
	_ =	strace $0x80000047;
	[dreg:$0x7] =	wrdreg s9  }
0xc: {  	p2 =	seq.s32 s15, $0xF;
	s7 =	sadd.s32 s7, s2;
	[dreg:$0x8] =	wrdreg s19  }
0xd: {  	s2 =	sadd.s32 $0x16800, s2;
	s20 =	ssub.s32 $0x2, s8;
	s25 =	sadd.s32 $0x2400, s7  }
0xe: {  	s13 =	sshll.u32 s8, $0x6;
	s26 =	sadd.s32 $0x2600, s7;
	[dreg:$0xb] =	wrdreg s25  }
0xf: {  	s24 =	smul.u32 $0x2710, s8;
	s28 =	sadd.s32 $0x2800, s7;
	[dreg:$0xc] =	wrdreg s26  }
0x10: {  	s19 =	smul.u32 $0x13880, s8;
	s18 =	sadd.s32 $0x2A00, s7;
	[dreg:$0xd] =	wrdreg s28  }
0x11: {  	s11 =	sshrl.u32 s20, $0x1;
	s17 =	sadd.s32 $0x2C00, s7;
	[dreg:$0xe] =	wrdreg s18  }
0x12: {  	s23 =	sshrl.u32 s21, $0x2;
	s21 =	sadd.s32 $0x2E00, s7;
	[dreg:$0xf] =	wrdreg s17  }
0x13: {  	s10 =	sor.u32 s13, s10;
	s13 =	sadd.s32 $0x3E00, s7;
	[dreg:$0x11] =	wrdreg s21  }
0x14: {  	s16 =	sadd.s32 s23, s4;
	s23 =	sadd.s32 $0x3000, s7;
	[dreg:$0x1d] =	wrdreg s13  }
0x15: {  	s14 =	sadd.s32 s12, s3;
	s25 =	sadd.s32 $0x3200, s7;
	[dreg:$0x13] =	wrdreg s23  }
0x16: {  	s9 =	ssub.s32 s20, s11;
	s11 =	sadd.s32 $0x3A00, s7;
	[dreg:$0x14] =	wrdreg s25  }
0x17: {  	s26 =	sadd.s32 s12, s1;
	s12 =	sadd.s32 $0x3C00, s7;
	[dreg:$0x1b] =	wrdreg s11  }
0x18: {  	s29 =	sadd.s32 s22, s24;
	s18 =	sadd.s32 $0x4E00, s7;
	[dreg:$0x1c] =	wrdreg s12  }
0x19: {  	s22 =	sshrl.u32 s19, $0x3;
	s19 =	sshrl.u32 s14, $0x3;
	[dreg:$0x1e] =	wrdreg s18  }
0x1a: {  	p0 =	sne.s32 s8, $0x0;
	s10 =	sshrl.u32 s10, $0x3;
	[dreg:$0x1f] =	wrdreg s19  }
0x1b: {  	p1 =	seq.s32 s8, $0x0;
	s0 =	sadd.s32 s0, s10;
	[dreg:$0xa] =	wrdreg s16  }
0x1c: {  	s20 =	sadd.s32 s2, s30;
	s10 =	sadd.s32 $0x3800, s7;
	[dreg:$0x9] =	wrdreg s0  }
0x1d: {  	s13 =	simm.s32 $0x8500;
	s25 =	sshrl.u32 s26, $0x3;
	[dreg:$0x1a] =	wrdreg s10  }
0x1e: {  	s0 =	sshll.u32 s29, $0x3;
	s29 =	smax.u32 s9, $0x1;
	[smem:$0x7F8] =	sst s25  }
0x1f: {  	s21 =	sadd.s32 $0xC00, s16;
	s9 =	sadd.s32 $0x3600, s7;
	[dreg:$0x16] =	wrdreg s29  }
0x20: {  	s17 =	sadd.s32 $0x400, s16;
	s23 =	sshrl.u32 s21, $0x3;
	[dreg:$0x19] =	wrdreg s9  }
0x21: {  	s11 =	simm.s32 $0x2;
	s0 =	sadd.s32 s6, s0;
	[smem:$0x7F6] =	sst s23  }
0x22: {  	[dreg:$0x10] =	wrdreg s0;
	s0 =	sadd.s32 s24, s20;
	s24 =	smul.u32 $0x27100, s15  }
0x23: {  	[dreg:$0x12] =	wrdreg s0;
	s0 =	sadd.s32 s2, s22;
	s2 =	sadd.s32 $0x3400, s7  }
0x24: {  	s22 =	sadd.s32 $0x1000, s16;
	s0 =	sadd.s32 $0x2580, s0;
	[dreg:$0x18] =	wrdreg s2  }
0x25: {  	s28 =	sshrl.u32 s24, $0x2;
	s24 =	sshrl.u32 s22, $0x3;
	[dreg:$0x15] =	wrdreg s0  }
0x26: {  	s10 =	simm.s32 $0x8;
	s0 =	sshrl.u32 s17, $0x3;
	[smem:$0x7F7] =	sst s24  }
0x27: {  	s20 =	sadd.s32 $0x800, s16;
	s30 =	sadd.s32 s28, s1;
	[smem:$0x7F4] =	sst s0  }
0x28: {  	s25 =	simm.s32 $0x6000;
	s0 =	sshrl.u32 s20, $0x3;
	[dreg:$0x17] =	wrdreg s30  }
0x29: {  	s9 =	simm.s32 $0x15;
	s26 =	sadd.s32 $0x1F40, s30;
	[smem:$0x7F5] =	sst s0  }
.Ltmp0:
0x2a: {  	s28 =	sadd.s32 $0x3E80, s30;
	[smem:$0x7FA] =	sst s26;
	(pc) =	sbr.rel .LBB2_1-.Ltmp0, $4  }
0x2b: {  	s6 =	simm.s32 $0x0;
	s29 =	sadd.s32 $0x5DC0, s30;
	[smem:$0x7FB] =	sst s28  }
0x2c: {  	s30 =	sadd.s32 $0x7D00, s30;
	s0 =	sadd.s32 $0x12C00, s4;
	[smem:$0x7FC] =	sst s29  }
0x2d: {  	s7 =	simm.s32 $0x4;
	[smem:$0x7FD] =	sst s30;
	s0 =	sshrl.u32 @p2 s0, $0x3  }
0x2e: {  	v0 =	vimm.f32 $0.0e+00;
	s22 =	simm.s32 $0x3;
	s17 =	simm.s32 $0x1;
	[smem:$0x7F9] =	sst s0  }
.LBB2_17:
0x2f: {  	s0 =	simm.s32 $0x5  }
0x30: {  	_ =	swait.ge [sflag:s0], $0x2000  }
0x31: {  	[sflag:s0] =	ssyncset.done $0x0  }
0x32: {  	s26 =	simm.s32 $0x6;
	[sflag:s0] =	ssyncadd.s32 $0xFFFFE000  }
0x33: {  	_ =	swait.ge [sflag:s26], $0x2000  }
0x34: {  	[sflag:s26] =	ssyncset.done $0x0  }
0x35: {  	s28 =	simm.s32 $0x12;
	[sflag:s26] =	ssyncadd.s32 $0xFFFFE000  }
0x36: {  	_ =	swait.ge [sflag:s28], $0x400  }
0x37: {  	[sflag:s28] =	ssyncset.done $0x0  }
0x38: {  	s29 =	simm.s32 $0x7;
	[sflag:s28] =	ssyncadd.s32 $0xFFFFFC00  }
0x39: {  	_ =	swait.ge [sflag:s29], $0x2000  }
0x3a: {  	[sflag:s29] =	ssyncset.done $0x0  }
0x3b: {  	s10 =	simm.s32 $0x8;
	[sflag:s29] =	ssyncadd.s32 $0xFFFFE000  }
0x3c: {  	_ =	swait.ge [sflag:s10], $0x2000  }
0x3d: {  	[sflag:s10] =	ssyncset.done $0x0  }
0x3e: {  	s30 =	simm.s32 $0x14;
	[sflag:s10] =	ssyncadd.s32 $0xFFFFE000  }
0x3f: {  	_ =	swait.ge [sflag:s30], $0x400  }
0x40: {  	[sflag:s30] =	ssyncset.done $0x0  }
0x41: {  	s6 =	sld [smem:$0x7F3];
	[sflag:s30] =	ssyncadd.s32 $0xFFFFFC00  }
.LBB2_18:
0x42: {  	[bflag:$0x0] =	sbarrier.arrive $0xFFFF  }
0x43: {  	s2 =	sld [smem:$0x7F8]  }
0x44: {  	s8 =	sld [smem:$0x7F2];
	_ =	sdelay $0x1  }
0x45: {  	s9 =	simm.s32 $0x15;
	s0 =	rddreg [dreg:$0x10]  }
0x46: {  	[hbm:s0], [sflag:s8] =	dma.local [spmem:s2], $0x1388  }
0x47: {  	_ =	swait.ge [sflag:s9], $0x1388  }
0x48: {  	s2 =	sld [smem:$0x7F9]  }
0x49: {  	[sflag:s9] =	ssyncset.done $0x0  }
0x4a: {  	s0 =	rddreg [dreg:$0x15];
	[sflag:s9] =	ssyncadd.s32 $0xFFFFEC78  }
0x4b: {  	[hbm:s0], [sflag:s8] =	dma.local @p2 [spmem:s2], $0x190  }
0x4c: {  	s0 =	simm.s32 @p2 $0x15  }
0x4d: {  	_ =	swait.ge @p2 [sflag:s0], $0x190  }
0x4e: {  	[sflag:s0] =	ssyncset.done @p2 $0x0;
	s16 =	rddreg [dreg:$0xa]  }
0x4f: {  	s2 =	rddreg [dreg:$0x12];
	[sflag:s0] =	ssyncadd.s32 @p2 $0xFFFFFE70;
	s0 =	sshrl.u32 @!p2 s16, $0x3  }
0x50: {  	[hbm:s2], [sflag:s8] =	dma.local @!p2 [spmem:s0], $0x280  }
0x51: {  	s0 =	simm.s32 @!p2 $0x15  }
0x52: {  	_ =	swait.ge @!p2 [sflag:s0], $0x280  }
0x53: {  	s6 =	sadd.s32 $0x1, s6;
	s30 =	rddreg [dreg:$0x16]  }
0x54: {  	p3 =	sne.s32 s6, s30  }
.Ltmp1:
0x55: {  	_ = 	snop;
	(pc) =	sbr.rel @!p3 .LBB2_19-.Ltmp1, $3  }
0x56: {  	_ =	sdelay $0x1  }
0x57: {  	[sflag:s0] =	ssyncset.done @!p2 $0x0  }
0x58: {  	s13 =	simm.s32 $0x8500;
	[sflag:s0] =	ssyncadd.s32 @!p2 $0xFFFFFD80  }
.LBB2_1:
0x59: {  	s0 =	sand.u32 $0x7F00, s5  }
0x5a: {  	[smem:$0x7F3] =	sst s6;
	s2 =	sand.u32 $0x30, s5;
	s30 =	sshrl.u32 s0, $0x2  }
0x5b: {  	s0 =	simm.s32 $0x40;
	s6 =	sor.u32 s2, s30;
	s2 =	simm.s32 $0x0  }
.LBB2_2:
0x5c: {  	p3 =	sne.s32 s0, $0x7FC0  }
0x5d: {  	[tilespmem:s6+$0x0] =	vst v0;
	s2 =	sadd.s32 $0x10, s2;
	s6 =	smov.u32 s0;
	s0 =	sadd.s32 $0x40, s0  }
.Ltmp2:
0x5e: {  	(pc) =	sbr.rel @p3 .LBB2_2-.Ltmp2, $4  }
0x5f: {  	_ = 	snop  }
0x60: {  	s6 =	sand.u32 $0x7F00, s6  }
0x61: {  	s8 =	sand.u32 $0x30, s2;
	s6 =	sshrl.u32 s6, $0x2  }
0x62: {  	s6 =	sor.u32 s8, s6  }
0x63: {  	[tilespmem:s6+$0x0] =	vst v0;
	s0 =	rddreg [dreg:$0x17]  }
0x64: {  	[spmem:s0] =	stream.linear.scatter [tilespmem:s5], [sflag:$0x15], $0x1F40, $0x38;
	[tilespmem:$0x1D940] =	vst v63  }
0x65: {  	_ =	swait.ge [sflag:s9], $0x1F40  }
0x66: {  	s20 =	sld [smem:$0x7FA]  }
0x67: {  	[sflag:s9] =	ssyncset.done $0x0  }
0x68: {  	[sflag:s9] =	ssyncadd.s32 $0xFFFFE0C0  }
0x69: {  	[spmem:s20] =	stream.linear.scatter [tilespmem:s5], [sflag:$0x15], $0x1F40, $0x38;
	[tilespmem:$0x1D940] =	vst v63  }
0x6a: {  	_ =	swait.ge [sflag:s9], $0x1F40  }
0x6b: {  	s21 =	sld [smem:$0x7FB]  }
0x6c: {  	[sflag:s9] =	ssyncset.done $0x0  }
0x6d: {  	[sflag:s9] =	ssyncadd.s32 $0xFFFFE0C0  }
0x6e: {  	[spmem:s21] =	stream.linear.scatter [tilespmem:s5], [sflag:$0x15], $0x1F40, $0x38;
	[tilespmem:$0x1D940] =	vst v63  }
0x6f: {  	_ =	swait.ge [sflag:s9], $0x1F40  }
0x70: {  	s23 =	sld [smem:$0x7FC]  }
0x71: {  	[sflag:s9] =	ssyncset.done $0x0  }
0x72: {  	[sflag:s9] =	ssyncadd.s32 $0xFFFFE0C0  }
0x73: {  	[spmem:s23] =	stream.linear.scatter [tilespmem:s5], [sflag:$0x15], $0x1F40, $0x38;
	[tilespmem:$0x1D940] =	vst v63  }
0x74: {  	_ =	swait.ge [sflag:s9], $0x1F40  }
0x75: {  	s24 =	sld [smem:$0x7FD]  }
0x76: {  	[sflag:s9] =	ssyncset.done $0x0  }
0x77: {  	[sflag:s9] =	ssyncadd.s32 $0xFFFFE0C0  }
0x78: {  	[spmem:s24] =	stream.linear.scatter [tilespmem:s5], [sflag:$0x15], $0x1F40, $0x38;
	[tilespmem:$0x1D940] =	vst v63  }
0x79: {  	s26 =	stileid.u32;
	s8 =	simm.s32 $0x10;
	_ =	swait.ge [sflag:s9], $0x1F40  }
0x7a: {  	s0 =	sshll.u32 s26, $0x6;
	[sflag:s9] =	ssyncset.done $0x0;
	s29 =	rddreg [dreg:$0x9]  }
0x7b: {  	s28 =	sor.u32 $0x1C15, s0;
	s2 =	rddreg [dreg:$0x1f];
	[sflag:s9] =	ssyncadd.s32 $0xFFFFE0C0  }
0x7c: {  	[spmem:s2@s10], [sflag:s28] =	dma.strided [hbm:s29@s8], $0x1388, s17, $0x8   }
0x7d: {  	_ =	swait.ge [sflag:s9], $0x1388  }
0x7e: {  	[sflag:s9] =	ssyncset.done $0x0  }
0x7f: {  	s8 =	simm.s32 $0x1C140;
	s2 =	rddreg [dreg:$0x7];
	[sflag:s9] =	ssyncadd.s32 $0xFFFFEC78  }
0x80: {  	[tilespmem:s8], [sflag:$0x15] =	stream.linear.gather [hbm4b:s2+s5], $0x400, $0x38;
	[tilespmem:$0x1D940] =	vst v63  }
0x81: {  	_ =	swait.ge [sflag:s9], $0x400  }
0x82: {  	[sflag:s9] =	ssyncset.done $0x0  }
0x83: {  	s10 =	sshrl.u32 s16, $0x3;
	s12 =	rddreg [dreg:$0x8];
	[sflag:s9] =	ssyncadd.s32 $0xFFFFFC00  }
0x84: {  	[spmem:s10], [sflag:s28] =	dma.local [hbm:s12], $0x80  }
0x85: {  	_ =	swait.ge [sflag:s9], $0x80  }
0x86: {  	s14 =	sld [smem:$0x7F4]  }
0x87: {  	[sflag:s9] =	ssyncset.done $0x0  }
0x88: {  	[sflag:s9] =	ssyncadd.s32 $0xFFFFFF80  }
0x89: {  	[spmem:s14], [sflag:s28] =	dma.local [hbm:s12], $0x80  }
0x8a: {  	_ =	swait.ge [sflag:s9], $0x80  }
0x8b: {  	s15 =	sld [smem:$0x7F5]  }
0x8c: {  	[sflag:s9] =	ssyncset.done $0x0  }
0x8d: {  	[sflag:s9] =	ssyncadd.s32 $0xFFFFFF80  }
0x8e: {  	[spmem:s15], [sflag:s28] =	dma.local [hbm:s12], $0x80  }
0x8f: {  	_ =	swait.ge [sflag:s9], $0x80  }
0x90: {  	s16 =	sld [smem:$0x7F6]  }
0x91: {  	[sflag:s9] =	ssyncset.done $0x0  }
0x92: {  	[sflag:s9] =	ssyncadd.s32 $0xFFFFFF80  }
0x93: {  	[spmem:s16], [sflag:s28] =	dma.local [hbm:s12], $0x80  }
0x94: {  	_ =	swait.ge [sflag:s9], $0x80  }
0x95: {  	s18 =	sld [smem:$0x7F7]  }
0x96: {  	[sflag:s9] =	ssyncset.done $0x0  }
0x97: {  	[smem:$0x7F2] =	sst s28;
	[sflag:s9] =	ssyncadd.s32 $0xFFFFFF80  }
0x98: {  	[spmem:s18], [sflag:s28] =	dma.local [hbm:s12], $0x80  }
0x99: {  	_ =	swait.ge [sflag:s9], $0x80  }
0x9a: {  	[sflag:s9] =	ssyncset.done $0x0  }
0x9b: {  	[sflag:s9] =	ssyncadd.s32 $0xFFFFFF80  }
0x9c: {  	[bflag:$0x0] =	sbarrier.arrive $0xFFFF  }
0x9d: {  	s30 =	simm.s32 $0x8000;
	s19 =	rddreg [dreg:$0xb]  }
0x9e: {  	[tilespmem:s30], [sflag:$0x9] =	stream.linear.gather [hbm4b:s19+s5], $0x100, $0x38;
	[tilespmem:$0x1D940] =	vst v63  }
0x9f: {  	s21 =	simm.s32 $0x8100;
	s20 =	rddreg [dreg:$0xc]  }
0xa0: {  	[tilespmem:s21], [sflag:$0xA] =	stream.linear.gather [hbm4b:s20+s5], $0x100, $0x38;
	[tilespmem:$0x1D940] =	vst v63  }
0xa1: {  	s10 =	simm.s32 $0x8200;
	s26 =	rddreg [dreg:$0xd]  }
0xa2: {  	[tilespmem:s10], [sflag:$0xB] =	stream.linear.gather [hbm4b:s26+s5], $0x100, $0x38;
	[tilespmem:$0x1D940] =	vst v63  }
0xa3: {  	s29 =	simm.s32 $0x8300;
	s28 =	rddreg [dreg:$0xe]  }
0xa4: {  	[tilespmem:s29], [sflag:$0xC] =	stream.linear.gather [hbm4b:s28+s5], $0x100, $0x38;
	[tilespmem:$0x1D940] =	vst v63  }
0xa5: {  	s8 =	simm.s32 $0x8400;
	s6 =	rddreg [dreg:$0xf]  }
0xa6: {  	[tilespmem:s8], [sflag:$0xD] =	stream.linear.gather [hbm4b:s6+s5], $0x100, $0x38;
	[tilespmem:$0x1D940] =	vst v63  }
0xa7: {  	s9 =	rddreg [dreg:$0x11];
	s21 =	simm.s32 $0x9  }
0xa8: {  	[tilespmem:s13], [sflag:$0xE] =	stream.linear.gather [hbm4b:s9+s5], $0x100, $0x38;
	[tilespmem:$0x1D940] =	vst v63  }
0xa9: {  	_ =	swait.ge [sflag:s21], $0x100  }
0xaa: {  	[sflag:s21] =	ssyncset.done $0x0  }
0xab: {  	s24 =	simm.s32 $0xA;
	[sflag:s21] =	ssyncadd.s32 $0xFFFFFF00  }
0xac: {  	[tilespmem:s5], [sflag:$0x1] =	stream.indirect.gather [spmem:s3], $0x40, s30, s31, $0xb8;
	[tilespmem:$0x1D940] =	vst v63  }
0xad: {  	_ =	swait.ge [sflag:s24], $0x100  }
0xae: {  	[sflag:s24] =	ssyncset.done $0x0  }
0xaf: {  	s23 =	simm.s32 $0x8100;
	s14 =	simm.s32 $0x2000;
	[sflag:s24] =	ssyncadd.s32 $0xFFFFFF00  }
0xb0: {  	[tilespmem:s14], [sflag:$0x2] =	stream.indirect.gather [spmem:s3], $0x40, s23, s31, $0xb8;
	[tilespmem:$0x1D940] =	vst v63  }
0xb1: {  	_ =	swait.ge [sflag:s17], $0x2000  }
0xb2: {  	[sflag:s17] =	ssyncset.done $0x0  }
0xb3: {  	s12 =	simm.s32 $0x8080;
	[sflag:s17] =	ssyncadd.s32 $0xFFFFE000  }
0xb4: {  	[spmem:s1] =	stream.indirect.scatter.add.f32 [tilespmem:s5], [sflag:$0x5], $0x40, s12, s31, $0xb8;
	[tilespmem:$0x1D940] =	vst v63  }
0xb5: {  	s0 =	simm.s32 @!p0 $0x8080;
	s26 =	simm.s32 @!p0 $0x1C140;
	s28 =	simm.s32 @!p0 $0x80  }
0xb6: {  	[spmem:s4] =	stream.indirect.scatter.add.f32 @!p0 [tilespmem:s26], [sflag:$0x11], $0x8, s0, s28, $0xb8;
	[tilespmem:$0x1D940] =	vst v63  }
0xb7: {  	s18 =	simm.s32 $0x8600;
	s19 =	simm.s32 $0xB;
	s16 =	rddreg [dreg:$0x13]  }
0xb8: {  	[tilespmem:s18], [sflag:$0xF] =	stream.linear.gather [hbm4b:s16+s5], $0x100, $0x38;
	[tilespmem:$0x1D940] =	vst v63  }
0xb9: {  	_ =	swait.ge [sflag:s19], $0x100  }
0xba: {  	[sflag:s19] =	ssyncset.done $0x0  }
0xbb: {  	s12 =	simm.s32 $0x4000;
	[sflag:s19] =	ssyncadd.s32 $0xFFFFFF00  }
0xbc: {  	[tilespmem:s12], [sflag:$0x3] =	stream.indirect.gather [spmem:s3], $0x40, s10, s31, $0xb8;
	[tilespmem:$0x1D940] =	vst v63  }
0xbd: {  	_ =	swait.ge [sflag:s11], $0x2000  }
0xbe: {  	[sflag:s11] =	ssyncset.done $0x0  }
0xbf: {  	s20 =	simm.s32 $0x8180;
	[sflag:s11] =	ssyncadd.s32 $0xFFFFE000  }
0xc0: {  	[spmem:s1] =	stream.indirect.scatter.add.f32 [tilespmem:s14], [sflag:$0x6], $0x40, s20, s31, $0xb8;
	[tilespmem:$0x1D940] =	vst v63  }
0xc1: {  	s8 =	simm.s32 @!p1 $0x80;
	s9 =	simm.s32 @!p1 $0x1C140;
	s0 =	simm.s32 @!p1 $0x8180  }
0xc2: {  	[spmem:s4] =	stream.indirect.scatter.add.f32 @!p1 [tilespmem:s9], [sflag:$0x12], $0x8, s0, s8, $0xb8;
	[tilespmem:$0x1D940] =	vst v63  }
0xc3: {  	s29 =	simm.s32 $0x8700;
	s16 =	simm.s32 $0xC;
	s23 =	rddreg [dreg:$0x14]  }
0xc4: {  	[tilespmem:s29], [sflag:$0x10] =	stream.linear.gather [hbm4b:s23+s5], $0x100, $0x38;
	[tilespmem:$0x1D940] =	vst v63  }
0xc5: {  	_ =	swait.ge [sflag:s16], $0x100  }
0xc6: {  	[sflag:s16] =	ssyncset.done $0x0  }
0xc7: {  	s15 =	simm.s32 $0x8300;
	[sflag:s16] =	ssyncadd.s32 $0xFFFFFF00  }
0xc8: {  	[tilespmem:s25], [sflag:$0x4] =	stream.indirect.gather [spmem:s3], $0x40, s15, s31, $0xb8;
	[tilespmem:$0x1D940] =	vst v63  }
0xc9: {  	_ =	swait.ge [sflag:s22], $0x2000  }
0xca: {  	[sflag:s22] =	ssyncset.done $0x0  }
0xcb: {  	s18 =	simm.s32 $0x8280;
	s29 =	simm.s32 @p0 $0x5;
	[sflag:s22] =	ssyncadd.s32 $0xFFFFE000  }
0xcc: {  	[spmem:s1] =	stream.indirect.scatter.add.f32 [tilespmem:s12], [sflag:$0x7], $0x40, s18, s31, $0xb8;
	[tilespmem:$0x1D940] =	vst v63  }
0xcd: {  	_ =	swait.ge @p0 [sflag:s29], $0x2000  }
0xce: {  	[sflag:s29] =	ssyncset.done @p0 $0x0  }
0xcf: {  	s20 =	simm.s32 @!p0 $0x5;
	s0 =	simm.s32 @!p0 $0x8280;
	[sflag:s29] =	ssyncadd.s32 @p0 $0xFFFFE000  }
0xd0: {  	[spmem:s4] =	stream.indirect.scatter.add.f32 @!p0 [tilespmem:s26], [sflag:$0x13], $0x8, s0, s28, $0xb8;
	[tilespmem:$0x1D940] =	vst v63  }
0xd1: {  	_ =	swait.ge @!p0 [sflag:s20], $0x2000  }
0xd2: {  	[sflag:s20] =	ssyncset.done @!p0 $0x0  }
0xd3: {  	s18 =	simm.s32 @!p0 $0x11;
	[sflag:s20] =	ssyncadd.s32 @!p0 $0xFFFFE000  }
0xd4: {  	_ =	swait.ge @!p0 [sflag:s18], $0x400  }
0xd5: {  	[sflag:s18] =	ssyncset.done @!p0 $0x0  }
0xd6: {  	s23 =	simm.s32 $0xD;
	s19 =	rddreg [dreg:$0x18];
	[sflag:s18] =	ssyncadd.s32 @!p0 $0xFFFFFC00  }
0xd7: {  	[tilespmem:s30], [sflag:$0x9] =	stream.linear.gather [hbm4b:s19+s5], $0x100, $0x38;
	[tilespmem:$0x1D940] =	vst v63  }
0xd8: {  	_ =	swait.ge [sflag:s23], $0x100  }
0xd9: {  	[sflag:s23] =	ssyncset.done $0x0  }
0xda: {  	s6 =	simm.s32 $0x8400;
	[sflag:s23] =	ssyncadd.s32 $0xFFFFFF00  }
0xdb: {  	[tilespmem:s5], [sflag:$0x1] =	stream.indirect.gather [spmem:s3], $0x40, s6, s31, $0xb8;
	[tilespmem:$0x1D940] =	vst v63  }
0xdc: {  	_ =	swait.ge [sflag:s7], $0x2000  }
0xdd: {  	[sflag:s7] =	ssyncset.done $0x0  }
0xde: {  	s16 =	simm.s32 @p1 $0x6;
	s6 =	simm.s32 $0x8380;
	[sflag:s7] =	ssyncadd.s32 $0xFFFFE000  }
0xdf: {  	[spmem:s1] =	stream.indirect.scatter.add.f32 [tilespmem:s25], [sflag:$0x8], $0x40, s6, s31, $0xb8;
	[tilespmem:$0x1D940] =	vst v63  }
0xe0: {  	_ =	swait.ge @p1 [sflag:s16], $0x2000  }
0xe1: {  	s9 =	simm.s32 @!p1 $0x1C140;
	[sflag:s16] =	ssyncset.done @p1 $0x0  }
0xe2: {  	s8 =	simm.s32 @!p1 $0x80;
	s0 =	simm.s32 @!p1 $0x8380;
	[sflag:s16] =	ssyncadd.s32 @p1 $0xFFFFE000  }
0xe3: {  	[spmem:s4] =	stream.indirect.scatter.add.f32 @!p1 [tilespmem:s9], [sflag:$0x14], $0x8, s0, s8, $0xb8;
	[tilespmem:$0x1D940] =	vst v63  }
0xe4: {  	s9 =	simm.s32 @!p1 $0x6  }
0xe5: {  	_ =	swait.ge @!p1 [sflag:s9], $0x2000  }
0xe6: {  	[sflag:s9] =	ssyncset.done @!p1 $0x0  }
0xe7: {  	s6 =	simm.s32 @!p1 $0x12;
	[sflag:s9] =	ssyncadd.s32 @!p1 $0xFFFFE000  }
0xe8: {  	_ =	swait.ge @!p1 [sflag:s6], $0x400  }
0xe9: {  	s2 =	simm.s32 $0x8100;
	[sflag:s6] =	ssyncset.done @!p1 $0x0  }
0xea: {  	s15 =	simm.s32 $0xE;
	s8 =	rddreg [dreg:$0x19];
	[sflag:s6] =	ssyncadd.s32 @!p1 $0xFFFFFC00  }
0xeb: {  	[tilespmem:s2], [sflag:$0xA] =	stream.linear.gather [hbm4b:s8+s5], $0x100, $0x38;
	[tilespmem:$0x1D940] =	vst v63  }
0xec: {  	_ =	swait.ge [sflag:s15], $0x100  }
0xed: {  	[sflag:s15] =	ssyncset.done $0x0  }
0xee: {  	[sflag:s15] =	ssyncadd.s32 $0xFFFFFF00  }
0xef: {  	[tilespmem:s14], [sflag:$0x2] =	stream.indirect.gather [spmem:s3], $0x40, s13, s31, $0xb8;
	[tilespmem:$0x1D940] =	vst v63  }
0xf0: {  	_ =	swait.ge [sflag:s17], $0x2000  }
0xf1: {  	[sflag:s17] =	ssyncset.done $0x0  }
0xf2: {  	s19 =	simm.s32 $0x8480;
	s13 =	simm.s32 @p0 $0x7;
	[sflag:s17] =	ssyncadd.s32 $0xFFFFE000  }
0xf3: {  	[spmem:s1] =	stream.indirect.scatter.add.f32 [tilespmem:s5], [sflag:$0x5], $0x40, s19, s31, $0xb8;
	[tilespmem:$0x1D940] =	vst v63  }
0xf4: {  	_ =	swait.ge @p0 [sflag:s13], $0x2000  }
0xf5: {  	[sflag:s13] =	ssyncset.done @p0 $0x0  }
0xf6: {  	s0 =	simm.s32 @!p0 $0x8480;
	s19 =	simm.s32 @!p0 $0x7;
	[sflag:s13] =	ssyncadd.s32 @p0 $0xFFFFE000  }
0xf7: {  	[spmem:s4] =	stream.indirect.scatter.add.f32 @!p0 [tilespmem:s26], [sflag:$0x11], $0x8, s0, s28, $0xb8;
	[tilespmem:$0x1D940] =	vst v63  }
0xf8: {  	_ =	swait.ge @!p0 [sflag:s19], $0x2000  }
0xf9: {  	[sflag:s19] =	ssyncset.done @!p0 $0x0  }
0xfa: {  	s0 =	simm.s32 @!p0 $0x13;
	[sflag:s19] =	ssyncadd.s32 @!p0 $0xFFFFE000  }
0xfb: {  	_ =	swait.ge @!p0 [sflag:s0], $0x400  }
0xfc: {  	[sflag:s0] =	ssyncset.done @!p0 $0x0  }
0xfd: {  	s8 =	simm.s32 $0xF;
	s2 =	rddreg [dreg:$0x1a];
	[sflag:s0] =	ssyncadd.s32 @!p0 $0xFFFFFC00  }
0xfe: {  	[tilespmem:s10], [sflag:$0xB] =	stream.linear.gather [hbm4b:s2+s5], $0x100, $0x38;
	[tilespmem:$0x1D940] =	vst v63  }
0xff: {  	_ =	swait.ge [sflag:s8], $0x100  }
0x100: {  	[sflag:s8] =	ssyncset.done $0x0  }
0x101: {  	s10 =	simm.s32 $0x8600;
	[sflag:s8] =	ssyncadd.s32 $0xFFFFFF00  }
0x102: {  	[tilespmem:s12], [sflag:$0x3] =	stream.indirect.gather [spmem:s3], $0x40, s10, s31, $0xb8;
	[tilespmem:$0x1D940] =	vst v63  }
0x103: {  	_ =	swait.ge [sflag:s11], $0x2000  }
0x104: {  	[sflag:s11] =	ssyncset.done $0x0  }
0x105: {  	s8 =	simm.s32 $0x8580;
	[sflag:s11] =	ssyncadd.s32 $0xFFFFE000  }
0x106: {  	[spmem:s1] =	stream.indirect.scatter.add.f32 [tilespmem:s14], [sflag:$0x6], $0x40, s8, s31, $0xb8;
	[tilespmem:$0x1D940] =	vst v63  }
0x107: {  	s8 =	simm.s32 @p1 $0x8  }
0x108: {  	_ =	swait.ge @p1 [sflag:s8], $0x2000  }
0x109: {  	s23 =	simm.s32 @!p1 $0x80;
	[sflag:s8] =	ssyncset.done @p1 $0x0  }
0x10a: {  	s2 =	simm.s32 @!p1 $0x8580;
	s10 =	simm.s32 @!p1 $0x1C140;
	[sflag:s8] =	ssyncadd.s32 @p1 $0xFFFFE000  }
0x10b: {  	[spmem:s4] =	stream.indirect.scatter.add.f32 @!p1 [tilespmem:s10], [sflag:$0x12], $0x8, s2, s23, $0xb8;
	[tilespmem:$0x1D940] =	vst v63  }
0x10c: {  	s23 =	simm.s32 @!p1 $0x8  }
0x10d: {  	_ =	swait.ge @!p1 [sflag:s23], $0x2000  }
0x10e: {  	[sflag:s23] =	ssyncset.done @!p1 $0x0  }
0x10f: {  	s14 =	simm.s32 @!p1 $0x14;
	[sflag:s23] =	ssyncadd.s32 @!p1 $0xFFFFE000  }
0x110: {  	_ =	swait.ge @!p1 [sflag:s14], $0x400  }
0x111: {  	[sflag:s14] =	ssyncset.done @!p1 $0x0  }
0x112: {  	s2 =	simm.s32 $0x8300;
	s10 =	rddreg [dreg:$0x1b];
	[sflag:s14] =	ssyncadd.s32 @!p1 $0xFFFFFC00  }
0x113: {  	[tilespmem:s2], [sflag:$0xC] =	stream.linear.gather [hbm4b:s10+s5], $0x100, $0x38;
	[tilespmem:$0x1D940] =	vst v63  }
0x114: {  	s10 =	simm.s32 $0x10  }
0x115: {  	_ =	swait.ge [sflag:s10], $0x100  }
0x116: {  	[sflag:s10] =	ssyncset.done $0x0  }
0x117: {  	[sflag:s10] =	ssyncadd.s32 $0xFFFFFF00;
	s10 =	simm.s32 $0x8700  }
0x118: {  	[tilespmem:s25], [sflag:$0x4] =	stream.indirect.gather [spmem:s3], $0x40, s10, s31, $0xb8;
	[tilespmem:$0x1D940] =	vst v63  }
0x119: {  	_ =	swait.ge [sflag:s22], $0x2000  }
0x11a: {  	[sflag:s22] =	ssyncset.done $0x0  }
0x11b: {  	s10 =	simm.s32 $0x8680;
	[sflag:s22] =	ssyncadd.s32 $0xFFFFE000  }
0x11c: {  	[spmem:s1] =	stream.indirect.scatter.add.f32 [tilespmem:s12], [sflag:$0x7], $0x40, s10, s31, $0xb8;
	[tilespmem:$0x1D940] =	vst v63  }
0x11d: {  	_ =	swait.ge @p0 [sflag:s29], $0x2000  }
0x11e: {  	[sflag:s29] =	ssyncset.done @p0 $0x0  }
0x11f: {  	s12 =	simm.s32 @!p0 $0x8680;
	[sflag:s29] =	ssyncadd.s32 @p0 $0xFFFFE000  }
0x120: {  	[spmem:s4] =	stream.indirect.scatter.add.f32 @!p0 [tilespmem:s26], [sflag:$0x13], $0x8, s12, s28, $0xb8;
	[tilespmem:$0x1D940] =	vst v63  }
0x121: {  	_ =	swait.ge @!p0 [sflag:s20], $0x2000  }
0x122: {  	[sflag:s20] =	ssyncset.done @!p0 $0x0  }
0x123: {  	[sflag:s20] =	ssyncadd.s32 @!p0 $0xFFFFE000  }
0x124: {  	_ =	swait.ge @!p0 [sflag:s18], $0x400  }
0x125: {  	[sflag:s18] =	ssyncset.done @!p0 $0x0  }
0x126: {  	s20 =	simm.s32 $0x8400;
	[sflag:s18] =	ssyncadd.s32 @!p0 $0xFFFFFC00;
	s18 =	rddreg [dreg:$0x1c]  }
0x127: {  	[tilespmem:s20], [sflag:$0xD] =	stream.linear.gather [hbm4b:s18+s5], $0x100, $0x38;
	[tilespmem:$0x1D940] =	vst v63  }
0x128: {  	_ =	swait.ge [sflag:s21], $0x100  }
0x129: {  	[sflag:s21] =	ssyncset.done $0x0  }
0x12a: {  	[sflag:s21] =	ssyncadd.s32 $0xFFFFFF00  }
0x12b: {  	[tilespmem:s5], [sflag:$0x1] =	stream.indirect.gather [spmem:s3], $0x40, s30, s31, $0xb8;
	[tilespmem:$0x1D940] =	vst v63  }
0x12c: {  	_ =	swait.ge [sflag:s7], $0x2000  }
0x12d: {  	[sflag:s7] =	ssyncset.done $0x0  }
0x12e: {  	s26 =	simm.s32 $0x8780;
	[sflag:s7] =	ssyncadd.s32 $0xFFFFE000  }
0x12f: {  	[spmem:s1] =	stream.indirect.scatter.add.f32 [tilespmem:s25], [sflag:$0x8], $0x40, s26, s31, $0xb8;
	[tilespmem:$0x1D940] =	vst v63  }
0x130: {  	_ =	swait.ge @p1 [sflag:s16], $0x2000  }
0x131: {  	s2 =	simm.s32 @!p1 $0x80;
	[sflag:s16] =	ssyncset.done @p1 $0x0  }
0x132: {  	s10 =	simm.s32 @!p1 $0x1C140;
	s12 =	simm.s32 @!p1 $0x8780;
	[sflag:s16] =	ssyncadd.s32 @p1 $0xFFFFE000  }
0x133: {  	[spmem:s4] =	stream.indirect.scatter.add.f32 @!p1 [tilespmem:s10], [sflag:$0x14], $0x8, s12, s2, $0xb8;
	[tilespmem:$0x1D940] =	vst v63  }
0x134: {  	_ =	swait.ge @!p1 [sflag:s9], $0x2000  }
0x135: {  	[sflag:s9] =	ssyncset.done @!p1 $0x0  }
0x136: {  	[sflag:s9] =	ssyncadd.s32 @!p1 $0xFFFFE000  }
0x137: {  	_ =	swait.ge @!p1 [sflag:s6], $0x400  }
0x138: {  	[sflag:s6] =	ssyncset.done @!p1 $0x0  }
0x139: {  	s15 =	simm.s32 $0x8500;
	s28 =	rddreg [dreg:$0x1d];
	[sflag:s6] =	ssyncadd.s32 @!p1 $0xFFFFFC00  }
0x13a: {  	[tilespmem:s15], [sflag:$0xE] =	stream.linear.gather [hbm4b:s28+s5], $0x100, $0x38;
	[tilespmem:$0x1D940] =	vst v63  }
.Ltmp3:
0x13b: {  	_ = 	snop;
	(pc) =	sbr.rel .LBB2_4-.Ltmp3, $4  }
0x13c: {  	_ =	swait.ge [sflag:s24], $0x100  }
0x13d: {  	s29 =	simm.s32 $0x8100;
	s18 =	simm.s32 $0x12;
	[sflag:s24] =	ssyncset.done $0x0  }
0x13e: {  	s30 =	simm.s32 $0x2000;
	s20 =	rddreg [dreg:$0x1e];
	[sflag:s24] =	ssyncadd.s32 $0xFFFFFF00  }
0x13f: {  	[tilespmem:s30], [sflag:$0x2] =	stream.indirect.gather [spmem:s3], $0x40, s29, s31, $0xb8;
	[tilespmem:$0x1D940] =	vst v63  }
.LBB2_15:
0x140: {  	s15 =	simm.s32 $0x8500;
	s10 =	simm.s32 $0xA  }
0x141: {  	[tilespmem:s15], [sflag:$0xE] =	stream.linear.gather [hbm4b:s20+s5], $0x100, $0x38;
	[tilespmem:$0x1D940] =	vst v63  }
0x142: {  	_ =	swait.ge [sflag:s10], $0x100  }
0x143: {  	s29 =	simm.s32 $0x8100;
	[sflag:s10] =	ssyncset.done $0x0  }
0x144: {  	s18 =	sadd.s32 $0xFFFFFFFF, s18;
	s20 =	sadd.s32 $0x1000, s20;
	[sflag:s10] =	ssyncadd.s32 $0xFFFFFF00  }
0x145: {  	[tilespmem:s30], [sflag:$0x2] =	stream.indirect.gather [spmem:s3], $0x40, s29, s31, $0xb8;
	[tilespmem:$0x1D940] =	vst v63  }
.LBB2_4:
0x146: {  	_ =	swait.ge [sflag:s17], $0x2000  }
0x147: {  	[sflag:s17] =	ssyncset.done $0x0  }
0x148: {  	s10 =	simm.s32 $0x8080;
	[sflag:s17] =	ssyncadd.s32 $0xFFFFE000  }
0x149: {  	[spmem:s1] =	stream.indirect.scatter.add.f32 [tilespmem:s5], [sflag:$0x5], $0x40, s10, s31, $0xb8;
	[tilespmem:$0x1D940] =	vst v63  }
0x14a: {  	_ =	swait.ge @p0 [sflag:s13], $0x2000  }
0x14b: {  	s26 =	simm.s32 @!p0 $0x80;
	[sflag:s13] =	ssyncset.done @p0 $0x0  }
0x14c: {  	s2 =	simm.s32 @!p0 $0x8080;
	s9 =	simm.s32 @!p0 $0x1C140;
	[sflag:s13] =	ssyncadd.s32 @p0 $0xFFFFE000  }
0x14d: {  	[spmem:s4] =	stream.indirect.scatter.add.f32 @!p0 [tilespmem:s9], [sflag:$0x11], $0x8, s2, s26, $0xb8;
	[tilespmem:$0x1D940] =	vst v63  }
0x14e: {  	_ =	swait.ge @!p0 [sflag:s19], $0x2000  }
0x14f: {  	[sflag:s19] =	ssyncset.done @!p0 $0x0  }
0x150: {  	[sflag:s19] =	ssyncadd.s32 @!p0 $0xFFFFE000  }
0x151: {  	_ =	swait.ge @!p0 [sflag:s0], $0x400  }
0x152: {  	s12 =	sadd.s32 $0xFFFFF200, s20;
	[sflag:s0] =	ssyncset.done @!p0 $0x0  }
0x153: {  	s24 =	simm.s32 $0x8600;
	s21 =	simm.s32 $0xB;
	[sflag:s0] =	ssyncadd.s32 @!p0 $0xFFFFFC00  }
0x154: {  	[tilespmem:s24], [sflag:$0xF] =	stream.linear.gather [hbm4b:s12+s5], $0x100, $0x38;
	[tilespmem:$0x1D940] =	vst v63  }
0x155: {  	_ =	swait.ge [sflag:s21], $0x100  }
0x156: {  	[sflag:s21] =	ssyncset.done $0x0  }
0x157: {  	s28 =	simm.s32 $0x8200;
	[sflag:s21] =	ssyncadd.s32 $0xFFFFFF00;
	s21 =	simm.s32 $0x4000  }
0x158: {  	[tilespmem:s21], [sflag:$0x3] =	stream.indirect.gather [spmem:s3], $0x40, s28, s31, $0xb8;
	[tilespmem:$0x1D940] =	vst v63  }
0x159: {  	_ =	swait.ge [sflag:s11], $0x2000  }
0x15a: {  	[sflag:s11] =	ssyncset.done $0x0  }
0x15b: {  	s29 =	simm.s32 $0x8180;
	[sflag:s11] =	ssyncadd.s32 $0xFFFFE000  }
0x15c: {  	[spmem:s1] =	stream.indirect.scatter.add.f32 [tilespmem:s30], [sflag:$0x6], $0x40, s29, s31, $0xb8;
	[tilespmem:$0x1D940] =	vst v63  }
0x15d: {  	_ =	swait.ge @p1 [sflag:s8], $0x2000  }
0x15e: {  	s2 =	simm.s32 @!p1 $0x8180;
	[sflag:s8] =	ssyncset.done @p1 $0x0  }
0x15f: {  	s28 =	simm.s32 @!p1 $0x80;
	s29 =	simm.s32 @!p1 $0x1C140;
	[sflag:s8] =	ssyncadd.s32 @p1 $0xFFFFE000  }
0x160: {  	[spmem:s4] =	stream.indirect.scatter.add.f32 @!p1 [tilespmem:s29], [sflag:$0x12], $0x8, s2, s28, $0xb8;
	[tilespmem:$0x1D940] =	vst v63  }
0x161: {  	_ =	swait.ge @!p1 [sflag:s23], $0x2000  }
0x162: {  	[sflag:s23] =	ssyncset.done @!p1 $0x0  }
0x163: {  	[sflag:s23] =	ssyncadd.s32 @!p1 $0xFFFFE000  }
0x164: {  	_ =	swait.ge @!p1 [sflag:s14], $0x400  }
0x165: {  	s16 =	simm.s32 $0x8700;
	[sflag:s14] =	ssyncset.done @!p1 $0x0  }
0x166: {  	s30 =	sadd.s32 $0xFFFFF400, s20;
	s2 =	simm.s32 $0xC;
	[sflag:s14] =	ssyncadd.s32 @!p1 $0xFFFFFC00  }
0x167: {  	[tilespmem:s16], [sflag:$0x10] =	stream.linear.gather [hbm4b:s30+s5], $0x100, $0x38;
	[tilespmem:$0x1D940] =	vst v63  }
0x168: {  	_ =	swait.ge [sflag:s2], $0x100  }
0x169: {  	[sflag:s2] =	ssyncset.done $0x0  }
0x16a: {  	s12 =	simm.s32 $0x8300;
	[sflag:s2] =	ssyncadd.s32 $0xFFFFFF00  }
0x16b: {  	[tilespmem:s25], [sflag:$0x4] =	stream.indirect.gather [spmem:s3], $0x40, s12, s31, $0xb8;
	[tilespmem:$0x1D940] =	vst v63  }
0x16c: {  	_ =	swait.ge [sflag:s22], $0x2000  }
0x16d: {  	[sflag:s22] =	ssyncset.done $0x0  }
0x16e: {  	s2 =	simm.s32 @p0 $0x5;
	s25 =	simm.s32 $0x8280;
	[sflag:s22] =	ssyncadd.s32 $0xFFFFE000  }
0x16f: {  	[spmem:s1] =	stream.indirect.scatter.add.f32 [tilespmem:s21], [sflag:$0x7], $0x40, s25, s31, $0xb8;
	[tilespmem:$0x1D940] =	vst v63  }
0x170: {  	_ =	swait.ge @p0 [sflag:s2], $0x2000  }
0x171: {  	[sflag:s2] =	ssyncset.done @p0 $0x0  }
0x172: {  	[sflag:s2] =	ssyncadd.s32 @p0 $0xFFFFE000;
	s2 =	simm.s32 @!p0 $0x8280  }
0x173: {  	[spmem:s4] =	stream.indirect.scatter.add.f32 @!p0 [tilespmem:s9], [sflag:$0x13], $0x8, s2, s26, $0xb8;
	[tilespmem:$0x1D940] =	vst v63  }
0x174: {  	s2 =	simm.s32 @!p0 $0x5  }
0x175: {  	_ =	swait.ge @!p0 [sflag:s2], $0x2000  }
0x176: {  	[sflag:s2] =	ssyncset.done @!p0 $0x0  }
0x177: {  	[sflag:s2] =	ssyncadd.s32 @!p0 $0xFFFFE000;
	s2 =	simm.s32 @!p0 $0x11  }
0x178: {  	p3 =	seq.s32 s18, $0x0;
	_ =	swait.ge @!p0 [sflag:s2], $0x400  }
0x179: {  	s10 =	simm.s32 @!p3 $0x8000;
	[sflag:s2] =	ssyncset.done @!p0 $0x0  }
0x17a: {  	s30 =	sadd.s32 @!p3 $0xFFFFF600, s20;
	s12 =	simm.s32 @!p3 $0x0;
	[sflag:s2] =	ssyncadd.s32 @!p0 $0xFFFFFC00  }
0x17b: {  	[tilespmem:s10], [sflag:$0x9] =	stream.linear.gather @!p3 [hbm4b:s30+s12], $0x100, $0x38;
	[tilespmem:$0x1D940] =	vst v63  }
0x17c: {  	s30 =	simm.s32 $0xD  }
0x17d: {  	_ =	swait.ge [sflag:s30], $0x100  }
0x17e: {  	[sflag:s30] =	ssyncset.done $0x0  }
0x17f: {  	[sflag:s30] =	ssyncadd.s32 $0xFFFFFF00;
	s30 =	simm.s32 $0x8400  }
0x180: {  	[tilespmem:s5], [sflag:$0x1] =	stream.indirect.gather [spmem:s3], $0x40, s30, s31, $0xb8;
	[tilespmem:$0x1D940] =	vst v63  }
0x181: {  	_ =	swait.ge [sflag:s7], $0x2000  }
0x182: {  	[sflag:s7] =	ssyncset.done $0x0  }
0x183: {  	s2 =	simm.s32 $0x6000;
	s30 =	simm.s32 $0x8380;
	[sflag:s7] =	ssyncadd.s32 $0xFFFFE000  }
0x184: {  	[spmem:s1] =	stream.indirect.scatter.add.f32 [tilespmem:s2], [sflag:$0x8], $0x40, s30, s31, $0xb8;
	[tilespmem:$0x1D940] =	vst v63  }
0x185: {  	s2 =	simm.s32 @p1 $0x6  }
0x186: {  	_ =	swait.ge @p1 [sflag:s2], $0x2000  }
0x187: {  	[sflag:s2] =	ssyncset.done @p1 $0x0  }
0x188: {  	[sflag:s2] =	ssyncadd.s32 @p1 $0xFFFFE000;
	s2 =	simm.s32 @!p1 $0x8380  }
0x189: {  	[spmem:s4] =	stream.indirect.scatter.add.f32 @!p1 [tilespmem:s29], [sflag:$0x14], $0x8, s2, s28, $0xb8;
	[tilespmem:$0x1D940] =	vst v63  }
0x18a: {  	s2 =	simm.s32 @!p1 $0x6  }
0x18b: {  	_ =	swait.ge @!p1 [sflag:s2], $0x2000  }
0x18c: {  	[sflag:s2] =	ssyncset.done @!p1 $0x0  }
0x18d: {  	[sflag:s2] =	ssyncadd.s32 @!p1 $0xFFFFE000  }
0x18e: {  	_ =	swait.ge @!p1 [sflag:s6], $0x400  }
0x18f: {  	[sflag:s6] =	ssyncset.done @!p1 $0x0  }
0x190: {  	s10 =	sadd.s32 @!p3 $0xFFFFF800, s20;
	s30 =	simm.s32 @!p3 $0x8100;
	[sflag:s6] =	ssyncadd.s32 @!p1 $0xFFFFFC00  }
0x191: {  	[tilespmem:s30], [sflag:$0xA] =	stream.linear.gather @!p3 [hbm4b:s10+s12], $0x100, $0x38;
	[tilespmem:$0x1D940] =	vst v63  }
0x192: {  	s30 =	simm.s32 $0xE  }
0x193: {  	_ =	swait.ge [sflag:s30], $0x100  }
0x194: {  	[sflag:s30] =	ssyncset.done $0x0  }
0x195: {  	s25 =	simm.s32 $0x2000;
	[sflag:s30] =	ssyncadd.s32 $0xFFFFFF00  }
0x196: {  	[tilespmem:s25], [sflag:$0x2] =	stream.indirect.gather [spmem:s3], $0x40, s15, s31, $0xb8;
	[tilespmem:$0x1D940] =	vst v63  }
0x197: {  	_ =	swait.ge [sflag:s17], $0x2000  }
0x198: {  	[sflag:s17] =	ssyncset.done $0x0  }
0x199: {  	s10 =	simm.s32 $0x8480;
	[sflag:s17] =	ssyncadd.s32 $0xFFFFE000  }
0x19a: {  	[spmem:s1] =	stream.indirect.scatter.add.f32 [tilespmem:s5], [sflag:$0x5], $0x40, s10, s31, $0xb8;
	[tilespmem:$0x1D940] =	vst v63  }
0x19b: {  	_ =	swait.ge @p0 [sflag:s13], $0x2000  }
0x19c: {  	[sflag:s13] =	ssyncset.done @p0 $0x0  }
0x19d: {  	s2 =	simm.s32 @!p0 $0x8480;
	[sflag:s13] =	ssyncadd.s32 @p0 $0xFFFFE000  }
0x19e: {  	[spmem:s4] =	stream.indirect.scatter.add.f32 @!p0 [tilespmem:s9], [sflag:$0x11], $0x8, s2, s26, $0xb8;
	[tilespmem:$0x1D940] =	vst v63  }
0x19f: {  	_ =	swait.ge @!p0 [sflag:s19], $0x2000  }
0x1a0: {  	[sflag:s19] =	ssyncset.done @!p0 $0x0  }
0x1a1: {  	[sflag:s19] =	ssyncadd.s32 @!p0 $0xFFFFE000  }
0x1a2: {  	_ =	swait.ge @!p0 [sflag:s0], $0x400  }
0x1a3: {  	s30 =	simm.s32 @!p3 $0x8200;
	[sflag:s0] =	ssyncset.done @!p0 $0x0  }
0x1a4: {  	s15 =	simm.s32 $0xF;
	s10 =	sadd.s32 @!p3 $0xFFFFFA00, s20;
	[sflag:s0] =	ssyncadd.s32 @!p0 $0xFFFFFC00  }
0x1a5: {  	[tilespmem:s30], [sflag:$0xB] =	stream.linear.gather @!p3 [hbm4b:s10+s12], $0x100, $0x38;
	[tilespmem:$0x1D940] =	vst v63  }
0x1a6: {  	_ =	swait.ge [sflag:s15], $0x100  }
0x1a7: {  	[sflag:s15] =	ssyncset.done $0x0  }
0x1a8: {  	[sflag:s15] =	ssyncadd.s32 $0xFFFFFF00  }
0x1a9: {  	[tilespmem:s21], [sflag:$0x3] =	stream.indirect.gather [spmem:s3], $0x40, s24, s31, $0xb8;
	[tilespmem:$0x1D940] =	vst v63  }
0x1aa: {  	_ =	swait.ge [sflag:s11], $0x2000  }
0x1ab: {  	[sflag:s11] =	ssyncset.done $0x0  }
0x1ac: {  	s26 =	simm.s32 $0x8580;
	[sflag:s11] =	ssyncadd.s32 $0xFFFFE000  }
0x1ad: {  	[spmem:s1] =	stream.indirect.scatter.add.f32 [tilespmem:s25], [sflag:$0x6], $0x40, s26, s31, $0xb8;
	[tilespmem:$0x1D940] =	vst v63  }
0x1ae: {  	_ =	swait.ge @p1 [sflag:s8], $0x2000  }
0x1af: {  	[sflag:s8] =	ssyncset.done @p1 $0x0  }
0x1b0: {  	s2 =	simm.s32 @!p1 $0x8580;
	[sflag:s8] =	ssyncadd.s32 @p1 $0xFFFFE000  }
0x1b1: {  	[spmem:s4] =	stream.indirect.scatter.add.f32 @!p1 [tilespmem:s29], [sflag:$0x12], $0x8, s2, s28, $0xb8;
	[tilespmem:$0x1D940] =	vst v63  }
0x1b2: {  	_ =	swait.ge @!p1 [sflag:s23], $0x2000  }
0x1b3: {  	[sflag:s23] =	ssyncset.done @!p1 $0x0  }
0x1b4: {  	[sflag:s23] =	ssyncadd.s32 @!p1 $0xFFFFE000  }
0x1b5: {  	_ =	swait.ge @!p1 [sflag:s14], $0x400  }
0x1b6: {  	[sflag:s14] =	ssyncset.done @!p1 $0x0  }
0x1b7: {  	s10 =	sadd.s32 @!p3 $0xFFFFFC00, s20;
	s30 =	simm.s32 @!p3 $0x8300;
	[sflag:s14] =	ssyncadd.s32 @!p1 $0xFFFFFC00  }
0x1b8: {  	[tilespmem:s30], [sflag:$0xC] =	stream.linear.gather @!p3 [hbm4b:s10+s12], $0x100, $0x38;
	[tilespmem:$0x1D940] =	vst v63  }
0x1b9: {  	s30 =	simm.s32 $0x10  }
0x1ba: {  	_ =	swait.ge [sflag:s30], $0x100  }
0x1bb: {  	[sflag:s30] =	ssyncset.done $0x0  }
0x1bc: {  	s25 =	simm.s32 $0x6000;
	[sflag:s30] =	ssyncadd.s32 $0xFFFFFF00  }
0x1bd: {  	[tilespmem:s25], [sflag:$0x4] =	stream.indirect.gather [spmem:s3], $0x40, s16, s31, $0xb8;
	[tilespmem:$0x1D940] =	vst v63  }
.Ltmp4:
0x1be: {  	_ = 	snop;
	(pc) =	sbr.rel @p0 .LBB2_7-.Ltmp4, $4  }
0x1bf: {  	_ =	swait.ge [sflag:s22], $0x2000  }
0x1c0: {  	[sflag:s22] =	ssyncset.done $0x0  }
0x1c1: {  	s2 =	simm.s32 $0x8680;
	[sflag:s22] =	ssyncadd.s32 $0xFFFFE000  }
0x1c2: {  	[spmem:s1] =	stream.indirect.scatter.add.f32 [tilespmem:s21], [sflag:$0x7], $0x40, s2, s31, $0xb8;
	[tilespmem:$0x1D940] =	vst v63  }
.Ltmp5:
0x1c3: {  	(pc) =	sbr.rel @p3 .LBB2_10-.Ltmp5, $4  }
0x1c4: {  	_ = 	snop  }
0x1c5: {  	s10 =	simm.s32 $0x1C140  }
0x1c6: {  	[spmem:s4] =	stream.indirect.scatter.add.f32 [tilespmem:s10], [sflag:$0x13], $0x8, s2, s31, $0xb8;
	[tilespmem:$0x1D940] =	vst v63  }
0x1c7: {  	s30 =	simm.s32 $0x2000;
	s2 =	simm.s32 $0x8780  }
0x1c8: {  	s10 =	simm.s32 $0x5  }
0x1c9: {  	_ =	swait.ge [sflag:s10], $0x2000  }
.Ltmp6:
0x1ca: {  	[sflag:s10] =	ssyncset.done $0x0;
	(pc) =	sbr.rel .LBB2_9-.Ltmp6, $4  }
0x1cb: {  	s29 =	simm.s32 $0x11;
	[sflag:s10] =	ssyncadd.s32 $0xFFFFE000  }
0x1cc: {  	_ =	swait.ge [sflag:s29], $0x400  }
0x1cd: {  	[sflag:s29] =	ssyncset.done $0x0  }
0x1ce: {  	[sflag:s29] =	ssyncadd.s32 $0xFFFFFC00  }
.LBB2_7:
.Ltmp7:
0x1cf: {  	(pc) =	sbr.rel @p3 .LBB2_10-.Ltmp7, $2  }
0x1d0: {  	_ =	sdelay $0x2  }
0x1d1: {  	s30 =	simm.s32 $0x2000;
	s2 =	simm.s32 $0x8780  }
0x1d2: {  	s10 =	simm.s32 $0x5  }
0x1d3: {  	_ =	swait.ge [sflag:s10], $0x2000  }
0x1d4: {  	[sflag:s10] =	ssyncset.done $0x0  }
0x1d5: {  	[sflag:s10] =	ssyncadd.s32 $0xFFFFE000  }
.LBB2_9:
0x1d6: {  	s10 =	sadd.s32 $0xFFFFFE00, s20;
	s12 =	simm.s32 $0x8400;
	s28 =	simm.s32 $0x9  }
0x1d7: {  	[tilespmem:s12], [sflag:$0xD] =	stream.linear.gather [hbm4b:s10+s5], $0x100, $0x38;
	[tilespmem:$0x1D940] =	vst v63  }
0x1d8: {  	_ =	swait.ge [sflag:s28], $0x100  }
0x1d9: {  	[sflag:s28] =	ssyncset.done $0x0  }
0x1da: {  	s29 =	simm.s32 $0x8000;
	[sflag:s28] =	ssyncadd.s32 $0xFFFFFF00  }
0x1db: {  	[tilespmem:s5], [sflag:$0x1] =	stream.indirect.gather [spmem:s3], $0x40, s29, s31, $0xb8;
	[tilespmem:$0x1D940] =	vst v63  }
.LBB2_10:
.Ltmp8:
0x1dc: {  	(pc) =	sbr.rel @p0 .LBB2_13-.Ltmp8, $4  }
0x1dd: {  	_ =	swait.ge [sflag:s7], $0x2000  }
0x1de: {  	[sflag:s7] =	ssyncset.done $0x0  }
0x1df: {  	[sflag:s7] =	ssyncadd.s32 $0xFFFFE000  }
0x1e0: {  	[spmem:s1] =	stream.indirect.scatter.add.f32 [tilespmem:s25], [sflag:$0x8], $0x40, s2, s31, $0xb8;
	[tilespmem:$0x1D940] =	vst v63  }
.Ltmp9:
0x1e1: {  	(pc) =	sbr.rel @p3 .LBB2_16-.Ltmp9, $1  }
0x1e2: {  	_ =	sdelay $0x3  }
.Ltmp10:
0x1e3: {  	(pc) =	sbr.rel .LBB2_15-.Ltmp10, $4  }
0x1e4: {  	s2 =	simm.s32 $0x6  }
0x1e5: {  	_ =	swait.ge [sflag:s2], $0x2000  }
0x1e6: {  	[sflag:s2] =	ssyncset.done $0x0  }
0x1e7: {  	[sflag:s2] =	ssyncadd.s32 $0xFFFFE000  }
.LBB2_13:
.Ltmp11:
0x1e8: {  	(pc) =	sbr.rel @p3 .LBB2_17-.Ltmp11, $3  }
0x1e9: {  	_ =	sdelay $0x1  }
0x1ea: {  	s10 =	simm.s32 $0x1C140  }
0x1eb: {  	[spmem:s4] =	stream.indirect.scatter.add.f32 [tilespmem:s10], [sflag:$0x14], $0x8, s2, s31, $0xb8;
	[tilespmem:$0x1D940] =	vst v63  }
0x1ec: {  	s2 =	simm.s32 $0x6  }
0x1ed: {  	_ =	swait.ge [sflag:s2], $0x2000  }
.Ltmp12:
0x1ee: {  	[sflag:s2] =	ssyncset.done $0x0;
	(pc) =	sbr.rel .LBB2_15-.Ltmp12, $4  }
0x1ef: {  	s29 =	simm.s32 $0x12;
	[sflag:s2] =	ssyncadd.s32 $0xFFFFE000  }
0x1f0: {  	_ =	swait.ge [sflag:s29], $0x400  }
0x1f1: {  	[sflag:s29] =	ssyncset.done $0x0  }
0x1f2: {  	[sflag:s29] =	ssyncadd.s32 $0xFFFFFC00  }
.LBB2_16:
0x1f3: {  	s0 =	simm.s32 $0x5  }
0x1f4: {  	_ =	swait.ge [sflag:s0], $0x2000  }
0x1f5: {  	[sflag:s0] =	ssyncset.done $0x0  }
0x1f6: {  	s26 =	simm.s32 $0x11;
	[sflag:s0] =	ssyncadd.s32 $0xFFFFE000  }
0x1f7: {  	_ =	swait.ge [sflag:s26], $0x400  }
0x1f8: {  	[sflag:s26] =	ssyncset.done $0x0  }
0x1f9: {  	s28 =	simm.s32 $0x6;
	[sflag:s26] =	ssyncadd.s32 $0xFFFFFC00  }
0x1fa: {  	_ =	swait.ge [sflag:s28], $0x2000  }
0x1fb: {  	[sflag:s28] =	ssyncset.done $0x0  }
0x1fc: {  	s29 =	simm.s32 $0x7;
	[sflag:s28] =	ssyncadd.s32 $0xFFFFE000  }
0x1fd: {  	_ =	swait.ge [sflag:s29], $0x2000  }
0x1fe: {  	[sflag:s29] =	ssyncset.done $0x0  }
0x1ff: {  	s30 =	simm.s32 $0x13;
	[sflag:s29] =	ssyncadd.s32 $0xFFFFE000  }
0x200: {  	_ =	swait.ge [sflag:s30], $0x400  }
.Ltmp13:
0x201: {  	[sflag:s30] =	ssyncset.done $0x0;
	(pc) =	sbr.rel .LBB2_18-.Ltmp13, $4  }
0x202: {  	s10 =	simm.s32 $0x8;
	[sflag:s30] =	ssyncadd.s32 $0xFFFFFC00  }
0x203: {  	_ =	swait.ge [sflag:s10], $0x2000  }
0x204: {  	[sflag:s10] =	ssyncset.done $0x0  }
0x205: {  	s6 =	sld [smem:$0x7F3];
	[sflag:s10] =	ssyncadd.s32 $0xFFFFE000  }
.LBB2_19:
0x206: {  	_ =	sfence.sel $0x180000  }
0x207: {  	[bflag:$0x0] =	sbarrier.arrive $0xFFFF  }
0x208: {  	_ =	strace $0x90000047  }
0x209: {  	s0 =	stileid.u32;
	[bflag:$0x2] =	sbarrier.arrive $0xFFFF  }
0x20a: {  	p0 =	sne.s32 s0, $0x0;
	s0 =	rddreg [dreg:$0x6]  }
0x20b: {  	s0 =	sadd.s32 @!p0 $0x100000, s0  }
0x20c: {  	[sflag:s0] =	ssyncadd.tile.s32 @!p0 $0x1;
	_ =	shalt  }
.Lfunc_end2:
_tile_overlayer_lowered:
.L_overlay_start_2:
0x20d: {  	(tag) =	ssettag $0x2  }
0x20e: {  	s0 =	rddreg [dreg:$0x0];
	s2 =	stileid.u32  }
0x20f: {  	s1 =	rddreg [dreg:$0x1];
	p0 =	sne.s32 s2, $0x0  }
0x210: {  	s3 =	rddreg [dreg:$0x2];
	[bflag:$0x3] =	sbarrier.arrive $0xFFFF;
	s2 =	simm.s32 @!p0 $0x1C15  }
0x211: {  	[timem:s3], [sflag:s2] =	dma.local @!p0 [hbm:s0], s1  }
0x212: {  	s0 =	simm.s32 @!p0 $0x15  }
0x213: {  	_ =	swait.ge @!p0 [sflag:s0], s1  }
0x214: {  	s1 =	ssub.s32 @!p0 $0x0, s1;
	[sflag:s0] =	ssyncset.done @!p0 $0x0  }
0x215: {  	[sflag:s0] =	ssyncadd.s32 @!p0 s1  }
0x216: {  	[bflag:$0x3] =	sbarrier.arrive $0xFFFF  }
0x217: {  	_ =	shalt  }

// kernel: kernel.9.cloned.1.call-start
scs
__scs_entry_jumppad:
0x0: {  	(pc) =	sbr.rel $0x88, $3  }
0x1: {  	(tag) =	ssettag $0x0;
	lr =	simm.s32 $0x1  }
0x2: {  	[smem:$0x3F9B] =	sst lr;
	_ =	strace $0xD0000000  }
0x3: {  	_ = 	snop  }
0x4: {  	_ = 	snop  }
0x5: {  	_ = 	snop  }
0x6: {  	_ = 	snop  }
0x7: {  	_ = 	snop  }
__scs_overlays_trampoline_lowered:
0x8: {  	[smem:$0x3FAA] =	sst s0  }
0x9: {  	[smem:$0x3FAB] =	sst s1  }
0xa: {  	[smem:$0x3FAC] =	sst s2  }
0xb: {  	[smem:$0x3FAD] =	sst s3  }
0xc: {  	[smem:$0x3FAE] =	sst s4  }
0xd: {  	[smem:$0x3FAF] =	sst s5  }
0xe: {  	[smem:$0x3FB0] =	sst s6  }
0xf: {  	[smem:$0x3FB1] =	sst s7  }
0x10: {  	[smem:$0x3FB2] =	sst s8  }
0x11: {  	[smem:$0x3FB3] =	sst s9;
	s0 =	simm.s32 @!p0 $0x0  }
0x12: {  	s1 =	sld [smem:$0x3F99];
	s0 =	simm.s32 @p0 $0x1  }
0x13: {  	[smem:$0x3FB4] =	sst s0;
	s0 =	simm.s32 @!p1 $0x0  }
0x14: {  	s2 =	sld [smem:$0x3F98];
	s0 =	simm.s32 @p1 $0x1  }
0x15: {  	[smem:$0x3FB5] =	sst s0;
	s0 =	simm.s32 @!p2 $0x0  }
0x16: {  	s3 =	sld [smem:$0x3FDB];
	s0 =	simm.s32 @p2 $0x1  }
0x17: {  	s4 =	simm.s32 $0x1BF5;
	[smem:$0x3FB7] =	sst s0  }
0x18: {  	s0 =	sld [smem:$0x3F9A];
	_ =	swait.ge [sflag:s4], $0x0  }
0x19: {  	s7 =	sld [smem:$0x3F9B]  }
0x1a: {  	s8 =	sadd.s32 $0xFFFFE003, lr  }
0x1b: {  	s9 =	sadd.s32 $0xFFFFFEF7, lr;
	s5 =	simm.s32 $0xFFFFFFFF;
	p2 =	slt.u32 s8, $0xFFFFF086  }
0x1c: {  	p1 =	slt.u32 s9, $0xF7A;
	s5 =	simm.s32 @!p2 $0x0  }
0x1d: {  	s5 =	simm.s32 @p1 $0x1;
	p0 =	seq.s32 s7, s2  }
0x1e: {  	s7 =	smul.u32 @!p0 $0xF7A, s2;
	p2 =	seq.s32 @!p0 s5, $0x0  }
0x1f: {  	s9 =	smul.u32 $0xF7A, s1;
	s8 =	simm.s32 @!p0 $0x1BF5;
	p2 =	por !p2, p0  }
0x20: {  	[sflag:s8] =	ssyncset.s32 @!p0 $0xFFFFF086;
	s6 =	sadd.s32 @!p0 s3, s7;
	s7 =	simm.s32 @!p0 $0x108  }
0x21: {  	s3 =	sadd.s32 s3, s9;
	s6 =	sadd.s32 @!p0 $0x88, s6;
	s7 =	simm.s32 @p2 $0x1082  }
0x22: {  	[simem:s7], [sflag:s8] =	dma.local @!p0 [hbm:s6], $0xF7A  }
0x23: {  	s9 =	sor.u32 $0xD0000000, s2;
	s6 =	simm.s32 $0x108;
	_ =	swait.ge @!p0 [sflag:s8], $0x0  }
0x24: {  	s3 =	sadd.s32 $0x88, s3;
	s6 =	simm.s32 @!p1 $0x1082;
	[sflag:s4] =	ssyncset.s32 $0xFFFFF086  }
0x25: {  	[simem:s6], [sflag:s4] =	dma.local [hbm:s3], $0xF7A  }
0x26: {  	[smem:$0x3F9B] =	sst s1;
	(tag) =	ssettag s2;
	_ =	strace s9  }
0x27: {  	s1 =	sld [smem:$0x3FAB]  }
0x28: {  	s2 =	sld [smem:$0x3FAC]  }
0x29: {  	s4 =	sld [smem:$0x3FAE]  }
0x2a: {  	p0 =	seq.s32 s5, $0x0;
	s5 =	sld [smem:$0x3FAF]  }
0x2b: {  	s6 =	sld [smem:$0x3FB0]  }
0x2c: {  	s7 =	sld [smem:$0x3FB1]  }
0x2d: {  	s3 =	simm.s32 $0x108;
	s8 =	sld [smem:$0x3FB2]  }
0x2e: {  	s3 =	simm.s32 @!p0 $0x1082;
	s9 =	sld [smem:$0x3FB3]  }
0x2f: {  	lr =	sadd.s32 s0, s3;
	s0 =	sld [smem:$0x3FAA]  }
0x30: {  	s3 =	sld [smem:$0x3FAD]  }
0x31: {  	[smem:$0x3FB6] =	sst s10  }
0x32: {  	s10 =	sld [smem:$0x3FB4];
	_ =	sdelay $0x3  }
0x33: {  	p0 =	seq.s32 s10, $0x1;
	s10 =	sld [smem:$0x3FB6];
	_ =	sdelay $0x3  }
0x34: {  	[smem:$0x3FB6] =	sst s10  }
0x35: {  	s10 =	sld [smem:$0x3FB5];
	_ =	sdelay $0x3  }
0x36: {  	p1 =	seq.s32 s10, $0x1;
	s10 =	sld [smem:$0x3FB6];
	_ =	sdelay $0x3  }
0x37: {  	[smem:$0x3FB6] =	sst s10  }
0x38: {  	s10 =	sld [smem:$0x3FB7]  }
0x39: {  	_ = 	snop;
	(pc) =	sbr.ind lr, $3  }
0x3a: {  	_ = 	snop  }
0x3b: {  	_ = 	snop  }
0x3c: {  	p2 =	seq.s32 s10, $0x1;
	s10 =	sld [smem:$0x3FB6]  }
0x3d: {  	_ =	shalt  }
0x3e: {  	_ =	shalt  }
0x3f: {  	_ =	shalt  }
0x40: {  	_ =	shalt  }
0x41: {  	_ =	shalt  }
0x42: {  	_ =	shalt  }
0x43: {  	_ =	shalt  }
0x44: {  	_ =	shalt  }
0x45: {  	_ =	shalt  }
0x46: {  	_ =	shalt  }
0x47: {  	_ =	shalt  }
0x48: {  	_ =	shalt  }
0x49: {  	_ =	shalt  }
0x4a: {  	_ =	shalt  }
0x4b: {  	_ =	shalt  }
0x4c: {  	_ =	shalt  }
0x4d: {  	_ =	shalt  }
0x4e: {  	_ =	shalt  }
0x4f: {  	_ =	shalt  }
0x50: {  	_ =	shalt  }
0x51: {  	_ =	shalt  }
0x52: {  	_ =	shalt  }
0x53: {  	_ =	shalt  }
0x54: {  	_ =	shalt  }
0x55: {  	_ =	shalt  }
0x56: {  	_ =	shalt  }
0x57: {  	_ =	shalt  }
0x58: {  	_ =	shalt  }
0x59: {  	_ =	shalt  }
0x5a: {  	_ =	shalt  }
0x5b: {  	_ =	shalt  }
0x5c: {  	_ =	shalt  }
0x5d: {  	_ =	shalt  }
0x5e: {  	_ =	shalt  }
0x5f: {  	_ =	shalt  }
0x60: {  	_ =	shalt  }
0x61: {  	_ =	shalt  }
0x62: {  	_ =	shalt  }
0x63: {  	_ =	shalt  }
0x64: {  	_ =	shalt  }
0x65: {  	_ =	shalt  }
0x66: {  	_ =	shalt  }
0x67: {  	_ =	shalt  }
0x68: {  	_ =	shalt  }
0x69: {  	_ =	shalt  }
0x6a: {  	_ =	shalt  }
0x6b: {  	_ =	shalt  }
0x6c: {  	_ =	shalt  }
0x6d: {  	_ =	shalt  }
0x6e: {  	_ =	shalt  }
0x6f: {  	_ =	shalt  }
0x70: {  	_ =	shalt  }
0x71: {  	_ =	shalt  }
0x72: {  	_ =	shalt  }
0x73: {  	_ =	shalt  }
0x74: {  	_ =	shalt  }
0x75: {  	_ =	shalt  }
0x76: {  	_ =	shalt  }
0x77: {  	_ =	shalt  }
0x78: {  	_ =	shalt  }
0x79: {  	_ =	shalt  }
0x7a: {  	_ =	shalt  }
0x7b: {  	_ =	shalt  }
0x7c: {  	_ =	shalt  }
0x7d: {  	_ =	shalt  }
0x7e: {  	_ =	shalt  }
0x7f: {  	_ =	shalt  }
0x80: {  	_ =	shalt  }
0x81: {  	_ =	shalt  }
0x82: {  	_ =	shalt  }
0x83: {  	_ =	shalt  }
0x84: {  	_ =	shalt  }
0x85: {  	_ =	shalt  }
0x86: {  	_ =	shalt  }
0x87: {  	_ =	shalt  }
.Lfunc_end0:
.L_simem_size_0:
called_computation.1_lowered:
.L_overlay_start_0:
0x88: {  	s2 =	sld [smem:$0x3FD9]  }
0x89: {  	s3 =	sld [smem:$0x3FFE];
	_ =	sdelay $0x1  }
0x8a: {  	s1 =	srdreg.scid  }
0x8b: {  	s0 =	sand.u32 $0x1, s1  }
0x8c: {  	s17 =	sshll.u32 s0, $0xA;
	s2 =	sadd.s32 s3, s2  }
0x8d: {  	s2 =	sadd.s32 s2, s17  }
0x8e: {  	[smem:$0x3FC2] =	sst s2  }
0x8f: {  	_ = 	snop  }
0x90: {  	s2 =	sld [smem:$0x3FD0];
	(tm) =	ssettm $0x1  }
0x91: {  	s18 =	sld [smem:$0x3FFB];
	_ =	sdelay $0x3  }
0x92: {  	_ =	strace s18  }
0x93: {  	s3 =	sld [smem:$0x3FFC];
	_ =	sdelay $0x3  }
0x94: {  	_ =	strace s3  }
0x95: {  	s3 =	sld [smem:$0x3FFD];
	_ =	sdelay $0x3  }
0x96: {  	_ =	strace s3  }
0x97: {  	_ =	strace $0x8FFFFFFF  }
0x98: {  	s19 =	sld [smem:$0x3FDB];
	_ =	sdelay $0x1  }
0x99: {  	s4 =	simm.s32 $_scs_section_size  }
0x9a: {  	s5 =	simm.s32 $_size__tile_overlayer_lowered;
	s6 =	simm.s32 $_tile_overlayer_lowered  }
0x9b: {  	s22 =	simm.s32 $0x1BFF;
	s21 =	sshll.u32 s6, $0x1;
	s3 =	sadd.s32 s4, s19  }
0x9c: {  	s7 =	simm.s32 $0x0;
	s20 =	sshll.u32 s5, $0x1;
	s5 =	sadd.s32 s21, s3  }
0x9d: {  	[timem:s7], [sflag:s22] =	dma.local [hbm:s5], s20  }
0x9e: {  	_ =	swait.ge [sflag:s22], s20  }
0x9f: {  	s4 =	ssub.s32 $0x0, s20;
	[sflag:s22] =	ssyncset.done $0x0  }
0xa0: {  	[sflag:s22] =	ssyncadd.s32 s4;
	_ =	sdelay $0x1  }
0xa1: {  	s23 =	simm.s32 $0x1B8B  }
0xa2: {  	_ =	swait.ge [sflag:s23], $0x1  }
0xa3: {  	[sflag:s23] =	ssyncset.done $0x0  }
0xa4: {  	s25 =	simm.s32 $0x1B8E;
	s24 =	sld [smem:$0x3FFE];
	[sflag:s23] =	ssyncadd.s32 $0xFFFFFFFF  }
0xa5: {  	s26 =	simm.s32 $execute0_lowered;
	[smem:$0x3FD2] =	sst s25  }
0xa6: {  	s5 =	sshll.u32 s26, $0x1;
	_ =	strace $0x80000049;
	[dreg:$0x1] =	wrdreg $0xFFFFFFFF  }
0xa7: {  	s28 =	simm.s32 $_size_execute0_lowered;
	s3 =	sadd.s32 s3, s5;
	[dreg:$0x0] =	wrdreg $0x0  }
0xa8: {  	s5 =	sshll.u32 s28, $0x1;
	[dreg:$0x2] =	wrdreg s3  }
0xa9: {  	[dreg:$0x3] =	wrdreg s5  }
0xaa: {  	[dreg:$0x4] =	wrdreg $0xC0  }
0xab: {  	_ =	task [dreg:s7], $0x5FFFF  }
0xac: {  	[dreg:$0x1] =	wrdreg $0xFFFFFFFF  }
0xad: {  	[dreg:$0x0] =	wrdreg $0x60  }
0xae: {  	[dreg:$0x2] =	wrdreg s2  }
0xaf: {  	[dreg:$0x3] =	wrdreg s24  }
0xb0: {  	[dreg:$0x4] =	wrdreg $0x124400  }
0xb1: {  	[dreg:$0x5] =	wrdreg $0x88000  }
0xb2: {  	[dreg:$0x6] =	wrdreg $0x9  }
0xb3: {  	_ =	task.clear_ibuf [dreg:s7], $0x7FFFF;
	_ =	strace $0x90000049  }
0xb4: {  	s29 =	simm.s32 $0x9;
	_ =	strace $0x8000004B  }
0xb5: {  	_ =	swait.ge [sflag:s29], $0x1  }
0xb6: {  	[sflag:s29] =	ssyncadd.s32 $0xFFFFFFFF  }
0xb7: {  	_ =	strace $0x9000004B  }
0xb8: {  	_ =	sfence  }
0xb9: {  	s30 =	sld [smem:$0x0];
	_ =	sdelay $0x2  }
0xba: {  	s31 =	sshll.u32 s1, $0xD;
	s1 =	sshrl.u32 s1, $0x2  }
0xbb: {  	s3 =	sand.u32 $0x4000, s31;
	s1 =	sadd.s32 s1, s30  }
0xbc: {  	s0 =	sor.u32 s3, s0;
	s1 =	sshll.u32 s1, $0x11  }
0xbd: {  	s0 =	sor.u32 s1, s0  }
0xbe: {  	s0 =	sadd.s32 $0x8F2B, s0  }
0xbf: {  	[sflag:s0] =	ssyncadd.remote.s32 $0x1  }
0xc0: {  	_ =	sfence.sel $0xFFFF  }
0xc1: {  	[dreg:$0x0] =	wrdreg $0xFFFFFFFF;
	(pc) =	sbr.abs _section_cstart, $3  }
0xc2: {  	[dreg:$0x1] =	wrdreg $0xFFFFFFFF  }
0xc3: {  	_ =	task.clear_ibuf [dreg:s7], $0x2FFFF;
	_ =	strace $0x9FFFFFFF  }
0xc4: {  	(tm) =	ssettm $0x7FFFFFFF  }
0xc5: {  	_ =	shalt  }
tec
execute0_lowered:
.L_overlay_start_1:
0x0: {  	(tag) =	ssettag $0x1  }
0x1: {  	s0 =	rddreg [dreg:$0x0]  }
0x2: {  	s1 =	rddreg [dreg:$0x1]  }
0x3: {  	s2 =	rddreg [dreg:$0x2]  }
0x4: {  	s3 =	rddreg [dreg:$0x3]  }
0x5: {  	s12 =	stileid.u32;
	s5 =	srdreg.scid;
	s4 =	simm.s32 $0x0  }
0x6: {  	s31 =	simm.s32 $0x1;
	s29 =	simm.s32 $0x5;
	s6 =	smul.u32 $0x271, s12  }
0x7: {  	s30 =	simm.s32 $0xE;
	s28 =	simm.s32 $0xF;
	s21 =	smul.u32 $0x13880, s12  }
0x8: {  	s5 =	sand.u32 $0x1, s5;
	s8 =	sshll.u32 s12, $0x5;
	s11 =	smul.u32 $0x9C40, s12  }
0x9: {  	[smem:$0x7FF] =	sst s4;
	s15 =	smul.u32 $0x27100, s12;
	s8 =	sadd.s32 s8, s1  }
0xa: {  	s12 =	simm.s32 $0x6;
	s7 =	smul.u32 $0x2710, s5;
	s23 =	sadd.s32 $0x2600, s8  }
0xb: {  	_ =	strace $0x8000004A;
	s24 =	sadd.s32 $0x2800, s8;
	[dreg:$0x6] =	wrdreg s23  }
0xc: {  	s9 =	ssub.s32 $0x2, s5;
	s25 =	sadd.s32 $0x2A00, s8;
	[dreg:$0x7] =	wrdreg s24  }
0xd: {  	s5 =	sshll.u32 s5, $0x6;
	s26 =	sadd.s32 $0x2C00, s8;
	[dreg:$0x8] =	wrdreg s25  }
0xe: {  	s10 =	sshrl.u32 s9, $0x1;
	s13 =	sadd.s32 $0x3200, s8;
	[dreg:$0x9] =	wrdreg s26  }
0xf: {  	s5 =	sor.u32 s5, s21;
	s14 =	sadd.s32 $0x3400, s8;
	[dreg:$0xc] =	wrdreg s13  }
0x10: {  	s16 =	sadd.s32 $0x3600, s8;
	s17 =	sadd.s32 $0x3800, s8;
	[dreg:$0xd] =	wrdreg s14  }
0x11: {  	s18 =	sadd.s32 $0x3A00, s8;
	s19 =	sadd.s32 $0x3C00, s8;
	[dreg:$0xe] =	wrdreg s16  }
0x12: {  	s20 =	sadd.s32 $0x3E00, s8;
	s21 =	sadd.s32 s11, s2;
	[dreg:$0xf] =	wrdreg s17  }
0x13: {  	s6 =	sadd.s32 s6, s7;
	s22 =	ssub.s32 s9, s10;
	[dreg:$0x10] =	wrdreg s18  }
0x14: {  	s5 =	sshrl.u32 s5, $0x3;
	s9 =	sadd.s32 s11, s3;
	[dreg:$0x11] =	wrdreg s19  }
0x15: {  	s10 =	sadd.s32 $0x3000, s8;
	[dreg:$0x12] =	wrdreg s20;
	s11 =	simm.s32 $0x11  }
0x16: {  	s13 =	simm.s32 $0x80;
	s14 =	simm.s32 $0xA;
	s18 =	simm.s32 $0xB  }
0x17: {  	s19 =	simm.s32 $0x4000;
	s0 =	sadd.s32 s0, s5;
	[dreg:$0xb] =	wrdreg s10  }
0x18: {  	s20 =	simm.s32 $0x2;
	s5 =	sadd.s32 $0x2E00, s8;
	[dreg:$0x5] =	wrdreg s0  }
0x19: {  	s6 =	sshll.u32 s6, $0x3;
	s22 =	smax.u32 s22, $0x1;
	[dreg:$0xa] =	wrdreg s5  }
0x1a: {  	s24 =	sshrl.u32 s9, $0x3;
	s1 =	sadd.s32 s6, s1;
	[dreg:$0x15] =	wrdreg s22  }
0x1b: {  	s0 =	sshrl.u32 s15, $0x2;
	[dreg:$0x17] =	wrdreg s24;
	s1 =	sadd.s32 $0x64600, s1  }
0x1c: {  	s7 =	simm.s32 $0x0;
	s0 =	sadd.s32 s0, s2;
	[dreg:$0x13] =	wrdreg s1  }
0x1d: {  	s6 =	sadd.s32 $0x2400, s8;
	s23 =	sadd.s32 $0x1F40, s0;
	[dreg:$0x14] =	wrdreg s0  }
0x1e: {  	s15 =	simm.s32 $0x2000;
	s1 =	sshrl.u32 s21, $0x3;
	[dreg:$0x16] =	wrdreg s23  }
.Ltmp0:
0x1f: {  	s25 =	sadd.s32 $0x3E80, s0;
	[dreg:$0x18] =	wrdreg s1;
	(pc) =	sbr.rel .LBB2_1-.Ltmp0, $4  }
0x20: {  	s24 =	simm.s32 $0xC;
	s26 =	sadd.s32 $0x5DC0, s0;
	[dreg:$0x19] =	wrdreg s25  }
0x21: {  	s22 =	simm.s32 $0x7;
	s0 =	sadd.s32 $0x7D00, s0;
	[dreg:$0x1a] =	wrdreg s26  }
0x22: {  	s21 =	simm.s32 $0xD;
	[dreg:$0x1b] =	wrdreg s0;
	s0 =	simm.s32 $0x8  }
0x23: {  	v0 =	vimm.f32 $0.0e+00;
	s25 =	simm.s32 $0x6000;
	s26 =	simm.s32 $0x3;
	s1 =	simm.s32 $0x4  }
.LBB2_6:
0x24: {  	_ =	swait.ge [sflag:s29], $0x2000  }
0x25: {  	[sflag:s29] =	ssyncset.done $0x0  }
0x26: {  	[sflag:s29] =	ssyncadd.s32 $0xFFFFE000  }
0x27: {  	_ =	swait.ge [sflag:s12], $0x2000  }
0x28: {  	[sflag:s12] =	ssyncset.done $0x0  }
0x29: {  	[sflag:s12] =	ssyncadd.s32 $0xFFFFE000  }
0x2a: {  	_ =	swait.ge [sflag:s22], $0x2000  }
0x2b: {  	[sflag:s22] =	ssyncset.done $0x0  }
0x2c: {  	[sflag:s22] =	ssyncadd.s32 $0xFFFFE000  }
0x2d: {  	_ =	swait.ge [sflag:s0], $0x2000  }
0x2e: {  	[sflag:s0] =	ssyncset.done $0x0  }
0x2f: {  	[sflag:s0] =	ssyncadd.s32 $0xFFFFE000  }
0x30: {  	[bflag:$0x0] =	sbarrier.arrive $0xFFFF  }
0x31: {  	s5 =	rddreg [dreg:$0x13]  }
0x32: {  	s7 =	rddreg [dreg:$0x18]  }
0x33: {  	s11 =	simm.s32 $0x11;
	s8 =	rddreg [dreg:$0x1d]  }
0x34: {  	[hbm:s5], [sflag:s8] =	dma.local [spmem:s7], $0x1388  }
0x35: {  	_ =	swait.ge [sflag:s11], $0x1388  }
0x36: {  	s17 =	rddreg [dreg:$0x1c]  }
0x37: {  	s23 =	rddreg [dreg:$0x15];
	s7 =	sadd.s32 $0x1, s17  }
0x38: {  	p0 =	sne.s32 s7, s23  }
.Ltmp1:
0x39: {  	_ = 	snop;
	(pc) =	sbr.rel @!p0 .LBB2_7-.Ltmp1, $3  }
0x3a: {  	_ =	sdelay $0x1  }
0x3b: {  	[sflag:s11] =	ssyncset.done $0x0  }
0x3c: {  	[sflag:s11] =	ssyncadd.s32 $0xFFFFEC78  }
.LBB2_1:
0x3d: {  	s5 =	sand.u32 $0x7F00, s4  }
0x3e: {  	[dreg:$0x1c] =	wrdreg s7;
	s9 =	sand.u32 $0x30, s4;
	s10 =	sshrl.u32 s5, $0x2  }
0x3f: {  	s5 =	simm.s32 $0x40;
	s10 =	sor.u32 s9, s10;
	s9 =	simm.s32 $0x0  }
.LBB2_2:
0x40: {  	p0 =	sne.s32 s5, $0x7FC0  }
0x41: {  	[tilespmem:s10+$0x0] =	vst v0;
	s9 =	sadd.s32 $0x10, s9;
	s10 =	smov.u32 s5;
	s5 =	sadd.s32 $0x40, s5  }
.Ltmp2:
0x42: {  	(pc) =	sbr.rel @p0 .LBB2_2-.Ltmp2, $4  }
0x43: {  	_ = 	snop  }
0x44: {  	s10 =	sand.u32 $0x7F00, s10  }
0x45: {  	s16 =	sand.u32 $0x30, s9;
	s10 =	sshrl.u32 s10, $0x2  }
0x46: {  	s10 =	sor.u32 s16, s10  }
0x47: {  	[tilespmem:s10+$0x0] =	vst v0;
	s5 =	simm.s32 $0x0;
	s7 =	rddreg [dreg:$0x14]  }
0x48: {  	[spmem:s7] =	stream.linear.scatter [tilespmem:s5], [sflag:$0x11], $0x1F40, $0x38;
	[tilespmem:$0x1C140] =	vst v63  }
0x49: {  	_ =	swait.ge [sflag:s11], $0x1F40  }
0x4a: {  	[sflag:s11] =	ssyncset.done $0x0  }
0x4b: {  	s23 =	rddreg [dreg:$0x16];
	[sflag:s11] =	ssyncadd.s32 $0xFFFFE0C0  }
0x4c: {  	[spmem:s23] =	stream.linear.scatter [tilespmem:s5], [sflag:$0x11], $0x1F40, $0x38;
	[tilespmem:$0x1C140] =	vst v63  }
0x4d: {  	_ =	swait.ge [sflag:s11], $0x1F40  }
0x4e: {  	[sflag:s11] =	ssyncset.done $0x0  }
0x4f: {  	s8 =	rddreg [dreg:$0x19];
	[sflag:s11] =	ssyncadd.s32 $0xFFFFE0C0  }
0x50: {  	[spmem:s8] =	stream.linear.scatter [tilespmem:s5], [sflag:$0x11], $0x1F40, $0x38;
	[tilespmem:$0x1C140] =	vst v63  }
0x51: {  	_ =	swait.ge [sflag:s11], $0x1F40  }
0x52: {  	[sflag:s11] =	ssyncset.done $0x0  }
0x53: {  	s9 =	rddreg [dreg:$0x1a];
	[sflag:s11] =	ssyncadd.s32 $0xFFFFE0C0  }
0x54: {  	[spmem:s9] =	stream.linear.scatter [tilespmem:s5], [sflag:$0x11], $0x1F40, $0x38;
	[tilespmem:$0x1C140] =	vst v63  }
0x55: {  	s16 =	stileid.u32;
	_ =	swait.ge [sflag:s11], $0x1F40  }
0x56: {  	s9 =	sshll.u32 s16, $0x6;
	[sflag:s11] =	ssyncset.done $0x0  }
0x57: {  	s17 =	sor.u32 $0x1C11, s9;
	s10 =	rddreg [dreg:$0x1b];
	[sflag:s11] =	ssyncadd.s32 $0xFFFFE0C0  }
0x58: {  	[spmem:s10] =	stream.linear.scatter [tilespmem:s5], [sflag:$0x11], $0x1F40, $0x38;
	[tilespmem:$0x1C140] =	vst v63  }
0x59: {  	_ =	swait.ge [sflag:s11], $0x1F40;
	[dreg:$0x1d] =	wrdreg s17  }
0x5a: {  	[sflag:s11] =	ssyncset.done $0x0;
	s23 =	rddreg [dreg:$0x5]  }
0x5b: {  	s9 =	simm.s32 $0x10;
	s8 =	rddreg [dreg:$0x17];
	[sflag:s11] =	ssyncadd.s32 $0xFFFFE0C0  }
0x5c: {  	[spmem:s8@s0], [sflag:s17] =	dma.strided [hbm:s23@s9], $0x1388, s31, $0x8   }
0x5d: {  	_ =	swait.ge [sflag:s11], $0x1388  }
0x5e: {  	[sflag:s11] =	ssyncset.done $0x0  }
0x5f: {  	[sflag:s11] =	ssyncadd.s32 $0xFFFFEC78  }
0x60: {  	s10 =	simm.s32 $0x8000;
	[bflag:$0x0] =	sbarrier.arrive $0xFFFF  }
0x61: {  	[tilespmem:s10], [sflag:$0x9] =	stream.linear.gather [hbm4b:s6+s5], $0x100, $0x38;
	[tilespmem:$0x1C140] =	vst v63  }
0x62: {  	s11 =	simm.s32 $0x8100;
	s8 =	rddreg [dreg:$0x6]  }
0x63: {  	[tilespmem:s11], [sflag:$0xA] =	stream.linear.gather [hbm4b:s8+s5], $0x100, $0x38;
	[tilespmem:$0x1C140] =	vst v63  }
0x64: {  	s16 =	rddreg [dreg:$0x7];
	s11 =	simm.s32 $0x8200  }
0x65: {  	[tilespmem:s11], [sflag:$0xB] =	stream.linear.gather [hbm4b:s16+s5], $0x100, $0x38;
	[tilespmem:$0x1C140] =	vst v63  }
0x66: {  	s23 =	rddreg [dreg:$0x8];
	s16 =	simm.s32 $0x8300  }
0x67: {  	[tilespmem:s16], [sflag:$0xC] =	stream.linear.gather [hbm4b:s23+s5], $0x100, $0x38;
	[tilespmem:$0x1C140] =	vst v63  }
0x68: {  	s8 =	rddreg [dreg:$0x9];
	s23 =	simm.s32 $0x8400  }
0x69: {  	[tilespmem:s23], [sflag:$0xD] =	stream.linear.gather [hbm4b:s8+s5], $0x100, $0x38;
	[tilespmem:$0x1C140] =	vst v63  }
0x6a: {  	s8 =	rddreg [dreg:$0xa];
	s23 =	simm.s32 $0x8500  }
0x6b: {  	[tilespmem:s23], [sflag:$0xE] =	stream.linear.gather [hbm4b:s8+s5], $0x100, $0x38;
	[tilespmem:$0x1C140] =	vst v63  }
0x6c: {  	s8 =	simm.s32 $0x9  }
0x6d: {  	_ =	swait.ge [sflag:s8], $0x100  }
0x6e: {  	[sflag:s8] =	ssyncset.done $0x0  }
0x6f: {  	[sflag:s8] =	ssyncadd.s32 $0xFFFFFF00  }
0x70: {  	[tilespmem:s5], [sflag:$0x1] =	stream.indirect.gather [spmem:s3], $0x40, s10, s13, $0xb8;
	[tilespmem:$0x1C140] =	vst v63  }
0x71: {  	_ =	swait.ge [sflag:s14], $0x100  }
0x72: {  	[sflag:s14] =	ssyncset.done $0x0  }
0x73: {  	s17 =	simm.s32 $0x8100;
	[sflag:s14] =	ssyncadd.s32 $0xFFFFFF00  }
0x74: {  	[tilespmem:s15], [sflag:$0x2] =	stream.indirect.gather [spmem:s3], $0x40, s17, s13, $0xb8;
	[tilespmem:$0x1C140] =	vst v63  }
0x75: {  	_ =	swait.ge [sflag:s31], $0x2000  }
0x76: {  	[sflag:s31] =	ssyncset.done $0x0  }
0x77: {  	s17 =	simm.s32 $0x8080;
	[sflag:s31] =	ssyncadd.s32 $0xFFFFE000  }
0x78: {  	[spmem:s2] =	stream.indirect.scatter.add.f32 [tilespmem:s5], [sflag:$0x5], $0x40, s17, s13, $0xb8;
	[tilespmem:$0x1C140] =	vst v63  }
0x79: {  	s23 =	rddreg [dreg:$0xb];
	s17 =	simm.s32 $0x8600  }
0x7a: {  	[tilespmem:s17], [sflag:$0xF] =	stream.linear.gather [hbm4b:s23+s5], $0x100, $0x38;
	[tilespmem:$0x1C140] =	vst v63  }
0x7b: {  	_ =	swait.ge [sflag:s18], $0x100  }
0x7c: {  	[sflag:s18] =	ssyncset.done $0x0  }
0x7d: {  	[sflag:s18] =	ssyncadd.s32 $0xFFFFFF00  }
0x7e: {  	[tilespmem:s19], [sflag:$0x3] =	stream.indirect.gather [spmem:s3], $0x40, s11, s13, $0xb8;
	[tilespmem:$0x1C140] =	vst v63  }
0x7f: {  	_ =	swait.ge [sflag:s20], $0x2000  }
0x80: {  	[sflag:s20] =	ssyncset.done $0x0  }
0x81: {  	s23 =	simm.s32 $0x8180;
	[sflag:s20] =	ssyncadd.s32 $0xFFFFE000  }
0x82: {  	[spmem:s2] =	stream.indirect.scatter.add.f32 [tilespmem:s15], [sflag:$0x6], $0x40, s23, s13, $0xb8;
	[tilespmem:$0x1C140] =	vst v63  }
0x83: {  	s7 =	rddreg [dreg:$0xc];
	s23 =	simm.s32 $0x8700  }
0x84: {  	[tilespmem:s23], [sflag:$0x10] =	stream.linear.gather [hbm4b:s7+s5], $0x100, $0x38;
	[tilespmem:$0x1C140] =	vst v63  }
0x85: {  	_ =	swait.ge [sflag:s24], $0x100  }
0x86: {  	[sflag:s24] =	ssyncset.done $0x0  }
0x87: {  	[sflag:s24] =	ssyncadd.s32 $0xFFFFFF00  }
0x88: {  	[tilespmem:s25], [sflag:$0x4] =	stream.indirect.gather [spmem:s3], $0x40, s16, s13, $0xb8;
	[tilespmem:$0x1C140] =	vst v63  }
0x89: {  	_ =	swait.ge [sflag:s26], $0x2000  }
0x8a: {  	[sflag:s26] =	ssyncset.done $0x0  }
0x8b: {  	s23 =	simm.s32 $0x8280;
	[sflag:s26] =	ssyncadd.s32 $0xFFFFE000  }
0x8c: {  	[spmem:s2] =	stream.indirect.scatter.add.f32 [tilespmem:s19], [sflag:$0x7], $0x40, s23, s13, $0xb8;
	[tilespmem:$0x1C140] =	vst v63  }
0x8d: {  	_ =	swait.ge [sflag:s29], $0x2000  }
0x8e: {  	[sflag:s29] =	ssyncset.done $0x0  }
0x8f: {  	s23 =	rddreg [dreg:$0xd];
	[sflag:s29] =	ssyncadd.s32 $0xFFFFE000  }
0x90: {  	[tilespmem:s10], [sflag:$0x9] =	stream.linear.gather [hbm4b:s23+s5], $0x100, $0x38;
	[tilespmem:$0x1C140] =	vst v63  }
0x91: {  	_ =	swait.ge [sflag:s21], $0x100  }
0x92: {  	[sflag:s21] =	ssyncset.done $0x0  }
0x93: {  	s23 =	simm.s32 $0x8400;
	[sflag:s21] =	ssyncadd.s32 $0xFFFFFF00  }
0x94: {  	[tilespmem:s5], [sflag:$0x1] =	stream.indirect.gather [spmem:s3], $0x40, s23, s13, $0xb8;
	[tilespmem:$0x1C140] =	vst v63  }
0x95: {  	_ =	swait.ge [sflag:s1], $0x2000  }
0x96: {  	[sflag:s1] =	ssyncset.done $0x0  }
0x97: {  	s23 =	simm.s32 $0x8380;
	[sflag:s1] =	ssyncadd.s32 $0xFFFFE000  }
0x98: {  	[spmem:s2] =	stream.indirect.scatter.add.f32 [tilespmem:s25], [sflag:$0x8], $0x40, s23, s13, $0xb8;
	[tilespmem:$0x1C140] =	vst v63  }
0x99: {  	_ =	swait.ge [sflag:s12], $0x2000  }
0x9a: {  	[sflag:s12] =	ssyncset.done $0x0  }
0x9b: {  	s23 =	simm.s32 $0x8100;
	s7 =	rddreg [dreg:$0xe];
	[sflag:s12] =	ssyncadd.s32 $0xFFFFE000  }
0x9c: {  	[tilespmem:s23], [sflag:$0xA] =	stream.linear.gather [hbm4b:s7+s5], $0x100, $0x38;
	[tilespmem:$0x1C140] =	vst v63  }
0x9d: {  	_ =	swait.ge [sflag:s30], $0x100  }
0x9e: {  	[sflag:s30] =	ssyncset.done $0x0  }
0x9f: {  	s7 =	simm.s32 $0x8500;
	[sflag:s30] =	ssyncadd.s32 $0xFFFFFF00  }
0xa0: {  	[tilespmem:s15], [sflag:$0x2] =	stream.indirect.gather [spmem:s3], $0x40, s7, s13, $0xb8;
	[tilespmem:$0x1C140] =	vst v63  }
0xa1: {  	_ =	swait.ge [sflag:s31], $0x2000  }
0xa2: {  	[sflag:s31] =	ssyncset.done $0x0  }
0xa3: {  	s7 =	simm.s32 $0x8480;
	[sflag:s31] =	ssyncadd.s32 $0xFFFFE000  }
0xa4: {  	[spmem:s2] =	stream.indirect.scatter.add.f32 [tilespmem:s5], [sflag:$0x5], $0x40, s7, s13, $0xb8;
	[tilespmem:$0x1C140] =	vst v63  }
0xa5: {  	_ =	swait.ge [sflag:s22], $0x2000  }
0xa6: {  	[sflag:s22] =	ssyncset.done $0x0  }
0xa7: {  	s7 =	rddreg [dreg:$0xf];
	[sflag:s22] =	ssyncadd.s32 $0xFFFFE000  }
0xa8: {  	[tilespmem:s11], [sflag:$0xB] =	stream.linear.gather [hbm4b:s7+s5], $0x100, $0x38;
	[tilespmem:$0x1C140] =	vst v63  }
0xa9: {  	_ =	swait.ge [sflag:s28], $0x100  }
0xaa: {  	[sflag:s28] =	ssyncset.done $0x0  }
0xab: {  	[sflag:s28] =	ssyncadd.s32 $0xFFFFFF00  }
0xac: {  	[tilespmem:s19], [sflag:$0x3] =	stream.indirect.gather [spmem:s3], $0x40, s17, s13, $0xb8;
	[tilespmem:$0x1C140] =	vst v63  }
0xad: {  	_ =	swait.ge [sflag:s20], $0x2000  }
0xae: {  	[sflag:s20] =	ssyncset.done $0x0  }
0xaf: {  	s17 =	simm.s32 $0x8580;
	[sflag:s20] =	ssyncadd.s32 $0xFFFFE000  }
0xb0: {  	[spmem:s2] =	stream.indirect.scatter.add.f32 [tilespmem:s15], [sflag:$0x6], $0x40, s17, s13, $0xb8;
	[tilespmem:$0x1C140] =	vst v63  }
0xb1: {  	_ =	swait.ge [sflag:s0], $0x2000  }
0xb2: {  	[sflag:s0] =	ssyncset.done $0x0  }
0xb3: {  	s17 =	rddreg [dreg:$0x10];
	[sflag:s0] =	ssyncadd.s32 $0xFFFFE000  }
0xb4: {  	[tilespmem:s16], [sflag:$0xC] =	stream.linear.gather [hbm4b:s17+s5], $0x100, $0x38;
	[tilespmem:$0x1C140] =	vst v63  }
0xb5: {  	_ =	swait.ge [sflag:s9], $0x100  }
0xb6: {  	[sflag:s9] =	ssyncset.done $0x0  }
0xb7: {  	s17 =	simm.s32 $0x8700;
	[sflag:s9] =	ssyncadd.s32 $0xFFFFFF00  }
0xb8: {  	[tilespmem:s25], [sflag:$0x4] =	stream.indirect.gather [spmem:s3], $0x40, s17, s13, $0xb8;
	[tilespmem:$0x1C140] =	vst v63  }
0xb9: {  	_ =	swait.ge [sflag:s26], $0x2000  }
0xba: {  	[sflag:s26] =	ssyncset.done $0x0  }
0xbb: {  	s9 =	simm.s32 $0x8680;
	[sflag:s26] =	ssyncadd.s32 $0xFFFFE000  }
0xbc: {  	[spmem:s2] =	stream.indirect.scatter.add.f32 [tilespmem:s19], [sflag:$0x7], $0x40, s9, s13, $0xb8;
	[tilespmem:$0x1C140] =	vst v63  }
0xbd: {  	_ =	swait.ge [sflag:s29], $0x2000  }
0xbe: {  	[sflag:s29] =	ssyncset.done $0x0  }
0xbf: {  	s17 =	simm.s32 $0x8400;
	s16 =	rddreg [dreg:$0x11];
	[sflag:s29] =	ssyncadd.s32 $0xFFFFE000  }
0xc0: {  	[tilespmem:s17], [sflag:$0xD] =	stream.linear.gather [hbm4b:s16+s5], $0x100, $0x38;
	[tilespmem:$0x1C140] =	vst v63  }
0xc1: {  	_ =	swait.ge [sflag:s8], $0x100  }
0xc2: {  	[sflag:s8] =	ssyncset.done $0x0  }
0xc3: {  	[sflag:s8] =	ssyncadd.s32 $0xFFFFFF00  }
0xc4: {  	[tilespmem:s5], [sflag:$0x1] =	stream.indirect.gather [spmem:s3], $0x40, s10, s13, $0xb8;
	[tilespmem:$0x1C140] =	vst v63  }
0xc5: {  	_ =	swait.ge [sflag:s1], $0x2000  }
0xc6: {  	[sflag:s1] =	ssyncset.done $0x0  }
0xc7: {  	s16 =	simm.s32 $0x8780;
	[sflag:s1] =	ssyncadd.s32 $0xFFFFE000  }
0xc8: {  	[spmem:s2] =	stream.indirect.scatter.add.f32 [tilespmem:s25], [sflag:$0x8], $0x40, s16, s13, $0xb8;
	[tilespmem:$0x1C140] =	vst v63  }
0xc9: {  	_ =	swait.ge [sflag:s12], $0x2000  }
0xca: {  	[sflag:s12] =	ssyncset.done $0x0  }
0xcb: {  	s11 =	simm.s32 $0x8500;
	s17 =	rddreg [dreg:$0x12];
	[sflag:s12] =	ssyncadd.s32 $0xFFFFE000  }
0xcc: {  	[tilespmem:s11], [sflag:$0xE] =	stream.linear.gather [hbm4b:s17+s5], $0x100, $0x38;
	[tilespmem:$0x1C140] =	vst v63  }
0xcd: {  	_ =	swait.ge [sflag:s14], $0x100  }
0xce: {  	[sflag:s14] =	ssyncset.done $0x0  }
0xcf: {  	s23 =	simm.s32 $0x8100;
	[sflag:s14] =	ssyncadd.s32 $0xFFFFFF00  }
0xd0: {  	[tilespmem:s15], [sflag:$0x2] =	stream.indirect.gather [spmem:s3], $0x40, s23, s13, $0xb8;
	[tilespmem:$0x1C140] =	vst v63  }
.LBB2_4:
0xd1: {  	_ =	swait.ge [sflag:s31], $0x2000  }
0xd2: {  	[sflag:s31] =	ssyncset.done $0x0  }
0xd3: {  	s7 =	simm.s32 $0x8080;
	[sflag:s31] =	ssyncadd.s32 $0xFFFFE000  }
0xd4: {  	[spmem:s2] =	stream.indirect.scatter.add.f32 [tilespmem:s4], [sflag:$0x5], $0x40, s7, s13, $0xb8;
	[tilespmem:$0x1C140] =	vst v63  }
0xd5: {  	_ =	swait.ge [sflag:s22], $0x2000  }
0xd6: {  	s9 =	sadd.s32 s5, s6;
	[sflag:s22] =	ssyncset.done $0x0  }
0xd7: {  	s17 =	simm.s32 $0x8600;
	s10 =	sadd.s32 $0x1C00, s9;
	[sflag:s22] =	ssyncadd.s32 $0xFFFFE000  }
0xd8: {  	[tilespmem:s17], [sflag:$0xF] =	stream.linear.gather [hbm4b:s10+s4], $0x100, $0x38;
	[tilespmem:$0x1C140] =	vst v63  }
0xd9: {  	_ =	swait.ge [sflag:s18], $0x100  }
0xda: {  	[sflag:s18] =	ssyncset.done $0x0  }
0xdb: {  	s16 =	simm.s32 $0x8200;
	[sflag:s18] =	ssyncadd.s32 $0xFFFFFF00  }
0xdc: {  	[tilespmem:s19], [sflag:$0x3] =	stream.indirect.gather [spmem:s3], $0x40, s16, s13, $0xb8;
	[tilespmem:$0x1C140] =	vst v63  }
0xdd: {  	_ =	swait.ge [sflag:s20], $0x2000  }
0xde: {  	[sflag:s20] =	ssyncset.done $0x0  }
0xdf: {  	s23 =	simm.s32 $0x8180;
	[sflag:s20] =	ssyncadd.s32 $0xFFFFE000  }
0xe0: {  	[spmem:s2] =	stream.indirect.scatter.add.f32 [tilespmem:s15], [sflag:$0x6], $0x40, s23, s13, $0xb8;
	[tilespmem:$0x1C140] =	vst v63  }
0xe1: {  	_ =	swait.ge [sflag:s0], $0x2000  }
0xe2: {  	[sflag:s0] =	ssyncset.done $0x0  }
0xe3: {  	s8 =	simm.s32 $0x8700;
	s7 =	sadd.s32 $0x1E00, s9;
	[sflag:s0] =	ssyncadd.s32 $0xFFFFE000  }
0xe4: {  	[tilespmem:s8], [sflag:$0x10] =	stream.linear.gather [hbm4b:s7+s4], $0x100, $0x38;
	[tilespmem:$0x1C140] =	vst v63  }
0xe5: {  	_ =	swait.ge [sflag:s24], $0x100  }
0xe6: {  	[sflag:s24] =	ssyncset.done $0x0  }
0xe7: {  	s16 =	simm.s32 $0x8300;
	[sflag:s24] =	ssyncadd.s32 $0xFFFFFF00  }
0xe8: {  	[tilespmem:s25], [sflag:$0x4] =	stream.indirect.gather [spmem:s3], $0x40, s16, s13, $0xb8;
	[tilespmem:$0x1C140] =	vst v63  }
0xe9: {  	_ =	swait.ge [sflag:s26], $0x2000  }
0xea: {  	[sflag:s26] =	ssyncset.done $0x0  }
0xeb: {  	s23 =	simm.s32 $0x8280;
	[sflag:s26] =	ssyncadd.s32 $0xFFFFE000  }
0xec: {  	[spmem:s2] =	stream.indirect.scatter.add.f32 [tilespmem:s19], [sflag:$0x7], $0x40, s23, s13, $0xb8;
	[tilespmem:$0x1C140] =	vst v63  }
0xed: {  	p0 =	seq.s32 s5, $0x12000;
	_ =	swait.ge [sflag:s29], $0x2000  }
0xee: {  	s10 =	simm.s32 @!p0 $0x0;
	s16 =	sadd.s32 @!p0 s5, s6;
	[sflag:s29] =	ssyncset.done $0x0  }
0xef: {  	s7 =	sadd.s32 @!p0 $0x2000, s16;
	s23 =	simm.s32 @!p0 $0x8000;
	[sflag:s29] =	ssyncadd.s32 $0xFFFFE000  }
0xf0: {  	[tilespmem:s23], [sflag:$0x9] =	stream.linear.gather @!p0 [hbm4b:s7+s10], $0x100, $0x38;
	[tilespmem:$0x1C140] =	vst v63  }
0xf1: {  	_ =	swait.ge [sflag:s21], $0x100  }
0xf2: {  	[sflag:s21] =	ssyncset.done $0x0  }
0xf3: {  	s8 =	simm.s32 $0x8400;
	[sflag:s21] =	ssyncadd.s32 $0xFFFFFF00  }
0xf4: {  	[tilespmem:s4], [sflag:$0x1] =	stream.indirect.gather [spmem:s3], $0x40, s8, s13, $0xb8;
	[tilespmem:$0x1C140] =	vst v63  }
0xf5: {  	_ =	swait.ge [sflag:s1], $0x2000  }
0xf6: {  	[sflag:s1] =	ssyncset.done $0x0  }
0xf7: {  	s8 =	simm.s32 $0x8380;
	[sflag:s1] =	ssyncadd.s32 $0xFFFFE000  }
0xf8: {  	[spmem:s2] =	stream.indirect.scatter.add.f32 [tilespmem:s25], [sflag:$0x8], $0x40, s8, s13, $0xb8;
	[tilespmem:$0x1C140] =	vst v63  }
0xf9: {  	_ =	swait.ge [sflag:s12], $0x2000  }
0xfa: {  	[sflag:s12] =	ssyncset.done $0x0  }
0xfb: {  	s7 =	sadd.s32 @!p0 $0x2200, s16;
	s8 =	simm.s32 @!p0 $0x8100;
	[sflag:s12] =	ssyncadd.s32 $0xFFFFE000  }
0xfc: {  	[tilespmem:s8], [sflag:$0xA] =	stream.linear.gather @!p0 [hbm4b:s7+s10], $0x100, $0x38;
	[tilespmem:$0x1C140] =	vst v63  }
0xfd: {  	_ =	swait.ge [sflag:s30], $0x100  }
0xfe: {  	[sflag:s30] =	ssyncset.done $0x0  }
0xff: {  	[sflag:s30] =	ssyncadd.s32 $0xFFFFFF00  }
0x100: {  	[tilespmem:s15], [sflag:$0x2] =	stream.indirect.gather [spmem:s3], $0x40, s11, s13, $0xb8;
	[tilespmem:$0x1C140] =	vst v63  }
0x101: {  	_ =	swait.ge [sflag:s31], $0x2000  }
0x102: {  	[sflag:s31] =	ssyncset.done $0x0  }
0x103: {  	s11 =	simm.s32 $0x8480;
	[sflag:s31] =	ssyncadd.s32 $0xFFFFE000  }
0x104: {  	[spmem:s2] =	stream.indirect.scatter.add.f32 [tilespmem:s4], [sflag:$0x5], $0x40, s11, s13, $0xb8;
	[tilespmem:$0x1C140] =	vst v63  }
0x105: {  	_ =	swait.ge [sflag:s22], $0x2000  }
0x106: {  	[sflag:s22] =	ssyncset.done $0x0  }
0x107: {  	s7 =	sadd.s32 @!p0 $0x2400, s16;
	s8 =	simm.s32 @!p0 $0x8200;
	[sflag:s22] =	ssyncadd.s32 $0xFFFFE000  }
0x108: {  	[tilespmem:s8], [sflag:$0xB] =	stream.linear.gather @!p0 [hbm4b:s7+s10], $0x100, $0x38;
	[tilespmem:$0x1C140] =	vst v63  }
0x109: {  	_ =	swait.ge [sflag:s28], $0x100  }
0x10a: {  	[sflag:s28] =	ssyncset.done $0x0  }
0x10b: {  	[sflag:s28] =	ssyncadd.s32 $0xFFFFFF00  }
0x10c: {  	[tilespmem:s19], [sflag:$0x3] =	stream.indirect.gather [spmem:s3], $0x40, s17, s13, $0xb8;
	[tilespmem:$0x1C140] =	vst v63  }
0x10d: {  	_ =	swait.ge [sflag:s20], $0x2000  }
0x10e: {  	[sflag:s20] =	ssyncset.done $0x0  }
0x10f: {  	s17 =	simm.s32 $0x8580;
	[sflag:s20] =	ssyncadd.s32 $0xFFFFE000  }
0x110: {  	[spmem:s2] =	stream.indirect.scatter.add.f32 [tilespmem:s15], [sflag:$0x6], $0x40, s17, s13, $0xb8;
	[tilespmem:$0x1C140] =	vst v63  }
0x111: {  	_ =	swait.ge [sflag:s0], $0x2000  }
0x112: {  	[sflag:s0] =	ssyncset.done $0x0  }
0x113: {  	s7 =	simm.s32 @p0 $0x10;
	[sflag:s0] =	ssyncadd.s32 $0xFFFFE000  }
0x114: {  	_ =	swait.ge @p0 [sflag:s7], $0x100  }
0x115: {  	s11 =	simm.s32 @p0 $0x6000;
	[sflag:s7] =	ssyncset.done @p0 $0x0  }
0x116: {  	s8 =	simm.s32 @p0 $0x8700;
	[sflag:s7] =	ssyncadd.s32 @p0 $0xFFFFFF00;
	s7 =	simm.s32 @p0 $0x80  }
0x117: {  	[tilespmem:s11], [sflag:$0x4] =	stream.indirect.gather @p0 [spmem:s3], $0x40, s8, s7, $0xb8;
	[tilespmem:$0x1C140] =	vst v63  }
0x118: {  	s8 =	simm.s32 @p0 $0x3  }
0x119: {  	_ =	swait.ge @p0 [sflag:s8], $0x2000  }
0x11a: {  	[sflag:s8] =	ssyncset.done @p0 $0x0  }
0x11b: {  	s11 =	simm.s32 @p0 $0x4000;
	[sflag:s8] =	ssyncadd.s32 @p0 $0xFFFFE000;
	s8 =	simm.s32 @p0 $0x8680  }
0x11c: {  	[spmem:s2] =	stream.indirect.scatter.add.f32 @p0 [tilespmem:s11], [sflag:$0x7], $0x40, s8, s7, $0xb8;
	[tilespmem:$0x1C140] =	vst v63  }
0x11d: {  	s7 =	sadd.s32 @!p0 $0x2600, s16;
	s8 =	simm.s32 @!p0 $0x8300  }
0x11e: {  	[tilespmem:s8], [sflag:$0xC] =	stream.linear.gather @!p0 [hbm4b:s7+s10], $0x100, $0x38;
	[tilespmem:$0x1C140] =	vst v63  }
0x11f: {  	s7 =	simm.s32 @!p0 $0x10  }
0x120: {  	_ =	swait.ge @!p0 [sflag:s7], $0x100  }
0x121: {  	s11 =	simm.s32 @!p0 $0x6000;
	[sflag:s7] =	ssyncset.done @!p0 $0x0  }
0x122: {  	s8 =	simm.s32 @!p0 $0x8700;
	[sflag:s7] =	ssyncadd.s32 @!p0 $0xFFFFFF00;
	s7 =	simm.s32 @!p0 $0x80  }
0x123: {  	[tilespmem:s11], [sflag:$0x4] =	stream.indirect.gather @!p0 [spmem:s3], $0x40, s8, s7, $0xb8;
	[tilespmem:$0x1C140] =	vst v63  }
0x124: {  	s8 =	simm.s32 @!p0 $0x3  }
0x125: {  	_ =	swait.ge @!p0 [sflag:s8], $0x2000  }
0x126: {  	[sflag:s8] =	ssyncset.done @!p0 $0x0  }
0x127: {  	s11 =	simm.s32 @!p0 $0x4000;
	[sflag:s8] =	ssyncadd.s32 @!p0 $0xFFFFE000;
	s8 =	simm.s32 @!p0 $0x8680  }
0x128: {  	[spmem:s2] =	stream.indirect.scatter.add.f32 @!p0 [tilespmem:s11], [sflag:$0x7], $0x40, s8, s7, $0xb8;
	[tilespmem:$0x1C140] =	vst v63  }
0x129: {  	s8 =	simm.s32 @!p0 $0x5  }
0x12a: {  	_ =	swait.ge @!p0 [sflag:s8], $0x2000  }
0x12b: {  	[sflag:s8] =	ssyncset.done @!p0 $0x0  }
0x12c: {  	s11 =	simm.s32 @!p0 $0x8400;
	[sflag:s8] =	ssyncadd.s32 @!p0 $0xFFFFE000;
	s8 =	sadd.s32 @!p0 $0x2800, s16  }
0x12d: {  	[tilespmem:s11], [sflag:$0xD] =	stream.linear.gather @!p0 [hbm4b:s8+s10], $0x100, $0x38;
	[tilespmem:$0x1C140] =	vst v63  }
0x12e: {  	s8 =	simm.s32 @!p0 $0x9  }
0x12f: {  	_ =	swait.ge @!p0 [sflag:s8], $0x100  }
0x130: {  	[sflag:s8] =	ssyncset.done @!p0 $0x0  }
0x131: {  	[sflag:s8] =	ssyncadd.s32 @!p0 $0xFFFFFF00  }
0x132: {  	[tilespmem:s10], [sflag:$0x1] =	stream.indirect.gather @!p0 [spmem:s3], $0x40, s23, s7, $0xb8;
	[tilespmem:$0x1C140] =	vst v63  }
.Ltmp3:
0x133: {  	_ = 	snop;
	(pc) =	sbr.rel @p0 .LBB2_6-.Ltmp3, $4  }
0x134: {  	_ =	swait.ge [sflag:s1], $0x2000  }
0x135: {  	[sflag:s1] =	ssyncset.done $0x0  }
0x136: {  	s17 =	simm.s32 $0x8500;
	s23 =	simm.s32 $0x8780;
	[sflag:s1] =	ssyncadd.s32 $0xFFFFE000  }
0x137: {  	[spmem:s2] =	stream.indirect.scatter.add.f32 [tilespmem:s25], [sflag:$0x8], $0x40, s23, s13, $0xb8;
	[tilespmem:$0x1C140] =	vst v63  }
0x138: {  	_ =	swait.ge [sflag:s12], $0x2000  }
0x139: {  	[sflag:s12] =	ssyncset.done $0x0  }
0x13a: {  	s7 =	sadd.s32 $0x2A00, s9;
	[sflag:s12] =	ssyncadd.s32 $0xFFFFE000  }
0x13b: {  	[tilespmem:s17], [sflag:$0xE] =	stream.linear.gather [hbm4b:s7+s4], $0x100, $0x38;
	[tilespmem:$0x1C140] =	vst v63  }
.Ltmp4:
0x13c: {  	_ = 	snop;
	(pc) =	sbr.rel .LBB2_4-.Ltmp4, $4  }
0x13d: {  	_ =	swait.ge [sflag:s14], $0x100  }
0x13e: {  	s23 =	simm.s32 $0x8100;
	[sflag:s14] =	ssyncset.done $0x0  }
0x13f: {  	s5 =	sadd.s32 $0x1000, s5;
	s11 =	simm.s32 $0x8500;
	[sflag:s14] =	ssyncadd.s32 $0xFFFFFF00  }
0x140: {  	[tilespmem:s15], [sflag:$0x2] =	stream.indirect.gather [spmem:s3], $0x40, s23, s13, $0xb8;
	[tilespmem:$0x1C140] =	vst v63  }
.LBB2_7:
0x141: {  	_ =	sfence.sel $0x180000  }
0x142: {  	[bflag:$0x0] =	sbarrier.arrive $0xFFFF  }
0x143: {  	_ =	strace $0x9000004A  }
0x144: {  	s0 =	stileid.u32;
	[bflag:$0x2] =	sbarrier.arrive $0xFFFF  }
0x145: {  	p0 =	sne.s32 s0, $0x0;
	s0 =	rddreg [dreg:$0x4]  }
0x146: {  	s0 =	sadd.s32 @!p0 $0x100000, s0  }
0x147: {  	[sflag:s0] =	ssyncadd.tile.s32 @!p0 $0x1;
	_ =	shalt  }
.Lfunc_end2:
_tile_overlayer_lowered:
.L_overlay_start_2:
0x148: {  	(tag) =	ssettag $0x2  }
0x149: {  	s0 =	rddreg [dreg:$0x0];
	s2 =	stileid.u32  }
0x14a: {  	s1 =	rddreg [dreg:$0x1];
	p0 =	sne.s32 s2, $0x0  }
0x14b: {  	s3 =	rddreg [dreg:$0x2];
	[bflag:$0x3] =	sbarrier.arrive $0xFFFF;
	s2 =	simm.s32 @!p0 $0x1C11  }
0x14c: {  	[timem:s3], [sflag:s2] =	dma.local @!p0 [hbm:s0], s1  }
0x14d: {  	s0 =	simm.s32 @!p0 $0x11  }
0x14e: {  	_ =	swait.ge @!p0 [sflag:s0], s1  }
0x14f: {  	s1 =	ssub.s32 @!p0 $0x0, s1;
	[sflag:s0] =	ssyncset.done @!p0 $0x0  }
0x150: {  	[sflag:s0] =	ssyncadd.s32 @!p0 s1  }
0x151: {  	[bflag:$0x3] =	sbarrier.arrive $0xFFFF  }
0x152: {  	_ =	shalt  }

</sc_bundles>
